<compile_context>
chip_gen: v7x
topology: tpu7x:2x2x1
jax: 0.10.2.dev20260603
libtpu: 0.0.44.dev20260713+nightly
codegen_flags: <defaults>
</compile_context>

<pallas_src>
import functools

import jax
import jax.numpy as jnp
from jax import lax
from jax.experimental import pallas as pl
from jax.experimental.pallas import tpu as pltpu
from jax.experimental.pallas import tpu_sc as plsc

NN = 10000
NE = 320000
D = 128
NG = 64
NC = 2
NS = 16
L = 16
NW = NC * NS
K = 128
NCHUNK = 80
EPW = NCHUNK * K
TRASH = NN
NROWS = 10240
DROWS = NROWS // D
BR = 2000
WIN = 16


def _sc_mesh():
    return plsc.VectorSubcoreMesh(
        core_axis_name="c", subcore_axis_name="s", num_cores=NC, num_subcores=NS
    )



def _sc_degree(dstp, z1d, ones1d):

    @functools.partial(
        pl.kernel,
        out_type=jax.ShapeDtypeStruct((NC, NROWS), jnp.float32),
        mesh=_sc_mesh(),
        scratch_types=[
            pltpu.VMEM((NCHUNK, K), jnp.int32),
            pltpu.VMEM((K,), jnp.float32),
            pltpu.VMEM_SHARED((NROWS,), jnp.float32),
        ],
    )
    def run(dstp_h, z1d_h, ones_h, out_h, dst_v, ones_v, deg_s):
        c = lax.axis_index("c")
        s = lax.axis_index("s")
        wid = s * NC + c
        pltpu.sync_copy(dstp_h.at[wid], dst_v)
        pltpu.sync_copy(ones_h, ones_v)
        rpt = NROWS // NS
        pltpu.sync_copy(z1d_h.at[pl.ds(s * rpt, rpt)], deg_s.at[pl.ds(s * rpt, rpt)])
        plsc.subcore_barrier()

        def body(g, carry):
            pltpu.sync_copy(ones_v, deg_s.at[dst_v.at[g]], add=True)
            return carry

        lax.fori_loop(0, NCHUNK, body, 0)
        plsc.subcore_barrier()
        pltpu.sync_copy(deg_s.at[pl.ds(s * rpt, rpt)], out_h.at[c, pl.ds(s * rpt, rpt)])

    return run(dstp, z1d, ones1d)



def _sc_scatter(table, srcp, dstp, zrows):

    @functools.partial(
        pl.kernel,
        out_type=jax.ShapeDtypeStruct((NC, NROWS, D), jnp.float32),
        mesh=_sc_mesh(),
        scratch_types=[
            pltpu.VMEM((2, WIN, K), jnp.int32),
            pltpu.VMEM((2, WIN, K), jnp.int32),
            pltpu.VMEM((2, K, D), jnp.float32),
            pltpu.VMEM_SHARED((NROWS, D), jnp.float32),
            pltpu.SemaphoreType.DMA,
            pltpu.SemaphoreType.DMA,
        ],
    )
    def run(table_h, srcp_h, dstp_h, zrows_h, acc_h, src_v, dst_v, rows_v, acc_s,
            sem0, sem1):
        c = lax.axis_index("c")
        s = lax.axis_index("s")
        wid = s * NC + c
        sems = [sem0, sem1]
        rpt = NROWS // NS
        pltpu.sync_copy(zrows_h.at[pl.ds(s * rpt, rpt)], acc_s.at[pl.ds(s * rpt, rpt)])
        plsc.subcore_barrier()

        pltpu.sync_copy(srcp_h.at[wid, pl.ds(0, WIN)], src_v.at[0])
        pltpu.sync_copy(dstp_h.at[wid, pl.ds(0, WIN)], dst_v.at[0])
        pltpu.async_copy(table_h.at[src_v.at[0, 0]], rows_v.at[0], sems[0])

        def outer(i, carry):
            p = i % 2

            @pl.when(i + 1 < NCHUNK // WIN)
            def _():
                pltpu.sync_copy(srcp_h.at[wid, pl.ds((i + 1) * WIN, WIN)],
                                src_v.at[1 - p])
                pltpu.sync_copy(dstp_h.at[wid, pl.ds((i + 1) * WIN, WIN)],
                                dst_v.at[1 - p])

            for b in range(WIN):
                bb = b & 1
                pltpu.make_async_copy(
                    table_h.at[src_v.at[p, b]], rows_v.at[bb], sems[bb]).wait()
                if b < WIN - 1:
                    pltpu.async_copy(
                        table_h.at[src_v.at[p, b + 1]], rows_v.at[1 - bb],
                        sems[1 - bb])
                else:
                    @pl.when(i + 1 < NCHUNK // WIN)
                    def _():
                        pltpu.async_copy(
                            table_h.at[src_v.at[1 - p, 0]], rows_v.at[1 - bb],
                            sems[1 - bb])

                pltpu.sync_copy(rows_v.at[bb], acc_s.at[dst_v.at[p, b]], add=True)
            return carry

        lax.fori_loop(0, NCHUNK // WIN, outer, 0)
        plsc.subcore_barrier()
        pltpu.sync_copy(acc_s.at[pl.ds(s * rpt, rpt)], acc_h.at[c, pl.ds(s * rpt, rpt)])

    return run(table, srcp, dstp, zrows)



def _dinv_of(deg_ref):
    deg = jnp.sum(deg_ref[...], axis=0) + 1.0
    y = lax.rsqrt(deg)
    return y * (1.5 - 0.5 * deg * y * y)


def _bf16_dot(a, b):
    return jnp.dot(a.astype(jnp.bfloat16), b.astype(jnp.bfloat16),
                   preferred_element_type=jnp.float32)


def _mm_scale_body(x_ref, w_ref, deg_ref, o_ref):
    dinv = _dinv_of(deg_ref)
    o_ref[...] = dinv * _bf16_dot(x_ref[...], w_ref[...])


def _tc_mm_scale(x, W, degp):
    return pl.pallas_call(
        _mm_scale_body,
        grid=(NN // BR,),
        in_specs=[
            pl.BlockSpec((BR, D), lambda j: (j, 0)),
            pl.BlockSpec((D, D), lambda j: (0, 0)),
            pl.BlockSpec((NC, BR, 1), lambda j: (0, j, 0)),
        ],
        out_specs=pl.BlockSpec((BR, D), lambda j: (j, 0)),
        out_shape=jax.ShapeDtypeStruct((NN, D), jnp.float32),
    )(x, W, degp)


def _combine_body(hp_ref, acc_ref, deg_ref, b_ref, w_ref, o_ref):
    dinv = _dinv_of(deg_ref)
    z = jnp.maximum(dinv * (hp_ref[...] + acc_ref[0] + acc_ref[1]) + b_ref[...], 0.0)
    o_ref[...] = dinv * _bf16_dot(z, w_ref[...])


def _tc_combine_mm(hp, acc, degp, b, W):
    return pl.pallas_call(
        _combine_body,
        grid=(NN // BR,),
        in_specs=[
            pl.BlockSpec((BR, D), lambda j: (j, 0)),
            pl.BlockSpec((NC, BR, D), lambda j: (0, j, 0)),
            pl.BlockSpec((NC, BR, 1), lambda j: (0, j, 0)),
            pl.BlockSpec((1, D), lambda j: (0, 0)),
            pl.BlockSpec((D, D), lambda j: (0, 0)),
        ],
        out_specs=pl.BlockSpec((BR, D), lambda j: (j, 0)),
        out_shape=jax.ShapeDtypeStruct((NN, D), jnp.float32),
    )(hp, acc, degp, b, W)


def _final_body(hp_ref, acc_ref, deg_ref, b_ref, wfc_ref, bfc_ref, batch_ref,
                o_ref, sums, cnts):
    j = pl.program_id(0)
    dinv = _dinv_of(deg_ref)
    z = jnp.maximum(dinv * (hp_ref[...] + acc_ref[0] + acc_ref[1]) + b_ref[...], 0.0)
    m = (batch_ref[...] == lax.broadcasted_iota(jnp.int32, (1, NG), 1)).astype(jnp.float32)
    ps = lax.dot_general(m, z, (((0,), (0,)), ((), ())),
                         preferred_element_type=jnp.float32,
                         precision=lax.Precision.HIGHEST)
    pc = lax.dot_general(m, jnp.ones((BR, 1), jnp.float32), (((0,), (0,)), ((), ())),
                         preferred_element_type=jnp.float32,
                         precision=lax.Precision.HIGHEST)

    @pl.when(j == 0)
    def _():
        sums[...] = jnp.zeros_like(sums)
        cnts[...] = jnp.zeros_like(cnts)

    sums[...] += ps
    cnts[...] += pc

    @pl.when(j == pl.num_programs(0) - 1)
    def _():
        g = sums[...] / jnp.maximum(cnts[...], 1.0)
        o_ref[...] = _bf16_dot(g, wfc_ref[...]) + bfc_ref[...]


def _tc_final(hp, acc, degp, b, wfc, bfc2, batch2):
    return pl.pallas_call(
        _final_body,
        grid=(NN // BR,),
        in_specs=[
            pl.BlockSpec((BR, D), lambda j: (j, 0)),
            pl.BlockSpec((NC, BR, D), lambda j: (0, j, 0)),
            pl.BlockSpec((NC, BR, 1), lambda j: (0, j, 0)),
            pl.BlockSpec((1, D), lambda j: (0, 0)),
            pl.BlockSpec((D, 1), lambda j: (0, 0)),
            pl.BlockSpec((1, 1), lambda j: (0, 0)),
            pl.BlockSpec((BR, 1), lambda j: (j, 0)),
        ],
        out_specs=pl.BlockSpec((NG, 1), lambda j: (0, 0)),
        out_shape=jax.ShapeDtypeStruct((NG, 1), jnp.float32),
        scratch_shapes=[
            pltpu.VMEM((NG, D), jnp.float32),
            pltpu.VMEM((NG, 1), jnp.float32),
        ],
    )(hp, acc, degp, b, wfc, bfc2, batch2)



def kernel(x, edge_index, batch, W1, b1, W2, b2, Wfc, bfc):
    ei = edge_index.astype(jnp.int32)
    epw_real = NE // NW
    pad = EPW - epw_real
    trash = (TRASH + jnp.arange(NW, dtype=jnp.int32))[:, None]
    src = jnp.concatenate(
        [ei[0].reshape(NW, epw_real), jnp.zeros((NW, pad), jnp.int32)], axis=1)
    dst = jnp.concatenate(
        [ei[1].reshape(NW, epw_real), jnp.broadcast_to(trash, (NW, pad))], axis=1)
    srcp = src.reshape(NW, NCHUNK, K)
    dstp = dst.reshape(NW, NCHUNK, K)

    zrows = jnp.zeros((NROWS, D), jnp.float32)
    z1d = jnp.zeros((NROWS,), jnp.float32)

    degp = _sc_degree(dstp, z1d, jnp.ones((K,), jnp.float32))
    degp = degp.reshape(NC, NROWS, 1)

    h1p = _tc_mm_scale(x, W1, degp)
    acc1 = _sc_scatter(h1p, srcp, dstp, zrows)
    h2p = _tc_combine_mm(h1p, acc1, degp, b1.reshape(1, D), W2)
    acc2 = _sc_scatter(h2p, srcp, dstp, zrows)
    out = _tc_final(
        h2p, acc2, degp, b2.reshape(1, D), Wfc,
        bfc.reshape(1, 1), batch.astype(jnp.int32).reshape(NN, 1),
    )
    return out.reshape(NG)

# --- scband reference (transcript-rebuilt; emitter-appended) ---
"""Pipeline reference for scband-gcnregressor-9242769621112 (READ-ONLY COPY).

The authoritative reference and input builder live on the scoring server;
editing this copy changes nothing except your own understanding.
"""

import jax, jax.numpy as jnp
import numpy as np

N_NODES = 10000
N_EDGES = 320000
D_IN = 128
D_HID = 128
N_GRAPHS = 64


def glorot(key, shape):
    fan_in, fan_out = shape[0], shape[1]
    limit = np.sqrt(6.0 / (fan_in + fan_out))
    return jax.random.uniform(key, shape, jnp.float32, -limit, limit)


def setup_inputs(seed: int = 0) -> dict:
    key = jax.random.key(seed)
    ks = jax.random.split(key, 10)
    x = jax.random.normal(ks[0], (N_NODES, D_IN), dtype=jnp.float32)
    edge_index = jax.random.randint(ks[1], (2, N_EDGES), 0, N_NODES, dtype=jnp.int64 if jax.config.jax_enable_x64 else jnp.int32)
    batch = jnp.sort(jax.random.randint(ks[2], (N_NODES,), 0, N_GRAPHS, dtype=jnp.int64 if jax.config.jax_enable_x64 else jnp.int32))
    W1 = glorot(ks[3], (D_IN, D_HID))
    b1 = jnp.zeros((D_HID,), jnp.float32)
    W2 = glorot(ks[4], (D_HID, D_HID))
    b2 = jnp.zeros((D_HID,), jnp.float32)
    Wfc = glorot(ks[5], (D_HID, 1))
    bfc = jnp.zeros((1,), jnp.float32)
    return {"x": x, "edge_index": edge_index, "batch": batch, "W1": W1, "b1": b1, "W2": W2, "b2": b2, "Wfc": Wfc, "bfc": bfc}


def gcn_conv(x, edge_index, W, b):
    num_nodes = x.shape[0]
    h = x @ W
    loop = jnp.arange(num_nodes, dtype=edge_index.dtype)
    src = jnp.concatenate([edge_index[0], loop])
    dst = jnp.concatenate([edge_index[1], loop])
    deg = jnp.zeros((num_nodes,), jnp.float32).at[dst].add(1.0)
    dinv = jnp.where(deg > 0, deg ** -0.5, 0.0)
    norm = dinv[src] * dinv[dst]
    msg = h[src] * norm[:, None]
    out = jnp.zeros_like(h).at[dst].add(msg)
    return out + b


def global_mean_pool(x, batch, num_graphs):
    sums = jax.ops.segment_sum(x, batch, num_segments=num_graphs)
    counts = jax.ops.segment_sum(jnp.ones((x.shape[0],), jnp.float32), batch, num_segments=num_graphs)
    return sums / jnp.maximum(counts, 1.0)[:, None]


def reference(x, edge_index, batch, W1, b1, W2, b2, Wfc, bfc):
    h = gcn_conv(x, edge_index, W1, b1)
    h = jax.nn.relu(h)
    h = gcn_conv(h, edge_index, W2, b2)
    h = jax.nn.relu(h)
    g = global_mean_pool(h, batch, N_GRAPHS)
    out = g @ Wfc + bfc
    return jnp.squeeze(out, axis=-1)

if __name__ == "__main__":
    import jax
    _d = setup_inputs()
    print(jax.jit(kernel)(*tuple(_d.values())))

</pallas_src>

<mosaic_0001>
#map = affine_map<(d0, d1) -> (0, 0, 0)>
#map1 = affine_map<(d0, d1) -> (0)>
#map2 = affine_map<(d0, d1) -> (0, 0)>
module attributes {stable_mosaic.version = 14 : i64} {
  func.func @run(%arg0: i32, %arg1: i32, %arg2: memref<32x80x128xi32, #tpu.memory_space<hbm>>, %arg3: memref<10240xf32, #tpu.memory_space<hbm>>, %arg4: memref<128xf32, #tpu.memory_space<hbm>>, %arg5: memref<2x10240xf32, #tpu.memory_space<hbm>>, %arg6: memref<80x128xi32, #tpu.memory_space<vmem>>, %arg7: memref<128xf32, #tpu.memory_space<vmem>>, %arg8: memref<10240xf32, #tpu.memory_space<vmem_shared>>) attributes {dimension_semantics = [#tpu.dimension_semantics<core_parallel>, #tpu.dimension_semantics<subcore_parallel>], iteration_bounds = array<i64: 2, 16>, scalar_prefetch = 0 : i64, scratch_operands = 3 : i64, tpu.core_type = #tpu.core_type<sc_vector_subcore>, window_params = [{transform_indices = #map}, {transform_indices = #map1}, {transform_indices = #map1}, {transform_indices = #map2}]} {
    %mul3A = arith.constant 2 : i32
    %mul3A_0 = arith.muli %arg1, %mul3A : i32
    %add3A = arith.addi %mul3A_0, %arg0 : i32
    "tpu.region"() ({
      %run_scoped3A = tpu.sem_alloc : memref<!tpu.dma_semaphore, #tpu.memory_space<semaphore_mem>>
      %dma_start3A = arith.constant 0 : i32
      %dma_start3A_15 = arith.constant 0 : i32
      %dma_start3A_16 = tpu.memref_slice %arg2[%add3A, %dma_start3A, %dma_start3A_15] : memref<32x80x128xi32, #tpu.memory_space<hbm>> -> memref<1x80x128xi32, #tpu.memory_space<hbm>>
      %dma_start3A_17 = tpu.memref_squeeze %dma_start3A_16 : memref<1x80x128xi32, #tpu.memory_space<hbm>> -> memref<80x128xi32, #tpu.memory_space<hbm>>
      %dma_start3A_18 = arith.constant 0 : i32
      %dma_start3A_19 = arith.constant 0 : i32
      %dma_start3A_20 = tpu.memref_slice %arg2[%add3A, %dma_start3A_18, %dma_start3A_19] : memref<32x80x128xi32, #tpu.memory_space<hbm>> -> memref<1x80x128xi32, #tpu.memory_space<hbm>>
      %dma_start3A_21 = tpu.memref_squeeze %dma_start3A_20 : memref<1x80x128xi32, #tpu.memory_space<hbm>> -> memref<80x128xi32, #tpu.memory_space<hbm>>
      tpu.enqueue_dma source(%dma_start3A_21 : memref<80x128xi32, #tpu.memory_space<hbm>>) target(%arg6 : memref<80x128xi32, #tpu.memory_space<vmem>>) target_semaphore(%run_scoped3A : memref<!tpu.dma_semaphore, #tpu.memory_space<semaphore_mem>>)
      %dma_wait3A = arith.constant 0 : i32
      %dma_wait3A_22 = arith.constant 0 : i32
      %dma_wait3A_23 = tpu.memref_slice %arg2[%add3A, %dma_wait3A, %dma_wait3A_22] : memref<32x80x128xi32, #tpu.memory_space<hbm>> -> memref<1x80x128xi32, #tpu.memory_space<hbm>>
      %dma_wait3A_24 = tpu.memref_squeeze %dma_wait3A_23 : memref<1x80x128xi32, #tpu.memory_space<hbm>> -> memref<80x128xi32, #tpu.memory_space<hbm>>
      %dma_wait3A_25 = arith.constant 0 : i32
      %dma_wait3A_26 = arith.constant 0 : i32
      %dma_wait3A_27 = tpu.memref_slice %arg2[%add3A, %dma_wait3A_25, %dma_wait3A_26] : memref<32x80x128xi32, #tpu.memory_space<hbm>> -> memref<1x80x128xi32, #tpu.memory_space<hbm>>
      %dma_wait3A_28 = tpu.memref_squeeze %dma_wait3A_27 : memref<1x80x128xi32, #tpu.memory_space<hbm>> -> memref<80x128xi32, #tpu.memory_space<hbm>>
      tpu.wait_dma2 semaphore(%run_scoped3A : memref<!tpu.dma_semaphore, #tpu.memory_space<semaphore_mem>>) src(%dma_wait3A_28 : memref<80x128xi32, #tpu.memory_space<hbm>>) dst(%arg6 : memref<80x128xi32, #tpu.memory_space<vmem>>)
      tpu.yield
    }) : () -> ()
    "tpu.region"() ({
      %run_scoped3A = tpu.sem_alloc : memref<!tpu.dma_semaphore, #tpu.memory_space<semaphore_mem>>
      tpu.enqueue_dma source(%arg4 : memref<128xf32, #tpu.memory_space<hbm>>) target(%arg7 : memref<128xf32, #tpu.memory_space<vmem>>) target_semaphore(%run_scoped3A : memref<!tpu.dma_semaphore, #tpu.memory_space<semaphore_mem>>)
      tpu.wait_dma2 semaphore(%run_scoped3A : memref<!tpu.dma_semaphore, #tpu.memory_space<semaphore_mem>>) src(%arg4 : memref<128xf32, #tpu.memory_space<hbm>>) dst(%arg7 : memref<128xf32, #tpu.memory_space<vmem>>)
      tpu.yield
    }) : () -> ()
    %mul3A_1 = arith.constant 640 : i32
    %mul3A_2 = arith.muli %arg1, %mul3A_1 : i32
    %mul3A_3 = arith.constant 640 : i32
    %mul3A_4 = arith.muli %arg1, %mul3A_3 : i32
    "tpu.region"() ({
      %run_scoped3A = tpu.sem_alloc : memref<!tpu.dma_semaphore, #tpu.memory_space<semaphore_mem>>
      %dma_start3A = tpu.memref_slice %arg8[%mul3A_4] : memref<10240xf32, #tpu.memory_space<vmem_shared>> -> memref<640xf32, #tpu.memory_space<vmem_shared>>
      %dma_start3A_15 = tpu.memref_slice %arg3[%mul3A_2] : memref<10240xf32, #tpu.memory_space<hbm>> -> memref<640xf32, #tpu.memory_space<hbm>>
      tpu.enqueue_dma source(%dma_start3A_15 : memref<640xf32, #tpu.memory_space<hbm>>) target(%dma_start3A : memref<640xf32, #tpu.memory_space<vmem_shared>>) target_semaphore(%run_scoped3A : memref<!tpu.dma_semaphore, #tpu.memory_space<semaphore_mem>>)
      %dma_wait3A = tpu.memref_slice %arg8[%mul3A_4] : memref<10240xf32, #tpu.memory_space<vmem_shared>> -> memref<640xf32, #tpu.memory_space<vmem_shared>>
      %dma_wait3A_16 = tpu.memref_slice %arg3[%mul3A_2] : memref<10240xf32, #tpu.memory_space<hbm>> -> memref<640xf32, #tpu.memory_space<hbm>>
      tpu.wait_dma2 semaphore(%run_scoped3A : memref<!tpu.dma_semaphore, #tpu.memory_space<semaphore_mem>>) src(%dma_wait3A_16 : memref<640xf32, #tpu.memory_space<hbm>>) dst(%dma_wait3A : memref<640xf32, #tpu.memory_space<vmem_shared>>)
      tpu.yield
    }) : () -> ()
    %barrier3A = arith.constant 0 : index
    tpu.barrier barrier_id(%barrier3A)
    %scan3A = arith.constant 0 : i32
    %scan3A_5 = arith.constant 0 : i32
    %scan3A_6 = arith.constant 80 : i32
    %scan3A_7 = arith.addi %scan3A_5, %scan3A_6 : i32
    %scan3A_8 = arith.constant 1 : i32
    scf.for %scan3A_15 = %scan3A_5 to %scan3A_7 step %scan3A_8  : i32 {
      "tpu.region"() ({
        %run_scoped3A = tpu.sem_alloc : memref<!tpu.dma_semaphore, #tpu.memory_space<semaphore_mem>>
        %dma_start3A = arith.constant 0 : i32
        %dma_start3A_16 = tpu.memref_slice %arg6[%scan3A_15, %dma_start3A] : memref<80x128xi32, #tpu.memory_space<vmem>> -> memref<1x128xi32, #tpu.memory_space<vmem>>
        %dma_start3A_17 = tpu.memref_squeeze %dma_start3A_16 : memref<1x128xi32, #tpu.memory_space<vmem>> -> memref<128xi32, #tpu.memory_space<vmem>>
        %dma_start3A_18 = arith.constant 0 : i32
        %dma_start3A_19 = tpu.memref_slice %arg8[%dma_start3A_18] : memref<10240xf32, #tpu.memory_space<vmem_shared>> -> memref<10240xf32, #tpu.memory_space<vmem_shared>>
        tpu.enqueue_indirect_dma source(%arg7 : memref<128xf32, #tpu.memory_space<vmem>>) target(%dma_start3A_19 : memref<10240xf32, #tpu.memory_space<vmem_shared>>) offsets(%dma_start3A_17 : memref<128xi32, #tpu.memory_space<vmem>>) semaphore(%run_scoped3A : memref<!tpu.dma_semaphore, #tpu.memory_space<semaphore_mem>>) {add = true}
        %dma_wait3A = arith.constant 0 : i32
        %dma_wait3A_20 = tpu.memref_slice %arg6[%scan3A_15, %dma_wait3A] : memref<80x128xi32, #tpu.memory_space<vmem>> -> memref<1x128xi32, #tpu.memory_space<vmem>>
        %dma_wait3A_21 = tpu.memref_squeeze %dma_wait3A_20 : memref<1x128xi32, #tpu.memory_space<vmem>> -> memref<128xi32, #tpu.memory_space<vmem>>
        %dma_wait3A_22 = arith.constant 0 : i32
        %dma_wait3A_23 = tpu.memref_slice %arg8[%dma_wait3A_22] : memref<10240xf32, #tpu.memory_space<vmem_shared>> -> memref<10240xf32, #tpu.memory_space<vmem_shared>>
        tpu.wait_indirect_dma semaphore(%run_scoped3A : memref<!tpu.dma_semaphore, #tpu.memory_space<semaphore_mem>>) src(%arg7 : memref<128xf32, #tpu.memory_space<vmem>>) dst(%dma_wait3A_23 : memref<10240xf32, #tpu.memory_space<vmem_shared>>)
        tpu.yield
      }) : () -> ()
    }
    %scan3A_9 = arith.constant 80 : i32
    %barrier3A_10 = arith.constant 0 : index
    tpu.barrier barrier_id(%barrier3A_10)
    %mul3A_11 = arith.constant 640 : i32
    %mul3A_12 = arith.muli %arg1, %mul3A_11 : i32
    %mul3A_13 = arith.constant 640 : i32
    %mul3A_14 = arith.muli %arg1, %mul3A_13 : i32
    "tpu.region"() ({
      %run_scoped3A = tpu.sem_alloc : memref<!tpu.dma_semaphore, #tpu.memory_space<semaphore_mem>>
      %dma_start3A = tpu.memref_slice %arg5[%arg0, %mul3A_14] : memref<2x10240xf32, #tpu.memory_space<hbm>> -> memref<1x640xf32, #tpu.memory_space<hbm>>
      %dma_start3A_15 = tpu.memref_squeeze %dma_start3A : memref<1x640xf32, #tpu.memory_space<hbm>> -> memref<640xf32, #tpu.memory_space<hbm>>
      %dma_start3A_16 = tpu.memref_slice %arg8[%mul3A_12] : memref<10240xf32, #tpu.memory_space<vmem_shared>> -> memref<640xf32, #tpu.memory_space<vmem_shared>>
      tpu.enqueue_dma source(%dma_start3A_16 : memref<640xf32, #tpu.memory_space<vmem_shared>>) target(%dma_start3A_15 : memref<640xf32, #tpu.memory_space<hbm>>) target_semaphore(%run_scoped3A : memref<!tpu.dma_semaphore, #tpu.memory_space<semaphore_mem>>)
      %dma_wait3A = tpu.memref_slice %arg5[%arg0, %mul3A_14] : memref<2x10240xf32, #tpu.memory_space<hbm>> -> memref<1x640xf32, #tpu.memory_space<hbm>>
      %dma_wait3A_17 = tpu.memref_squeeze %dma_wait3A : memref<1x640xf32, #tpu.memory_space<hbm>> -> memref<640xf32, #tpu.memory_space<hbm>>
      %dma_wait3A_18 = tpu.memref_slice %arg8[%mul3A_12] : memref<10240xf32, #tpu.memory_space<vmem_shared>> -> memref<640xf32, #tpu.memory_space<vmem_shared>>
      tpu.wait_dma2 semaphore(%run_scoped3A : memref<!tpu.dma_semaphore, #tpu.memory_space<semaphore_mem>>) src(%dma_wait3A_18 : memref<640xf32, #tpu.memory_space<vmem_shared>>) dst(%dma_wait3A_17 : memref<640xf32, #tpu.memory_space<hbm>>)
      tpu.yield
    }) : () -> ()
    return
  }
}

#map = affine_map<(d0, d1) -> (0, 0)>
#map1 = affine_map<(d0, d1) -> (0, 0, 0)>
module attributes {stable_mosaic.version = 14 : i64} {
  func.func @run(%arg0: i32, %arg1: i32, %arg2: memref<10000x128xf32, #tpu.memory_space<hbm>>, %arg3: memref<32x80x128xi32, #tpu.memory_space<hbm>>, %arg4: memref<32x80x128xi32, #tpu.memory_space<hbm>>, %arg5: memref<10240x128xf32, #tpu.memory_space<hbm>>, %arg6: memref<2x10240x128xf32, #tpu.memory_space<hbm>>, %arg7: memref<2x16x128xi32, #tpu.memory_space<vmem>>, %arg8: memref<2x16x128xi32, #tpu.memory_space<vmem>>, %arg9: memref<2x128x128xf32, #tpu.memory_space<vmem>>, %arg10: memref<10240x128xf32, #tpu.memory_space<vmem_shared>>, %arg11: memref<!tpu.dma_semaphore, #tpu.memory_space<semaphore_mem>>, %arg12: memref<!tpu.dma_semaphore, #tpu.memory_space<semaphore_mem>>) attributes {dimension_semantics = [#tpu.dimension_semantics<core_parallel>, #tpu.dimension_semantics<subcore_parallel>], iteration_bounds = array<i64: 2, 16>, scalar_prefetch = 0 : i64, scratch_operands = 6 : i64, tpu.core_type = #tpu.core_type<sc_vector_subcore>, window_params = [{transform_indices = #map}, {transform_indices = #map1}, {transform_indices = #map1}, {transform_indices = #map}, {transform_indices = #map1}]} {
    %mul3A = arith.constant 2 : i32
    %mul3A_0 = arith.muli %arg1, %mul3A : i32
    %add3A = arith.addi %mul3A_0, %arg0 : i32
    %mul3A_1 = arith.constant 640 : i32
    %mul3A_2 = arith.muli %arg1, %mul3A_1 : i32
    %mul3A_3 = arith.constant 640 : i32
    %mul3A_4 = arith.muli %arg1, %mul3A_3 : i32
    "tpu.region"() ({
      %run_scoped3A_28 = tpu.sem_alloc : memref<!tpu.dma_semaphore, #tpu.memory_space<semaphore_mem>>
      %dma_start3A_29 = arith.constant 0 : i32
      %dma_start3A_30 = tpu.memref_slice %arg10[%mul3A_4, %dma_start3A_29] : memref<10240x128xf32, #tpu.memory_space<vmem_shared>> -> memref<640x128xf32, #tpu.memory_space<vmem_shared>>
      %dma_start3A_31 = arith.constant 0 : i32
      %dma_start3A_32 = tpu.memref_slice %arg5[%mul3A_2, %dma_start3A_31] : memref<10240x128xf32, #tpu.memory_space<hbm>> -> memref<640x128xf32, #tpu.memory_space<hbm>>
      tpu.enqueue_dma source(%dma_start3A_32 : memref<640x128xf32, #tpu.memory_space<hbm>>) target(%dma_start3A_30 : memref<640x128xf32, #tpu.memory_space<vmem_shared>>) target_semaphore(%run_scoped3A_28 : memref<!tpu.dma_semaphore, #tpu.memory_space<semaphore_mem>>)
      %dma_wait3A = arith.constant 0 : i32
      %dma_wait3A_33 = tpu.memref_slice %arg10[%mul3A_4, %dma_wait3A] : memref<10240x128xf32, #tpu.memory_space<vmem_shared>> -> memref<640x128xf32, #tpu.memory_space<vmem_shared>>
      %dma_wait3A_34 = arith.constant 0 : i32
      %dma_wait3A_35 = tpu.memref_slice %arg5[%mul3A_2, %dma_wait3A_34] : memref<10240x128xf32, #tpu.memory_space<hbm>> -> memref<640x128xf32, #tpu.memory_space<hbm>>
      tpu.wait_dma2 semaphore(%run_scoped3A_28 : memref<!tpu.dma_semaphore, #tpu.memory_space<semaphore_mem>>) src(%dma_wait3A_35 : memref<640x128xf32, #tpu.memory_space<hbm>>) dst(%dma_wait3A_33 : memref<640x128xf32, #tpu.memory_space<vmem_shared>>)
      tpu.yield
    }) : () -> ()
    %barrier3A = arith.constant 0 : index
    tpu.barrier barrier_id(%barrier3A)
    %run_scoped3A = arith.constant 0 : i32
    "tpu.region"() ({
      %run_scoped3A_28 = tpu.sem_alloc : memref<!tpu.dma_semaphore, #tpu.memory_space<semaphore_mem>>
      %dma_start3A_29 = arith.constant 0 : i32
      %dma_start3A_30 = arith.constant 0 : i32
      %dma_start3A_31 = tpu.memref_slice %arg7[%run_scoped3A, %dma_start3A_29, %dma_start3A_30] : memref<2x16x128xi32, #tpu.memory_space<vmem>> -> memref<1x16x128xi32, #tpu.memory_space<vmem>>
      %dma_start3A_32 = tpu.memref_squeeze %dma_start3A_31 : memref<1x16x128xi32, #tpu.memory_space<vmem>> -> memref<16x128xi32, #tpu.memory_space<vmem>>
      %dma_start3A_33 = arith.constant 0 : i32
      %dma_start3A_34 = arith.constant 0 : i32
      %dma_start3A_35 = tpu.memref_slice %arg3[%add3A, %dma_start3A_33, %dma_start3A_34] : memref<32x80x128xi32, #tpu.memory_space<hbm>> -> memref<1x16x128xi32, #tpu.memory_space<hbm>>
      %dma_start3A_36 = tpu.memref_squeeze %dma_start3A_35 : memref<1x16x128xi32, #tpu.memory_space<hbm>> -> memref<16x128xi32, #tpu.memory_space<hbm>>
      %dma_start3A_37 = arith.constant 0 : i32
      %dma_start3A_38 = arith.constant 0 : i32
      %dma_start3A_39 = tpu.memref_slice %arg7[%run_scoped3A, %dma_start3A_37, %dma_start3A_38] : memref<2x16x128xi32, #tpu.memory_space<vmem>> -> memref<1x16x128xi32, #tpu.memory_space<vmem>>
      %dma_start3A_40 = tpu.memref_squeeze %dma_start3A_39 : memref<1x16x128xi32, #tpu.memory_space<vmem>> -> memref<16x128xi32, #tpu.memory_space<vmem>>
      %dma_start3A_41 = arith.constant 0 : i32
      %dma_start3A_42 = arith.constant 0 : i32
      %dma_start3A_43 = tpu.memref_slice %arg3[%add3A, %dma_start3A_41, %dma_start3A_42] : memref<32x80x128xi32, #tpu.memory_space<hbm>> -> memref<1x16x128xi32, #tpu.memory_space<hbm>>
      %dma_start3A_44 = tpu.memref_squeeze %dma_start3A_43 : memref<1x16x128xi32, #tpu.memory_space<hbm>> -> memref<16x128xi32, #tpu.memory_space<hbm>>
      tpu.enqueue_dma source(%dma_start3A_44 : memref<16x128xi32, #tpu.memory_space<hbm>>) target(%dma_start3A_40 : memref<16x128xi32, #tpu.memory_space<vmem>>) target_semaphore(%run_scoped3A_28 : memref<!tpu.dma_semaphore, #tpu.memory_space<semaphore_mem>>)
      %dma_wait3A = arith.constant 0 : i32
      %dma_wait3A_45 = arith.constant 0 : i32
      %dma_wait3A_46 = tpu.memref_slice %arg7[%run_scoped3A, %dma_wait3A, %dma_wait3A_45] : memref<2x16x128xi32, #tpu.memory_space<vmem>> -> memref<1x16x128xi32, #tpu.memory_space<vmem>>
      %dma_wait3A_47 = tpu.memref_squeeze %dma_wait3A_46 : memref<1x16x128xi32, #tpu.memory_space<vmem>> -> memref<16x128xi32, #tpu.memory_space<vmem>>
      %dma_wait3A_48 = arith.constant 0 : i32
      %dma_wait3A_49 = arith.constant 0 : i32
      %dma_wait3A_50 = tpu.memref_slice %arg3[%add3A, %dma_wait3A_48, %dma_wait3A_49] : memref<32x80x128xi32, #tpu.memory_space<hbm>> -> memref<1x16x128xi32, #tpu.memory_space<hbm>>
      %dma_wait3A_51 = tpu.memref_squeeze %dma_wait3A_50 : memref<1x16x128xi32, #tpu.memory_space<hbm>> -> memref<16x128xi32, #tpu.memory_space<hbm>>
      %dma_wait3A_52 = arith.constant 0 : i32
      %dma_wait3A_53 = arith.constant 0 : i32
      %dma_wait3A_54 = tpu.memref_slice %arg7[%run_scoped3A, %dma_wait3A_52, %dma_wait3A_53] : memref<2x16x128xi32, #tpu.memory_space<vmem>> -> memref<1x16x128xi32, #tpu.memory_space<vmem>>
      %dma_wait3A_55 = tpu.memref_squeeze %dma_wait3A_54 : memref<1x16x128xi32, #tpu.memory_space<vmem>> -> memref<16x128xi32, #tpu.memory_space<vmem>>
      %dma_wait3A_56 = arith.constant 0 : i32
      %dma_wait3A_57 = arith.constant 0 : i32
      %dma_wait3A_58 = tpu.memref_slice %arg3[%add3A, %dma_wait3A_56, %dma_wait3A_57] : memref<32x80x128xi32, #tpu.memory_space<hbm>> -> memref<1x16x128xi32, #tpu.memory_space<hbm>>
      %dma_wait3A_59 = tpu.memref_squeeze %dma_wait3A_58 : memref<1x16x128xi32, #tpu.memory_space<hbm>> -> memref<16x128xi32, #tpu.memory_space<hbm>>
      tpu.wait_dma2 semaphore(%run_scoped3A_28 : memref<!tpu.dma_semaphore, #tpu.memory_space<semaphore_mem>>) src(%dma_wait3A_59 : memref<16x128xi32, #tpu.memory_space<hbm>>) dst(%dma_wait3A_55 : memref<16x128xi32, #tpu.memory_space<vmem>>)
      tpu.yield
    }) : () -> ()
    %run_scoped3A_5 = arith.constant 0 : i32
    "tpu.region"() ({
      %run_scoped3A_28 = tpu.sem_alloc : memref<!tpu.dma_semaphore, #tpu.memory_space<semaphore_mem>>
      %dma_start3A_29 = arith.constant 0 : i32
      %dma_start3A_30 = arith.constant 0 : i32
      %dma_start3A_31 = tpu.memref_slice %arg8[%run_scoped3A_5, %dma_start3A_29, %dma_start3A_30] : memref<2x16x128xi32, #tpu.memory_space<vmem>> -> memref<1x16x128xi32, #tpu.memory_space<vmem>>
      %dma_start3A_32 = tpu.memref_squeeze %dma_start3A_31 : memref<1x16x128xi32, #tpu.memory_space<vmem>> -> memref<16x128xi32, #tpu.memory_space<vmem>>
      %dma_start3A_33 = arith.constant 0 : i32
      %dma_start3A_34 = arith.constant 0 : i32
      %dma_start3A_35 = tpu.memref_slice %arg4[%add3A, %dma_start3A_33, %dma_start3A_34] : memref<32x80x128xi32, #tpu.memory_space<hbm>> -> memref<1x16x128xi32, #tpu.memory_space<hbm>>
      %dma_start3A_36 = tpu.memref_squeeze %dma_start3A_35 : memref<1x16x128xi32, #tpu.memory_space<hbm>> -> memref<16x128xi32, #tpu.memory_space<hbm>>
      %dma_start3A_37 = arith.constant 0 : i32
      %dma_start3A_38 = arith.constant 0 : i32
      %dma_start3A_39 = tpu.memref_slice %arg8[%run_scoped3A_5, %dma_start3A_37, %dma_start3A_38] : memref<2x16x128xi32, #tpu.memory_space<vmem>> -> memref<1x16x128xi32, #tpu.memory_space<vmem>>
      %dma_start3A_40 = tpu.memref_squeeze %dma_start3A_39 : memref<1x16x128xi32, #tpu.memory_space<vmem>> -> memref<16x128xi32, #tpu.memory_space<vmem>>
      %dma_start3A_41 = arith.constant 0 : i32
      %dma_start3A_42 = arith.constant 0 : i32
      %dma_start3A_43 = tpu.memref_slice %arg4[%add3A, %dma_start3A_41, %dma_start3A_42] : memref<32x80x128xi32, #tpu.memory_space<hbm>> -> memref<1x16x128xi32, #tpu.memory_space<hbm>>
      %dma_start3A_44 = tpu.memref_squeeze %dma_start3A_43 : memref<1x16x128xi32, #tpu.memory_space<hbm>> -> memref<16x128xi32, #tpu.memory_space<hbm>>
      tpu.enqueue_dma source(%dma_start3A_44 : memref<16x128xi32, #tpu.memory_space<hbm>>) target(%dma_start3A_40 : memref<16x128xi32, #tpu.memory_space<vmem>>) target_semaphore(%run_scoped3A_28 : memref<!tpu.dma_semaphore, #tpu.memory_space<semaphore_mem>>)
      %dma_wait3A = arith.constant 0 : i32
      %dma_wait3A_45 = arith.constant 0 : i32
      %dma_wait3A_46 = tpu.memref_slice %arg8[%run_scoped3A_5, %dma_wait3A, %dma_wait3A_45] : memref<2x16x128xi32, #tpu.memory_space<vmem>> -> memref<1x16x128xi32, #tpu.memory_space<vmem>>
      %dma_wait3A_47 = tpu.memref_squeeze %dma_wait3A_46 : memref<1x16x128xi32, #tpu.memory_space<vmem>> -> memref<16x128xi32, #tpu.memory_space<vmem>>
      %dma_wait3A_48 = arith.constant 0 : i32
      %dma_wait3A_49 = arith.constant 0 : i32
      %dma_wait3A_50 = tpu.memref_slice %arg4[%add3A, %dma_wait3A_48, %dma_wait3A_49] : memref<32x80x128xi32, #tpu.memory_space<hbm>> -> memref<1x16x128xi32, #tpu.memory_space<hbm>>
      %dma_wait3A_51 = tpu.memref_squeeze %dma_wait3A_50 : memref<1x16x128xi32, #tpu.memory_space<hbm>> -> memref<16x128xi32, #tpu.memory_space<hbm>>
      %dma_wait3A_52 = arith.constant 0 : i32
      %dma_wait3A_53 = arith.constant 0 : i32
      %dma_wait3A_54 = tpu.memref_slice %arg8[%run_scoped3A_5, %dma_wait3A_52, %dma_wait3A_53] : memref<2x16x128xi32, #tpu.memory_space<vmem>> -> memref<1x16x128xi32, #tpu.memory_space<vmem>>
      %dma_wait3A_55 = tpu.memref_squeeze %dma_wait3A_54 : memref<1x16x128xi32, #tpu.memory_space<vmem>> -> memref<16x128xi32, #tpu.memory_space<vmem>>
      %dma_wait3A_56 = arith.constant 0 : i32
      %dma_wait3A_57 = arith.constant 0 : i32
      %dma_wait3A_58 = tpu.memref_slice %arg4[%add3A, %dma_wait3A_56, %dma_wait3A_57] : memref<32x80x128xi32, #tpu.memory_space<hbm>> -> memref<1x16x128xi32, #tpu.memory_space<hbm>>
      %dma_wait3A_59 = tpu.memref_squeeze %dma_wait3A_58 : memref<1x16x128xi32, #tpu.memory_space<hbm>> -> memref<16x128xi32, #tpu.memory_space<hbm>>
      tpu.wait_dma2 semaphore(%run_scoped3A_28 : memref<!tpu.dma_semaphore, #tpu.memory_space<semaphore_mem>>) src(%dma_wait3A_59 : memref<16x128xi32, #tpu.memory_space<hbm>>) dst(%dma_wait3A_55 : memref<16x128xi32, #tpu.memory_space<vmem>>)
      tpu.yield
    }) : () -> ()
    %dma_start3A = arith.constant 0 : i32
    %dma_start3A_6 = arith.constant 0 : i32
    %dma_start3A_7 = arith.constant 0 : i32
    %dma_start3A_8 = arith.constant 0 : i32
    %dma_start3A_9 = arith.constant 0 : i32
    %dma_start3A_10 = tpu.memref_slice %arg9[%dma_start3A_7, %dma_start3A_8, %dma_start3A_9] : memref<2x128x128xf32, #tpu.memory_space<vmem>> -> memref<1x128x128xf32, #tpu.memory_space<vmem>>
    %dma_start3A_11 = tpu.memref_squeeze %dma_start3A_10 : memref<1x128x128xf32, #tpu.memory_space<vmem>> -> memref<128x128xf32, #tpu.memory_space<vmem>>
    %dma_start3A_12 = arith.constant 0 : i32
    %dma_start3A_13 = tpu.memref_slice %arg7[%dma_start3A, %dma_start3A_6, %dma_start3A_12] : memref<2x16x128xi32, #tpu.memory_space<vmem>> -> memref<1x1x128xi32, #tpu.memory_space<vmem>>
    %dma_start3A_14 = tpu.memref_squeeze %dma_start3A_13 : memref<1x1x128xi32, #tpu.memory_space<vmem>> -> memref<128xi32, #tpu.memory_space<vmem>>
    %dma_start3A_15 = arith.constant 0 : i32
    %dma_start3A_16 = arith.constant 0 : i32
    %dma_start3A_17 = tpu.memref_slice %arg2[%dma_start3A_15, %dma_start3A_16] : memref<10000x128xf32, #tpu.memory_space<hbm>> -> memref<10000x128xf32, #tpu.memory_space<hbm>>
    tpu.enqueue_indirect_dma source(%dma_start3A_17 : memref<10000x128xf32, #tpu.memory_space<hbm>>) target(%dma_start3A_11 : memref<128x128xf32, #tpu.memory_space<vmem>>) offsets(%dma_start3A_14 : memref<128xi32, #tpu.memory_space<vmem>>) semaphore(%arg11 : memref<!tpu.dma_semaphore, #tpu.memory_space<semaphore_mem>>)
    %scan3A = arith.constant 0 : i32
    %scan3A_18 = arith.constant 0 : i32
    %scan3A_19 = arith.constant 5 : i32
    %scan3A_20 = arith.addi %scan3A_18, %scan3A_19 : i32
    %scan3A_21 = arith.constant 1 : i32
    scf.for %scan3A_28 = %scan3A_18 to %scan3A_20 step %scan3A_21  : i32 {
      %jit3A = arith.constant 2 : i32
      %eq3A = arith.constant 0 : i32
      %eq3A_29 = arith.cmpi eq, %jit3A, %eq3A : i32
      %jit3A_30 = arith.constant 1 : i32
      %select_n3A = arith.select %eq3A_29, %jit3A_30, %jit3A : i32
      %rem3A = arith.remsi %scan3A_28, %select_n3A : i32
      %ne3A = arith.constant 0 : i32
      %ne3A_31 = arith.cmpi ne, %rem3A, %ne3A : i32
      %lt3A = arith.constant 0 : i32
      %lt3A_32 = arith.cmpi slt, %rem3A, %lt3A : i32
      %lt3A_33 = arith.constant 0 : i32
      %lt3A_34 = arith.cmpi slt, %select_n3A, %lt3A_33 : i32
      %ne3A_35 = arith.xori %lt3A_32, %lt3A_34 : i1
      %and3A = arith.andi %ne3A_35, %ne3A_31 : i1
      %add3A_36 = arith.addi %rem3A, %select_n3A : i32
      %select_n3A_37 = arith.select %and3A, %add3A_36, %rem3A : i32
      %add3A_38 = arith.constant 1 : i32
      %add3A_39 = arith.addi %scan3A_28, %add3A_38 : i32
      %lt3A_40 = arith.constant 5 : i32
      %lt3A_41 = arith.cmpi slt, %add3A_39, %lt3A_40 : i32
      %convert_element_type3A = arith.extui %lt3A_41 : i1 to i32
      %cond3A = arith.constant 0 : i32
      %cond3A_42 = arith.cmpi ne, %convert_element_type3A, %cond3A : i32
      scf.if %cond3A_42 {
        %add3A_453 = arith.constant 1 : i32
        %add3A_454 = arith.addi %scan3A_28, %add3A_453 : i32
        %mul3A_455 = arith.constant 16 : i32
        %mul3A_456 = arith.muli %add3A_454, %mul3A_455 : i32
        %sub3A = arith.constant 1 : i32
        %sub3A_457 = arith.subi %sub3A, %select_n3A_37 : i32
        "tpu.region"() ({
          %run_scoped3A_464 = tpu.sem_alloc : memref<!tpu.dma_semaphore, #tpu.memory_space<semaphore_mem>>
          %dma_start3A_465 = arith.constant 0 : i32
          %dma_start3A_466 = arith.constant 0 : i32
          %dma_start3A_467 = tpu.memref_slice %arg7[%sub3A_457, %dma_start3A_465, %dma_start3A_466] : memref<2x16x128xi32, #tpu.memory_space<vmem>> -> memref<1x16x128xi32, #tpu.memory_space<vmem>>
          %dma_start3A_468 = tpu.memref_squeeze %dma_start3A_467 : memref<1x16x128xi32, #tpu.memory_space<vmem>> -> memref<16x128xi32, #tpu.memory_space<vmem>>
          %dma_start3A_469 = arith.constant 0 : i32
          %dma_start3A_470 = tpu.memref_slice %arg3[%add3A, %mul3A_456, %dma_start3A_469] : memref<32x80x128xi32, #tpu.memory_space<hbm>> -> memref<1x16x128xi32, #tpu.memory_space<hbm>>
          %dma_start3A_471 = tpu.memref_squeeze %dma_start3A_470 : memref<1x16x128xi32, #tpu.memory_space<hbm>> -> memref<16x128xi32, #tpu.memory_space<hbm>>
          %dma_start3A_472 = arith.constant 0 : i32
          %dma_start3A_473 = arith.constant 0 : i32
          %dma_start3A_474 = tpu.memref_slice %arg7[%sub3A_457, %dma_start3A_472, %dma_start3A_473] : memref<2x16x128xi32, #tpu.memory_space<vmem>> -> memref<1x16x128xi32, #tpu.memory_space<vmem>>
          %dma_start3A_475 = tpu.memref_squeeze %dma_start3A_474 : memref<1x16x128xi32, #tpu.memory_space<vmem>> -> memref<16x128xi32, #tpu.memory_space<vmem>>
          %dma_start3A_476 = arith.constant 0 : i32
          %dma_start3A_477 = tpu.memref_slice %arg3[%add3A, %mul3A_456, %dma_start3A_476] : memref<32x80x128xi32, #tpu.memory_space<hbm>> -> memref<1x16x128xi32, #tpu.memory_space<hbm>>
          %dma_start3A_478 = tpu.memref_squeeze %dma_start3A_477 : memref<1x16x128xi32, #tpu.memory_space<hbm>> -> memref<16x128xi32, #tpu.memory_space<hbm>>
          tpu.enqueue_dma source(%dma_start3A_478 : memref<16x128xi32, #tpu.memory_space<hbm>>) target(%dma_start3A_475 : memref<16x128xi32, #tpu.memory_space<vmem>>) target_semaphore(%run_scoped3A_464 : memref<!tpu.dma_semaphore, #tpu.memory_space<semaphore_mem>>)
          %dma_wait3A_479 = arith.constant 0 : i32
          %dma_wait3A_480 = arith.constant 0 : i32
          %dma_wait3A_481 = tpu.memref_slice %arg7[%sub3A_457, %dma_wait3A_479, %dma_wait3A_480] : memref<2x16x128xi32, #tpu.memory_space<vmem>> -> memref<1x16x128xi32, #tpu.memory_space<vmem>>
          %dma_wait3A_482 = tpu.memref_squeeze %dma_wait3A_481 : memref<1x16x128xi32, #tpu.memory_space<vmem>> -> memref<16x128xi32, #tpu.memory_space<vmem>>
          %dma_wait3A_483 = arith.constant 0 : i32
          %dma_wait3A_484 = tpu.memref_slice %arg3[%add3A, %mul3A_456, %dma_wait3A_483] : memref<32x80x128xi32, #tpu.memory_space<hbm>> -> memref<1x16x128xi32, #tpu.memory_space<hbm>>
          %dma_wait3A_485 = tpu.memref_squeeze %dma_wait3A_484 : memref<1x16x128xi32, #tpu.memory_space<hbm>> -> memref<16x128xi32, #tpu.memory_space<hbm>>
          %dma_wait3A_486 = arith.constant 0 : i32
          %dma_wait3A_487 = arith.constant 0 : i32
          %dma_wait3A_488 = tpu.memref_slice %arg7[%sub3A_457, %dma_wait3A_486, %dma_wait3A_487] : memref<2x16x128xi32, #tpu.memory_space<vmem>> -> memref<1x16x128xi32, #tpu.memory_space<vmem>>
          %dma_wait3A_489 = tpu.memref_squeeze %dma_wait3A_488 : memref<1x16x128xi32, #tpu.memory_space<vmem>> -> memref<16x128xi32, #tpu.memory_space<vmem>>
          %dma_wait3A_490 = arith.constant 0 : i32
          %dma_wait3A_491 = tpu.memref_slice %arg3[%add3A, %mul3A_456, %dma_wait3A_490] : memref<32x80x128xi32, #tpu.memory_space<hbm>> -> memref<1x16x128xi32, #tpu.memory_space<hbm>>
          %dma_wait3A_492 = tpu.memref_squeeze %dma_wait3A_491 : memref<1x16x128xi32, #tpu.memory_space<hbm>> -> memref<16x128xi32, #tpu.memory_space<hbm>>
          tpu.wait_dma2 semaphore(%run_scoped3A_464 : memref<!tpu.dma_semaphore, #tpu.memory_space<semaphore_mem>>) src(%dma_wait3A_492 : memref<16x128xi32, #tpu.memory_space<hbm>>) dst(%dma_wait3A_489 : memref<16x128xi32, #tpu.memory_space<vmem>>)
          tpu.yield
        }) : () -> ()
        %add3A_458 = arith.constant 1 : i32
        %add3A_459 = arith.addi %scan3A_28, %add3A_458 : i32
        %mul3A_460 = arith.constant 16 : i32
        %mul3A_461 = arith.muli %add3A_459, %mul3A_460 : i32
        %sub3A_462 = arith.constant 1 : i32
        %sub3A_463 = arith.subi %sub3A_462, %select_n3A_37 : i32
        "tpu.region"() ({
          %run_scoped3A_464 = tpu.sem_alloc : memref<!tpu.dma_semaphore, #tpu.memory_space<semaphore_mem>>
          %dma_start3A_465 = arith.constant 0 : i32
          %dma_start3A_466 = arith.constant 0 : i32
          %dma_start3A_467 = tpu.memref_slice %arg8[%sub3A_463, %dma_start3A_465, %dma_start3A_466] : memref<2x16x128xi32, #tpu.memory_space<vmem>> -> memref<1x16x128xi32, #tpu.memory_space<vmem>>
          %dma_start3A_468 = tpu.memref_squeeze %dma_start3A_467 : memref<1x16x128xi32, #tpu.memory_space<vmem>> -> memref<16x128xi32, #tpu.memory_space<vmem>>
          %dma_start3A_469 = arith.constant 0 : i32
          %dma_start3A_470 = tpu.memref_slice %arg4[%add3A, %mul3A_461, %dma_start3A_469] : memref<32x80x128xi32, #tpu.memory_space<hbm>> -> memref<1x16x128xi32, #tpu.memory_space<hbm>>
          %dma_start3A_471 = tpu.memref_squeeze %dma_start3A_470 : memref<1x16x128xi32, #tpu.memory_space<hbm>> -> memref<16x128xi32, #tpu.memory_space<hbm>>
          %dma_start3A_472 = arith.constant 0 : i32
          %dma_start3A_473 = arith.constant 0 : i32
          %dma_start3A_474 = tpu.memref_slice %arg8[%sub3A_463, %dma_start3A_472, %dma_start3A_473] : memref<2x16x128xi32, #tpu.memory_space<vmem>> -> memref<1x16x128xi32, #tpu.memory_space<vmem>>
          %dma_start3A_475 = tpu.memref_squeeze %dma_start3A_474 : memref<1x16x128xi32, #tpu.memory_space<vmem>> -> memref<16x128xi32, #tpu.memory_space<vmem>>
          %dma_start3A_476 = arith.constant 0 : i32
          %dma_start3A_477 = tpu.memref_slice %arg4[%add3A, %mul3A_461, %dma_start3A_476] : memref<32x80x128xi32, #tpu.memory_space<hbm>> -> memref<1x16x128xi32, #tpu.memory_space<hbm>>
          %dma_start3A_478 = tpu.memref_squeeze %dma_start3A_477 : memref<1x16x128xi32, #tpu.memory_space<hbm>> -> memref<16x128xi32, #tpu.memory_space<hbm>>
          tpu.enqueue_dma source(%dma_start3A_478 : memref<16x128xi32, #tpu.memory_space<hbm>>) target(%dma_start3A_475 : memref<16x128xi32, #tpu.memory_space<vmem>>) target_semaphore(%run_scoped3A_464 : memref<!tpu.dma_semaphore, #tpu.memory_space<semaphore_mem>>)
          %dma_wait3A_479 = arith.constant 0 : i32
          %dma_wait3A_480 = arith.constant 0 : i32
          %dma_wait3A_481 = tpu.memref_slice %arg8[%sub3A_463, %dma_wait3A_479, %dma_wait3A_480] : memref<2x16x128xi32, #tpu.memory_space<vmem>> -> memref<1x16x128xi32, #tpu.memory_space<vmem>>
          %dma_wait3A_482 = tpu.memref_squeeze %dma_wait3A_481 : memref<1x16x128xi32, #tpu.memory_space<vmem>> -> memref<16x128xi32, #tpu.memory_space<vmem>>
          %dma_wait3A_483 = arith.constant 0 : i32
          %dma_wait3A_484 = tpu.memref_slice %arg4[%add3A, %mul3A_461, %dma_wait3A_483] : memref<32x80x128xi32, #tpu.memory_space<hbm>> -> memref<1x16x128xi32, #tpu.memory_space<hbm>>
          %dma_wait3A_485 = tpu.memref_squeeze %dma_wait3A_484 : memref<1x16x128xi32, #tpu.memory_space<hbm>> -> memref<16x128xi32, #tpu.memory_space<hbm>>
          %dma_wait3A_486 = arith.constant 0 : i32
          %dma_wait3A_487 = arith.constant 0 : i32
          %dma_wait3A_488 = tpu.memref_slice %arg8[%sub3A_463, %dma_wait3A_486, %dma_wait3A_487] : memref<2x16x128xi32, #tpu.memory_space<vmem>> -> memref<1x16x128xi32, #tpu.memory_space<vmem>>
          %dma_wait3A_489 = tpu.memref_squeeze %dma_wait3A_488 : memref<1x16x128xi32, #tpu.memory_space<vmem>> -> memref<16x128xi32, #tpu.memory_space<vmem>>
          %dma_wait3A_490 = arith.constant 0 : i32
          %dma_wait3A_491 = tpu.memref_slice %arg4[%add3A, %mul3A_461, %dma_wait3A_490] : memref<32x80x128xi32, #tpu.memory_space<hbm>> -> memref<1x16x128xi32, #tpu.memory_space<hbm>>
          %dma_wait3A_492 = tpu.memref_squeeze %dma_wait3A_491 : memref<1x16x128xi32, #tpu.memory_space<hbm>> -> memref<16x128xi32, #tpu.memory_space<hbm>>
          tpu.wait_dma2 semaphore(%run_scoped3A_464 : memref<!tpu.dma_semaphore, #tpu.memory_space<semaphore_mem>>) src(%dma_wait3A_492 : memref<16x128xi32, #tpu.memory_space<hbm>>) dst(%dma_wait3A_489 : memref<16x128xi32, #tpu.memory_space<vmem>>)
          tpu.yield
        }) : () -> ()
      } else {
      }
      %dma_wait3A = arith.constant 0 : i32
      %dma_wait3A_43 = arith.constant 0 : i32
      %dma_wait3A_44 = arith.constant 0 : i32
      %dma_wait3A_45 = arith.constant 0 : i32
      %dma_wait3A_46 = tpu.memref_slice %arg9[%dma_wait3A_43, %dma_wait3A_44, %dma_wait3A_45] : memref<2x128x128xf32, #tpu.memory_space<vmem>> -> memref<1x128x128xf32, #tpu.memory_space<vmem>>
      %dma_wait3A_47 = tpu.memref_squeeze %dma_wait3A_46 : memref<1x128x128xf32, #tpu.memory_space<vmem>> -> memref<128x128xf32, #tpu.memory_space<vmem>>
      %dma_wait3A_48 = arith.constant 0 : i32
      %dma_wait3A_49 = tpu.memref_slice %arg7[%select_n3A_37, %dma_wait3A, %dma_wait3A_48] : memref<2x16x128xi32, #tpu.memory_space<vmem>> -> memref<1x1x128xi32, #tpu.memory_space<vmem>>
      %dma_wait3A_50 = tpu.memref_squeeze %dma_wait3A_49 : memref<1x1x128xi32, #tpu.memory_space<vmem>> -> memref<128xi32, #tpu.memory_space<vmem>>
      %dma_wait3A_51 = arith.constant 0 : i32
      %dma_wait3A_52 = arith.constant 0 : i32
      %dma_wait3A_53 = tpu.memref_slice %arg2[%dma_wait3A_51, %dma_wait3A_52] : memref<10000x128xf32, #tpu.memory_space<hbm>> -> memref<10000x128xf32, #tpu.memory_space<hbm>>
      tpu.wait_indirect_dma semaphore(%arg11 : memref<!tpu.dma_semaphore, #tpu.memory_space<semaphore_mem>>) src(%dma_wait3A_53 : memref<10000x128xf32, #tpu.memory_space<hbm>>) dst(%dma_wait3A_47 : memref<128x128xf32, #tpu.memory_space<vmem>>)
      %dma_start3A_54 = arith.constant 1 : i32
      %dma_start3A_55 = arith.constant 1 : i32
      %dma_start3A_56 = arith.constant 0 : i32
      %dma_start3A_57 = arith.constant 0 : i32
      %dma_start3A_58 = tpu.memref_slice %arg9[%dma_start3A_55, %dma_start3A_56, %dma_start3A_57] : memref<2x128x128xf32, #tpu.memory_space<vmem>> -> memref<1x128x128xf32, #tpu.memory_space<vmem>>
      %dma_start3A_59 = tpu.memref_squeeze %dma_start3A_58 : memref<1x128x128xf32, #tpu.memory_space<vmem>> -> memref<128x128xf32, #tpu.memory_space<vmem>>
      %dma_start3A_60 = arith.constant 0 : i32
      %dma_start3A_61 = tpu.memref_slice %arg7[%select_n3A_37, %dma_start3A_54, %dma_start3A_60] : memref<2x16x128xi32, #tpu.memory_space<vmem>> -> memref<1x1x128xi32, #tpu.memory_space<vmem>>
      %dma_start3A_62 = tpu.memref_squeeze %dma_start3A_61 : memref<1x1x128xi32, #tpu.memory_space<vmem>> -> memref<128xi32, #tpu.memory_space<vmem>>
      %dma_start3A_63 = arith.constant 0 : i32
      %dma_start3A_64 = arith.constant 0 : i32
      %dma_start3A_65 = tpu.memref_slice %arg2[%dma_start3A_63, %dma_start3A_64] : memref<10000x128xf32, #tpu.memory_space<hbm>> -> memref<10000x128xf32, #tpu.memory_space<hbm>>
      tpu.enqueue_indirect_dma source(%dma_start3A_65 : memref<10000x128xf32, #tpu.memory_space<hbm>>) target(%dma_start3A_59 : memref<128x128xf32, #tpu.memory_space<vmem>>) offsets(%dma_start3A_62 : memref<128xi32, #tpu.memory_space<vmem>>) semaphore(%arg12 : memref<!tpu.dma_semaphore, #tpu.memory_space<semaphore_mem>>)
      %run_scoped3A_66 = arith.constant 0 : i32
      %run_scoped3A_67 = arith.constant 0 : i32
      "tpu.region"() ({
        %run_scoped3A_453 = tpu.sem_alloc : memref<!tpu.dma_semaphore, #tpu.memory_space<semaphore_mem>>
        %dma_start3A_454 = arith.constant 0 : i32
        %dma_start3A_455 = arith.constant 0 : i32
        %dma_start3A_456 = tpu.memref_slice %arg9[%run_scoped3A_66, %dma_start3A_454, %dma_start3A_455] : memref<2x128x128xf32, #tpu.memory_space<vmem>> -> memref<1x128x128xf32, #tpu.memory_space<vmem>>
        %dma_start3A_457 = tpu.memref_squeeze %dma_start3A_456 : memref<1x128x128xf32, #tpu.memory_space<vmem>> -> memref<128x128xf32, #tpu.memory_space<vmem>>
        %dma_start3A_458 = arith.constant 0 : i32
        %dma_start3A_459 = tpu.memref_slice %arg8[%select_n3A_37, %run_scoped3A_67, %dma_start3A_458] : memref<2x16x128xi32, #tpu.memory_space<vmem>> -> memref<1x1x128xi32, #tpu.memory_space<vmem>>
        %dma_start3A_460 = tpu.memref_squeeze %dma_start3A_459 : memref<1x1x128xi32, #tpu.memory_space<vmem>> -> memref<128xi32, #tpu.memory_space<vmem>>
        %dma_start3A_461 = arith.constant 0 : i32
        %dma_start3A_462 = arith.constant 0 : i32
        %dma_start3A_463 = tpu.memref_slice %arg10[%dma_start3A_461, %dma_start3A_462] : memref<10240x128xf32, #tpu.memory_space<vmem_shared>> -> memref<10240x128xf32, #tpu.memory_space<vmem_shared>>
        tpu.enqueue_indirect_dma source(%dma_start3A_457 : memref<128x128xf32, #tpu.memory_space<vmem>>) target(%dma_start3A_463 : memref<10240x128xf32, #tpu.memory_space<vmem_shared>>) offsets(%dma_start3A_460 : memref<128xi32, #tpu.memory_space<vmem>>) semaphore(%run_scoped3A_453 : memref<!tpu.dma_semaphore, #tpu.memory_space<semaphore_mem>>) {add = true}
        %dma_wait3A_464 = arith.constant 0 : i32
        %dma_wait3A_465 = arith.constant 0 : i32
        %dma_wait3A_466 = tpu.memref_slice %arg9[%run_scoped3A_66, %dma_wait3A_464, %dma_wait3A_465] : memref<2x128x128xf32, #tpu.memory_space<vmem>> -> memref<1x128x128xf32, #tpu.memory_space<vmem>>
        %dma_wait3A_467 = tpu.memref_squeeze %dma_wait3A_466 : memref<1x128x128xf32, #tpu.memory_space<vmem>> -> memref<128x128xf32, #tpu.memory_space<vmem>>
        %dma_wait3A_468 = arith.constant 0 : i32
        %dma_wait3A_469 = tpu.memref_slice %arg8[%select_n3A_37, %run_scoped3A_67, %dma_wait3A_468] : memref<2x16x128xi32, #tpu.memory_space<vmem>> -> memref<1x1x128xi32, #tpu.memory_space<vmem>>
        %dma_wait3A_470 = tpu.memref_squeeze %dma_wait3A_469 : memref<1x1x128xi32, #tpu.memory_space<vmem>> -> memref<128xi32, #tpu.memory_space<vmem>>
        %dma_wait3A_471 = arith.constant 0 : i32
        %dma_wait3A_472 = arith.constant 0 : i32
        %dma_wait3A_473 = tpu.memref_slice %arg10[%dma_wait3A_471, %dma_wait3A_472] : memref<10240x128xf32, #tpu.memory_space<vmem_shared>> -> memref<10240x128xf32, #tpu.memory_space<vmem_shared>>
        tpu.wait_indirect_dma semaphore(%run_scoped3A_453 : memref<!tpu.dma_semaphore, #tpu.memory_space<semaphore_mem>>) src(%dma_wait3A_467 : memref<128x128xf32, #tpu.memory_space<vmem>>) dst(%dma_wait3A_473 : memref<10240x128xf32, #tpu.memory_space<vmem_shared>>)
        tpu.yield
      }) : () -> ()
      %dma_wait3A_68 = arith.constant 1 : i32
      %dma_wait3A_69 = arith.constant 1 : i32
      %dma_wait3A_70 = arith.constant 0 : i32
      %dma_wait3A_71 = arith.constant 0 : i32
      %dma_wait3A_72 = tpu.memref_slice %arg9[%dma_wait3A_69, %dma_wait3A_70, %dma_wait3A_71] : memref<2x128x128xf32, #tpu.memory_space<vmem>> -> memref<1x128x128xf32, #tpu.memory_space<vmem>>
      %dma_wait3A_73 = tpu.memref_squeeze %dma_wait3A_72 : memref<1x128x128xf32, #tpu.memory_space<vmem>> -> memref<128x128xf32, #tpu.memory_space<vmem>>
      %dma_wait3A_74 = arith.constant 0 : i32
      %dma_wait3A_75 = tpu.memref_slice %arg7[%select_n3A_37, %dma_wait3A_68, %dma_wait3A_74] : memref<2x16x128xi32, #tpu.memory_space<vmem>> -> memref<1x1x128xi32, #tpu.memory_space<vmem>>
      %dma_wait3A_76 = tpu.memref_squeeze %dma_wait3A_75 : memref<1x1x128xi32, #tpu.memory_space<vmem>> -> memref<128xi32, #tpu.memory_space<vmem>>
      %dma_wait3A_77 = arith.constant 0 : i32
      %dma_wait3A_78 = arith.constant 0 : i32
      %dma_wait3A_79 = tpu.memref_slice %arg2[%dma_wait3A_77, %dma_wait3A_78] : memref<10000x128xf32, #tpu.memory_space<hbm>> -> memref<10000x128xf32, #tpu.memory_space<hbm>>
      tpu.wait_indirect_dma semaphore(%arg12 : memref<!tpu.dma_semaphore, #tpu.memory_space<semaphore_mem>>) src(%dma_wait3A_79 : memref<10000x128xf32, #tpu.memory_space<hbm>>) dst(%dma_wait3A_73 : memref<128x128xf32, #tpu.memory_space<vmem>>)
      %dma_start3A_80 = arith.constant 2 : i32
      %dma_start3A_81 = arith.constant 0 : i32
      %dma_start3A_82 = arith.constant 0 : i32
      %dma_start3A_83 = arith.constant 0 : i32
      %dma_start3A_84 = tpu.memref_slice %arg9[%dma_start3A_81, %dma_start3A_82, %dma_start3A_83] : memref<2x128x128xf32, #tpu.memory_space<vmem>> -> memref<1x128x128xf32, #tpu.memory_space<vmem>>
      %dma_start3A_85 = tpu.memref_squeeze %dma_start3A_84 : memref<1x128x128xf32, #tpu.memory_space<vmem>> -> memref<128x128xf32, #tpu.memory_space<vmem>>
      %dma_start3A_86 = arith.constant 0 : i32
      %dma_start3A_87 = tpu.memref_slice %arg7[%select_n3A_37, %dma_start3A_80, %dma_start3A_86] : memref<2x16x128xi32, #tpu.memory_space<vmem>> -> memref<1x1x128xi32, #tpu.memory_space<vmem>>
      %dma_start3A_88 = tpu.memref_squeeze %dma_start3A_87 : memref<1x1x128xi32, #tpu.memory_space<vmem>> -> memref<128xi32, #tpu.memory_space<vmem>>
      %dma_start3A_89 = arith.constant 0 : i32
      %dma_start3A_90 = arith.constant 0 : i32
      %dma_start3A_91 = tpu.memref_slice %arg2[%dma_start3A_89, %dma_start3A_90] : memref<10000x128xf32, #tpu.memory_space<hbm>> -> memref<10000x128xf32, #tpu.memory_space<hbm>>
      tpu.enqueue_indirect_dma source(%dma_start3A_91 : memref<10000x128xf32, #tpu.memory_space<hbm>>) target(%dma_start3A_85 : memref<128x128xf32, #tpu.memory_space<vmem>>) offsets(%dma_start3A_88 : memref<128xi32, #tpu.memory_space<vmem>>) semaphore(%arg11 : memref<!tpu.dma_semaphore, #tpu.memory_space<semaphore_mem>>)
      %run_scoped3A_92 = arith.constant 1 : i32
      %run_scoped3A_93 = arith.constant 1 : i32
      "tpu.region"() ({
        %run_scoped3A_453 = tpu.sem_alloc : memref<!tpu.dma_semaphore, #tpu.memory_space<semaphore_mem>>
        %dma_start3A_454 = arith.constant 0 : i32
        %dma_start3A_455 = arith.constant 0 : i32
        %dma_start3A_456 = tpu.memref_slice %arg9[%run_scoped3A_92, %dma_start3A_454, %dma_start3A_455] : memref<2x128x128xf32, #tpu.memory_space<vmem>> -> memref<1x128x128xf32, #tpu.memory_space<vmem>>
        %dma_start3A_457 = tpu.memref_squeeze %dma_start3A_456 : memref<1x128x128xf32, #tpu.memory_space<vmem>> -> memref<128x128xf32, #tpu.memory_space<vmem>>
        %dma_start3A_458 = arith.constant 0 : i32
        %dma_start3A_459 = tpu.memref_slice %arg8[%select_n3A_37, %run_scoped3A_93, %dma_start3A_458] : memref<2x16x128xi32, #tpu.memory_space<vmem>> -> memref<1x1x128xi32, #tpu.memory_space<vmem>>
        %dma_start3A_460 = tpu.memref_squeeze %dma_start3A_459 : memref<1x1x128xi32, #tpu.memory_space<vmem>> -> memref<128xi32, #tpu.memory_space<vmem>>
        %dma_start3A_461 = arith.constant 0 : i32
        %dma_start3A_462 = arith.constant 0 : i32
        %dma_start3A_463 = tpu.memref_slice %arg10[%dma_start3A_461, %dma_start3A_462] : memref<10240x128xf32, #tpu.memory_space<vmem_shared>> -> memref<10240x128xf32, #tpu.memory_space<vmem_shared>>
        tpu.enqueue_indirect_dma source(%dma_start3A_457 : memref<128x128xf32, #tpu.memory_space<vmem>>) target(%dma_start3A_463 : memref<10240x128xf32, #tpu.memory_space<vmem_shared>>) offsets(%dma_start3A_460 : memref<128xi32, #tpu.memory_space<vmem>>) semaphore(%run_scoped3A_453 : memref<!tpu.dma_semaphore, #tpu.memory_space<semaphore_mem>>) {add = true}
        %dma_wait3A_464 = arith.constant 0 : i32
        %dma_wait3A_465 = arith.constant 0 : i32
        %dma_wait3A_466 = tpu.memref_slice %arg9[%run_scoped3A_92, %dma_wait3A_464, %dma_wait3A_465] : memref<2x128x128xf32, #tpu.memory_space<vmem>> -> memref<1x128x128xf32, #tpu.memory_space<vmem>>
        %dma_wait3A_467 = tpu.memref_squeeze %dma_wait3A_466 : memref<1x128x128xf32, #tpu.memory_space<vmem>> -> memref<128x128xf32, #tpu.memory_space<vmem>>
        %dma_wait3A_468 = arith.constant 0 : i32
        %dma_wait3A_469 = tpu.memref_slice %arg8[%select_n3A_37, %run_scoped3A_93, %dma_wait3A_468] : memref<2x16x128xi32, #tpu.memory_space<vmem>> -> memref<1x1x128xi32, #tpu.memory_space<vmem>>
        %dma_wait3A_470 = tpu.memref_squeeze %dma_wait3A_469 : memref<1x1x128xi32, #tpu.memory_space<vmem>> -> memref<128xi32, #tpu.memory_space<vmem>>
        %dma_wait3A_471 = arith.constant 0 : i32
        %dma_wait3A_472 = arith.constant 0 : i32
        %dma_wait3A_473 = tpu.memref_slice %arg10[%dma_wait3A_471, %dma_wait3A_472] : memref<10240x128xf32, #tpu.memory_space<vmem_shared>> -> memref<10240x128xf32, #tpu.memory_space<vmem_shared>>
        tpu.wait_indirect_dma semaphore(%run_scoped3A_453 : memref<!tpu.dma_semaphore, #tpu.memory_space<semaphore_mem>>) src(%dma_wait3A_467 : memref<128x128xf32, #tpu.memory_space<vmem>>) dst(%dma_wait3A_473 : memref<10240x128xf32, #tpu.memory_space<vmem_shared>>)
        tpu.yield
      }) : () -> ()
      %dma_wait3A_94 = arith.constant 2 : i32
      %dma_wait3A_95 = arith.constant 0 : i32
      %dma_wait3A_96 = arith.constant 0 : i32
      %dma_wait3A_97 = arith.constant 0 : i32
      %dma_wait3A_98 = tpu.memref_slice %arg9[%dma_wait3A_95, %dma_wait3A_96, %dma_wait3A_97] : memref<2x128x128xf32, #tpu.memory_space<vmem>> -> memref<1x128x128xf32, #tpu.memory_space<vmem>>
      %dma_wait3A_99 = tpu.memref_squeeze %dma_wait3A_98 : memref<1x128x128xf32, #tpu.memory_space<vmem>> -> memref<128x128xf32, #tpu.memory_space<vmem>>
      %dma_wait3A_100 = arith.constant 0 : i32
      %dma_wait3A_101 = tpu.memref_slice %arg7[%select_n3A_37, %dma_wait3A_94, %dma_wait3A_100] : memref<2x16x128xi32, #tpu.memory_space<vmem>> -> memref<1x1x128xi32, #tpu.memory_space<vmem>>
      %dma_wait3A_102 = tpu.memref_squeeze %dma_wait3A_101 : memref<1x1x128xi32, #tpu.memory_space<vmem>> -> memref<128xi32, #tpu.memory_space<vmem>>
      %dma_wait3A_103 = arith.constant 0 : i32
      %dma_wait3A_104 = arith.constant 0 : i32
      %dma_wait3A_105 = tpu.memref_slice %arg2[%dma_wait3A_103, %dma_wait3A_104] : memref<10000x128xf32, #tpu.memory_space<hbm>> -> memref<10000x128xf32, #tpu.memory_space<hbm>>
      tpu.wait_indirect_dma semaphore(%arg11 : memref<!tpu.dma_semaphore, #tpu.memory_space<semaphore_mem>>) src(%dma_wait3A_105 : memref<10000x128xf32, #tpu.memory_space<hbm>>) dst(%dma_wait3A_99 : memref<128x128xf32, #tpu.memory_space<vmem>>)
      %dma_start3A_106 = arith.constant 3 : i32
      %dma_start3A_107 = arith.constant 1 : i32
      %dma_start3A_108 = arith.constant 0 : i32
      %dma_start3A_109 = arith.constant 0 : i32
      %dma_start3A_110 = tpu.memref_slice %arg9[%dma_start3A_107, %dma_start3A_108, %dma_start3A_109] : memref<2x128x128xf32, #tpu.memory_space<vmem>> -> memref<1x128x128xf32, #tpu.memory_space<vmem>>
      %dma_start3A_111 = tpu.memref_squeeze %dma_start3A_110 : memref<1x128x128xf32, #tpu.memory_space<vmem>> -> memref<128x128xf32, #tpu.memory_space<vmem>>
      %dma_start3A_112 = arith.constant 0 : i32
      %dma_start3A_113 = tpu.memref_slice %arg7[%select_n3A_37, %dma_start3A_106, %dma_start3A_112] : memref<2x16x128xi32, #tpu.memory_space<vmem>> -> memref<1x1x128xi32, #tpu.memory_space<vmem>>
      %dma_start3A_114 = tpu.memref_squeeze %dma_start3A_113 : memref<1x1x128xi32, #tpu.memory_space<vmem>> -> memref<128xi32, #tpu.memory_space<vmem>>
      %dma_start3A_115 = arith.constant 0 : i32
      %dma_start3A_116 = arith.constant 0 : i32
      %dma_start3A_117 = tpu.memref_slice %arg2[%dma_start3A_115, %dma_start3A_116] : memref<10000x128xf32, #tpu.memory_space<hbm>> -> memref<10000x128xf32, #tpu.memory_space<hbm>>
      tpu.enqueue_indirect_dma source(%dma_start3A_117 : memref<10000x128xf32, #tpu.memory_space<hbm>>) target(%dma_start3A_111 : memref<128x128xf32, #tpu.memory_space<vmem>>) offsets(%dma_start3A_114 : memref<128xi32, #tpu.memory_space<vmem>>) semaphore(%arg12 : memref<!tpu.dma_semaphore, #tpu.memory_space<semaphore_mem>>)
      %run_scoped3A_118 = arith.constant 0 : i32
      %run_scoped3A_119 = arith.constant 2 : i32
      "tpu.region"() ({
        %run_scoped3A_453 = tpu.sem_alloc : memref<!tpu.dma_semaphore, #tpu.memory_space<semaphore_mem>>
        %dma_start3A_454 = arith.constant 0 : i32
        %dma_start3A_455 = arith.constant 0 : i32
        %dma_start3A_456 = tpu.memref_slice %arg9[%run_scoped3A_118, %dma_start3A_454, %dma_start3A_455] : memref<2x128x128xf32, #tpu.memory_space<vmem>> -> memref<1x128x128xf32, #tpu.memory_space<vmem>>
        %dma_start3A_457 = tpu.memref_squeeze %dma_start3A_456 : memref<1x128x128xf32, #tpu.memory_space<vmem>> -> memref<128x128xf32, #tpu.memory_space<vmem>>
        %dma_start3A_458 = arith.constant 0 : i32
        %dma_start3A_459 = tpu.memref_slice %arg8[%select_n3A_37, %run_scoped3A_119, %dma_start3A_458] : memref<2x16x128xi32, #tpu.memory_space<vmem>> -> memref<1x1x128xi32, #tpu.memory_space<vmem>>
        %dma_start3A_460 = tpu.memref_squeeze %dma_start3A_459 : memref<1x1x128xi32, #tpu.memory_space<vmem>> -> memref<128xi32, #tpu.memory_space<vmem>>
        %dma_start3A_461 = arith.constant 0 : i32
        %dma_start3A_462 = arith.constant 0 : i32
        %dma_start3A_463 = tpu.memref_slice %arg10[%dma_start3A_461, %dma_start3A_462] : memref<10240x128xf32, #tpu.memory_space<vmem_shared>> -> memref<10240x128xf32, #tpu.memory_space<vmem_shared>>
        tpu.enqueue_indirect_dma source(%dma_start3A_457 : memref<128x128xf32, #tpu.memory_space<vmem>>) target(%dma_start3A_463 : memref<10240x128xf32, #tpu.memory_space<vmem_shared>>) offsets(%dma_start3A_460 : memref<128xi32, #tpu.memory_space<vmem>>) semaphore(%run_scoped3A_453 : memref<!tpu.dma_semaphore, #tpu.memory_space<semaphore_mem>>) {add = true}
        %dma_wait3A_464 = arith.constant 0 : i32
        %dma_wait3A_465 = arith.constant 0 : i32
        %dma_wait3A_466 = tpu.memref_slice %arg9[%run_scoped3A_118, %dma_wait3A_464, %dma_wait3A_465] : memref<2x128x128xf32, #tpu.memory_space<vmem>> -> memref<1x128x128xf32, #tpu.memory_space<vmem>>
        %dma_wait3A_467 = tpu.memref_squeeze %dma_wait3A_466 : memref<1x128x128xf32, #tpu.memory_space<vmem>> -> memref<128x128xf32, #tpu.memory_space<vmem>>
        %dma_wait3A_468 = arith.constant 0 : i32
        %dma_wait3A_469 = tpu.memref_slice %arg8[%select_n3A_37, %run_scoped3A_119, %dma_wait3A_468] : memref<2x16x128xi32, #tpu.memory_space<vmem>> -> memref<1x1x128xi32, #tpu.memory_space<vmem>>
        %dma_wait3A_470 = tpu.memref_squeeze %dma_wait3A_469 : memref<1x1x128xi32, #tpu.memory_space<vmem>> -> memref<128xi32, #tpu.memory_space<vmem>>
        %dma_wait3A_471 = arith.constant 0 : i32
        %dma_wait3A_472 = arith.constant 0 : i32
        %dma_wait3A_473 = tpu.memref_slice %arg10[%dma_wait3A_471, %dma_wait3A_472] : memref<10240x128xf32, #tpu.memory_space<vmem_shared>> -> memref<10240x128xf32, #tpu.memory_space<vmem_shared>>
        tpu.wait_indirect_dma semaphore(%run_scoped3A_453 : memref<!tpu.dma_semaphore, #tpu.memory_space<semaphore_mem>>) src(%dma_wait3A_467 : memref<128x128xf32, #tpu.memory_space<vmem>>) dst(%dma_wait3A_473 : memref<10240x128xf32, #tpu.memory_space<vmem_shared>>)
        tpu.yield
      }) : () -> ()
      %dma_wait3A_120 = arith.constant 3 : i32
      %dma_wait3A_121 = arith.constant 1 : i32
      %dma_wait3A_122 = arith.constant 0 : i32
      %dma_wait3A_123 = arith.constant 0 : i32
      %dma_wait3A_124 = tpu.memref_slice %arg9[%dma_wait3A_121, %dma_wait3A_122, %dma_wait3A_123] : memref<2x128x128xf32, #tpu.memory_space<vmem>> -> memref<1x128x128xf32, #tpu.memory_space<vmem>>
      %dma_wait3A_125 = tpu.memref_squeeze %dma_wait3A_124 : memref<1x128x128xf32, #tpu.memory_space<vmem>> -> memref<128x128xf32, #tpu.memory_space<vmem>>
      %dma_wait3A_126 = arith.constant 0 : i32
      %dma_wait3A_127 = tpu.memref_slice %arg7[%select_n3A_37, %dma_wait3A_120, %dma_wait3A_126] : memref<2x16x128xi32, #tpu.memory_space<vmem>> -> memref<1x1x128xi32, #tpu.memory_space<vmem>>
      %dma_wait3A_128 = tpu.memref_squeeze %dma_wait3A_127 : memref<1x1x128xi32, #tpu.memory_space<vmem>> -> memref<128xi32, #tpu.memory_space<vmem>>
      %dma_wait3A_129 = arith.constant 0 : i32
      %dma_wait3A_130 = arith.constant 0 : i32
      %dma_wait3A_131 = tpu.memref_slice %arg2[%dma_wait3A_129, %dma_wait3A_130] : memref<10000x128xf32, #tpu.memory_space<hbm>> -> memref<10000x128xf32, #tpu.memory_space<hbm>>
      tpu.wait_indirect_dma semaphore(%arg12 : memref<!tpu.dma_semaphore, #tpu.memory_space<semaphore_mem>>) src(%dma_wait3A_131 : memref<10000x128xf32, #tpu.memory_space<hbm>>) dst(%dma_wait3A_125 : memref<128x128xf32, #tpu.memory_space<vmem>>)
      %dma_start3A_132 = arith.constant 4 : i32
      %dma_start3A_133 = arith.constant 0 : i32
      %dma_start3A_134 = arith.constant 0 : i32
      %dma_start3A_135 = arith.constant 0 : i32
      %dma_start3A_136 = tpu.memref_slice %arg9[%dma_start3A_133, %dma_start3A_134, %dma_start3A_135] : memref<2x128x128xf32, #tpu.memory_space<vmem>> -> memref<1x128x128xf32, #tpu.memory_space<vmem>>
      %dma_start3A_137 = tpu.memref_squeeze %dma_start3A_136 : memref<1x128x128xf32, #tpu.memory_space<vmem>> -> memref<128x128xf32, #tpu.memory_space<vmem>>
      %dma_start3A_138 = arith.constant 0 : i32
      %dma_start3A_139 = tpu.memref_slice %arg7[%select_n3A_37, %dma_start3A_132, %dma_start3A_138] : memref<2x16x128xi32, #tpu.memory_space<vmem>> -> memref<1x1x128xi32, #tpu.memory_space<vmem>>
      %dma_start3A_140 = tpu.memref_squeeze %dma_start3A_139 : memref<1x1x128xi32, #tpu.memory_space<vmem>> -> memref<128xi32, #tpu.memory_space<vmem>>
      %dma_start3A_141 = arith.constant 0 : i32
      %dma_start3A_142 = arith.constant 0 : i32
      %dma_start3A_143 = tpu.memref_slice %arg2[%dma_start3A_141, %dma_start3A_142] : memref<10000x128xf32, #tpu.memory_space<hbm>> -> memref<10000x128xf32, #tpu.memory_space<hbm>>
      tpu.enqueue_indirect_dma source(%dma_start3A_143 : memref<10000x128xf32, #tpu.memory_space<hbm>>) target(%dma_start3A_137 : memref<128x128xf32, #tpu.memory_space<vmem>>) offsets(%dma_start3A_140 : memref<128xi32, #tpu.memory_space<vmem>>) semaphore(%arg11 : memref<!tpu.dma_semaphore, #tpu.memory_space<semaphore_mem>>)
      %run_scoped3A_144 = arith.constant 1 : i32
      %run_scoped3A_145 = arith.constant 3 : i32
      "tpu.region"() ({
        %run_scoped3A_453 = tpu.sem_alloc : memref<!tpu.dma_semaphore, #tpu.memory_space<semaphore_mem>>
        %dma_start3A_454 = arith.constant 0 : i32
        %dma_start3A_455 = arith.constant 0 : i32
        %dma_start3A_456 = tpu.memref_slice %arg9[%run_scoped3A_144, %dma_start3A_454, %dma_start3A_455] : memref<2x128x128xf32, #tpu.memory_space<vmem>> -> memref<1x128x128xf32, #tpu.memory_space<vmem>>
        %dma_start3A_457 = tpu.memref_squeeze %dma_start3A_456 : memref<1x128x128xf32, #tpu.memory_space<vmem>> -> memref<128x128xf32, #tpu.memory_space<vmem>>
        %dma_start3A_458 = arith.constant 0 : i32
        %dma_start3A_459 = tpu.memref_slice %arg8[%select_n3A_37, %run_scoped3A_145, %dma_start3A_458] : memref<2x16x128xi32, #tpu.memory_space<vmem>> -> memref<1x1x128xi32, #tpu.memory_space<vmem>>
        %dma_start3A_460 = tpu.memref_squeeze %dma_start3A_459 : memref<1x1x128xi32, #tpu.memory_space<vmem>> -> memref<128xi32, #tpu.memory_space<vmem>>
        %dma_start3A_461 = arith.constant 0 : i32
        %dma_start3A_462 = arith.constant 0 : i32
        %dma_start3A_463 = tpu.memref_slice %arg10[%dma_start3A_461, %dma_start3A_462] : memref<10240x128xf32, #tpu.memory_space<vmem_shared>> -> memref<10240x128xf32, #tpu.memory_space<vmem_shared>>
        tpu.enqueue_indirect_dma source(%dma_start3A_457 : memref<128x128xf32, #tpu.memory_space<vmem>>) target(%dma_start3A_463 : memref<10240x128xf32, #tpu.memory_space<vmem_shared>>) offsets(%dma_start3A_460 : memref<128xi32, #tpu.memory_space<vmem>>) semaphore(%run_scoped3A_453 : memref<!tpu.dma_semaphore, #tpu.memory_space<semaphore_mem>>) {add = true}
        %dma_wait3A_464 = arith.constant 0 : i32
        %dma_wait3A_465 = arith.constant 0 : i32
        %dma_wait3A_466 = tpu.memref_slice %arg9[%run_scoped3A_144, %dma_wait3A_464, %dma_wait3A_465] : memref<2x128x128xf32, #tpu.memory_space<vmem>> -> memref<1x128x128xf32, #tpu.memory_space<vmem>>
        %dma_wait3A_467 = tpu.memref_squeeze %dma_wait3A_466 : memref<1x128x128xf32, #tpu.memory_space<vmem>> -> memref<128x128xf32, #tpu.memory_space<vmem>>
        %dma_wait3A_468 = arith.constant 0 : i32
        %dma_wait3A_469 = tpu.memref_slice %arg8[%select_n3A_37, %run_scoped3A_145, %dma_wait3A_468] : memref<2x16x128xi32, #tpu.memory_space<vmem>> -> memref<1x1x128xi32, #tpu.memory_space<vmem>>
        %dma_wait3A_470 = tpu.memref_squeeze %dma_wait3A_469 : memref<1x1x128xi32, #tpu.memory_space<vmem>> -> memref<128xi32, #tpu.memory_space<vmem>>
        %dma_wait3A_471 = arith.constant 0 : i32
        %dma_wait3A_472 = arith.constant 0 : i32
        %dma_wait3A_473 = tpu.memref_slice %arg10[%dma_wait3A_471, %dma_wait3A_472] : memref<10240x128xf32, #tpu.memory_space<vmem_shared>> -> memref<10240x128xf32, #tpu.memory_space<vmem_shared>>
        tpu.wait_indirect_dma semaphore(%run_scoped3A_453 : memref<!tpu.dma_semaphore, #tpu.memory_space<semaphore_mem>>) src(%dma_wait3A_467 : memref<128x128xf32, #tpu.memory_space<vmem>>) dst(%dma_wait3A_473 : memref<10240x128xf32, #tpu.memory_space<vmem_shared>>)
        tpu.yield
      }) : () -> ()
      %dma_wait3A_146 = arith.constant 4 : i32
      %dma_wait3A_147 = arith.constant 0 : i32
      %dma_wait3A_148 = arith.constant 0 : i32
      %dma_wait3A_149 = arith.constant 0 : i32
      %dma_wait3A_150 = tpu.memref_slice %arg9[%dma_wait3A_147, %dma_wait3A_148, %dma_wait3A_149] : memref<2x128x128xf32, #tpu.memory_space<vmem>> -> memref<1x128x128xf32, #tpu.memory_space<vmem>>
      %dma_wait3A_151 = tpu.memref_squeeze %dma_wait3A_150 : memref<1x128x128xf32, #tpu.memory_space<vmem>> -> memref<128x128xf32, #tpu.memory_space<vmem>>
      %dma_wait3A_152 = arith.constant 0 : i32
      %dma_wait3A_153 = tpu.memref_slice %arg7[%select_n3A_37, %dma_wait3A_146, %dma_wait3A_152] : memref<2x16x128xi32, #tpu.memory_space<vmem>> -> memref<1x1x128xi32, #tpu.memory_space<vmem>>
      %dma_wait3A_154 = tpu.memref_squeeze %dma_wait3A_153 : memref<1x1x128xi32, #tpu.memory_space<vmem>> -> memref<128xi32, #tpu.memory_space<vmem>>
      %dma_wait3A_155 = arith.constant 0 : i32
      %dma_wait3A_156 = arith.constant 0 : i32
      %dma_wait3A_157 = tpu.memref_slice %arg2[%dma_wait3A_155, %dma_wait3A_156] : memref<10000x128xf32, #tpu.memory_space<hbm>> -> memref<10000x128xf32, #tpu.memory_space<hbm>>
      tpu.wait_indirect_dma semaphore(%arg11 : memref<!tpu.dma_semaphore, #tpu.memory_space<semaphore_mem>>) src(%dma_wait3A_157 : memref<10000x128xf32, #tpu.memory_space<hbm>>) dst(%dma_wait3A_151 : memref<128x128xf32, #tpu.memory_space<vmem>>)
      %dma_start3A_158 = arith.constant 5 : i32
      %dma_start3A_159 = arith.constant 1 : i32
      %dma_start3A_160 = arith.constant 0 : i32
      %dma_start3A_161 = arith.constant 0 : i32
      %dma_start3A_162 = tpu.memref_slice %arg9[%dma_start3A_159, %dma_start3A_160, %dma_start3A_161] : memref<2x128x128xf32, #tpu.memory_space<vmem>> -> memref<1x128x128xf32, #tpu.memory_space<vmem>>
      %dma_start3A_163 = tpu.memref_squeeze %dma_start3A_162 : memref<1x128x128xf32, #tpu.memory_space<vmem>> -> memref<128x128xf32, #tpu.memory_space<vmem>>
      %dma_start3A_164 = arith.constant 0 : i32
      %dma_start3A_165 = tpu.memref_slice %arg7[%select_n3A_37, %dma_start3A_158, %dma_start3A_164] : memref<2x16x128xi32, #tpu.memory_space<vmem>> -> memref<1x1x128xi32, #tpu.memory_space<vmem>>
      %dma_start3A_166 = tpu.memref_squeeze %dma_start3A_165 : memref<1x1x128xi32, #tpu.memory_space<vmem>> -> memref<128xi32, #tpu.memory_space<vmem>>
      %dma_start3A_167 = arith.constant 0 : i32
      %dma_start3A_168 = arith.constant 0 : i32
      %dma_start3A_169 = tpu.memref_slice %arg2[%dma_start3A_167, %dma_start3A_168] : memref<10000x128xf32, #tpu.memory_space<hbm>> -> memref<10000x128xf32, #tpu.memory_space<hbm>>
      tpu.enqueue_indirect_dma source(%dma_start3A_169 : memref<10000x128xf32, #tpu.memory_space<hbm>>) target(%dma_start3A_163 : memref<128x128xf32, #tpu.memory_space<vmem>>) offsets(%dma_start3A_166 : memref<128xi32, #tpu.memory_space<vmem>>) semaphore(%arg12 : memref<!tpu.dma_semaphore, #tpu.memory_space<semaphore_mem>>)
      %run_scoped3A_170 = arith.constant 0 : i32
      %run_scoped3A_171 = arith.constant 4 : i32
      "tpu.region"() ({
        %run_scoped3A_453 = tpu.sem_alloc : memref<!tpu.dma_semaphore, #tpu.memory_space<semaphore_mem>>
        %dma_start3A_454 = arith.constant 0 : i32
        %dma_start3A_455 = arith.constant 0 : i32
        %dma_start3A_456 = tpu.memref_slice %arg9[%run_scoped3A_170, %dma_start3A_454, %dma_start3A_455] : memref<2x128x128xf32, #tpu.memory_space<vmem>> -> memref<1x128x128xf32, #tpu.memory_space<vmem>>
        %dma_start3A_457 = tpu.memref_squeeze %dma_start3A_456 : memref<1x128x128xf32, #tpu.memory_space<vmem>> -> memref<128x128xf32, #tpu.memory_space<vmem>>
        %dma_start3A_458 = arith.constant 0 : i32
        %dma_start3A_459 = tpu.memref_slice %arg8[%select_n3A_37, %run_scoped3A_171, %dma_start3A_458] : memref<2x16x128xi32, #tpu.memory_space<vmem>> -> memref<1x1x128xi32, #tpu.memory_space<vmem>>
        %dma_start3A_460 = tpu.memref_squeeze %dma_start3A_459 : memref<1x1x128xi32, #tpu.memory_space<vmem>> -> memref<128xi32, #tpu.memory_space<vmem>>
        %dma_start3A_461 = arith.constant 0 : i32
        %dma_start3A_462 = arith.constant 0 : i32
        %dma_start3A_463 = tpu.memref_slice %arg10[%dma_start3A_461, %dma_start3A_462] : memref<10240x128xf32, #tpu.memory_space<vmem_shared>> -> memref<10240x128xf32, #tpu.memory_space<vmem_shared>>
        tpu.enqueue_indirect_dma source(%dma_start3A_457 : memref<128x128xf32, #tpu.memory_space<vmem>>) target(%dma_start3A_463 : memref<10240x128xf32, #tpu.memory_space<vmem_shared>>) offsets(%dma_start3A_460 : memref<128xi32, #tpu.memory_space<vmem>>) semaphore(%run_scoped3A_453 : memref<!tpu.dma_semaphore, #tpu.memory_space<semaphore_mem>>) {add = true}
        %dma_wait3A_464 = arith.constant 0 : i32
        %dma_wait3A_465 = arith.constant 0 : i32
        %dma_wait3A_466 = tpu.memref_slice %arg9[%run_scoped3A_170, %dma_wait3A_464, %dma_wait3A_465] : memref<2x128x128xf32, #tpu.memory_space<vmem>> -> memref<1x128x128xf32, #tpu.memory_space<vmem>>
        %dma_wait3A_467 = tpu.memref_squeeze %dma_wait3A_466 : memref<1x128x128xf32, #tpu.memory_space<vmem>> -> memref<128x128xf32, #tpu.memory_space<vmem>>
        %dma_wait3A_468 = arith.constant 0 : i32
        %dma_wait3A_469 = tpu.memref_slice %arg8[%select_n3A_37, %run_scoped3A_171, %dma_wait3A_468] : memref<2x16x128xi32, #tpu.memory_space<vmem>> -> memref<1x1x128xi32, #tpu.memory_space<vmem>>
        %dma_wait3A_470 = tpu.memref_squeeze %dma_wait3A_469 : memref<1x1x128xi32, #tpu.memory_space<vmem>> -> memref<128xi32, #tpu.memory_space<vmem>>
        %dma_wait3A_471 = arith.constant 0 : i32
        %dma_wait3A_472 = arith.constant 0 : i32
        %dma_wait3A_473 = tpu.memref_slice %arg10[%dma_wait3A_471, %dma_wait3A_472] : memref<10240x128xf32, #tpu.memory_space<vmem_shared>> -> memref<10240x128xf32, #tpu.memory_space<vmem_shared>>
        tpu.wait_indirect_dma semaphore(%run_scoped3A_453 : memref<!tpu.dma_semaphore, #tpu.memory_space<semaphore_mem>>) src(%dma_wait3A_467 : memref<128x128xf32, #tpu.memory_space<vmem>>) dst(%dma_wait3A_473 : memref<10240x128xf32, #tpu.memory_space<vmem_shared>>)
        tpu.yield
      }) : () -> ()
      %dma_wait3A_172 = arith.constant 5 : i32
      %dma_wait3A_173 = arith.constant 1 : i32
      %dma_wait3A_174 = arith.constant 0 : i32
      %dma_wait3A_175 = arith.constant 0 : i32
      %dma_wait3A_176 = tpu.memref_slice %arg9[%dma_wait3A_173, %dma_wait3A_174, %dma_wait3A_175] : memref<2x128x128xf32, #tpu.memory_space<vmem>> -> memref<1x128x128xf32, #tpu.memory_space<vmem>>
      %dma_wait3A_177 = tpu.memref_squeeze %dma_wait3A_176 : memref<1x128x128xf32, #tpu.memory_space<vmem>> -> memref<128x128xf32, #tpu.memory_space<vmem>>
      %dma_wait3A_178 = arith.constant 0 : i32
      %dma_wait3A_179 = tpu.memref_slice %arg7[%select_n3A_37, %dma_wait3A_172, %dma_wait3A_178] : memref<2x16x128xi32, #tpu.memory_space<vmem>> -> memref<1x1x128xi32, #tpu.memory_space<vmem>>
      %dma_wait3A_180 = tpu.memref_squeeze %dma_wait3A_179 : memref<1x1x128xi32, #tpu.memory_space<vmem>> -> memref<128xi32, #tpu.memory_space<vmem>>
      %dma_wait3A_181 = arith.constant 0 : i32
      %dma_wait3A_182 = arith.constant 0 : i32
      %dma_wait3A_183 = tpu.memref_slice %arg2[%dma_wait3A_181, %dma_wait3A_182] : memref<10000x128xf32, #tpu.memory_space<hbm>> -> memref<10000x128xf32, #tpu.memory_space<hbm>>
      tpu.wait_indirect_dma semaphore(%arg12 : memref<!tpu.dma_semaphore, #tpu.memory_space<semaphore_mem>>) src(%dma_wait3A_183 : memref<10000x128xf32, #tpu.memory_space<hbm>>) dst(%dma_wait3A_177 : memref<128x128xf32, #tpu.memory_space<vmem>>)
      %dma_start3A_184 = arith.constant 6 : i32
      %dma_start3A_185 = arith.constant 0 : i32
      %dma_start3A_186 = arith.constant 0 : i32
      %dma_start3A_187 = arith.constant 0 : i32
      %dma_start3A_188 = tpu.memref_slice %arg9[%dma_start3A_185, %dma_start3A_186, %dma_start3A_187] : memref<2x128x128xf32, #tpu.memory_space<vmem>> -> memref<1x128x128xf32, #tpu.memory_space<vmem>>
      %dma_start3A_189 = tpu.memref_squeeze %dma_start3A_188 : memref<1x128x128xf32, #tpu.memory_space<vmem>> -> memref<128x128xf32, #tpu.memory_space<vmem>>
      %dma_start3A_190 = arith.constant 0 : i32
      %dma_start3A_191 = tpu.memref_slice %arg7[%select_n3A_37, %dma_start3A_184, %dma_start3A_190] : memref<2x16x128xi32, #tpu.memory_space<vmem>> -> memref<1x1x128xi32, #tpu.memory_space<vmem>>
      %dma_start3A_192 = tpu.memref_squeeze %dma_start3A_191 : memref<1x1x128xi32, #tpu.memory_space<vmem>> -> memref<128xi32, #tpu.memory_space<vmem>>
      %dma_start3A_193 = arith.constant 0 : i32
      %dma_start3A_194 = arith.constant 0 : i32
      %dma_start3A_195 = tpu.memref_slice %arg2[%dma_start3A_193, %dma_start3A_194] : memref<10000x128xf32, #tpu.memory_space<hbm>> -> memref<10000x128xf32, #tpu.memory_space<hbm>>
      tpu.enqueue_indirect_dma source(%dma_start3A_195 : memref<10000x128xf32, #tpu.memory_space<hbm>>) target(%dma_start3A_189 : memref<128x128xf32, #tpu.memory_space<vmem>>) offsets(%dma_start3A_192 : memref<128xi32, #tpu.memory_space<vmem>>) semaphore(%arg11 : memref<!tpu.dma_semaphore, #tpu.memory_space<semaphore_mem>>)
      %run_scoped3A_196 = arith.constant 1 : i32
      %run_scoped3A_197 = arith.constant 5 : i32
      "tpu.region"() ({
        %run_scoped3A_453 = tpu.sem_alloc : memref<!tpu.dma_semaphore, #tpu.memory_space<semaphore_mem>>
        %dma_start3A_454 = arith.constant 0 : i32
        %dma_start3A_455 = arith.constant 0 : i32
        %dma_start3A_456 = tpu.memref_slice %arg9[%run_scoped3A_196, %dma_start3A_454, %dma_start3A_455] : memref<2x128x128xf32, #tpu.memory_space<vmem>> -> memref<1x128x128xf32, #tpu.memory_space<vmem>>
        %dma_start3A_457 = tpu.memref_squeeze %dma_start3A_456 : memref<1x128x128xf32, #tpu.memory_space<vmem>> -> memref<128x128xf32, #tpu.memory_space<vmem>>
        %dma_start3A_458 = arith.constant 0 : i32
        %dma_start3A_459 = tpu.memref_slice %arg8[%select_n3A_37, %run_scoped3A_197, %dma_start3A_458] : memref<2x16x128xi32, #tpu.memory_space<vmem>> -> memref<1x1x128xi32, #tpu.memory_space<vmem>>
        %dma_start3A_460 = tpu.memref_squeeze %dma_start3A_459 : memref<1x1x128xi32, #tpu.memory_space<vmem>> -> memref<128xi32, #tpu.memory_space<vmem>>
        %dma_start3A_461 = arith.constant 0 : i32
        %dma_start3A_462 = arith.constant 0 : i32
        %dma_start3A_463 = tpu.memref_slice %arg10[%dma_start3A_461, %dma_start3A_462] : memref<10240x128xf32, #tpu.memory_space<vmem_shared>> -> memref<10240x128xf32, #tpu.memory_space<vmem_shared>>
        tpu.enqueue_indirect_dma source(%dma_start3A_457 : memref<128x128xf32, #tpu.memory_space<vmem>>) target(%dma_start3A_463 : memref<10240x128xf32, #tpu.memory_space<vmem_shared>>) offsets(%dma_start3A_460 : memref<128xi32, #tpu.memory_space<vmem>>) semaphore(%run_scoped3A_453 : memref<!tpu.dma_semaphore, #tpu.memory_space<semaphore_mem>>) {add = true}
        %dma_wait3A_464 = arith.constant 0 : i32
        %dma_wait3A_465 = arith.constant 0 : i32
        %dma_wait3A_466 = tpu.memref_slice %arg9[%run_scoped3A_196, %dma_wait3A_464, %dma_wait3A_465] : memref<2x128x128xf32, #tpu.memory_space<vmem>> -> memref<1x128x128xf32, #tpu.memory_space<vmem>>
        %dma_wait3A_467 = tpu.memref_squeeze %dma_wait3A_466 : memref<1x128x128xf32, #tpu.memory_space<vmem>> -> memref<128x128xf32, #tpu.memory_space<vmem>>
        %dma_wait3A_468 = arith.constant 0 : i32
        %dma_wait3A_469 = tpu.memref_slice %arg8[%select_n3A_37, %run_scoped3A_197, %dma_wait3A_468] : memref<2x16x128xi32, #tpu.memory_space<vmem>> -> memref<1x1x128xi32, #tpu.memory_space<vmem>>
        %dma_wait3A_470 = tpu.memref_squeeze %dma_wait3A_469 : memref<1x1x128xi32, #tpu.memory_space<vmem>> -> memref<128xi32, #tpu.memory_space<vmem>>
        %dma_wait3A_471 = arith.constant 0 : i32
        %dma_wait3A_472 = arith.constant 0 : i32
        %dma_wait3A_473 = tpu.memref_slice %arg10[%dma_wait3A_471, %dma_wait3A_472] : memref<10240x128xf32, #tpu.memory_space<vmem_shared>> -> memref<10240x128xf32, #tpu.memory_space<vmem_shared>>
        tpu.wait_indirect_dma semaphore(%run_scoped3A_453 : memref<!tpu.dma_semaphore, #tpu.memory_space<semaphore_mem>>) src(%dma_wait3A_467 : memref<128x128xf32, #tpu.memory_space<vmem>>) dst(%dma_wait3A_473 : memref<10240x128xf32, #tpu.memory_space<vmem_shared>>)
        tpu.yield
      }) : () -> ()
      %dma_wait3A_198 = arith.constant 6 : i32
      %dma_wait3A_199 = arith.constant 0 : i32
      %dma_wait3A_200 = arith.constant 0 : i32
      %dma_wait3A_201 = arith.constant 0 : i32
      %dma_wait3A_202 = tpu.memref_slice %arg9[%dma_wait3A_199, %dma_wait3A_200, %dma_wait3A_201] : memref<2x128x128xf32, #tpu.memory_space<vmem>> -> memref<1x128x128xf32, #tpu.memory_space<vmem>>
      %dma_wait3A_203 = tpu.memref_squeeze %dma_wait3A_202 : memref<1x128x128xf32, #tpu.memory_space<vmem>> -> memref<128x128xf32, #tpu.memory_space<vmem>>
      %dma_wait3A_204 = arith.constant 0 : i32
      %dma_wait3A_205 = tpu.memref_slice %arg7[%select_n3A_37, %dma_wait3A_198, %dma_wait3A_204] : memref<2x16x128xi32, #tpu.memory_space<vmem>> -> memref<1x1x128xi32, #tpu.memory_space<vmem>>
      %dma_wait3A_206 = tpu.memref_squeeze %dma_wait3A_205 : memref<1x1x128xi32, #tpu.memory_space<vmem>> -> memref<128xi32, #tpu.memory_space<vmem>>
      %dma_wait3A_207 = arith.constant 0 : i32
      %dma_wait3A_208 = arith.constant 0 : i32
      %dma_wait3A_209 = tpu.memref_slice %arg2[%dma_wait3A_207, %dma_wait3A_208] : memref<10000x128xf32, #tpu.memory_space<hbm>> -> memref<10000x128xf32, #tpu.memory_space<hbm>>
      tpu.wait_indirect_dma semaphore(%arg11 : memref<!tpu.dma_semaphore, #tpu.memory_space<semaphore_mem>>) src(%dma_wait3A_209 : memref<10000x128xf32, #tpu.memory_space<hbm>>) dst(%dma_wait3A_203 : memref<128x128xf32, #tpu.memory_space<vmem>>)
      %dma_start3A_210 = arith.constant 7 : i32
      %dma_start3A_211 = arith.constant 1 : i32
      %dma_start3A_212 = arith.constant 0 : i32
      %dma_start3A_213 = arith.constant 0 : i32
      %dma_start3A_214 = tpu.memref_slice %arg9[%dma_start3A_211, %dma_start3A_212, %dma_start3A_213] : memref<2x128x128xf32, #tpu.memory_space<vmem>> -> memref<1x128x128xf32, #tpu.memory_space<vmem>>
      %dma_start3A_215 = tpu.memref_squeeze %dma_start3A_214 : memref<1x128x128xf32, #tpu.memory_space<vmem>> -> memref<128x128xf32, #tpu.memory_space<vmem>>
      %dma_start3A_216 = arith.constant 0 : i32
      %dma_start3A_217 = tpu.memref_slice %arg7[%select_n3A_37, %dma_start3A_210, %dma_start3A_216] : memref<2x16x128xi32, #tpu.memory_space<vmem>> -> memref<1x1x128xi32, #tpu.memory_space<vmem>>
      %dma_start3A_218 = tpu.memref_squeeze %dma_start3A_217 : memref<1x1x128xi32, #tpu.memory_space<vmem>> -> memref<128xi32, #tpu.memory_space<vmem>>
      %dma_start3A_219 = arith.constant 0 : i32
      %dma_start3A_220 = arith.constant 0 : i32
      %dma_start3A_221 = tpu.memref_slice %arg2[%dma_start3A_219, %dma_start3A_220] : memref<10000x128xf32, #tpu.memory_space<hbm>> -> memref<10000x128xf32, #tpu.memory_space<hbm>>
      tpu.enqueue_indirect_dma source(%dma_start3A_221 : memref<10000x128xf32, #tpu.memory_space<hbm>>) target(%dma_start3A_215 : memref<128x128xf32, #tpu.memory_space<vmem>>) offsets(%dma_start3A_218 : memref<128xi32, #tpu.memory_space<vmem>>) semaphore(%arg12 : memref<!tpu.dma_semaphore, #tpu.memory_space<semaphore_mem>>)
      %run_scoped3A_222 = arith.constant 0 : i32
      %run_scoped3A_223 = arith.constant 6 : i32
      "tpu.region"() ({
        %run_scoped3A_453 = tpu.sem_alloc : memref<!tpu.dma_semaphore, #tpu.memory_space<semaphore_mem>>
        %dma_start3A_454 = arith.constant 0 : i32
        %dma_start3A_455 = arith.constant 0 : i32
        %dma_start3A_456 = tpu.memref_slice %arg9[%run_scoped3A_222, %dma_start3A_454, %dma_start3A_455] : memref<2x128x128xf32, #tpu.memory_space<vmem>> -> memref<1x128x128xf32, #tpu.memory_space<vmem>>
        %dma_start3A_457 = tpu.memref_squeeze %dma_start3A_456 : memref<1x128x128xf32, #tpu.memory_space<vmem>> -> memref<128x128xf32, #tpu.memory_space<vmem>>
        %dma_start3A_458 = arith.constant 0 : i32
        %dma_start3A_459 = tpu.memref_slice %arg8[%select_n3A_37, %run_scoped3A_223, %dma_start3A_458] : memref<2x16x128xi32, #tpu.memory_space<vmem>> -> memref<1x1x128xi32, #tpu.memory_space<vmem>>
        %dma_start3A_460 = tpu.memref_squeeze %dma_start3A_459 : memref<1x1x128xi32, #tpu.memory_space<vmem>> -> memref<128xi32, #tpu.memory_space<vmem>>
        %dma_start3A_461 = arith.constant 0 : i32
        %dma_start3A_462 = arith.constant 0 : i32
        %dma_start3A_463 = tpu.memref_slice %arg10[%dma_start3A_461, %dma_start3A_462] : memref<10240x128xf32, #tpu.memory_space<vmem_shared>> -> memref<10240x128xf32, #tpu.memory_space<vmem_shared>>
        tpu.enqueue_indirect_dma source(%dma_start3A_457 : memref<128x128xf32, #tpu.memory_space<vmem>>) target(%dma_start3A_463 : memref<10240x128xf32, #tpu.memory_space<vmem_shared>>) offsets(%dma_start3A_460 : memref<128xi32, #tpu.memory_space<vmem>>) semaphore(%run_scoped3A_453 : memref<!tpu.dma_semaphore, #tpu.memory_space<semaphore_mem>>) {add = true}
        %dma_wait3A_464 = arith.constant 0 : i32
        %dma_wait3A_465 = arith.constant 0 : i32
        %dma_wait3A_466 = tpu.memref_slice %arg9[%run_scoped3A_222, %dma_wait3A_464, %dma_wait3A_465] : memref<2x128x128xf32, #tpu.memory_space<vmem>> -> memref<1x128x128xf32, #tpu.memory_space<vmem>>
        %dma_wait3A_467 = tpu.memref_squeeze %dma_wait3A_466 : memref<1x128x128xf32, #tpu.memory_space<vmem>> -> memref<128x128xf32, #tpu.memory_space<vmem>>
        %dma_wait3A_468 = arith.constant 0 : i32
        %dma_wait3A_469 = tpu.memref_slice %arg8[%select_n3A_37, %run_scoped3A_223, %dma_wait3A_468] : memref<2x16x128xi32, #tpu.memory_space<vmem>> -> memref<1x1x128xi32, #tpu.memory_space<vmem>>
        %dma_wait3A_470 = tpu.memref_squeeze %dma_wait3A_469 : memref<1x1x128xi32, #tpu.memory_space<vmem>> -> memref<128xi32, #tpu.memory_space<vmem>>
        %dma_wait3A_471 = arith.constant 0 : i32
        %dma_wait3A_472 = arith.constant 0 : i32
        %dma_wait3A_473 = tpu.memref_slice %arg10[%dma_wait3A_471, %dma_wait3A_472] : memref<10240x128xf32, #tpu.memory_space<vmem_shared>> -> memref<10240x128xf32, #tpu.memory_space<vmem_shared>>
        tpu.wait_indirect_dma semaphore(%run_scoped3A_453 : memref<!tpu.dma_semaphore, #tpu.memory_space<semaphore_mem>>) src(%dma_wait3A_467 : memref<128x128xf32, #tpu.memory_space<vmem>>) dst(%dma_wait3A_473 : memref<10240x128xf32, #tpu.memory_space<vmem_shared>>)
        tpu.yield
      }) : () -> ()
      %dma_wait3A_224 = arith.constant 7 : i32
      %dma_wait3A_225 = arith.constant 1 : i32
      %dma_wait3A_226 = arith.constant 0 : i32
      %dma_wait3A_227 = arith.constant 0 : i32
      %dma_wait3A_228 = tpu.memref_slice %arg9[%dma_wait3A_225, %dma_wait3A_226, %dma_wait3A_227] : memref<2x128x128xf32, #tpu.memory_space<vmem>> -> memref<1x128x128xf32, #tpu.memory_space<vmem>>
      %dma_wait3A_229 = tpu.memref_squeeze %dma_wait3A_228 : memref<1x128x128xf32, #tpu.memory_space<vmem>> -> memref<128x128xf32, #tpu.memory_space<vmem>>
      %dma_wait3A_230 = arith.constant 0 : i32
      %dma_wait3A_231 = tpu.memref_slice %arg7[%select_n3A_37, %dma_wait3A_224, %dma_wait3A_230] : memref<2x16x128xi32, #tpu.memory_space<vmem>> -> memref<1x1x128xi32, #tpu.memory_space<vmem>>
      %dma_wait3A_232 = tpu.memref_squeeze %dma_wait3A_231 : memref<1x1x128xi32, #tpu.memory_space<vmem>> -> memref<128xi32, #tpu.memory_space<vmem>>
      %dma_wait3A_233 = arith.constant 0 : i32
      %dma_wait3A_234 = arith.constant 0 : i32
      %dma_wait3A_235 = tpu.memref_slice %arg2[%dma_wait3A_233, %dma_wait3A_234] : memref<10000x128xf32, #tpu.memory_space<hbm>> -> memref<10000x128xf32, #tpu.memory_space<hbm>>
      tpu.wait_indirect_dma semaphore(%arg12 : memref<!tpu.dma_semaphore, #tpu.memory_space<semaphore_mem>>) src(%dma_wait3A_235 : memref<10000x128xf32, #tpu.memory_space<hbm>>) dst(%dma_wait3A_229 : memref<128x128xf32, #tpu.memory_space<vmem>>)
      %dma_start3A_236 = arith.constant 8 : i32
      %dma_start3A_237 = arith.constant 0 : i32
      %dma_start3A_238 = arith.constant 0 : i32
      %dma_start3A_239 = arith.constant 0 : i32
      %dma_start3A_240 = tpu.memref_slice %arg9[%dma_start3A_237, %dma_start3A_238, %dma_start3A_239] : memref<2x128x128xf32, #tpu.memory_space<vmem>> -> memref<1x128x128xf32, #tpu.memory_space<vmem>>
      %dma_start3A_241 = tpu.memref_squeeze %dma_start3A_240 : memref<1x128x128xf32, #tpu.memory_space<vmem>> -> memref<128x128xf32, #tpu.memory_space<vmem>>
      %dma_start3A_242 = arith.constant 0 : i32
      %dma_start3A_243 = tpu.memref_slice %arg7[%select_n3A_37, %dma_start3A_236, %dma_start3A_242] : memref<2x16x128xi32, #tpu.memory_space<vmem>> -> memref<1x1x128xi32, #tpu.memory_space<vmem>>
      %dma_start3A_244 = tpu.memref_squeeze %dma_start3A_243 : memref<1x1x128xi32, #tpu.memory_space<vmem>> -> memref<128xi32, #tpu.memory_space<vmem>>
      %dma_start3A_245 = arith.constant 0 : i32
      %dma_start3A_246 = arith.constant 0 : i32
      %dma_start3A_247 = tpu.memref_slice %arg2[%dma_start3A_245, %dma_start3A_246] : memref<10000x128xf32, #tpu.memory_space<hbm>> -> memref<10000x128xf32, #tpu.memory_space<hbm>>
      tpu.enqueue_indirect_dma source(%dma_start3A_247 : memref<10000x128xf32, #tpu.memory_space<hbm>>) target(%dma_start3A_241 : memref<128x128xf32, #tpu.memory_space<vmem>>) offsets(%dma_start3A_244 : memref<128xi32, #tpu.memory_space<vmem>>) semaphore(%arg11 : memref<!tpu.dma_semaphore, #tpu.memory_space<semaphore_mem>>)
      %run_scoped3A_248 = arith.constant 1 : i32
      %run_scoped3A_249 = arith.constant 7 : i32
      "tpu.region"() ({
        %run_scoped3A_453 = tpu.sem_alloc : memref<!tpu.dma_semaphore, #tpu.memory_space<semaphore_mem>>
        %dma_start3A_454 = arith.constant 0 : i32
        %dma_start3A_455 = arith.constant 0 : i32
        %dma_start3A_456 = tpu.memref_slice %arg9[%run_scoped3A_248, %dma_start3A_454, %dma_start3A_455] : memref<2x128x128xf32, #tpu.memory_space<vmem>> -> memref<1x128x128xf32, #tpu.memory_space<vmem>>
        %dma_start3A_457 = tpu.memref_squeeze %dma_start3A_456 : memref<1x128x128xf32, #tpu.memory_space<vmem>> -> memref<128x128xf32, #tpu.memory_space<vmem>>
        %dma_start3A_458 = arith.constant 0 : i32
        %dma_start3A_459 = tpu.memref_slice %arg8[%select_n3A_37, %run_scoped3A_249, %dma_start3A_458] : memref<2x16x128xi32, #tpu.memory_space<vmem>> -> memref<1x1x128xi32, #tpu.memory_space<vmem>>
        %dma_start3A_460 = tpu.memref_squeeze %dma_start3A_459 : memref<1x1x128xi32, #tpu.memory_space<vmem>> -> memref<128xi32, #tpu.memory_space<vmem>>
        %dma_start3A_461 = arith.constant 0 : i32
        %dma_start3A_462 = arith.constant 0 : i32
        %dma_start3A_463 = tpu.memref_slice %arg10[%dma_start3A_461, %dma_start3A_462] : memref<10240x128xf32, #tpu.memory_space<vmem_shared>> -> memref<10240x128xf32, #tpu.memory_space<vmem_shared>>
        tpu.enqueue_indirect_dma source(%dma_start3A_457 : memref<128x128xf32, #tpu.memory_space<vmem>>) target(%dma_start3A_463 : memref<10240x128xf32, #tpu.memory_space<vmem_shared>>) offsets(%dma_start3A_460 : memref<128xi32, #tpu.memory_space<vmem>>) semaphore(%run_scoped3A_453 : memref<!tpu.dma_semaphore, #tpu.memory_space<semaphore_mem>>) {add = true}
        %dma_wait3A_464 = arith.constant 0 : i32
        %dma_wait3A_465 = arith.constant 0 : i32
        %dma_wait3A_466 = tpu.memref_slice %arg9[%run_scoped3A_248, %dma_wait3A_464, %dma_wait3A_465] : memref<2x128x128xf32, #tpu.memory_space<vmem>> -> memref<1x128x128xf32, #tpu.memory_space<vmem>>
        %dma_wait3A_467 = tpu.memref_squeeze %dma_wait3A_466 : memref<1x128x128xf32, #tpu.memory_space<vmem>> -> memref<128x128xf32, #tpu.memory_space<vmem>>
        %dma_wait3A_468 = arith.constant 0 : i32
        %dma_wait3A_469 = tpu.memref_slice %arg8[%select_n3A_37, %run_scoped3A_249, %dma_wait3A_468] : memref<2x16x128xi32, #tpu.memory_space<vmem>> -> memref<1x1x128xi32, #tpu.memory_space<vmem>>
        %dma_wait3A_470 = tpu.memref_squeeze %dma_wait3A_469 : memref<1x1x128xi32, #tpu.memory_space<vmem>> -> memref<128xi32, #tpu.memory_space<vmem>>
        %dma_wait3A_471 = arith.constant 0 : i32
        %dma_wait3A_472 = arith.constant 0 : i32
        %dma_wait3A_473 = tpu.memref_slice %arg10[%dma_wait3A_471, %dma_wait3A_472] : memref<10240x128xf32, #tpu.memory_space<vmem_shared>> -> memref<10240x128xf32, #tpu.memory_space<vmem_shared>>
        tpu.wait_indirect_dma semaphore(%run_scoped3A_453 : memref<!tpu.dma_semaphore, #tpu.memory_space<semaphore_mem>>) src(%dma_wait3A_467 : memref<128x128xf32, #tpu.memory_space<vmem>>) dst(%dma_wait3A_473 : memref<10240x128xf32, #tpu.memory_space<vmem_shared>>)
        tpu.yield
      }) : () -> ()
      %dma_wait3A_250 = arith.constant 8 : i32
      %dma_wait3A_251 = arith.constant 0 : i32
      %dma_wait3A_252 = arith.constant 0 : i32
      %dma_wait3A_253 = arith.constant 0 : i32
      %dma_wait3A_254 = tpu.memref_slice %arg9[%dma_wait3A_251, %dma_wait3A_252, %dma_wait3A_253] : memref<2x128x128xf32, #tpu.memory_space<vmem>> -> memref<1x128x128xf32, #tpu.memory_space<vmem>>
      %dma_wait3A_255 = tpu.memref_squeeze %dma_wait3A_254 : memref<1x128x128xf32, #tpu.memory_space<vmem>> -> memref<128x128xf32, #tpu.memory_space<vmem>>
      %dma_wait3A_256 = arith.constant 0 : i32
      %dma_wait3A_257 = tpu.memref_slice %arg7[%select_n3A_37, %dma_wait3A_250, %dma_wait3A_256] : memref<2x16x128xi32, #tpu.memory_space<vmem>> -> memref<1x1x128xi32, #tpu.memory_space<vmem>>
      %dma_wait3A_258 = tpu.memref_squeeze %dma_wait3A_257 : memref<1x1x128xi32, #tpu.memory_space<vmem>> -> memref<128xi32, #tpu.memory_space<vmem>>
      %dma_wait3A_259 = arith.constant 0 : i32
      %dma_wait3A_260 = arith.constant 0 : i32
      %dma_wait3A_261 = tpu.memref_slice %arg2[%dma_wait3A_259, %dma_wait3A_260] : memref<10000x128xf32, #tpu.memory_space<hbm>> -> memref<10000x128xf32, #tpu.memory_space<hbm>>
      tpu.wait_indirect_dma semaphore(%arg11 : memref<!tpu.dma_semaphore, #tpu.memory_space<semaphore_mem>>) src(%dma_wait3A_261 : memref<10000x128xf32, #tpu.memory_space<hbm>>) dst(%dma_wait3A_255 : memref<128x128xf32, #tpu.memory_space<vmem>>)
      %dma_start3A_262 = arith.constant 9 : i32
      %dma_start3A_263 = arith.constant 1 : i32
      %dma_start3A_264 = arith.constant 0 : i32
      %dma_start3A_265 = arith.constant 0 : i32
      %dma_start3A_266 = tpu.memref_slice %arg9[%dma_start3A_263, %dma_start3A_264, %dma_start3A_265] : memref<2x128x128xf32, #tpu.memory_space<vmem>> -> memref<1x128x128xf32, #tpu.memory_space<vmem>>
      %dma_start3A_267 = tpu.memref_squeeze %dma_start3A_266 : memref<1x128x128xf32, #tpu.memory_space<vmem>> -> memref<128x128xf32, #tpu.memory_space<vmem>>
      %dma_start3A_268 = arith.constant 0 : i32
      %dma_start3A_269 = tpu.memref_slice %arg7[%select_n3A_37, %dma_start3A_262, %dma_start3A_268] : memref<2x16x128xi32, #tpu.memory_space<vmem>> -> memref<1x1x128xi32, #tpu.memory_space<vmem>>
      %dma_start3A_270 = tpu.memref_squeeze %dma_start3A_269 : memref<1x1x128xi32, #tpu.memory_space<vmem>> -> memref<128xi32, #tpu.memory_space<vmem>>
      %dma_start3A_271 = arith.constant 0 : i32
      %dma_start3A_272 = arith.constant 0 : i32
      %dma_start3A_273 = tpu.memref_slice %arg2[%dma_start3A_271, %dma_start3A_272] : memref<10000x128xf32, #tpu.memory_space<hbm>> -> memref<10000x128xf32, #tpu.memory_space<hbm>>
      tpu.enqueue_indirect_dma source(%dma_start3A_273 : memref<10000x128xf32, #tpu.memory_space<hbm>>) target(%dma_start3A_267 : memref<128x128xf32, #tpu.memory_space<vmem>>) offsets(%dma_start3A_270 : memref<128xi32, #tpu.memory_space<vmem>>) semaphore(%arg12 : memref<!tpu.dma_semaphore, #tpu.memory_space<semaphore_mem>>)
      %run_scoped3A_274 = arith.constant 0 : i32
      %run_scoped3A_275 = arith.constant 8 : i32
      "tpu.region"() ({
        %run_scoped3A_453 = tpu.sem_alloc : memref<!tpu.dma_semaphore, #tpu.memory_space<semaphore_mem>>
        %dma_start3A_454 = arith.constant 0 : i32
        %dma_start3A_455 = arith.constant 0 : i32
        %dma_start3A_456 = tpu.memref_slice %arg9[%run_scoped3A_274, %dma_start3A_454, %dma_start3A_455] : memref<2x128x128xf32, #tpu.memory_space<vmem>> -> memref<1x128x128xf32, #tpu.memory_space<vmem>>
        %dma_start3A_457 = tpu.memref_squeeze %dma_start3A_456 : memref<1x128x128xf32, #tpu.memory_space<vmem>> -> memref<128x128xf32, #tpu.memory_space<vmem>>
        %dma_start3A_458 = arith.constant 0 : i32
        %dma_start3A_459 = tpu.memref_slice %arg8[%select_n3A_37, %run_scoped3A_275, %dma_start3A_458] : memref<2x16x128xi32, #tpu.memory_space<vmem>> -> memref<1x1x128xi32, #tpu.memory_space<vmem>>
        %dma_start3A_460 = tpu.memref_squeeze %dma_start3A_459 : memref<1x1x128xi32, #tpu.memory_space<vmem>> -> memref<128xi32, #tpu.memory_space<vmem>>
        %dma_start3A_461 = arith.constant 0 : i32
        %dma_start3A_462 = arith.constant 0 : i32
        %dma_start3A_463 = tpu.memref_slice %arg10[%dma_start3A_461, %dma_start3A_462] : memref<10240x128xf32, #tpu.memory_space<vmem_shared>> -> memref<10240x128xf32, #tpu.memory_space<vmem_shared>>
        tpu.enqueue_indirect_dma source(%dma_start3A_457 : memref<128x128xf32, #tpu.memory_space<vmem>>) target(%dma_start3A_463 : memref<10240x128xf32, #tpu.memory_space<vmem_shared>>) offsets(%dma_start3A_460 : memref<128xi32, #tpu.memory_space<vmem>>) semaphore(%run_scoped3A_453 : memref<!tpu.dma_semaphore, #tpu.memory_space<semaphore_mem>>) {add = true}
        %dma_wait3A_464 = arith.constant 0 : i32
        %dma_wait3A_465 = arith.constant 0 : i32
        %dma_wait3A_466 = tpu.memref_slice %arg9[%run_scoped3A_274, %dma_wait3A_464, %dma_wait3A_465] : memref<2x128x128xf32, #tpu.memory_space<vmem>> -> memref<1x128x128xf32, #tpu.memory_space<vmem>>
        %dma_wait3A_467 = tpu.memref_squeeze %dma_wait3A_466 : memref<1x128x128xf32, #tpu.memory_space<vmem>> -> memref<128x128xf32, #tpu.memory_space<vmem>>
        %dma_wait3A_468 = arith.constant 0 : i32
        %dma_wait3A_469 = tpu.memref_slice %arg8[%select_n3A_37, %run_scoped3A_275, %dma_wait3A_468] : memref<2x16x128xi32, #tpu.memory_space<vmem>> -> memref<1x1x128xi32, #tpu.memory_space<vmem>>
        %dma_wait3A_470 = tpu.memref_squeeze %dma_wait3A_469 : memref<1x1x128xi32, #tpu.memory_space<vmem>> -> memref<128xi32, #tpu.memory_space<vmem>>
        %dma_wait3A_471 = arith.constant 0 : i32
        %dma_wait3A_472 = arith.constant 0 : i32
        %dma_wait3A_473 = tpu.memref_slice %arg10[%dma_wait3A_471, %dma_wait3A_472] : memref<10240x128xf32, #tpu.memory_space<vmem_shared>> -> memref<10240x128xf32, #tpu.memory_space<vmem_shared>>
        tpu.wait_indirect_dma semaphore(%run_scoped3A_453 : memref<!tpu.dma_semaphore, #tpu.memory_space<semaphore_mem>>) src(%dma_wait3A_467 : memref<128x128xf32, #tpu.memory_space<vmem>>) dst(%dma_wait3A_473 : memref<10240x128xf32, #tpu.memory_space<vmem_shared>>)
        tpu.yield
      }) : () -> ()
      %dma_wait3A_276 = arith.constant 9 : i32
      %dma_wait3A_277 = arith.constant 1 : i32
      %dma_wait3A_278 = arith.constant 0 : i32
      %dma_wait3A_279 = arith.constant 0 : i32
      %dma_wait3A_280 = tpu.memref_slice %arg9[%dma_wait3A_277, %dma_wait3A_278, %dma_wait3A_279] : memref<2x128x128xf32, #tpu.memory_space<vmem>> -> memref<1x128x128xf32, #tpu.memory_space<vmem>>
      %dma_wait3A_281 = tpu.memref_squeeze %dma_wait3A_280 : memref<1x128x128xf32, #tpu.memory_space<vmem>> -> memref<128x128xf32, #tpu.memory_space<vmem>>
      %dma_wait3A_282 = arith.constant 0 : i32
      %dma_wait3A_283 = tpu.memref_slice %arg7[%select_n3A_37, %dma_wait3A_276, %dma_wait3A_282] : memref<2x16x128xi32, #tpu.memory_space<vmem>> -> memref<1x1x128xi32, #tpu.memory_space<vmem>>
      %dma_wait3A_284 = tpu.memref_squeeze %dma_wait3A_283 : memref<1x1x128xi32, #tpu.memory_space<vmem>> -> memref<128xi32, #tpu.memory_space<vmem>>
      %dma_wait3A_285 = arith.constant 0 : i32
      %dma_wait3A_286 = arith.constant 0 : i32
      %dma_wait3A_287 = tpu.memref_slice %arg2[%dma_wait3A_285, %dma_wait3A_286] : memref<10000x128xf32, #tpu.memory_space<hbm>> -> memref<10000x128xf32, #tpu.memory_space<hbm>>
      tpu.wait_indirect_dma semaphore(%arg12 : memref<!tpu.dma_semaphore, #tpu.memory_space<semaphore_mem>>) src(%dma_wait3A_287 : memref<10000x128xf32, #tpu.memory_space<hbm>>) dst(%dma_wait3A_281 : memref<128x128xf32, #tpu.memory_space<vmem>>)
      %dma_start3A_288 = arith.constant 10 : i32
      %dma_start3A_289 = arith.constant 0 : i32
      %dma_start3A_290 = arith.constant 0 : i32
      %dma_start3A_291 = arith.constant 0 : i32
      %dma_start3A_292 = tpu.memref_slice %arg9[%dma_start3A_289, %dma_start3A_290, %dma_start3A_291] : memref<2x128x128xf32, #tpu.memory_space<vmem>> -> memref<1x128x128xf32, #tpu.memory_space<vmem>>
      %dma_start3A_293 = tpu.memref_squeeze %dma_start3A_292 : memref<1x128x128xf32, #tpu.memory_space<vmem>> -> memref<128x128xf32, #tpu.memory_space<vmem>>
      %dma_start3A_294 = arith.constant 0 : i32
      %dma_start3A_295 = tpu.memref_slice %arg7[%select_n3A_37, %dma_start3A_288, %dma_start3A_294] : memref<2x16x128xi32, #tpu.memory_space<vmem>> -> memref<1x1x128xi32, #tpu.memory_space<vmem>>
      %dma_start3A_296 = tpu.memref_squeeze %dma_start3A_295 : memref<1x1x128xi32, #tpu.memory_space<vmem>> -> memref<128xi32, #tpu.memory_space<vmem>>
      %dma_start3A_297 = arith.constant 0 : i32
      %dma_start3A_298 = arith.constant 0 : i32
      %dma_start3A_299 = tpu.memref_slice %arg2[%dma_start3A_297, %dma_start3A_298] : memref<10000x128xf32, #tpu.memory_space<hbm>> -> memref<10000x128xf32, #tpu.memory_space<hbm>>
      tpu.enqueue_indirect_dma source(%dma_start3A_299 : memref<10000x128xf32, #tpu.memory_space<hbm>>) target(%dma_start3A_293 : memref<128x128xf32, #tpu.memory_space<vmem>>) offsets(%dma_start3A_296 : memref<128xi32, #tpu.memory_space<vmem>>) semaphore(%arg11 : memref<!tpu.dma_semaphore, #tpu.memory_space<semaphore_mem>>)
      %run_scoped3A_300 = arith.constant 1 : i32
      %run_scoped3A_301 = arith.constant 9 : i32
      "tpu.region"() ({
        %run_scoped3A_453 = tpu.sem_alloc : memref<!tpu.dma_semaphore, #tpu.memory_space<semaphore_mem>>
        %dma_start3A_454 = arith.constant 0 : i32
        %dma_start3A_455 = arith.constant 0 : i32
        %dma_start3A_456 = tpu.memref_slice %arg9[%run_scoped3A_300, %dma_start3A_454, %dma_start3A_455] : memref<2x128x128xf32, #tpu.memory_space<vmem>> -> memref<1x128x128xf32, #tpu.memory_space<vmem>>
        %dma_start3A_457 = tpu.memref_squeeze %dma_start3A_456 : memref<1x128x128xf32, #tpu.memory_space<vmem>> -> memref<128x128xf32, #tpu.memory_space<vmem>>
        %dma_start3A_458 = arith.constant 0 : i32
        %dma_start3A_459 = tpu.memref_slice %arg8[%select_n3A_37, %run_scoped3A_301, %dma_start3A_458] : memref<2x16x128xi32, #tpu.memory_space<vmem>> -> memref<1x1x128xi32, #tpu.memory_space<vmem>>
        %dma_start3A_460 = tpu.memref_squeeze %dma_start3A_459 : memref<1x1x128xi32, #tpu.memory_space<vmem>> -> memref<128xi32, #tpu.memory_space<vmem>>
        %dma_start3A_461 = arith.constant 0 : i32
        %dma_start3A_462 = arith.constant 0 : i32
        %dma_start3A_463 = tpu.memref_slice %arg10[%dma_start3A_461, %dma_start3A_462] : memref<10240x128xf32, #tpu.memory_space<vmem_shared>> -> memref<10240x128xf32, #tpu.memory_space<vmem_shared>>
        tpu.enqueue_indirect_dma source(%dma_start3A_457 : memref<128x128xf32, #tpu.memory_space<vmem>>) target(%dma_start3A_463 : memref<10240x128xf32, #tpu.memory_space<vmem_shared>>) offsets(%dma_start3A_460 : memref<128xi32, #tpu.memory_space<vmem>>) semaphore(%run_scoped3A_453 : memref<!tpu.dma_semaphore, #tpu.memory_space<semaphore_mem>>) {add = true}
        %dma_wait3A_464 = arith.constant 0 : i32
        %dma_wait3A_465 = arith.constant 0 : i32
        %dma_wait3A_466 = tpu.memref_slice %arg9[%run_scoped3A_300, %dma_wait3A_464, %dma_wait3A_465] : memref<2x128x128xf32, #tpu.memory_space<vmem>> -> memref<1x128x128xf32, #tpu.memory_space<vmem>>
        %dma_wait3A_467 = tpu.memref_squeeze %dma_wait3A_466 : memref<1x128x128xf32, #tpu.memory_space<vmem>> -> memref<128x128xf32, #tpu.memory_space<vmem>>
        %dma_wait3A_468 = arith.constant 0 : i32
        %dma_wait3A_469 = tpu.memref_slice %arg8[%select_n3A_37, %run_scoped3A_301, %dma_wait3A_468] : memref<2x16x128xi32, #tpu.memory_space<vmem>> -> memref<1x1x128xi32, #tpu.memory_space<vmem>>
        %dma_wait3A_470 = tpu.memref_squeeze %dma_wait3A_469 : memref<1x1x128xi32, #tpu.memory_space<vmem>> -> memref<128xi32, #tpu.memory_space<vmem>>
        %dma_wait3A_471 = arith.constant 0 : i32
        %dma_wait3A_472 = arith.constant 0 : i32
        %dma_wait3A_473 = tpu.memref_slice %arg10[%dma_wait3A_471, %dma_wait3A_472] : memref<10240x128xf32, #tpu.memory_space<vmem_shared>> -> memref<10240x128xf32, #tpu.memory_space<vmem_shared>>
        tpu.wait_indirect_dma semaphore(%run_scoped3A_453 : memref<!tpu.dma_semaphore, #tpu.memory_space<semaphore_mem>>) src(%dma_wait3A_467 : memref<128x128xf32, #tpu.memory_space<vmem>>) dst(%dma_wait3A_473 : memref<10240x128xf32, #tpu.memory_space<vmem_shared>>)
        tpu.yield
      }) : () -> ()
      %dma_wait3A_302 = arith.constant 10 : i32
      %dma_wait3A_303 = arith.constant 0 : i32
      %dma_wait3A_304 = arith.constant 0 : i32
      %dma_wait3A_305 = arith.constant 0 : i32
      %dma_wait3A_306 = tpu.memref_slice %arg9[%dma_wait3A_303, %dma_wait3A_304, %dma_wait3A_305] : memref<2x128x128xf32, #tpu.memory_space<vmem>> -> memref<1x128x128xf32, #tpu.memory_space<vmem>>
      %dma_wait3A_307 = tpu.memref_squeeze %dma_wait3A_306 : memref<1x128x128xf32, #tpu.memory_space<vmem>> -> memref<128x128xf32, #tpu.memory_space<vmem>>
      %dma_wait3A_308 = arith.constant 0 : i32
      %dma_wait3A_309 = tpu.memref_slice %arg7[%select_n3A_37, %dma_wait3A_302, %dma_wait3A_308] : memref<2x16x128xi32, #tpu.memory_space<vmem>> -> memref<1x1x128xi32, #tpu.memory_space<vmem>>
      %dma_wait3A_310 = tpu.memref_squeeze %dma_wait3A_309 : memref<1x1x128xi32, #tpu.memory_space<vmem>> -> memref<128xi32, #tpu.memory_space<vmem>>
      %dma_wait3A_311 = arith.constant 0 : i32
      %dma_wait3A_312 = arith.constant 0 : i32
      %dma_wait3A_313 = tpu.memref_slice %arg2[%dma_wait3A_311, %dma_wait3A_312] : memref<10000x128xf32, #tpu.memory_space<hbm>> -> memref<10000x128xf32, #tpu.memory_space<hbm>>
      tpu.wait_indirect_dma semaphore(%arg11 : memref<!tpu.dma_semaphore, #tpu.memory_space<semaphore_mem>>) src(%dma_wait3A_313 : memref<10000x128xf32, #tpu.memory_space<hbm>>) dst(%dma_wait3A_307 : memref<128x128xf32, #tpu.memory_space<vmem>>)
      %dma_start3A_314 = arith.constant 11 : i32
      %dma_start3A_315 = arith.constant 1 : i32
      %dma_start3A_316 = arith.constant 0 : i32
      %dma_start3A_317 = arith.constant 0 : i32
      %dma_start3A_318 = tpu.memref_slice %arg9[%dma_start3A_315, %dma_start3A_316, %dma_start3A_317] : memref<2x128x128xf32, #tpu.memory_space<vmem>> -> memref<1x128x128xf32, #tpu.memory_space<vmem>>
      %dma_start3A_319 = tpu.memref_squeeze %dma_start3A_318 : memref<1x128x128xf32, #tpu.memory_space<vmem>> -> memref<128x128xf32, #tpu.memory_space<vmem>>
      %dma_start3A_320 = arith.constant 0 : i32
      %dma_start3A_321 = tpu.memref_slice %arg7[%select_n3A_37, %dma_start3A_314, %dma_start3A_320] : memref<2x16x128xi32, #tpu.memory_space<vmem>> -> memref<1x1x128xi32, #tpu.memory_space<vmem>>
      %dma_start3A_322 = tpu.memref_squeeze %dma_start3A_321 : memref<1x1x128xi32, #tpu.memory_space<vmem>> -> memref<128xi32, #tpu.memory_space<vmem>>
      %dma_start3A_323 = arith.constant 0 : i32
      %dma_start3A_324 = arith.constant 0 : i32
      %dma_start3A_325 = tpu.memref_slice %arg2[%dma_start3A_323, %dma_start3A_324] : memref<10000x128xf32, #tpu.memory_space<hbm>> -> memref<10000x128xf32, #tpu.memory_space<hbm>>
      tpu.enqueue_indirect_dma source(%dma_start3A_325 : memref<10000x128xf32, #tpu.memory_space<hbm>>) target(%dma_start3A_319 : memref<128x128xf32, #tpu.memory_space<vmem>>) offsets(%dma_start3A_322 : memref<128xi32, #tpu.memory_space<vmem>>) semaphore(%arg12 : memref<!tpu.dma_semaphore, #tpu.memory_space<semaphore_mem>>)
      %run_scoped3A_326 = arith.constant 0 : i32
      %run_scoped3A_327 = arith.constant 10 : i32
      "tpu.region"() ({
        %run_scoped3A_453 = tpu.sem_alloc : memref<!tpu.dma_semaphore, #tpu.memory_space<semaphore_mem>>
        %dma_start3A_454 = arith.constant 0 : i32
        %dma_start3A_455 = arith.constant 0 : i32
        %dma_start3A_456 = tpu.memref_slice %arg9[%run_scoped3A_326, %dma_start3A_454, %dma_start3A_455] : memref<2x128x128xf32, #tpu.memory_space<vmem>> -> memref<1x128x128xf32, #tpu.memory_space<vmem>>
        %dma_start3A_457 = tpu.memref_squeeze %dma_start3A_456 : memref<1x128x128xf32, #tpu.memory_space<vmem>> -> memref<128x128xf32, #tpu.memory_space<vmem>>
        %dma_start3A_458 = arith.constant 0 : i32
        %dma_start3A_459 = tpu.memref_slice %arg8[%select_n3A_37, %run_scoped3A_327, %dma_start3A_458] : memref<2x16x128xi32, #tpu.memory_space<vmem>> -> memref<1x1x128xi32, #tpu.memory_space<vmem>>
        %dma_start3A_460 = tpu.memref_squeeze %dma_start3A_459 : memref<1x1x128xi32, #tpu.memory_space<vmem>> -> memref<128xi32, #tpu.memory_space<vmem>>
        %dma_start3A_461 = arith.constant 0 : i32
        %dma_start3A_462 = arith.constant 0 : i32
        %dma_start3A_463 = tpu.memref_slice %arg10[%dma_start3A_461, %dma_start3A_462] : memref<10240x128xf32, #tpu.memory_space<vmem_shared>> -> memref<10240x128xf32, #tpu.memory_space<vmem_shared>>
        tpu.enqueue_indirect_dma source(%dma_start3A_457 : memref<128x128xf32, #tpu.memory_space<vmem>>) target(%dma_start3A_463 : memref<10240x128xf32, #tpu.memory_space<vmem_shared>>) offsets(%dma_start3A_460 : memref<128xi32, #tpu.memory_space<vmem>>) semaphore(%run_scoped3A_453 : memref<!tpu.dma_semaphore, #tpu.memory_space<semaphore_mem>>) {add = true}
        %dma_wait3A_464 = arith.constant 0 : i32
        %dma_wait3A_465 = arith.constant 0 : i32
        %dma_wait3A_466 = tpu.memref_slice %arg9[%run_scoped3A_326, %dma_wait3A_464, %dma_wait3A_465] : memref<2x128x128xf32, #tpu.memory_space<vmem>> -> memref<1x128x128xf32, #tpu.memory_space<vmem>>
        %dma_wait3A_467 = tpu.memref_squeeze %dma_wait3A_466 : memref<1x128x128xf32, #tpu.memory_space<vmem>> -> memref<128x128xf32, #tpu.memory_space<vmem>>
        %dma_wait3A_468 = arith.constant 0 : i32
        %dma_wait3A_469 = tpu.memref_slice %arg8[%select_n3A_37, %run_scoped3A_327, %dma_wait3A_468] : memref<2x16x128xi32, #tpu.memory_space<vmem>> -> memref<1x1x128xi32, #tpu.memory_space<vmem>>
        %dma_wait3A_470 = tpu.memref_squeeze %dma_wait3A_469 : memref<1x1x128xi32, #tpu.memory_space<vmem>> -> memref<128xi32, #tpu.memory_space<vmem>>
        %dma_wait3A_471 = arith.constant 0 : i32
        %dma_wait3A_472 = arith.constant 0 : i32
        %dma_wait3A_473 = tpu.memref_slice %arg10[%dma_wait3A_471, %dma_wait3A_472] : memref<10240x128xf32, #tpu.memory_space<vmem_shared>> -> memref<10240x128xf32, #tpu.memory_space<vmem_shared>>
        tpu.wait_indirect_dma semaphore(%run_scoped3A_453 : memref<!tpu.dma_semaphore, #tpu.memory_space<semaphore_mem>>) src(%dma_wait3A_467 : memref<128x128xf32, #tpu.memory_space<vmem>>) dst(%dma_wait3A_473 : memref<10240x128xf32, #tpu.memory_space<vmem_shared>>)
        tpu.yield
      }) : () -> ()
      %dma_wait3A_328 = arith.constant 11 : i32
      %dma_wait3A_329 = arith.constant 1 : i32
      %dma_wait3A_330 = arith.constant 0 : i32
      %dma_wait3A_331 = arith.constant 0 : i32
      %dma_wait3A_332 = tpu.memref_slice %arg9[%dma_wait3A_329, %dma_wait3A_330, %dma_wait3A_331] : memref<2x128x128xf32, #tpu.memory_space<vmem>> -> memref<1x128x128xf32, #tpu.memory_space<vmem>>
      %dma_wait3A_333 = tpu.memref_squeeze %dma_wait3A_332 : memref<1x128x128xf32, #tpu.memory_space<vmem>> -> memref<128x128xf32, #tpu.memory_space<vmem>>
      %dma_wait3A_334 = arith.constant 0 : i32
      %dma_wait3A_335 = tpu.memref_slice %arg7[%select_n3A_37, %dma_wait3A_328, %dma_wait3A_334] : memref<2x16x128xi32, #tpu.memory_space<vmem>> -> memref<1x1x128xi32, #tpu.memory_space<vmem>>
      %dma_wait3A_336 = tpu.memref_squeeze %dma_wait3A_335 : memref<1x1x128xi32, #tpu.memory_space<vmem>> -> memref<128xi32, #tpu.memory_space<vmem>>
      %dma_wait3A_337 = arith.constant 0 : i32
      %dma_wait3A_338 = arith.constant 0 : i32
      %dma_wait3A_339 = tpu.memref_slice %arg2[%dma_wait3A_337, %dma_wait3A_338] : memref<10000x128xf32, #tpu.memory_space<hbm>> -> memref<10000x128xf32, #tpu.memory_space<hbm>>
      tpu.wait_indirect_dma semaphore(%arg12 : memref<!tpu.dma_semaphore, #tpu.memory_space<semaphore_mem>>) src(%dma_wait3A_339 : memref<10000x128xf32, #tpu.memory_space<hbm>>) dst(%dma_wait3A_333 : memref<128x128xf32, #tpu.memory_space<vmem>>)
      %dma_start3A_340 = arith.constant 12 : i32
      %dma_start3A_341 = arith.constant 0 : i32
      %dma_start3A_342 = arith.constant 0 : i32
      %dma_start3A_343 = arith.constant 0 : i32
      %dma_start3A_344 = tpu.memref_slice %arg9[%dma_start3A_341, %dma_start3A_342, %dma_start3A_343] : memref<2x128x128xf32, #tpu.memory_space<vmem>> -> memref<1x128x128xf32, #tpu.memory_space<vmem>>
      %dma_start3A_345 = tpu.memref_squeeze %dma_start3A_344 : memref<1x128x128xf32, #tpu.memory_space<vmem>> -> memref<128x128xf32, #tpu.memory_space<vmem>>
      %dma_start3A_346 = arith.constant 0 : i32
      %dma_start3A_347 = tpu.memref_slice %arg7[%select_n3A_37, %dma_start3A_340, %dma_start3A_346] : memref<2x16x128xi32, #tpu.memory_space<vmem>> -> memref<1x1x128xi32, #tpu.memory_space<vmem>>
      %dma_start3A_348 = tpu.memref_squeeze %dma_start3A_347 : memref<1x1x128xi32, #tpu.memory_space<vmem>> -> memref<128xi32, #tpu.memory_space<vmem>>
      %dma_start3A_349 = arith.constant 0 : i32
      %dma_start3A_350 = arith.constant 0 : i32
      %dma_start3A_351 = tpu.memref_slice %arg2[%dma_start3A_349, %dma_start3A_350] : memref<10000x128xf32, #tpu.memory_space<hbm>> -> memref<10000x128xf32, #tpu.memory_space<hbm>>
      tpu.enqueue_indirect_dma source(%dma_start3A_351 : memref<10000x128xf32, #tpu.memory_space<hbm>>) target(%dma_start3A_345 : memref<128x128xf32, #tpu.memory_space<vmem>>) offsets(%dma_start3A_348 : memref<128xi32, #tpu.memory_space<vmem>>) semaphore(%arg11 : memref<!tpu.dma_semaphore, #tpu.memory_space<semaphore_mem>>)
      %run_scoped3A_352 = arith.constant 1 : i32
      %run_scoped3A_353 = arith.constant 11 : i32
      "tpu.region"() ({
        %run_scoped3A_453 = tpu.sem_alloc : memref<!tpu.dma_semaphore, #tpu.memory_space<semaphore_mem>>
        %dma_start3A_454 = arith.constant 0 : i32
        %dma_start3A_455 = arith.constant 0 : i32
        %dma_start3A_456 = tpu.memref_slice %arg9[%run_scoped3A_352, %dma_start3A_454, %dma_start3A_455] : memref<2x128x128xf32, #tpu.memory_space<vmem>> -> memref<1x128x128xf32, #tpu.memory_space<vmem>>
        %dma_start3A_457 = tpu.memref_squeeze %dma_start3A_456 : memref<1x128x128xf32, #tpu.memory_space<vmem>> -> memref<128x128xf32, #tpu.memory_space<vmem>>
        %dma_start3A_458 = arith.constant 0 : i32
        %dma_start3A_459 = tpu.memref_slice %arg8[%select_n3A_37, %run_scoped3A_353, %dma_start3A_458] : memref<2x16x128xi32, #tpu.memory_space<vmem>> -> memref<1x1x128xi32, #tpu.memory_space<vmem>>
        %dma_start3A_460 = tpu.memref_squeeze %dma_start3A_459 : memref<1x1x128xi32, #tpu.memory_space<vmem>> -> memref<128xi32, #tpu.memory_space<vmem>>
        %dma_start3A_461 = arith.constant 0 : i32
        %dma_start3A_462 = arith.constant 0 : i32
        %dma_start3A_463 = tpu.memref_slice %arg10[%dma_start3A_461, %dma_start3A_462] : memref<10240x128xf32, #tpu.memory_space<vmem_shared>> -> memref<10240x128xf32, #tpu.memory_space<vmem_shared>>
        tpu.enqueue_indirect_dma source(%dma_start3A_457 : memref<128x128xf32, #tpu.memory_space<vmem>>) target(%dma_start3A_463 : memref<10240x128xf32, #tpu.memory_space<vmem_shared>>) offsets(%dma_start3A_460 : memref<128xi32, #tpu.memory_space<vmem>>) semaphore(%run_scoped3A_453 : memref<!tpu.dma_semaphore, #tpu.memory_space<semaphore_mem>>) {add = true}
        %dma_wait3A_464 = arith.constant 0 : i32
        %dma_wait3A_465 = arith.constant 0 : i32
        %dma_wait3A_466 = tpu.memref_slice %arg9[%run_scoped3A_352, %dma_wait3A_464, %dma_wait3A_465] : memref<2x128x128xf32, #tpu.memory_space<vmem>> -> memref<1x128x128xf32, #tpu.memory_space<vmem>>
        %dma_wait3A_467 = tpu.memref_squeeze %dma_wait3A_466 : memref<1x128x128xf32, #tpu.memory_space<vmem>> -> memref<128x128xf32, #tpu.memory_space<vmem>>
        %dma_wait3A_468 = arith.constant 0 : i32
        %dma_wait3A_469 = tpu.memref_slice %arg8[%select_n3A_37, %run_scoped3A_353, %dma_wait3A_468] : memref<2x16x128xi32, #tpu.memory_space<vmem>> -> memref<1x1x128xi32, #tpu.memory_space<vmem>>
        %dma_wait3A_470 = tpu.memref_squeeze %dma_wait3A_469 : memref<1x1x128xi32, #tpu.memory_space<vmem>> -> memref<128xi32, #tpu.memory_space<vmem>>
        %dma_wait3A_471 = arith.constant 0 : i32
        %dma_wait3A_472 = arith.constant 0 : i32
        %dma_wait3A_473 = tpu.memref_slice %arg10[%dma_wait3A_471, %dma_wait3A_472] : memref<10240x128xf32, #tpu.memory_space<vmem_shared>> -> memref<10240x128xf32, #tpu.memory_space<vmem_shared>>
        tpu.wait_indirect_dma semaphore(%run_scoped3A_453 : memref<!tpu.dma_semaphore, #tpu.memory_space<semaphore_mem>>) src(%dma_wait3A_467 : memref<128x128xf32, #tpu.memory_space<vmem>>) dst(%dma_wait3A_473 : memref<10240x128xf32, #tpu.memory_space<vmem_shared>>)
        tpu.yield
      }) : () -> ()
      %dma_wait3A_354 = arith.constant 12 : i32
      %dma_wait3A_355 = arith.constant 0 : i32
      %dma_wait3A_356 = arith.constant 0 : i32
      %dma_wait3A_357 = arith.constant 0 : i32
      %dma_wait3A_358 = tpu.memref_slice %arg9[%dma_wait3A_355, %dma_wait3A_356, %dma_wait3A_357] : memref<2x128x128xf32, #tpu.memory_space<vmem>> -> memref<1x128x128xf32, #tpu.memory_space<vmem>>
      %dma_wait3A_359 = tpu.memref_squeeze %dma_wait3A_358 : memref<1x128x128xf32, #tpu.memory_space<vmem>> -> memref<128x128xf32, #tpu.memory_space<vmem>>
      %dma_wait3A_360 = arith.constant 0 : i32
      %dma_wait3A_361 = tpu.memref_slice %arg7[%select_n3A_37, %dma_wait3A_354, %dma_wait3A_360] : memref<2x16x128xi32, #tpu.memory_space<vmem>> -> memref<1x1x128xi32, #tpu.memory_space<vmem>>
      %dma_wait3A_362 = tpu.memref_squeeze %dma_wait3A_361 : memref<1x1x128xi32, #tpu.memory_space<vmem>> -> memref<128xi32, #tpu.memory_space<vmem>>
      %dma_wait3A_363 = arith.constant 0 : i32
      %dma_wait3A_364 = arith.constant 0 : i32
      %dma_wait3A_365 = tpu.memref_slice %arg2[%dma_wait3A_363, %dma_wait3A_364] : memref<10000x128xf32, #tpu.memory_space<hbm>> -> memref<10000x128xf32, #tpu.memory_space<hbm>>
      tpu.wait_indirect_dma semaphore(%arg11 : memref<!tpu.dma_semaphore, #tpu.memory_space<semaphore_mem>>) src(%dma_wait3A_365 : memref<10000x128xf32, #tpu.memory_space<hbm>>) dst(%dma_wait3A_359 : memref<128x128xf32, #tpu.memory_space<vmem>>)
      %dma_start3A_366 = arith.constant 13 : i32
      %dma_start3A_367 = arith.constant 1 : i32
      %dma_start3A_368 = arith.constant 0 : i32
      %dma_start3A_369 = arith.constant 0 : i32
      %dma_start3A_370 = tpu.memref_slice %arg9[%dma_start3A_367, %dma_start3A_368, %dma_start3A_369] : memref<2x128x128xf32, #tpu.memory_space<vmem>> -> memref<1x128x128xf32, #tpu.memory_space<vmem>>
      %dma_start3A_371 = tpu.memref_squeeze %dma_start3A_370 : memref<1x128x128xf32, #tpu.memory_space<vmem>> -> memref<128x128xf32, #tpu.memory_space<vmem>>
      %dma_start3A_372 = arith.constant 0 : i32
      %dma_start3A_373 = tpu.memref_slice %arg7[%select_n3A_37, %dma_start3A_366, %dma_start3A_372] : memref<2x16x128xi32, #tpu.memory_space<vmem>> -> memref<1x1x128xi32, #tpu.memory_space<vmem>>
      %dma_start3A_374 = tpu.memref_squeeze %dma_start3A_373 : memref<1x1x128xi32, #tpu.memory_space<vmem>> -> memref<128xi32, #tpu.memory_space<vmem>>
      %dma_start3A_375 = arith.constant 0 : i32
      %dma_start3A_376 = arith.constant 0 : i32
      %dma_start3A_377 = tpu.memref_slice %arg2[%dma_start3A_375, %dma_start3A_376] : memref<10000x128xf32, #tpu.memory_space<hbm>> -> memref<10000x128xf32, #tpu.memory_space<hbm>>
      tpu.enqueue_indirect_dma source(%dma_start3A_377 : memref<10000x128xf32, #tpu.memory_space<hbm>>) target(%dma_start3A_371 : memref<128x128xf32, #tpu.memory_space<vmem>>) offsets(%dma_start3A_374 : memref<128xi32, #tpu.memory_space<vmem>>) semaphore(%arg12 : memref<!tpu.dma_semaphore, #tpu.memory_space<semaphore_mem>>)
      %run_scoped3A_378 = arith.constant 0 : i32
      %run_scoped3A_379 = arith.constant 12 : i32
      "tpu.region"() ({
        %run_scoped3A_453 = tpu.sem_alloc : memref<!tpu.dma_semaphore, #tpu.memory_space<semaphore_mem>>
        %dma_start3A_454 = arith.constant 0 : i32
        %dma_start3A_455 = arith.constant 0 : i32
        %dma_start3A_456 = tpu.memref_slice %arg9[%run_scoped3A_378, %dma_start3A_454, %dma_start3A_455] : memref<2x128x128xf32, #tpu.memory_space<vmem>> -> memref<1x128x128xf32, #tpu.memory_space<vmem>>
        %dma_start3A_457 = tpu.memref_squeeze %dma_start3A_456 : memref<1x128x128xf32, #tpu.memory_space<vmem>> -> memref<128x128xf32, #tpu.memory_space<vmem>>
        %dma_start3A_458 = arith.constant 0 : i32
        %dma_start3A_459 = tpu.memref_slice %arg8[%select_n3A_37, %run_scoped3A_379, %dma_start3A_458] : memref<2x16x128xi32, #tpu.memory_space<vmem>> -> memref<1x1x128xi32, #tpu.memory_space<vmem>>
        %dma_start3A_460 = tpu.memref_squeeze %dma_start3A_459 : memref<1x1x128xi32, #tpu.memory_space<vmem>> -> memref<128xi32, #tpu.memory_space<vmem>>
        %dma_start3A_461 = arith.constant 0 : i32
        %dma_start3A_462 = arith.constant 0 : i32
        %dma_start3A_463 = tpu.memref_slice %arg10[%dma_start3A_461, %dma_start3A_462] : memref<10240x128xf32, #tpu.memory_space<vmem_shared>> -> memref<10240x128xf32, #tpu.memory_space<vmem_shared>>
        tpu.enqueue_indirect_dma source(%dma_start3A_457 : memref<128x128xf32, #tpu.memory_space<vmem>>) target(%dma_start3A_463 : memref<10240x128xf32, #tpu.memory_space<vmem_shared>>) offsets(%dma_start3A_460 : memref<128xi32, #tpu.memory_space<vmem>>) semaphore(%run_scoped3A_453 : memref<!tpu.dma_semaphore, #tpu.memory_space<semaphore_mem>>) {add = true}
        %dma_wait3A_464 = arith.constant 0 : i32
        %dma_wait3A_465 = arith.constant 0 : i32
        %dma_wait3A_466 = tpu.memref_slice %arg9[%run_scoped3A_378, %dma_wait3A_464, %dma_wait3A_465] : memref<2x128x128xf32, #tpu.memory_space<vmem>> -> memref<1x128x128xf32, #tpu.memory_space<vmem>>
        %dma_wait3A_467 = tpu.memref_squeeze %dma_wait3A_466 : memref<1x128x128xf32, #tpu.memory_space<vmem>> -> memref<128x128xf32, #tpu.memory_space<vmem>>
        %dma_wait3A_468 = arith.constant 0 : i32
        %dma_wait3A_469 = tpu.memref_slice %arg8[%select_n3A_37, %run_scoped3A_379, %dma_wait3A_468] : memref<2x16x128xi32, #tpu.memory_space<vmem>> -> memref<1x1x128xi32, #tpu.memory_space<vmem>>
        %dma_wait3A_470 = tpu.memref_squeeze %dma_wait3A_469 : memref<1x1x128xi32, #tpu.memory_space<vmem>> -> memref<128xi32, #tpu.memory_space<vmem>>
        %dma_wait3A_471 = arith.constant 0 : i32
        %dma_wait3A_472 = arith.constant 0 : i32
        %dma_wait3A_473 = tpu.memref_slice %arg10[%dma_wait3A_471, %dma_wait3A_472] : memref<10240x128xf32, #tpu.memory_space<vmem_shared>> -> memref<10240x128xf32, #tpu.memory_space<vmem_shared>>
        tpu.wait_indirect_dma semaphore(%run_scoped3A_453 : memref<!tpu.dma_semaphore, #tpu.memory_space<semaphore_mem>>) src(%dma_wait3A_467 : memref<128x128xf32, #tpu.memory_space<vmem>>) dst(%dma_wait3A_473 : memref<10240x128xf32, #tpu.memory_space<vmem_shared>>)
        tpu.yield
      }) : () -> ()
      %dma_wait3A_380 = arith.constant 13 : i32
      %dma_wait3A_381 = arith.constant 1 : i32
      %dma_wait3A_382 = arith.constant 0 : i32
      %dma_wait3A_383 = arith.constant 0 : i32
      %dma_wait3A_384 = tpu.memref_slice %arg9[%dma_wait3A_381, %dma_wait3A_382, %dma_wait3A_383] : memref<2x128x128xf32, #tpu.memory_space<vmem>> -> memref<1x128x128xf32, #tpu.memory_space<vmem>>
      %dma_wait3A_385 = tpu.memref_squeeze %dma_wait3A_384 : memref<1x128x128xf32, #tpu.memory_space<vmem>> -> memref<128x128xf32, #tpu.memory_space<vmem>>
      %dma_wait3A_386 = arith.constant 0 : i32
      %dma_wait3A_387 = tpu.memref_slice %arg7[%select_n3A_37, %dma_wait3A_380, %dma_wait3A_386] : memref<2x16x128xi32, #tpu.memory_space<vmem>> -> memref<1x1x128xi32, #tpu.memory_space<vmem>>
      %dma_wait3A_388 = tpu.memref_squeeze %dma_wait3A_387 : memref<1x1x128xi32, #tpu.memory_space<vmem>> -> memref<128xi32, #tpu.memory_space<vmem>>
      %dma_wait3A_389 = arith.constant 0 : i32
      %dma_wait3A_390 = arith.constant 0 : i32
      %dma_wait3A_391 = tpu.memref_slice %arg2[%dma_wait3A_389, %dma_wait3A_390] : memref<10000x128xf32, #tpu.memory_space<hbm>> -> memref<10000x128xf32, #tpu.memory_space<hbm>>
      tpu.wait_indirect_dma semaphore(%arg12 : memref<!tpu.dma_semaphore, #tpu.memory_space<semaphore_mem>>) src(%dma_wait3A_391 : memref<10000x128xf32, #tpu.memory_space<hbm>>) dst(%dma_wait3A_385 : memref<128x128xf32, #tpu.memory_space<vmem>>)
      %dma_start3A_392 = arith.constant 14 : i32
      %dma_start3A_393 = arith.constant 0 : i32
      %dma_start3A_394 = arith.constant 0 : i32
      %dma_start3A_395 = arith.constant 0 : i32
      %dma_start3A_396 = tpu.memref_slice %arg9[%dma_start3A_393, %dma_start3A_394, %dma_start3A_395] : memref<2x128x128xf32, #tpu.memory_space<vmem>> -> memref<1x128x128xf32, #tpu.memory_space<vmem>>
      %dma_start3A_397 = tpu.memref_squeeze %dma_start3A_396 : memref<1x128x128xf32, #tpu.memory_space<vmem>> -> memref<128x128xf32, #tpu.memory_space<vmem>>
      %dma_start3A_398 = arith.constant 0 : i32
      %dma_start3A_399 = tpu.memref_slice %arg7[%select_n3A_37, %dma_start3A_392, %dma_start3A_398] : memref<2x16x128xi32, #tpu.memory_space<vmem>> -> memref<1x1x128xi32, #tpu.memory_space<vmem>>
      %dma_start3A_400 = tpu.memref_squeeze %dma_start3A_399 : memref<1x1x128xi32, #tpu.memory_space<vmem>> -> memref<128xi32, #tpu.memory_space<vmem>>
      %dma_start3A_401 = arith.constant 0 : i32
      %dma_start3A_402 = arith.constant 0 : i32
      %dma_start3A_403 = tpu.memref_slice %arg2[%dma_start3A_401, %dma_start3A_402] : memref<10000x128xf32, #tpu.memory_space<hbm>> -> memref<10000x128xf32, #tpu.memory_space<hbm>>
      tpu.enqueue_indirect_dma source(%dma_start3A_403 : memref<10000x128xf32, #tpu.memory_space<hbm>>) target(%dma_start3A_397 : memref<128x128xf32, #tpu.memory_space<vmem>>) offsets(%dma_start3A_400 : memref<128xi32, #tpu.memory_space<vmem>>) semaphore(%arg11 : memref<!tpu.dma_semaphore, #tpu.memory_space<semaphore_mem>>)
      %run_scoped3A_404 = arith.constant 1 : i32
      %run_scoped3A_405 = arith.constant 13 : i32
      "tpu.region"() ({
        %run_scoped3A_453 = tpu.sem_alloc : memref<!tpu.dma_semaphore, #tpu.memory_space<semaphore_mem>>
        %dma_start3A_454 = arith.constant 0 : i32
        %dma_start3A_455 = arith.constant 0 : i32
        %dma_start3A_456 = tpu.memref_slice %arg9[%run_scoped3A_404, %dma_start3A_454, %dma_start3A_455] : memref<2x128x128xf32, #tpu.memory_space<vmem>> -> memref<1x128x128xf32, #tpu.memory_space<vmem>>
        %dma_start3A_457 = tpu.memref_squeeze %dma_start3A_456 : memref<1x128x128xf32, #tpu.memory_space<vmem>> -> memref<128x128xf32, #tpu.memory_space<vmem>>
        %dma_start3A_458 = arith.constant 0 : i32
        %dma_start3A_459 = tpu.memref_slice %arg8[%select_n3A_37, %run_scoped3A_405, %dma_start3A_458] : memref<2x16x128xi32, #tpu.memory_space<vmem>> -> memref<1x1x128xi32, #tpu.memory_space<vmem>>
        %dma_start3A_460 = tpu.memref_squeeze %dma_start3A_459 : memref<1x1x128xi32, #tpu.memory_space<vmem>> -> memref<128xi32, #tpu.memory_space<vmem>>
        %dma_start3A_461 = arith.constant 0 : i32
        %dma_start3A_462 = arith.constant 0 : i32
        %dma_start3A_463 = tpu.memref_slice %arg10[%dma_start3A_461, %dma_start3A_462] : memref<10240x128xf32, #tpu.memory_space<vmem_shared>> -> memref<10240x128xf32, #tpu.memory_space<vmem_shared>>
        tpu.enqueue_indirect_dma source(%dma_start3A_457 : memref<128x128xf32, #tpu.memory_space<vmem>>) target(%dma_start3A_463 : memref<10240x128xf32, #tpu.memory_space<vmem_shared>>) offsets(%dma_start3A_460 : memref<128xi32, #tpu.memory_space<vmem>>) semaphore(%run_scoped3A_453 : memref<!tpu.dma_semaphore, #tpu.memory_space<semaphore_mem>>) {add = true}
        %dma_wait3A_464 = arith.constant 0 : i32
        %dma_wait3A_465 = arith.constant 0 : i32
        %dma_wait3A_466 = tpu.memref_slice %arg9[%run_scoped3A_404, %dma_wait3A_464, %dma_wait3A_465] : memref<2x128x128xf32, #tpu.memory_space<vmem>> -> memref<1x128x128xf32, #tpu.memory_space<vmem>>
        %dma_wait3A_467 = tpu.memref_squeeze %dma_wait3A_466 : memref<1x128x128xf32, #tpu.memory_space<vmem>> -> memref<128x128xf32, #tpu.memory_space<vmem>>
        %dma_wait3A_468 = arith.constant 0 : i32
        %dma_wait3A_469 = tpu.memref_slice %arg8[%select_n3A_37, %run_scoped3A_405, %dma_wait3A_468] : memref<2x16x128xi32, #tpu.memory_space<vmem>> -> memref<1x1x128xi32, #tpu.memory_space<vmem>>
        %dma_wait3A_470 = tpu.memref_squeeze %dma_wait3A_469 : memref<1x1x128xi32, #tpu.memory_space<vmem>> -> memref<128xi32, #tpu.memory_space<vmem>>
        %dma_wait3A_471 = arith.constant 0 : i32
        %dma_wait3A_472 = arith.constant 0 : i32
        %dma_wait3A_473 = tpu.memref_slice %arg10[%dma_wait3A_471, %dma_wait3A_472] : memref<10240x128xf32, #tpu.memory_space<vmem_shared>> -> memref<10240x128xf32, #tpu.memory_space<vmem_shared>>
        tpu.wait_indirect_dma semaphore(%run_scoped3A_453 : memref<!tpu.dma_semaphore, #tpu.memory_space<semaphore_mem>>) src(%dma_wait3A_467 : memref<128x128xf32, #tpu.memory_space<vmem>>) dst(%dma_wait3A_473 : memref<10240x128xf32, #tpu.memory_space<vmem_shared>>)
        tpu.yield
      }) : () -> ()
      %dma_wait3A_406 = arith.constant 14 : i32
      %dma_wait3A_407 = arith.constant 0 : i32
      %dma_wait3A_408 = arith.constant 0 : i32
      %dma_wait3A_409 = arith.constant 0 : i32
      %dma_wait3A_410 = tpu.memref_slice %arg9[%dma_wait3A_407, %dma_wait3A_408, %dma_wait3A_409] : memref<2x128x128xf32, #tpu.memory_space<vmem>> -> memref<1x128x128xf32, #tpu.memory_space<vmem>>
      %dma_wait3A_411 = tpu.memref_squeeze %dma_wait3A_410 : memref<1x128x128xf32, #tpu.memory_space<vmem>> -> memref<128x128xf32, #tpu.memory_space<vmem>>
      %dma_wait3A_412 = arith.constant 0 : i32
      %dma_wait3A_413 = tpu.memref_slice %arg7[%select_n3A_37, %dma_wait3A_406, %dma_wait3A_412] : memref<2x16x128xi32, #tpu.memory_space<vmem>> -> memref<1x1x128xi32, #tpu.memory_space<vmem>>
      %dma_wait3A_414 = tpu.memref_squeeze %dma_wait3A_413 : memref<1x1x128xi32, #tpu.memory_space<vmem>> -> memref<128xi32, #tpu.memory_space<vmem>>
      %dma_wait3A_415 = arith.constant 0 : i32
      %dma_wait3A_416 = arith.constant 0 : i32
      %dma_wait3A_417 = tpu.memref_slice %arg2[%dma_wait3A_415, %dma_wait3A_416] : memref<10000x128xf32, #tpu.memory_space<hbm>> -> memref<10000x128xf32, #tpu.memory_space<hbm>>
      tpu.wait_indirect_dma semaphore(%arg11 : memref<!tpu.dma_semaphore, #tpu.memory_space<semaphore_mem>>) src(%dma_wait3A_417 : memref<10000x128xf32, #tpu.memory_space<hbm>>) dst(%dma_wait3A_411 : memref<128x128xf32, #tpu.memory_space<vmem>>)
      %dma_start3A_418 = arith.constant 15 : i32
      %dma_start3A_419 = arith.constant 1 : i32
      %dma_start3A_420 = arith.constant 0 : i32
      %dma_start3A_421 = arith.constant 0 : i32
      %dma_start3A_422 = tpu.memref_slice %arg9[%dma_start3A_419, %dma_start3A_420, %dma_start3A_421] : memref<2x128x128xf32, #tpu.memory_space<vmem>> -> memref<1x128x128xf32, #tpu.memory_space<vmem>>
      %dma_start3A_423 = tpu.memref_squeeze %dma_start3A_422 : memref<1x128x128xf32, #tpu.memory_space<vmem>> -> memref<128x128xf32, #tpu.memory_space<vmem>>
      %dma_start3A_424 = arith.constant 0 : i32
      %dma_start3A_425 = tpu.memref_slice %arg7[%select_n3A_37, %dma_start3A_418, %dma_start3A_424] : memref<2x16x128xi32, #tpu.memory_space<vmem>> -> memref<1x1x128xi32, #tpu.memory_space<vmem>>
      %dma_start3A_426 = tpu.memref_squeeze %dma_start3A_425 : memref<1x1x128xi32, #tpu.memory_space<vmem>> -> memref<128xi32, #tpu.memory_space<vmem>>
      %dma_start3A_427 = arith.constant 0 : i32
      %dma_start3A_428 = arith.constant 0 : i32
      %dma_start3A_429 = tpu.memref_slice %arg2[%dma_start3A_427, %dma_start3A_428] : memref<10000x128xf32, #tpu.memory_space<hbm>> -> memref<10000x128xf32, #tpu.memory_space<hbm>>
      tpu.enqueue_indirect_dma source(%dma_start3A_429 : memref<10000x128xf32, #tpu.memory_space<hbm>>) target(%dma_start3A_423 : memref<128x128xf32, #tpu.memory_space<vmem>>) offsets(%dma_start3A_426 : memref<128xi32, #tpu.memory_space<vmem>>) semaphore(%arg12 : memref<!tpu.dma_semaphore, #tpu.memory_space<semaphore_mem>>)
      %run_scoped3A_430 = arith.constant 0 : i32
      %run_scoped3A_431 = arith.constant 14 : i32
      "tpu.region"() ({
        %run_scoped3A_453 = tpu.sem_alloc : memref<!tpu.dma_semaphore, #tpu.memory_space<semaphore_mem>>
        %dma_start3A_454 = arith.constant 0 : i32
        %dma_start3A_455 = arith.constant 0 : i32
        %dma_start3A_456 = tpu.memref_slice %arg9[%run_scoped3A_430, %dma_start3A_454, %dma_start3A_455] : memref<2x128x128xf32, #tpu.memory_space<vmem>> -> memref<1x128x128xf32, #tpu.memory_space<vmem>>
        %dma_start3A_457 = tpu.memref_squeeze %dma_start3A_456 : memref<1x128x128xf32, #tpu.memory_space<vmem>> -> memref<128x128xf32, #tpu.memory_space<vmem>>
        %dma_start3A_458 = arith.constant 0 : i32
        %dma_start3A_459 = tpu.memref_slice %arg8[%select_n3A_37, %run_scoped3A_431, %dma_start3A_458] : memref<2x16x128xi32, #tpu.memory_space<vmem>> -> memref<1x1x128xi32, #tpu.memory_space<vmem>>
        %dma_start3A_460 = tpu.memref_squeeze %dma_start3A_459 : memref<1x1x128xi32, #tpu.memory_space<vmem>> -> memref<128xi32, #tpu.memory_space<vmem>>
        %dma_start3A_461 = arith.constant 0 : i32
        %dma_start3A_462 = arith.constant 0 : i32
        %dma_start3A_463 = tpu.memref_slice %arg10[%dma_start3A_461, %dma_start3A_462] : memref<10240x128xf32, #tpu.memory_space<vmem_shared>> -> memref<10240x128xf32, #tpu.memory_space<vmem_shared>>
        tpu.enqueue_indirect_dma source(%dma_start3A_457 : memref<128x128xf32, #tpu.memory_space<vmem>>) target(%dma_start3A_463 : memref<10240x128xf32, #tpu.memory_space<vmem_shared>>) offsets(%dma_start3A_460 : memref<128xi32, #tpu.memory_space<vmem>>) semaphore(%run_scoped3A_453 : memref<!tpu.dma_semaphore, #tpu.memory_space<semaphore_mem>>) {add = true}
        %dma_wait3A_464 = arith.constant 0 : i32
        %dma_wait3A_465 = arith.constant 0 : i32
        %dma_wait3A_466 = tpu.memref_slice %arg9[%run_scoped3A_430, %dma_wait3A_464, %dma_wait3A_465] : memref<2x128x128xf32, #tpu.memory_space<vmem>> -> memref<1x128x128xf32, #tpu.memory_space<vmem>>
        %dma_wait3A_467 = tpu.memref_squeeze %dma_wait3A_466 : memref<1x128x128xf32, #tpu.memory_space<vmem>> -> memref<128x128xf32, #tpu.memory_space<vmem>>
        %dma_wait3A_468 = arith.constant 0 : i32
        %dma_wait3A_469 = tpu.memref_slice %arg8[%select_n3A_37, %run_scoped3A_431, %dma_wait3A_468] : memref<2x16x128xi32, #tpu.memory_space<vmem>> -> memref<1x1x128xi32, #tpu.memory_space<vmem>>
        %dma_wait3A_470 = tpu.memref_squeeze %dma_wait3A_469 : memref<1x1x128xi32, #tpu.memory_space<vmem>> -> memref<128xi32, #tpu.memory_space<vmem>>
        %dma_wait3A_471 = arith.constant 0 : i32
        %dma_wait3A_472 = arith.constant 0 : i32
        %dma_wait3A_473 = tpu.memref_slice %arg10[%dma_wait3A_471, %dma_wait3A_472] : memref<10240x128xf32, #tpu.memory_space<vmem_shared>> -> memref<10240x128xf32, #tpu.memory_space<vmem_shared>>
        tpu.wait_indirect_dma semaphore(%run_scoped3A_453 : memref<!tpu.dma_semaphore, #tpu.memory_space<semaphore_mem>>) src(%dma_wait3A_467 : memref<128x128xf32, #tpu.memory_space<vmem>>) dst(%dma_wait3A_473 : memref<10240x128xf32, #tpu.memory_space<vmem_shared>>)
        tpu.yield
      }) : () -> ()
      %dma_wait3A_432 = arith.constant 15 : i32
      %dma_wait3A_433 = arith.constant 1 : i32
      %dma_wait3A_434 = arith.constant 0 : i32
      %dma_wait3A_435 = arith.constant 0 : i32
      %dma_wait3A_436 = tpu.memref_slice %arg9[%dma_wait3A_433, %dma_wait3A_434, %dma_wait3A_435] : memref<2x128x128xf32, #tpu.memory_space<vmem>> -> memref<1x128x128xf32, #tpu.memory_space<vmem>>
      %dma_wait3A_437 = tpu.memref_squeeze %dma_wait3A_436 : memref<1x128x128xf32, #tpu.memory_space<vmem>> -> memref<128x128xf32, #tpu.memory_space<vmem>>
      %dma_wait3A_438 = arith.constant 0 : i32
      %dma_wait3A_439 = tpu.memref_slice %arg7[%select_n3A_37, %dma_wait3A_432, %dma_wait3A_438] : memref<2x16x128xi32, #tpu.memory_space<vmem>> -> memref<1x1x128xi32, #tpu.memory_space<vmem>>
      %dma_wait3A_440 = tpu.memref_squeeze %dma_wait3A_439 : memref<1x1x128xi32, #tpu.memory_space<vmem>> -> memref<128xi32, #tpu.memory_space<vmem>>
      %dma_wait3A_441 = arith.constant 0 : i32
      %dma_wait3A_442 = arith.constant 0 : i32
      %dma_wait3A_443 = tpu.memref_slice %arg2[%dma_wait3A_441, %dma_wait3A_442] : memref<10000x128xf32, #tpu.memory_space<hbm>> -> memref<10000x128xf32, #tpu.memory_space<hbm>>
      tpu.wait_indirect_dma semaphore(%arg12 : memref<!tpu.dma_semaphore, #tpu.memory_space<semaphore_mem>>) src(%dma_wait3A_443 : memref<10000x128xf32, #tpu.memory_space<hbm>>) dst(%dma_wait3A_437 : memref<128x128xf32, #tpu.memory_space<vmem>>)
      %add3A_444 = arith.constant 1 : i32
      %add3A_445 = arith.addi %scan3A_28, %add3A_444 : i32
      %lt3A_446 = arith.constant 5 : i32
      %lt3A_447 = arith.cmpi slt, %add3A_445, %lt3A_446 : i32
      %convert_element_type3A_448 = arith.extui %lt3A_447 : i1 to i32
      %cond3A_449 = arith.constant 0 : i32
      %cond3A_450 = arith.cmpi ne, %convert_element_type3A_448, %cond3A_449 : i32
      scf.if %cond3A_450 {
        %sub3A = arith.constant 1 : i32
        %sub3A_453 = arith.subi %sub3A, %select_n3A_37 : i32
        %dma_start3A_454 = arith.constant 0 : i32
        %dma_start3A_455 = arith.constant 0 : i32
        %dma_start3A_456 = arith.constant 0 : i32
        %dma_start3A_457 = arith.constant 0 : i32
        %dma_start3A_458 = tpu.memref_slice %arg9[%dma_start3A_455, %dma_start3A_456, %dma_start3A_457] : memref<2x128x128xf32, #tpu.memory_space<vmem>> -> memref<1x128x128xf32, #tpu.memory_space<vmem>>
        %dma_start3A_459 = tpu.memref_squeeze %dma_start3A_458 : memref<1x128x128xf32, #tpu.memory_space<vmem>> -> memref<128x128xf32, #tpu.memory_space<vmem>>
        %dma_start3A_460 = arith.constant 0 : i32
        %dma_start3A_461 = tpu.memref_slice %arg7[%sub3A_453, %dma_start3A_454, %dma_start3A_460] : memref<2x16x128xi32, #tpu.memory_space<vmem>> -> memref<1x1x128xi32, #tpu.memory_space<vmem>>
        %dma_start3A_462 = tpu.memref_squeeze %dma_start3A_461 : memref<1x1x128xi32, #tpu.memory_space<vmem>> -> memref<128xi32, #tpu.memory_space<vmem>>
        %dma_start3A_463 = arith.constant 0 : i32
        %dma_start3A_464 = arith.constant 0 : i32
        %dma_start3A_465 = tpu.memref_slice %arg2[%dma_start3A_463, %dma_start3A_464] : memref<10000x128xf32, #tpu.memory_space<hbm>> -> memref<10000x128xf32, #tpu.memory_space<hbm>>
        tpu.enqueue_indirect_dma source(%dma_start3A_465 : memref<10000x128xf32, #tpu.memory_space<hbm>>) target(%dma_start3A_459 : memref<128x128xf32, #tpu.memory_space<vmem>>) offsets(%dma_start3A_462 : memref<128xi32, #tpu.memory_space<vmem>>) semaphore(%arg11 : memref<!tpu.dma_semaphore, #tpu.memory_space<semaphore_mem>>)
      } else {
      }
      %run_scoped3A_451 = arith.constant 1 : i32
      %run_scoped3A_452 = arith.constant 15 : i32
      "tpu.region"() ({
        %run_scoped3A_453 = tpu.sem_alloc : memref<!tpu.dma_semaphore, #tpu.memory_space<semaphore_mem>>
        %dma_start3A_454 = arith.constant 0 : i32
        %dma_start3A_455 = arith.constant 0 : i32
        %dma_start3A_456 = tpu.memref_slice %arg9[%run_scoped3A_451, %dma_start3A_454, %dma_start3A_455] : memref<2x128x128xf32, #tpu.memory_space<vmem>> -> memref<1x128x128xf32, #tpu.memory_space<vmem>>
        %dma_start3A_457 = tpu.memref_squeeze %dma_start3A_456 : memref<1x128x128xf32, #tpu.memory_space<vmem>> -> memref<128x128xf32, #tpu.memory_space<vmem>>
        %dma_start3A_458 = arith.constant 0 : i32
        %dma_start3A_459 = tpu.memref_slice %arg8[%select_n3A_37, %run_scoped3A_452, %dma_start3A_458] : memref<2x16x128xi32, #tpu.memory_space<vmem>> -> memref<1x1x128xi32, #tpu.memory_space<vmem>>
        %dma_start3A_460 = tpu.memref_squeeze %dma_start3A_459 : memref<1x1x128xi32, #tpu.memory_space<vmem>> -> memref<128xi32, #tpu.memory_space<vmem>>
        %dma_start3A_461 = arith.constant 0 : i32
        %dma_start3A_462 = arith.constant 0 : i32
        %dma_start3A_463 = tpu.memref_slice %arg10[%dma_start3A_461, %dma_start3A_462] : memref<10240x128xf32, #tpu.memory_space<vmem_shared>> -> memref<10240x128xf32, #tpu.memory_space<vmem_shared>>
        tpu.enqueue_indirect_dma source(%dma_start3A_457 : memref<128x128xf32, #tpu.memory_space<vmem>>) target(%dma_start3A_463 : memref<10240x128xf32, #tpu.memory_space<vmem_shared>>) offsets(%dma_start3A_460 : memref<128xi32, #tpu.memory_space<vmem>>) semaphore(%run_scoped3A_453 : memref<!tpu.dma_semaphore, #tpu.memory_space<semaphore_mem>>) {add = true}
        %dma_wait3A_464 = arith.constant 0 : i32
        %dma_wait3A_465 = arith.constant 0 : i32
        %dma_wait3A_466 = tpu.memref_slice %arg9[%run_scoped3A_451, %dma_wait3A_464, %dma_wait3A_465] : memref<2x128x128xf32, #tpu.memory_space<vmem>> -> memref<1x128x128xf32, #tpu.memory_space<vmem>>
        %dma_wait3A_467 = tpu.memref_squeeze %dma_wait3A_466 : memref<1x128x128xf32, #tpu.memory_space<vmem>> -> memref<128x128xf32, #tpu.memory_space<vmem>>
        %dma_wait3A_468 = arith.constant 0 : i32
        %dma_wait3A_469 = tpu.memref_slice %arg8[%select_n3A_37, %run_scoped3A_452, %dma_wait3A_468] : memref<2x16x128xi32, #tpu.memory_space<vmem>> -> memref<1x1x128xi32, #tpu.memory_space<vmem>>
        %dma_wait3A_470 = tpu.memref_squeeze %dma_wait3A_469 : memref<1x1x128xi32, #tpu.memory_space<vmem>> -> memref<128xi32, #tpu.memory_space<vmem>>
        %dma_wait3A_471 = arith.constant 0 : i32
        %dma_wait3A_472 = arith.constant 0 : i32
        %dma_wait3A_473 = tpu.memref_slice %arg10[%dma_wait3A_471, %dma_wait3A_472] : memref<10240x128xf32, #tpu.memory_space<vmem_shared>> -> memref<10240x128xf32, #tpu.memory_space<vmem_shared>>
        tpu.wait_indirect_dma semaphore(%run_scoped3A_453 : memref<!tpu.dma_semaphore, #tpu.memory_space<semaphore_mem>>) src(%dma_wait3A_467 : memref<128x128xf32, #tpu.memory_space<vmem>>) dst(%dma_wait3A_473 : memref<10240x128xf32, #tpu.memory_space<vmem_shared>>)
        tpu.yield
      }) : () -> ()
    }
    %scan3A_22 = arith.constant 5 : i32
    %barrier3A_23 = arith.constant 0 : index
    tpu.barrier barrier_id(%barrier3A_23)
    %mul3A_24 = arith.constant 640 : i32
    %mul3A_25 = arith.muli %arg1, %mul3A_24 : i32
    %mul3A_26 = arith.constant 640 : i32
    %mul3A_27 = arith.muli %arg1, %mul3A_26 : i32
    "tpu.region"() ({
      %run_scoped3A_28 = tpu.sem_alloc : memref<!tpu.dma_semaphore, #tpu.memory_space<semaphore_mem>>
      %dma_start3A_29 = arith.constant 0 : i32
      %dma_start3A_30 = tpu.memref_slice %arg6[%arg0, %mul3A_27, %dma_start3A_29] : memref<2x10240x128xf32, #tpu.memory_space<hbm>> -> memref<1x640x128xf32, #tpu.memory_space<hbm>>
      %dma_start3A_31 = tpu.memref_squeeze %dma_start3A_30 : memref<1x640x128xf32, #tpu.memory_space<hbm>> -> memref<640x128xf32, #tpu.memory_space<hbm>>
      %dma_start3A_32 = arith.constant 0 : i32
      %dma_start3A_33 = tpu.memref_slice %arg10[%mul3A_25, %dma_start3A_32] : memref<10240x128xf32, #tpu.memory_space<vmem_shared>> -> memref<640x128xf32, #tpu.memory_space<vmem_shared>>
      tpu.enqueue_dma source(%dma_start3A_33 : memref<640x128xf32, #tpu.memory_space<vmem_shared>>) target(%dma_start3A_31 : memref<640x128xf32, #tpu.memory_space<hbm>>) target_semaphore(%run_scoped3A_28 : memref<!tpu.dma_semaphore, #tpu.memory_space<semaphore_mem>>)
      %dma_wait3A = arith.constant 0 : i32
      %dma_wait3A_34 = tpu.memref_slice %arg6[%arg0, %mul3A_27, %dma_wait3A] : memref<2x10240x128xf32, #tpu.memory_space<hbm>> -> memref<1x640x128xf32, #tpu.memory_space<hbm>>
      %dma_wait3A_35 = tpu.memref_squeeze %dma_wait3A_34 : memref<1x640x128xf32, #tpu.memory_space<hbm>> -> memref<640x128xf32, #tpu.memory_space<hbm>>
      %dma_wait3A_36 = arith.constant 0 : i32
      %dma_wait3A_37 = tpu.memref_slice %arg10[%mul3A_25, %dma_wait3A_36] : memref<10240x128xf32, #tpu.memory_space<vmem_shared>> -> memref<640x128xf32, #tpu.memory_space<vmem_shared>>
      tpu.wait_dma2 semaphore(%run_scoped3A_28 : memref<!tpu.dma_semaphore, #tpu.memory_space<semaphore_mem>>) src(%dma_wait3A_37 : memref<640x128xf32, #tpu.memory_space<vmem_shared>>) dst(%dma_wait3A_35 : memref<640x128xf32, #tpu.memory_space<hbm>>)
      tpu.yield
    }) : () -> ()
    return
  }
}

#map = affine_map<(d0, d1) -> (0, 0)>
#map1 = affine_map<(d0, d1) -> (0, 0, 0)>
module attributes {stable_mosaic.version = 14 : i64} {
  func.func @run(%arg0: i32, %arg1: i32, %arg2: memref<10000x128xf32, #tpu.memory_space<hbm>>, %arg3: memref<32x80x128xi32, #tpu.memory_space<hbm>>, %arg4: memref<32x80x128xi32, #tpu.memory_space<hbm>>, %arg5: memref<10240x128xf32, #tpu.memory_space<hbm>>, %arg6: memref<2x10240x128xf32, #tpu.memory_space<hbm>>, %arg7: memref<2x16x128xi32, #tpu.memory_space<vmem>>, %arg8: memref<2x16x128xi32, #tpu.memory_space<vmem>>, %arg9: memref<2x128x128xf32, #tpu.memory_space<vmem>>, %arg10: memref<10240x128xf32, #tpu.memory_space<vmem_shared>>, %arg11: memref<!tpu.dma_semaphore, #tpu.memory_space<semaphore_mem>>, %arg12: memref<!tpu.dma_semaphore, #tpu.memory_space<semaphore_mem>>) attributes {dimension_semantics = [#tpu.dimension_semantics<core_parallel>, #tpu.dimension_semantics<subcore_parallel>], iteration_bounds = array<i64: 2, 16>, scalar_prefetch = 0 : i64, scratch_operands = 6 : i64, tpu.core_type = #tpu.core_type<sc_vector_subcore>, window_params = [{transform_indices = #map}, {transform_indices = #map1}, {transform_indices = #map1}, {transform_indices = #map}, {transform_indices = #map1}]} {
    %mul3A = arith.constant 2 : i32
    %mul3A_0 = arith.muli %arg1, %mul3A : i32
    %add3A = arith.addi %mul3A_0, %arg0 : i32
    %mul3A_1 = arith.constant 640 : i32
    %mul3A_2 = arith.muli %arg1, %mul3A_1 : i32
    %mul3A_3 = arith.constant 640 : i32
    %mul3A_4 = arith.muli %arg1, %mul3A_3 : i32
    "tpu.region"() ({
      %run_scoped3A_28 = tpu.sem_alloc : memref<!tpu.dma_semaphore, #tpu.memory_space<semaphore_mem>>
      %dma_start3A_29 = arith.constant 0 : i32
      %dma_start3A_30 = tpu.memref_slice %arg10[%mul3A_4, %dma_start3A_29] : memref<10240x128xf32, #tpu.memory_space<vmem_shared>> -> memref<640x128xf32, #tpu.memory_space<vmem_shared>>
      %dma_start3A_31 = arith.constant 0 : i32
      %dma_start3A_32 = tpu.memref_slice %arg5[%mul3A_2, %dma_start3A_31] : memref<10240x128xf32, #tpu.memory_space<hbm>> -> memref<640x128xf32, #tpu.memory_space<hbm>>
      tpu.enqueue_dma source(%dma_start3A_32 : memref<640x128xf32, #tpu.memory_space<hbm>>) target(%dma_start3A_30 : memref<640x128xf32, #tpu.memory_space<vmem_shared>>) target_semaphore(%run_scoped3A_28 : memref<!tpu.dma_semaphore, #tpu.memory_space<semaphore_mem>>)
      %dma_wait3A = arith.constant 0 : i32
      %dma_wait3A_33 = tpu.memref_slice %arg10[%mul3A_4, %dma_wait3A] : memref<10240x128xf32, #tpu.memory_space<vmem_shared>> -> memref<640x128xf32, #tpu.memory_space<vmem_shared>>
      %dma_wait3A_34 = arith.constant 0 : i32
      %dma_wait3A_35 = tpu.memref_slice %arg5[%mul3A_2, %dma_wait3A_34] : memref<10240x128xf32, #tpu.memory_space<hbm>> -> memref<640x128xf32, #tpu.memory_space<hbm>>
      tpu.wait_dma2 semaphore(%run_scoped3A_28 : memref<!tpu.dma_semaphore, #tpu.memory_space<semaphore_mem>>) src(%dma_wait3A_35 : memref<640x128xf32, #tpu.memory_space<hbm>>) dst(%dma_wait3A_33 : memref<640x128xf32, #tpu.memory_space<vmem_shared>>)
      tpu.yield
    }) : () -> ()
    %barrier3A = arith.constant 0 : index
    tpu.barrier barrier_id(%barrier3A)
    %run_scoped3A = arith.constant 0 : i32
    "tpu.region"() ({
      %run_scoped3A_28 = tpu.sem_alloc : memref<!tpu.dma_semaphore, #tpu.memory_space<semaphore_mem>>
      %dma_start3A_29 = arith.constant 0 : i32
      %dma_start3A_30 = arith.constant 0 : i32
      %dma_start3A_31 = tpu.memref_slice %arg7[%run_scoped3A, %dma_start3A_29, %dma_start3A_30] : memref<2x16x128xi32, #tpu.memory_space<vmem>> -> memref<1x16x128xi32, #tpu.memory_space<vmem>>
      %dma_start3A_32 = tpu.memref_squeeze %dma_start3A_31 : memref<1x16x128xi32, #tpu.memory_space<vmem>> -> memref<16x128xi32, #tpu.memory_space<vmem>>
      %dma_start3A_33 = arith.constant 0 : i32
      %dma_start3A_34 = arith.constant 0 : i32
      %dma_start3A_35 = tpu.memref_slice %arg3[%add3A, %dma_start3A_33, %dma_start3A_34] : memref<32x80x128xi32, #tpu.memory_space<hbm>> -> memref<1x16x128xi32, #tpu.memory_space<hbm>>
      %dma_start3A_36 = tpu.memref_squeeze %dma_start3A_35 : memref<1x16x128xi32, #tpu.memory_space<hbm>> -> memref<16x128xi32, #tpu.memory_space<hbm>>
      %dma_start3A_37 = arith.constant 0 : i32
      %dma_start3A_38 = arith.constant 0 : i32
      %dma_start3A_39 = tpu.memref_slice %arg7[%run_scoped3A, %dma_start3A_37, %dma_start3A_38] : memref<2x16x128xi32, #tpu.memory_space<vmem>> -> memref<1x16x128xi32, #tpu.memory_space<vmem>>
      %dma_start3A_40 = tpu.memref_squeeze %dma_start3A_39 : memref<1x16x128xi32, #tpu.memory_space<vmem>> -> memref<16x128xi32, #tpu.memory_space<vmem>>
      %dma_start3A_41 = arith.constant 0 : i32
      %dma_start3A_42 = arith.constant 0 : i32
      %dma_start3A_43 = tpu.memref_slice %arg3[%add3A, %dma_start3A_41, %dma_start3A_42] : memref<32x80x128xi32, #tpu.memory_space<hbm>> -> memref<1x16x128xi32, #tpu.memory_space<hbm>>
      %dma_start3A_44 = tpu.memref_squeeze %dma_start3A_43 : memref<1x16x128xi32, #tpu.memory_space<hbm>> -> memref<16x128xi32, #tpu.memory_space<hbm>>
      tpu.enqueue_dma source(%dma_start3A_44 : memref<16x128xi32, #tpu.memory_space<hbm>>) target(%dma_start3A_40 : memref<16x128xi32, #tpu.memory_space<vmem>>) target_semaphore(%run_scoped3A_28 : memref<!tpu.dma_semaphore, #tpu.memory_space<semaphore_mem>>)
      %dma_wait3A = arith.constant 0 : i32
      %dma_wait3A_45 = arith.constant 0 : i32
      %dma_wait3A_46 = tpu.memref_slice %arg7[%run_scoped3A, %dma_wait3A, %dma_wait3A_45] : memref<2x16x128xi32, #tpu.memory_space<vmem>> -> memref<1x16x128xi32, #tpu.memory_space<vmem>>
      %dma_wait3A_47 = tpu.memref_squeeze %dma_wait3A_46 : memref<1x16x128xi32, #tpu.memory_space<vmem>> -> memref<16x128xi32, #tpu.memory_space<vmem>>
      %dma_wait3A_48 = arith.constant 0 : i32
      %dma_wait3A_49 = arith.constant 0 : i32
      %dma_wait3A_50 = tpu.memref_slice %arg3[%add3A, %dma_wait3A_48, %dma_wait3A_49] : memref<32x80x128xi32, #tpu.memory_space<hbm>> -> memref<1x16x128xi32, #tpu.memory_space<hbm>>
      %dma_wait3A_51 = tpu.memref_squeeze %dma_wait3A_50 : memref<1x16x128xi32, #tpu.memory_space<hbm>> -> memref<16x128xi32, #tpu.memory_space<hbm>>
      %dma_wait3A_52 = arith.constant 0 : i32
      %dma_wait3A_53 = arith.constant 0 : i32
      %dma_wait3A_54 = tpu.memref_slice %arg7[%run_scoped3A, %dma_wait3A_52, %dma_wait3A_53] : memref<2x16x128xi32, #tpu.memory_space<vmem>> -> memref<1x16x128xi32, #tpu.memory_space<vmem>>
      %dma_wait3A_55 = tpu.memref_squeeze %dma_wait3A_54 : memref<1x16x128xi32, #tpu.memory_space<vmem>> -> memref<16x128xi32, #tpu.memory_space<vmem>>
      %dma_wait3A_56 = arith.constant 0 : i32
      %dma_wait3A_57 = arith.constant 0 : i32
      %dma_wait3A_58 = tpu.memref_slice %arg3[%add3A, %dma_wait3A_56, %dma_wait3A_57] : memref<32x80x128xi32, #tpu.memory_space<hbm>> -> memref<1x16x128xi32, #tpu.memory_space<hbm>>
      %dma_wait3A_59 = tpu.memref_squeeze %dma_wait3A_58 : memref<1x16x128xi32, #tpu.memory_space<hbm>> -> memref<16x128xi32, #tpu.memory_space<hbm>>
      tpu.wait_dma2 semaphore(%run_scoped3A_28 : memref<!tpu.dma_semaphore, #tpu.memory_space<semaphore_mem>>) src(%dma_wait3A_59 : memref<16x128xi32, #tpu.memory_space<hbm>>) dst(%dma_wait3A_55 : memref<16x128xi32, #tpu.memory_space<vmem>>)
      tpu.yield
    }) : () -> ()
    %run_scoped3A_5 = arith.constant 0 : i32
    "tpu.region"() ({
      %run_scoped3A_28 = tpu.sem_alloc : memref<!tpu.dma_semaphore, #tpu.memory_space<semaphore_mem>>
      %dma_start3A_29 = arith.constant 0 : i32
      %dma_start3A_30 = arith.constant 0 : i32
      %dma_start3A_31 = tpu.memref_slice %arg8[%run_scoped3A_5, %dma_start3A_29, %dma_start3A_30] : memref<2x16x128xi32, #tpu.memory_space<vmem>> -> memref<1x16x128xi32, #tpu.memory_space<vmem>>
      %dma_start3A_32 = tpu.memref_squeeze %dma_start3A_31 : memref<1x16x128xi32, #tpu.memory_space<vmem>> -> memref<16x128xi32, #tpu.memory_space<vmem>>
      %dma_start3A_33 = arith.constant 0 : i32
      %dma_start3A_34 = arith.constant 0 : i32
      %dma_start3A_35 = tpu.memref_slice %arg4[%add3A, %dma_start3A_33, %dma_start3A_34] : memref<32x80x128xi32, #tpu.memory_space<hbm>> -> memref<1x16x128xi32, #tpu.memory_space<hbm>>
      %dma_start3A_36 = tpu.memref_squeeze %dma_start3A_35 : memref<1x16x128xi32, #tpu.memory_space<hbm>> -> memref<16x128xi32, #tpu.memory_space<hbm>>
      %dma_start3A_37 = arith.constant 0 : i32
      %dma_start3A_38 = arith.constant 0 : i32
      %dma_start3A_39 = tpu.memref_slice %arg8[%run_scoped3A_5, %dma_start3A_37, %dma_start3A_38] : memref<2x16x128xi32, #tpu.memory_space<vmem>> -> memref<1x16x128xi32, #tpu.memory_space<vmem>>
      %dma_start3A_40 = tpu.memref_squeeze %dma_start3A_39 : memref<1x16x128xi32, #tpu.memory_space<vmem>> -> memref<16x128xi32, #tpu.memory_space<vmem>>
      %dma_start3A_41 = arith.constant 0 : i32
      %dma_start3A_42 = arith.constant 0 : i32
      %dma_start3A_43 = tpu.memref_slice %arg4[%add3A, %dma_start3A_41, %dma_start3A_42] : memref<32x80x128xi32, #tpu.memory_space<hbm>> -> memref<1x16x128xi32, #tpu.memory_space<hbm>>
      %dma_start3A_44 = tpu.memref_squeeze %dma_start3A_43 : memref<1x16x128xi32, #tpu.memory_space<hbm>> -> memref<16x128xi32, #tpu.memory_space<hbm>>
      tpu.enqueue_dma source(%dma_start3A_44 : memref<16x128xi32, #tpu.memory_space<hbm>>) target(%dma_start3A_40 : memref<16x128xi32, #tpu.memory_space<vmem>>) target_semaphore(%run_scoped3A_28 : memref<!tpu.dma_semaphore, #tpu.memory_space<semaphore_mem>>)
      %dma_wait3A = arith.constant 0 : i32
      %dma_wait3A_45 = arith.constant 0 : i32
      %dma_wait3A_46 = tpu.memref_slice %arg8[%run_scoped3A_5, %dma_wait3A, %dma_wait3A_45] : memref<2x16x128xi32, #tpu.memory_space<vmem>> -> memref<1x16x128xi32, #tpu.memory_space<vmem>>
      %dma_wait3A_47 = tpu.memref_squeeze %dma_wait3A_46 : memref<1x16x128xi32, #tpu.memory_space<vmem>> -> memref<16x128xi32, #tpu.memory_space<vmem>>
      %dma_wait3A_48 = arith.constant 0 : i32
      %dma_wait3A_49 = arith.constant 0 : i32
      %dma_wait3A_50 = tpu.memref_slice %arg4[%add3A, %dma_wait3A_48, %dma_wait3A_49] : memref<32x80x128xi32, #tpu.memory_space<hbm>> -> memref<1x16x128xi32, #tpu.memory_space<hbm>>
      %dma_wait3A_51 = tpu.memref_squeeze %dma_wait3A_50 : memref<1x16x128xi32, #tpu.memory_space<hbm>> -> memref<16x128xi32, #tpu.memory_space<hbm>>
      %dma_wait3A_52 = arith.constant 0 : i32
      %dma_wait3A_53 = arith.constant 0 : i32
      %dma_wait3A_54 = tpu.memref_slice %arg8[%run_scoped3A_5, %dma_wait3A_52, %dma_wait3A_53] : memref<2x16x128xi32, #tpu.memory_space<vmem>> -> memref<1x16x128xi32, #tpu.memory_space<vmem>>
      %dma_wait3A_55 = tpu.memref_squeeze %dma_wait3A_54 : memref<1x16x128xi32, #tpu.memory_space<vmem>> -> memref<16x128xi32, #tpu.memory_space<vmem>>
      %dma_wait3A_56 = arith.constant 0 : i32
      %dma_wait3A_57 = arith.constant 0 : i32
      %dma_wait3A_58 = tpu.memref_slice %arg4[%add3A, %dma_wait3A_56, %dma_wait3A_57] : memref<32x80x128xi32, #tpu.memory_space<hbm>> -> memref<1x16x128xi32, #tpu.memory_space<hbm>>
      %dma_wait3A_59 = tpu.memref_squeeze %dma_wait3A_58 : memref<1x16x128xi32, #tpu.memory_space<hbm>> -> memref<16x128xi32, #tpu.memory_space<hbm>>
      tpu.wait_dma2 semaphore(%run_scoped3A_28 : memref<!tpu.dma_semaphore, #tpu.memory_space<semaphore_mem>>) src(%dma_wait3A_59 : memref<16x128xi32, #tpu.memory_space<hbm>>) dst(%dma_wait3A_55 : memref<16x128xi32, #tpu.memory_space<vmem>>)
      tpu.yield
    }) : () -> ()
    %dma_start3A = arith.constant 0 : i32
    %dma_start3A_6 = arith.constant 0 : i32
    %dma_start3A_7 = arith.constant 0 : i32
    %dma_start3A_8 = arith.constant 0 : i32
    %dma_start3A_9 = arith.constant 0 : i32
    %dma_start3A_10 = tpu.memref_slice %arg9[%dma_start3A_7, %dma_start3A_8, %dma_start3A_9] : memref<2x128x128xf32, #tpu.memory_space<vmem>> -> memref<1x128x128xf32, #tpu.memory_space<vmem>>
    %dma_start3A_11 = tpu.memref_squeeze %dma_start3A_10 : memref<1x128x128xf32, #tpu.memory_space<vmem>> -> memref<128x128xf32, #tpu.memory_space<vmem>>
    %dma_start3A_12 = arith.constant 0 : i32
    %dma_start3A_13 = tpu.memref_slice %arg7[%dma_start3A, %dma_start3A_6, %dma_start3A_12] : memref<2x16x128xi32, #tpu.memory_space<vmem>> -> memref<1x1x128xi32, #tpu.memory_space<vmem>>
    %dma_start3A_14 = tpu.memref_squeeze %dma_start3A_13 : memref<1x1x128xi32, #tpu.memory_space<vmem>> -> memref<128xi32, #tpu.memory_space<vmem>>
    %dma_start3A_15 = arith.constant 0 : i32
    %dma_start3A_16 = arith.constant 0 : i32
    %dma_start3A_17 = tpu.memref_slice %arg2[%dma_start3A_15, %dma_start3A_16] : memref<10000x128xf32, #tpu.memory_space<hbm>> -> memref<10000x128xf32, #tpu.memory_space<hbm>>
    tpu.enqueue_indirect_dma source(%dma_start3A_17 : memref<10000x128xf32, #tpu.memory_space<hbm>>) target(%dma_start3A_11 : memref<128x128xf32, #tpu.memory_space<vmem>>) offsets(%dma_start3A_14 : memref<128xi32, #tpu.memory_space<vmem>>) semaphore(%arg11 : memref<!tpu.dma_semaphore, #tpu.memory_space<semaphore_mem>>)
    %scan3A = arith.constant 0 : i32
    %scan3A_18 = arith.constant 0 : i32
    %scan3A_19 = arith.constant 5 : i32
    %scan3A_20 = arith.addi %scan3A_18, %scan3A_19 : i32
    %scan3A_21 = arith.constant 1 : i32
    scf.for %scan3A_28 = %scan3A_18 to %scan3A_20 step %scan3A_21  : i32 {
      %jit3A = arith.constant 2 : i32
      %eq3A = arith.constant 0 : i32
      %eq3A_29 = arith.cmpi eq, %jit3A, %eq3A : i32
      %jit3A_30 = arith.constant 1 : i32
      %select_n3A = arith.select %eq3A_29, %jit3A_30, %jit3A : i32
      %rem3A = arith.remsi %scan3A_28, %select_n3A : i32
      %ne3A = arith.constant 0 : i32
      %ne3A_31 = arith.cmpi ne, %rem3A, %ne3A : i32
      %lt3A = arith.constant 0 : i32
      %lt3A_32 = arith.cmpi slt, %rem3A, %lt3A : i32
      %lt3A_33 = arith.constant 0 : i32
      %lt3A_34 = arith.cmpi slt, %select_n3A, %lt3A_33 : i32
      %ne3A_35 = arith.xori %lt3A_32, %lt3A_34 : i1
      %and3A = arith.andi %ne3A_35, %ne3A_31 : i1
      %add3A_36 = arith.addi %rem3A, %select_n3A : i32
      %select_n3A_37 = arith.select %and3A, %add3A_36, %rem3A : i32
      %add3A_38 = arith.constant 1 : i32
      %add3A_39 = arith.addi %scan3A_28, %add3A_38 : i32
      %lt3A_40 = arith.constant 5 : i32
      %lt3A_41 = arith.cmpi slt, %add3A_39, %lt3A_40 : i32
      %convert_element_type3A = arith.extui %lt3A_41 : i1 to i32
      %cond3A = arith.constant 0 : i32
      %cond3A_42 = arith.cmpi ne, %convert_element_type3A, %cond3A : i32
      scf.if %cond3A_42 {
        %add3A_453 = arith.constant 1 : i32
        %add3A_454 = arith.addi %scan3A_28, %add3A_453 : i32
        %mul3A_455 = arith.constant 16 : i32
        %mul3A_456 = arith.muli %add3A_454, %mul3A_455 : i32
        %sub3A = arith.constant 1 : i32
        %sub3A_457 = arith.subi %sub3A, %select_n3A_37 : i32
        "tpu.region"() ({
          %run_scoped3A_464 = tpu.sem_alloc : memref<!tpu.dma_semaphore, #tpu.memory_space<semaphore_mem>>
          %dma_start3A_465 = arith.constant 0 : i32
          %dma_start3A_466 = arith.constant 0 : i32
          %dma_start3A_467 = tpu.memref_slice %arg7[%sub3A_457, %dma_start3A_465, %dma_start3A_466] : memref<2x16x128xi32, #tpu.memory_space<vmem>> -> memref<1x16x128xi32, #tpu.memory_space<vmem>>
          %dma_start3A_468 = tpu.memref_squeeze %dma_start3A_467 : memref<1x16x128xi32, #tpu.memory_space<vmem>> -> memref<16x128xi32, #tpu.memory_space<vmem>>
          %dma_start3A_469 = arith.constant 0 : i32
          %dma_start3A_470 = tpu.memref_slice %arg3[%add3A, %mul3A_456, %dma_start3A_469] : memref<32x80x128xi32, #tpu.memory_space<hbm>> -> memref<1x16x128xi32, #tpu.memory_space<hbm>>
          %dma_start3A_471 = tpu.memref_squeeze %dma_start3A_470 : memref<1x16x128xi32, #tpu.memory_space<hbm>> -> memref<16x128xi32, #tpu.memory_space<hbm>>
          %dma_start3A_472 = arith.constant 0 : i32
          %dma_start3A_473 = arith.constant 0 : i32
          %dma_start3A_474 = tpu.memref_slice %arg7[%sub3A_457, %dma_start3A_472, %dma_start3A_473] : memref<2x16x128xi32, #tpu.memory_space<vmem>> -> memref<1x16x128xi32, #tpu.memory_space<vmem>>
          %dma_start3A_475 = tpu.memref_squeeze %dma_start3A_474 : memref<1x16x128xi32, #tpu.memory_space<vmem>> -> memref<16x128xi32, #tpu.memory_space<vmem>>
          %dma_start3A_476 = arith.constant 0 : i32
          %dma_start3A_477 = tpu.memref_slice %arg3[%add3A, %mul3A_456, %dma_start3A_476] : memref<32x80x128xi32, #tpu.memory_space<hbm>> -> memref<1x16x128xi32, #tpu.memory_space<hbm>>
          %dma_start3A_478 = tpu.memref_squeeze %dma_start3A_477 : memref<1x16x128xi32, #tpu.memory_space<hbm>> -> memref<16x128xi32, #tpu.memory_space<hbm>>
          tpu.enqueue_dma source(%dma_start3A_478 : memref<16x128xi32, #tpu.memory_space<hbm>>) target(%dma_start3A_475 : memref<16x128xi32, #tpu.memory_space<vmem>>) target_semaphore(%run_scoped3A_464 : memref<!tpu.dma_semaphore, #tpu.memory_space<semaphore_mem>>)
          %dma_wait3A_479 = arith.constant 0 : i32
          %dma_wait3A_480 = arith.constant 0 : i32
          %dma_wait3A_481 = tpu.memref_slice %arg7[%sub3A_457, %dma_wait3A_479, %dma_wait3A_480] : memref<2x16x128xi32, #tpu.memory_space<vmem>> -> memref<1x16x128xi32, #tpu.memory_space<vmem>>
          %dma_wait3A_482 = tpu.memref_squeeze %dma_wait3A_481 : memref<1x16x128xi32, #tpu.memory_space<vmem>> -> memref<16x128xi32, #tpu.memory_space<vmem>>
          %dma_wait3A_483 = arith.constant 0 : i32
          %dma_wait3A_484 = tpu.memref_slice %arg3[%add3A, %mul3A_456, %dma_wait3A_483] : memref<32x80x128xi32, #tpu.memory_space<hbm>> -> memref<1x16x128xi32, #tpu.memory_space<hbm>>
          %dma_wait3A_485 = tpu.memref_squeeze %dma_wait3A_484 : memref<1x16x128xi32, #tpu.memory_space<hbm>> -> memref<16x128xi32, #tpu.memory_space<hbm>>
          %dma_wait3A_486 = arith.constant 0 : i32
          %dma_wait3A_487 = arith.constant 0 : i32
          %dma_wait3A_488 = tpu.memref_slice %arg7[%sub3A_457, %dma_wait3A_486, %dma_wait3A_487] : memref<2x16x128xi32, #tpu.memory_space<vmem>> -> memref<1x16x128xi32, #tpu.memory_space<vmem>>
          %dma_wait3A_489 = tpu.memref_squeeze %dma_wait3A_488 : memref<1x16x128xi32, #tpu.memory_space<vmem>> -> memref<16x128xi32, #tpu.memory_space<vmem>>
          %dma_wait3A_490 = arith.constant 0 : i32
          %dma_wait3A_491 = tpu.memref_slice %arg3[%add3A, %mul3A_456, %dma_wait3A_490] : memref<32x80x128xi32, #tpu.memory_space<hbm>> -> memref<1x16x128xi32, #tpu.memory_space<hbm>>
          %dma_wait3A_492 = tpu.memref_squeeze %dma_wait3A_491 : memref<1x16x128xi32, #tpu.memory_space<hbm>> -> memref<16x128xi32, #tpu.memory_space<hbm>>
          tpu.wait_dma2 semaphore(%run_scoped3A_464 : memref<!tpu.dma_semaphore, #tpu.memory_space<semaphore_mem>>) src(%dma_wait3A_492 : memref<16x128xi32, #tpu.memory_space<hbm>>) dst(%dma_wait3A_489 : memref<16x128xi32, #tpu.memory_space<vmem>>)
          tpu.yield
        }) : () -> ()
        %add3A_458 = arith.constant 1 : i32
        %add3A_459 = arith.addi %scan3A_28, %add3A_458 : i32
        %mul3A_460 = arith.constant 16 : i32
        %mul3A_461 = arith.muli %add3A_459, %mul3A_460 : i32
        %sub3A_462 = arith.constant 1 : i32
        %sub3A_463 = arith.subi %sub3A_462, %select_n3A_37 : i32
        "tpu.region"() ({
          %run_scoped3A_464 = tpu.sem_alloc : memref<!tpu.dma_semaphore, #tpu.memory_space<semaphore_mem>>
          %dma_start3A_465 = arith.constant 0 : i32
          %dma_start3A_466 = arith.constant 0 : i32
          %dma_start3A_467 = tpu.memref_slice %arg8[%sub3A_463, %dma_start3A_465, %dma_start3A_466] : memref<2x16x128xi32, #tpu.memory_space<vmem>> -> memref<1x16x128xi32, #tpu.memory_space<vmem>>
          %dma_start3A_468 = tpu.memref_squeeze %dma_start3A_467 : memref<1x16x128xi32, #tpu.memory_space<vmem>> -> memref<16x128xi32, #tpu.memory_space<vmem>>
          %dma_start3A_469 = arith.constant 0 : i32
          %dma_start3A_470 = tpu.memref_slice %arg4[%add3A, %mul3A_461, %dma_start3A_469] : memref<32x80x128xi32, #tpu.memory_space<hbm>> -> memref<1x16x128xi32, #tpu.memory_space<hbm>>
          %dma_start3A_471 = tpu.memref_squeeze %dma_start3A_470 : memref<1x16x128xi32, #tpu.memory_space<hbm>> -> memref<16x128xi32, #tpu.memory_space<hbm>>
          %dma_start3A_472 = arith.constant 0 : i32
          %dma_start3A_473 = arith.constant 0 : i32
          %dma_start3A_474 = tpu.memref_slice %arg8[%sub3A_463, %dma_start3A_472, %dma_start3A_473] : memref<2x16x128xi32, #tpu.memory_space<vmem>> -> memref<1x16x128xi32, #tpu.memory_space<vmem>>
          %dma_start3A_475 = tpu.memref_squeeze %dma_start3A_474 : memref<1x16x128xi32, #tpu.memory_space<vmem>> -> memref<16x128xi32, #tpu.memory_space<vmem>>
          %dma_start3A_476 = arith.constant 0 : i32
          %dma_start3A_477 = tpu.memref_slice %arg4[%add3A, %mul3A_461, %dma_start3A_476] : memref<32x80x128xi32, #tpu.memory_space<hbm>> -> memref<1x16x128xi32, #tpu.memory_space<hbm>>
          %dma_start3A_478 = tpu.memref_squeeze %dma_start3A_477 : memref<1x16x128xi32, #tpu.memory_space<hbm>> -> memref<16x128xi32, #tpu.memory_space<hbm>>
          tpu.enqueue_dma source(%dma_start3A_478 : memref<16x128xi32, #tpu.memory_space<hbm>>) target(%dma_start3A_475 : memref<16x128xi32, #tpu.memory_space<vmem>>) target_semaphore(%run_scoped3A_464 : memref<!tpu.dma_semaphore, #tpu.memory_space<semaphore_mem>>)
          %dma_wait3A_479 = arith.constant 0 : i32
          %dma_wait3A_480 = arith.constant 0 : i32
          %dma_wait3A_481 = tpu.memref_slice %arg8[%sub3A_463, %dma_wait3A_479, %dma_wait3A_480] : memref<2x16x128xi32, #tpu.memory_space<vmem>> -> memref<1x16x128xi32, #tpu.memory_space<vmem>>
          %dma_wait3A_482 = tpu.memref_squeeze %dma_wait3A_481 : memref<1x16x128xi32, #tpu.memory_space<vmem>> -> memref<16x128xi32, #tpu.memory_space<vmem>>
          %dma_wait3A_483 = arith.constant 0 : i32
          %dma_wait3A_484 = tpu.memref_slice %arg4[%add3A, %mul3A_461, %dma_wait3A_483] : memref<32x80x128xi32, #tpu.memory_space<hbm>> -> memref<1x16x128xi32, #tpu.memory_space<hbm>>
          %dma_wait3A_485 = tpu.memref_squeeze %dma_wait3A_484 : memref<1x16x128xi32, #tpu.memory_space<hbm>> -> memref<16x128xi32, #tpu.memory_space<hbm>>
          %dma_wait3A_486 = arith.constant 0 : i32
          %dma_wait3A_487 = arith.constant 0 : i32
          %dma_wait3A_488 = tpu.memref_slice %arg8[%sub3A_463, %dma_wait3A_486, %dma_wait3A_487] : memref<2x16x128xi32, #tpu.memory_space<vmem>> -> memref<1x16x128xi32, #tpu.memory_space<vmem>>
          %dma_wait3A_489 = tpu.memref_squeeze %dma_wait3A_488 : memref<1x16x128xi32, #tpu.memory_space<vmem>> -> memref<16x128xi32, #tpu.memory_space<vmem>>
          %dma_wait3A_490 = arith.constant 0 : i32
          %dma_wait3A_491 = tpu.memref_slice %arg4[%add3A, %mul3A_461, %dma_wait3A_490] : memref<32x80x128xi32, #tpu.memory_space<hbm>> -> memref<1x16x128xi32, #tpu.memory_space<hbm>>
          %dma_wait3A_492 = tpu.memref_squeeze %dma_wait3A_491 : memref<1x16x128xi32, #tpu.memory_space<hbm>> -> memref<16x128xi32, #tpu.memory_space<hbm>>
          tpu.wait_dma2 semaphore(%run_scoped3A_464 : memref<!tpu.dma_semaphore, #tpu.memory_space<semaphore_mem>>) src(%dma_wait3A_492 : memref<16x128xi32, #tpu.memory_space<hbm>>) dst(%dma_wait3A_489 : memref<16x128xi32, #tpu.memory_space<vmem>>)
          tpu.yield
        }) : () -> ()
      } else {
      }
      %dma_wait3A = arith.constant 0 : i32
      %dma_wait3A_43 = arith.constant 0 : i32
      %dma_wait3A_44 = arith.constant 0 : i32
      %dma_wait3A_45 = arith.constant 0 : i32
      %dma_wait3A_46 = tpu.memref_slice %arg9[%dma_wait3A_43, %dma_wait3A_44, %dma_wait3A_45] : memref<2x128x128xf32, #tpu.memory_space<vmem>> -> memref<1x128x128xf32, #tpu.memory_space<vmem>>
      %dma_wait3A_47 = tpu.memref_squeeze %dma_wait3A_46 : memref<1x128x128xf32, #tpu.memory_space<vmem>> -> memref<128x128xf32, #tpu.memory_space<vmem>>
      %dma_wait3A_48 = arith.constant 0 : i32
      %dma_wait3A_49 = tpu.memref_slice %arg7[%select_n3A_37, %dma_wait3A, %dma_wait3A_48] : memref<2x16x128xi32, #tpu.memory_space<vmem>> -> memref<1x1x128xi32, #tpu.memory_space<vmem>>
      %dma_wait3A_50 = tpu.memref_squeeze %dma_wait3A_49 : memref<1x1x128xi32, #tpu.memory_space<vmem>> -> memref<128xi32, #tpu.memory_space<vmem>>
      %dma_wait3A_51 = arith.constant 0 : i32
      %dma_wait3A_52 = arith.constant 0 : i32
      %dma_wait3A_53 = tpu.memref_slice %arg2[%dma_wait3A_51, %dma_wait3A_52] : memref<10000x128xf32, #tpu.memory_space<hbm>> -> memref<10000x128xf32, #tpu.memory_space<hbm>>
      tpu.wait_indirect_dma semaphore(%arg11 : memref<!tpu.dma_semaphore, #tpu.memory_space<semaphore_mem>>) src(%dma_wait3A_53 : memref<10000x128xf32, #tpu.memory_space<hbm>>) dst(%dma_wait3A_47 : memref<128x128xf32, #tpu.memory_space<vmem>>)
      %dma_start3A_54 = arith.constant 1 : i32
      %dma_start3A_55 = arith.constant 1 : i32
      %dma_start3A_56 = arith.constant 0 : i32
      %dma_start3A_57 = arith.constant 0 : i32
      %dma_start3A_58 = tpu.memref_slice %arg9[%dma_start3A_55, %dma_start3A_56, %dma_start3A_57] : memref<2x128x128xf32, #tpu.memory_space<vmem>> -> memref<1x128x128xf32, #tpu.memory_space<vmem>>
      %dma_start3A_59 = tpu.memref_squeeze %dma_start3A_58 : memref<1x128x128xf32, #tpu.memory_space<vmem>> -> memref<128x128xf32, #tpu.memory_space<vmem>>
      %dma_start3A_60 = arith.constant 0 : i32
      %dma_start3A_61 = tpu.memref_slice %arg7[%select_n3A_37, %dma_start3A_54, %dma_start3A_60] : memref<2x16x128xi32, #tpu.memory_space<vmem>> -> memref<1x1x128xi32, #tpu.memory_space<vmem>>
      %dma_start3A_62 = tpu.memref_squeeze %dma_start3A_61 : memref<1x1x128xi32, #tpu.memory_space<vmem>> -> memref<128xi32, #tpu.memory_space<vmem>>
      %dma_start3A_63 = arith.constant 0 : i32
      %dma_start3A_64 = arith.constant 0 : i32
      %dma_start3A_65 = tpu.memref_slice %arg2[%dma_start3A_63, %dma_start3A_64] : memref<10000x128xf32, #tpu.memory_space<hbm>> -> memref<10000x128xf32, #tpu.memory_space<hbm>>
      tpu.enqueue_indirect_dma source(%dma_start3A_65 : memref<10000x128xf32, #tpu.memory_space<hbm>>) target(%dma_start3A_59 : memref<128x128xf32, #tpu.memory_space<vmem>>) offsets(%dma_start3A_62 : memref<128xi32, #tpu.memory_space<vmem>>) semaphore(%arg12 : memref<!tpu.dma_semaphore, #tpu.memory_space<semaphore_mem>>)
      %run_scoped3A_66 = arith.constant 0 : i32
      %run_scoped3A_67 = arith.constant 0 : i32
      "tpu.region"() ({
        %run_scoped3A_453 = tpu.sem_alloc : memref<!tpu.dma_semaphore, #tpu.memory_space<semaphore_mem>>
        %dma_start3A_454 = arith.constant 0 : i32
        %dma_start3A_455 = arith.constant 0 : i32
        %dma_start3A_456 = tpu.memref_slice %arg9[%run_scoped3A_66, %dma_start3A_454, %dma_start3A_455] : memref<2x128x128xf32, #tpu.memory_space<vmem>> -> memref<1x128x128xf32, #tpu.memory_space<vmem>>
        %dma_start3A_457 = tpu.memref_squeeze %dma_start3A_456 : memref<1x128x128xf32, #tpu.memory_space<vmem>> -> memref<128x128xf32, #tpu.memory_space<vmem>>
        %dma_start3A_458 = arith.constant 0 : i32
        %dma_start3A_459 = tpu.memref_slice %arg8[%select_n3A_37, %run_scoped3A_67, %dma_start3A_458] : memref<2x16x128xi32, #tpu.memory_space<vmem>> -> memref<1x1x128xi32, #tpu.memory_space<vmem>>
        %dma_start3A_460 = tpu.memref_squeeze %dma_start3A_459 : memref<1x1x128xi32, #tpu.memory_space<vmem>> -> memref<128xi32, #tpu.memory_space<vmem>>
        %dma_start3A_461 = arith.constant 0 : i32
        %dma_start3A_462 = arith.constant 0 : i32
        %dma_start3A_463 = tpu.memref_slice %arg10[%dma_start3A_461, %dma_start3A_462] : memref<10240x128xf32, #tpu.memory_space<vmem_shared>> -> memref<10240x128xf32, #tpu.memory_space<vmem_shared>>
        tpu.enqueue_indirect_dma source(%dma_start3A_457 : memref<128x128xf32, #tpu.memory_space<vmem>>) target(%dma_start3A_463 : memref<10240x128xf32, #tpu.memory_space<vmem_shared>>) offsets(%dma_start3A_460 : memref<128xi32, #tpu.memory_space<vmem>>) semaphore(%run_scoped3A_453 : memref<!tpu.dma_semaphore, #tpu.memory_space<semaphore_mem>>) {add = true}
        %dma_wait3A_464 = arith.constant 0 : i32
        %dma_wait3A_465 = arith.constant 0 : i32
        %dma_wait3A_466 = tpu.memref_slice %arg9[%run_scoped3A_66, %dma_wait3A_464, %dma_wait3A_465] : memref<2x128x128xf32, #tpu.memory_space<vmem>> -> memref<1x128x128xf32, #tpu.memory_space<vmem>>
        %dma_wait3A_467 = tpu.memref_squeeze %dma_wait3A_466 : memref<1x128x128xf32, #tpu.memory_space<vmem>> -> memref<128x128xf32, #tpu.memory_space<vmem>>
        %dma_wait3A_468 = arith.constant 0 : i32
        %dma_wait3A_469 = tpu.memref_slice %arg8[%select_n3A_37, %run_scoped3A_67, %dma_wait3A_468] : memref<2x16x128xi32, #tpu.memory_space<vmem>> -> memref<1x1x128xi32, #tpu.memory_space<vmem>>
        %dma_wait3A_470 = tpu.memref_squeeze %dma_wait3A_469 : memref<1x1x128xi32, #tpu.memory_space<vmem>> -> memref<128xi32, #tpu.memory_space<vmem>>
        %dma_wait3A_471 = arith.constant 0 : i32
        %dma_wait3A_472 = arith.constant 0 : i32
        %dma_wait3A_473 = tpu.memref_slice %arg10[%dma_wait3A_471, %dma_wait3A_472] : memref<10240x128xf32, #tpu.memory_space<vmem_shared>> -> memref<10240x128xf32, #tpu.memory_space<vmem_shared>>
        tpu.wait_indirect_dma semaphore(%run_scoped3A_453 : memref<!tpu.dma_semaphore, #tpu.memory_space<semaphore_mem>>) src(%dma_wait3A_467 : memref<128x128xf32, #tpu.memory_space<vmem>>) dst(%dma_wait3A_473 : memref<10240x128xf32, #tpu.memory_space<vmem_shared>>)
        tpu.yield
      }) : () -> ()
      %dma_wait3A_68 = arith.constant 1 : i32
      %dma_wait3A_69 = arith.constant 1 : i32
      %dma_wait3A_70 = arith.constant 0 : i32
      %dma_wait3A_71 = arith.constant 0 : i32
      %dma_wait3A_72 = tpu.memref_slice %arg9[%dma_wait3A_69, %dma_wait3A_70, %dma_wait3A_71] : memref<2x128x128xf32, #tpu.memory_space<vmem>> -> memref<1x128x128xf32, #tpu.memory_space<vmem>>
      %dma_wait3A_73 = tpu.memref_squeeze %dma_wait3A_72 : memref<1x128x128xf32, #tpu.memory_space<vmem>> -> memref<128x128xf32, #tpu.memory_space<vmem>>
      %dma_wait3A_74 = arith.constant 0 : i32
      %dma_wait3A_75 = tpu.memref_slice %arg7[%select_n3A_37, %dma_wait3A_68, %dma_wait3A_74] : memref<2x16x128xi32, #tpu.memory_space<vmem>> -> memref<1x1x128xi32, #tpu.memory_space<vmem>>
      %dma_wait3A_76 = tpu.memref_squeeze %dma_wait3A_75 : memref<1x1x128xi32, #tpu.memory_space<vmem>> -> memref<128xi32, #tpu.memory_space<vmem>>
      %dma_wait3A_77 = arith.constant 0 : i32
      %dma_wait3A_78 = arith.constant 0 : i32
      %dma_wait3A_79 = tpu.memref_slice %arg2[%dma_wait3A_77, %dma_wait3A_78] : memref<10000x128xf32, #tpu.memory_space<hbm>> -> memref<10000x128xf32, #tpu.memory_space<hbm>>
      tpu.wait_indirect_dma semaphore(%arg12 : memref<!tpu.dma_semaphore, #tpu.memory_space<semaphore_mem>>) src(%dma_wait3A_79 : memref<10000x128xf32, #tpu.memory_space<hbm>>) dst(%dma_wait3A_73 : memref<128x128xf32, #tpu.memory_space<vmem>>)
      %dma_start3A_80 = arith.constant 2 : i32
      %dma_start3A_81 = arith.constant 0 : i32
      %dma_start3A_82 = arith.constant 0 : i32
      %dma_start3A_83 = arith.constant 0 : i32
      %dma_start3A_84 = tpu.memref_slice %arg9[%dma_start3A_81, %dma_start3A_82, %dma_start3A_83] : memref<2x128x128xf32, #tpu.memory_space<vmem>> -> memref<1x128x128xf32, #tpu.memory_space<vmem>>
      %dma_start3A_85 = tpu.memref_squeeze %dma_start3A_84 : memref<1x128x128xf32, #tpu.memory_space<vmem>> -> memref<128x128xf32, #tpu.memory_space<vmem>>
      %dma_start3A_86 = arith.constant 0 : i32
      %dma_start3A_87 = tpu.memref_slice %arg7[%select_n3A_37, %dma_start3A_80, %dma_start3A_86] : memref<2x16x128xi32, #tpu.memory_space<vmem>> -> memref<1x1x128xi32, #tpu.memory_space<vmem>>
      %dma_start3A_88 = tpu.memref_squeeze %dma_start3A_87 : memref<1x1x128xi32, #tpu.memory_space<vmem>> -> memref<128xi32, #tpu.memory_space<vmem>>
      %dma_start3A_89 = arith.constant 0 : i32
      %dma_start3A_90 = arith.constant 0 : i32
      %dma_start3A_91 = tpu.memref_slice %arg2[%dma_start3A_89, %dma_start3A_90] : memref<10000x128xf32, #tpu.memory_space<hbm>> -> memref<10000x128xf32, #tpu.memory_space<hbm>>
      tpu.enqueue_indirect_dma source(%dma_start3A_91 : memref<10000x128xf32, #tpu.memory_space<hbm>>) target(%dma_start3A_85 : memref<128x128xf32, #tpu.memory_space<vmem>>) offsets(%dma_start3A_88 : memref<128xi32, #tpu.memory_space<vmem>>) semaphore(%arg11 : memref<!tpu.dma_semaphore, #tpu.memory_space<semaphore_mem>>)
      %run_scoped3A_92 = arith.constant 1 : i32
      %run_scoped3A_93 = arith.constant 1 : i32
      "tpu.region"() ({
        %run_scoped3A_453 = tpu.sem_alloc : memref<!tpu.dma_semaphore, #tpu.memory_space<semaphore_mem>>
        %dma_start3A_454 = arith.constant 0 : i32
        %dma_start3A_455 = arith.constant 0 : i32
        %dma_start3A_456 = tpu.memref_slice %arg9[%run_scoped3A_92, %dma_start3A_454, %dma_start3A_455] : memref<2x128x128xf32, #tpu.memory_space<vmem>> -> memref<1x128x128xf32, #tpu.memory_space<vmem>>
        %dma_start3A_457 = tpu.memref_squeeze %dma_start3A_456 : memref<1x128x128xf32, #tpu.memory_space<vmem>> -> memref<128x128xf32, #tpu.memory_space<vmem>>
        %dma_start3A_458 = arith.constant 0 : i32
        %dma_start3A_459 = tpu.memref_slice %arg8[%select_n3A_37, %run_scoped3A_93, %dma_start3A_458] : memref<2x16x128xi32, #tpu.memory_space<vmem>> -> memref<1x1x128xi32, #tpu.memory_space<vmem>>
        %dma_start3A_460 = tpu.memref_squeeze %dma_start3A_459 : memref<1x1x128xi32, #tpu.memory_space<vmem>> -> memref<128xi32, #tpu.memory_space<vmem>>
        %dma_start3A_461 = arith.constant 0 : i32
        %dma_start3A_462 = arith.constant 0 : i32
        %dma_start3A_463 = tpu.memref_slice %arg10[%dma_start3A_461, %dma_start3A_462] : memref<10240x128xf32, #tpu.memory_space<vmem_shared>> -> memref<10240x128xf32, #tpu.memory_space<vmem_shared>>
        tpu.enqueue_indirect_dma source(%dma_start3A_457 : memref<128x128xf32, #tpu.memory_space<vmem>>) target(%dma_start3A_463 : memref<10240x128xf32, #tpu.memory_space<vmem_shared>>) offsets(%dma_start3A_460 : memref<128xi32, #tpu.memory_space<vmem>>) semaphore(%run_scoped3A_453 : memref<!tpu.dma_semaphore, #tpu.memory_space<semaphore_mem>>) {add = true}
        %dma_wait3A_464 = arith.constant 0 : i32
        %dma_wait3A_465 = arith.constant 0 : i32
        %dma_wait3A_466 = tpu.memref_slice %arg9[%run_scoped3A_92, %dma_wait3A_464, %dma_wait3A_465] : memref<2x128x128xf32, #tpu.memory_space<vmem>> -> memref<1x128x128xf32, #tpu.memory_space<vmem>>
        %dma_wait3A_467 = tpu.memref_squeeze %dma_wait3A_466 : memref<1x128x128xf32, #tpu.memory_space<vmem>> -> memref<128x128xf32, #tpu.memory_space<vmem>>
        %dma_wait3A_468 = arith.constant 0 : i32
        %dma_wait3A_469 = tpu.memref_slice %arg8[%select_n3A_37, %run_scoped3A_93, %dma_wait3A_468] : memref<2x16x128xi32, #tpu.memory_space<vmem>> -> memref<1x1x128xi32, #tpu.memory_space<vmem>>
        %dma_wait3A_470 = tpu.memref_squeeze %dma_wait3A_469 : memref<1x1x128xi32, #tpu.memory_space<vmem>> -> memref<128xi32, #tpu.memory_space<vmem>>
        %dma_wait3A_471 = arith.constant 0 : i32
        %dma_wait3A_472 = arith.constant 0 : i32
        %dma_wait3A_473 = tpu.memref_slice %arg10[%dma_wait3A_471, %dma_wait3A_472] : memref<10240x128xf32, #tpu.memory_space<vmem_shared>> -> memref<10240x128xf32, #tpu.memory_space<vmem_shared>>
        tpu.wait_indirect_dma semaphore(%run_scoped3A_453 : memref<!tpu.dma_semaphore, #tpu.memory_space<semaphore_mem>>) src(%dma_wait3A_467 : memref<128x128xf32, #tpu.memory_space<vmem>>) dst(%dma_wait3A_473 : memref<10240x128xf32, #tpu.memory_space<vmem_shared>>)
        tpu.yield
      }) : () -> ()
      %dma_wait3A_94 = arith.constant 2 : i32
      %dma_wait3A_95 = arith.constant 0 : i32
      %dma_wait3A_96 = arith.constant 0 : i32
      %dma_wait3A_97 = arith.constant 0 : i32
      %dma_wait3A_98 = tpu.memref_slice %arg9[%dma_wait3A_95, %dma_wait3A_96, %dma_wait3A_97] : memref<2x128x128xf32, #tpu.memory_space<vmem>> -> memref<1x128x128xf32, #tpu.memory_space<vmem>>
      %dma_wait3A_99 = tpu.memref_squeeze %dma_wait3A_98 : memref<1x128x128xf32, #tpu.memory_space<vmem>> -> memref<128x128xf32, #tpu.memory_space<vmem>>
      %dma_wait3A_100 = arith.constant 0 : i32
      %dma_wait3A_101 = tpu.memref_slice %arg7[%select_n3A_37, %dma_wait3A_94, %dma_wait3A_100] : memref<2x16x128xi32, #tpu.memory_space<vmem>> -> memref<1x1x128xi32, #tpu.memory_space<vmem>>
      %dma_wait3A_102 = tpu.memref_squeeze %dma_wait3A_101 : memref<1x1x128xi32, #tpu.memory_space<vmem>> -> memref<128xi32, #tpu.memory_space<vmem>>
      %dma_wait3A_103 = arith.constant 0 : i32
      %dma_wait3A_104 = arith.constant 0 : i32
      %dma_wait3A_105 = tpu.memref_slice %arg2[%dma_wait3A_103, %dma_wait3A_104] : memref<10000x128xf32, #tpu.memory_space<hbm>> -> memref<10000x128xf32, #tpu.memory_space<hbm>>
      tpu.wait_indirect_dma semaphore(%arg11 : memref<!tpu.dma_semaphore, #tpu.memory_space<semaphore_mem>>) src(%dma_wait3A_105 : memref<10000x128xf32, #tpu.memory_space<hbm>>) dst(%dma_wait3A_99 : memref<128x128xf32, #tpu.memory_space<vmem>>)
      %dma_start3A_106 = arith.constant 3 : i32
      %dma_start3A_107 = arith.constant 1 : i32
      %dma_start3A_108 = arith.constant 0 : i32
      %dma_start3A_109 = arith.constant 0 : i32
      %dma_start3A_110 = tpu.memref_slice %arg9[%dma_start3A_107, %dma_start3A_108, %dma_start3A_109] : memref<2x128x128xf32, #tpu.memory_space<vmem>> -> memref<1x128x128xf32, #tpu.memory_space<vmem>>
      %dma_start3A_111 = tpu.memref_squeeze %dma_start3A_110 : memref<1x128x128xf32, #tpu.memory_space<vmem>> -> memref<128x128xf32, #tpu.memory_space<vmem>>
      %dma_start3A_112 = arith.constant 0 : i32
      %dma_start3A_113 = tpu.memref_slice %arg7[%select_n3A_37, %dma_start3A_106, %dma_start3A_112] : memref<2x16x128xi32, #tpu.memory_space<vmem>> -> memref<1x1x128xi32, #tpu.memory_space<vmem>>
      %dma_start3A_114 = tpu.memref_squeeze %dma_start3A_113 : memref<1x1x128xi32, #tpu.memory_space<vmem>> -> memref<128xi32, #tpu.memory_space<vmem>>
      %dma_start3A_115 = arith.constant 0 : i32
      %dma_start3A_116 = arith.constant 0 : i32
      %dma_start3A_117 = tpu.memref_slice %arg2[%dma_start3A_115, %dma_start3A_116] : memref<10000x128xf32, #tpu.memory_space<hbm>> -> memref<10000x128xf32, #tpu.memory_space<hbm>>
      tpu.enqueue_indirect_dma source(%dma_start3A_117 : memref<10000x128xf32, #tpu.memory_space<hbm>>) target(%dma_start3A_111 : memref<128x128xf32, #tpu.memory_space<vmem>>) offsets(%dma_start3A_114 : memref<128xi32, #tpu.memory_space<vmem>>) semaphore(%arg12 : memref<!tpu.dma_semaphore, #tpu.memory_space<semaphore_mem>>)
      %run_scoped3A_118 = arith.constant 0 : i32
      %run_scoped3A_119 = arith.constant 2 : i32
      "tpu.region"() ({
        %run_scoped3A_453 = tpu.sem_alloc : memref<!tpu.dma_semaphore, #tpu.memory_space<semaphore_mem>>
        %dma_start3A_454 = arith.constant 0 : i32
        %dma_start3A_455 = arith.constant 0 : i32
        %dma_start3A_456 = tpu.memref_slice %arg9[%run_scoped3A_118, %dma_start3A_454, %dma_start3A_455] : memref<2x128x128xf32, #tpu.memory_space<vmem>> -> memref<1x128x128xf32, #tpu.memory_space<vmem>>
        %dma_start3A_457 = tpu.memref_squeeze %dma_start3A_456 : memref<1x128x128xf32, #tpu.memory_space<vmem>> -> memref<128x128xf32, #tpu.memory_space<vmem>>
        %dma_start3A_458 = arith.constant 0 : i32
        %dma_start3A_459 = tpu.memref_slice %arg8[%select_n3A_37, %run_scoped3A_119, %dma_start3A_458] : memref<2x16x128xi32, #tpu.memory_space<vmem>> -> memref<1x1x128xi32, #tpu.memory_space<vmem>>
        %dma_start3A_460 = tpu.memref_squeeze %dma_start3A_459 : memref<1x1x128xi32, #tpu.memory_space<vmem>> -> memref<128xi32, #tpu.memory_space<vmem>>
        %dma_start3A_461 = arith.constant 0 : i32
        %dma_start3A_462 = arith.constant 0 : i32
        %dma_start3A_463 = tpu.memref_slice %arg10[%dma_start3A_461, %dma_start3A_462] : memref<10240x128xf32, #tpu.memory_space<vmem_shared>> -> memref<10240x128xf32, #tpu.memory_space<vmem_shared>>
        tpu.enqueue_indirect_dma source(%dma_start3A_457 : memref<128x128xf32, #tpu.memory_space<vmem>>) target(%dma_start3A_463 : memref<10240x128xf32, #tpu.memory_space<vmem_shared>>) offsets(%dma_start3A_460 : memref<128xi32, #tpu.memory_space<vmem>>) semaphore(%run_scoped3A_453 : memref<!tpu.dma_semaphore, #tpu.memory_space<semaphore_mem>>) {add = true}
        %dma_wait3A_464 = arith.constant 0 : i32
        %dma_wait3A_465 = arith.constant 0 : i32
        %dma_wait3A_466 = tpu.memref_slice %arg9[%run_scoped3A_118, %dma_wait3A_464, %dma_wait3A_465] : memref<2x128x128xf32, #tpu.memory_space<vmem>> -> memref<1x128x128xf32, #tpu.memory_space<vmem>>
        %dma_wait3A_467 = tpu.memref_squeeze %dma_wait3A_466 : memref<1x128x128xf32, #tpu.memory_space<vmem>> -> memref<128x128xf32, #tpu.memory_space<vmem>>
        %dma_wait3A_468 = arith.constant 0 : i32
        %dma_wait3A_469 = tpu.memref_slice %arg8[%select_n3A_37, %run_scoped3A_119, %dma_wait3A_468] : memref<2x16x128xi32, #tpu.memory_space<vmem>> -> memref<1x1x128xi32, #tpu.memory_space<vmem>>
        %dma_wait3A_470 = tpu.memref_squeeze %dma_wait3A_469 : memref<1x1x128xi32, #tpu.memory_space<vmem>> -> memref<128xi32, #tpu.memory_space<vmem>>
        %dma_wait3A_471 = arith.constant 0 : i32
        %dma_wait3A_472 = arith.constant 0 : i32
        %dma_wait3A_473 = tpu.memref_slice %arg10[%dma_wait3A_471, %dma_wait3A_472] : memref<10240x128xf32, #tpu.memory_space<vmem_shared>> -> memref<10240x128xf32, #tpu.memory_space<vmem_shared>>
        tpu.wait_indirect_dma semaphore(%run_scoped3A_453 : memref<!tpu.dma_semaphore, #tpu.memory_space<semaphore_mem>>) src(%dma_wait3A_467 : memref<128x128xf32, #tpu.memory_space<vmem>>) dst(%dma_wait3A_473 : memref<10240x128xf32, #tpu.memory_space<vmem_shared>>)
        tpu.yield
      }) : () -> ()
      %dma_wait3A_120 = arith.constant 3 : i32
      %dma_wait3A_121 = arith.constant 1 : i32
      %dma_wait3A_122 = arith.constant 0 : i32
      %dma_wait3A_123 = arith.constant 0 : i32
      %dma_wait3A_124 = tpu.memref_slice %arg9[%dma_wait3A_121, %dma_wait3A_122, %dma_wait3A_123] : memref<2x128x128xf32, #tpu.memory_space<vmem>> -> memref<1x128x128xf32, #tpu.memory_space<vmem>>
      %dma_wait3A_125 = tpu.memref_squeeze %dma_wait3A_124 : memref<1x128x128xf32, #tpu.memory_space<vmem>> -> memref<128x128xf32, #tpu.memory_space<vmem>>
      %dma_wait3A_126 = arith.constant 0 : i32
      %dma_wait3A_127 = tpu.memref_slice %arg7[%select_n3A_37, %dma_wait3A_120, %dma_wait3A_126] : memref<2x16x128xi32, #tpu.memory_space<vmem>> -> memref<1x1x128xi32, #tpu.memory_space<vmem>>
      %dma_wait3A_128 = tpu.memref_squeeze %dma_wait3A_127 : memref<1x1x128xi32, #tpu.memory_space<vmem>> -> memref<128xi32, #tpu.memory_space<vmem>>
      %dma_wait3A_129 = arith.constant 0 : i32
      %dma_wait3A_130 = arith.constant 0 : i32
      %dma_wait3A_131 = tpu.memref_slice %arg2[%dma_wait3A_129, %dma_wait3A_130] : memref<10000x128xf32, #tpu.memory_space<hbm>> -> memref<10000x128xf32, #tpu.memory_space<hbm>>
      tpu.wait_indirect_dma semaphore(%arg12 : memref<!tpu.dma_semaphore, #tpu.memory_space<semaphore_mem>>) src(%dma_wait3A_131 : memref<10000x128xf32, #tpu.memory_space<hbm>>) dst(%dma_wait3A_125 : memref<128x128xf32, #tpu.memory_space<vmem>>)
      %dma_start3A_132 = arith.constant 4 : i32
      %dma_start3A_133 = arith.constant 0 : i32
      %dma_start3A_134 = arith.constant 0 : i32
      %dma_start3A_135 = arith.constant 0 : i32
      %dma_start3A_136 = tpu.memref_slice %arg9[%dma_start3A_133, %dma_start3A_134, %dma_start3A_135] : memref<2x128x128xf32, #tpu.memory_space<vmem>> -> memref<1x128x128xf32, #tpu.memory_space<vmem>>
      %dma_start3A_137 = tpu.memref_squeeze %dma_start3A_136 : memref<1x128x128xf32, #tpu.memory_space<vmem>> -> memref<128x128xf32, #tpu.memory_space<vmem>>
      %dma_start3A_138 = arith.constant 0 : i32
      %dma_start3A_139 = tpu.memref_slice %arg7[%select_n3A_37, %dma_start3A_132, %dma_start3A_138] : memref<2x16x128xi32, #tpu.memory_space<vmem>> -> memref<1x1x128xi32, #tpu.memory_space<vmem>>
      %dma_start3A_140 = tpu.memref_squeeze %dma_start3A_139 : memref<1x1x128xi32, #tpu.memory_space<vmem>> -> memref<128xi32, #tpu.memory_space<vmem>>
      %dma_start3A_141 = arith.constant 0 : i32
      %dma_start3A_142 = arith.constant 0 : i32
      %dma_start3A_143 = tpu.memref_slice %arg2[%dma_start3A_141, %dma_start3A_142] : memref<10000x128xf32, #tpu.memory_space<hbm>> -> memref<10000x128xf32, #tpu.memory_space<hbm>>
      tpu.enqueue_indirect_dma source(%dma_start3A_143 : memref<10000x128xf32, #tpu.memory_space<hbm>>) target(%dma_start3A_137 : memref<128x128xf32, #tpu.memory_space<vmem>>) offsets(%dma_start3A_140 : memref<128xi32, #tpu.memory_space<vmem>>) semaphore(%arg11 : memref<!tpu.dma_semaphore, #tpu.memory_space<semaphore_mem>>)
      %run_scoped3A_144 = arith.constant 1 : i32
      %run_scoped3A_145 = arith.constant 3 : i32
      "tpu.region"() ({
        %run_scoped3A_453 = tpu.sem_alloc : memref<!tpu.dma_semaphore, #tpu.memory_space<semaphore_mem>>
        %dma_start3A_454 = arith.constant 0 : i32
        %dma_start3A_455 = arith.constant 0 : i32
        %dma_start3A_456 = tpu.memref_slice %arg9[%run_scoped3A_144, %dma_start3A_454, %dma_start3A_455] : memref<2x128x128xf32, #tpu.memory_space<vmem>> -> memref<1x128x128xf32, #tpu.memory_space<vmem>>
        %dma_start3A_457 = tpu.memref_squeeze %dma_start3A_456 : memref<1x128x128xf32, #tpu.memory_space<vmem>> -> memref<128x128xf32, #tpu.memory_space<vmem>>
        %dma_start3A_458 = arith.constant 0 : i32
        %dma_start3A_459 = tpu.memref_slice %arg8[%select_n3A_37, %run_scoped3A_145, %dma_start3A_458] : memref<2x16x128xi32, #tpu.memory_space<vmem>> -> memref<1x1x128xi32, #tpu.memory_space<vmem>>
        %dma_start3A_460 = tpu.memref_squeeze %dma_start3A_459 : memref<1x1x128xi32, #tpu.memory_space<vmem>> -> memref<128xi32, #tpu.memory_space<vmem>>
        %dma_start3A_461 = arith.constant 0 : i32
        %dma_start3A_462 = arith.constant 0 : i32
        %dma_start3A_463 = tpu.memref_slice %arg10[%dma_start3A_461, %dma_start3A_462] : memref<10240x128xf32, #tpu.memory_space<vmem_shared>> -> memref<10240x128xf32, #tpu.memory_space<vmem_shared>>
        tpu.enqueue_indirect_dma source(%dma_start3A_457 : memref<128x128xf32, #tpu.memory_space<vmem>>) target(%dma_start3A_463 : memref<10240x128xf32, #tpu.memory_space<vmem_shared>>) offsets(%dma_start3A_460 : memref<128xi32, #tpu.memory_space<vmem>>) semaphore(%run_scoped3A_453 : memref<!tpu.dma_semaphore, #tpu.memory_space<semaphore_mem>>) {add = true}
        %dma_wait3A_464 = arith.constant 0 : i32
        %dma_wait3A_465 = arith.constant 0 : i32
        %dma_wait3A_466 = tpu.memref_slice %arg9[%run_scoped3A_144, %dma_wait3A_464, %dma_wait3A_465] : memref<2x128x128xf32, #tpu.memory_space<vmem>> -> memref<1x128x128xf32, #tpu.memory_space<vmem>>
        %dma_wait3A_467 = tpu.memref_squeeze %dma_wait3A_466 : memref<1x128x128xf32, #tpu.memory_space<vmem>> -> memref<128x128xf32, #tpu.memory_space<vmem>>
        %dma_wait3A_468 = arith.constant 0 : i32
        %dma_wait3A_469 = tpu.memref_slice %arg8[%select_n3A_37, %run_scoped3A_145, %dma_wait3A_468] : memref<2x16x128xi32, #tpu.memory_space<vmem>> -> memref<1x1x128xi32, #tpu.memory_space<vmem>>
        %dma_wait3A_470 = tpu.memref_squeeze %dma_wait3A_469 : memref<1x1x128xi32, #tpu.memory_space<vmem>> -> memref<128xi32, #tpu.memory_space<vmem>>
        %dma_wait3A_471 = arith.constant 0 : i32
        %dma_wait3A_472 = arith.constant 0 : i32
        %dma_wait3A_473 = tpu.memref_slice %arg10[%dma_wait3A_471, %dma_wait3A_472] : memref<10240x128xf32, #tpu.memory_space<vmem_shared>> -> memref<10240x128xf32, #tpu.memory_space<vmem_shared>>
        tpu.wait_indirect_dma semaphore(%run_scoped3A_453 : memref<!tpu.dma_semaphore, #tpu.memory_space<semaphore_mem>>) src(%dma_wait3A_467 : memref<128x128xf32, #tpu.memory_space<vmem>>) dst(%dma_wait3A_473 : memref<10240x128xf32, #tpu.memory_space<vmem_shared>>)
        tpu.yield
      }) : () -> ()
      %dma_wait3A_146 = arith.constant 4 : i32
      %dma_wait3A_147 = arith.constant 0 : i32
      %dma_wait3A_148 = arith.constant 0 : i32
      %dma_wait3A_149 = arith.constant 0 : i32
      %dma_wait3A_150 = tpu.memref_slice %arg9[%dma_wait3A_147, %dma_wait3A_148, %dma_wait3A_149] : memref<2x128x128xf32, #tpu.memory_space<vmem>> -> memref<1x128x128xf32, #tpu.memory_space<vmem>>
      %dma_wait3A_151 = tpu.memref_squeeze %dma_wait3A_150 : memref<1x128x128xf32, #tpu.memory_space<vmem>> -> memref<128x128xf32, #tpu.memory_space<vmem>>
      %dma_wait3A_152 = arith.constant 0 : i32
      %dma_wait3A_153 = tpu.memref_slice %arg7[%select_n3A_37, %dma_wait3A_146, %dma_wait3A_152] : memref<2x16x128xi32, #tpu.memory_space<vmem>> -> memref<1x1x128xi32, #tpu.memory_space<vmem>>
      %dma_wait3A_154 = tpu.memref_squeeze %dma_wait3A_153 : memref<1x1x128xi32, #tpu.memory_space<vmem>> -> memref<128xi32, #tpu.memory_space<vmem>>
      %dma_wait3A_155 = arith.constant 0 : i32
      %dma_wait3A_156 = arith.constant 0 : i32
      %dma_wait3A_157 = tpu.memref_slice %arg2[%dma_wait3A_155, %dma_wait3A_156] : memref<10000x128xf32, #tpu.memory_space<hbm>> -> memref<10000x128xf32, #tpu.memory_space<hbm>>
      tpu.wait_indirect_dma semaphore(%arg11 : memref<!tpu.dma_semaphore, #tpu.memory_space<semaphore_mem>>) src(%dma_wait3A_157 : memref<10000x128xf32, #tpu.memory_space<hbm>>) dst(%dma_wait3A_151 : memref<128x128xf32, #tpu.memory_space<vmem>>)
      %dma_start3A_158 = arith.constant 5 : i32
      %dma_start3A_159 = arith.constant 1 : i32
      %dma_start3A_160 = arith.constant 0 : i32
      %dma_start3A_161 = arith.constant 0 : i32
      %dma_start3A_162 = tpu.memref_slice %arg9[%dma_start3A_159, %dma_start3A_160, %dma_start3A_161] : memref<2x128x128xf32, #tpu.memory_space<vmem>> -> memref<1x128x128xf32, #tpu.memory_space<vmem>>
      %dma_start3A_163 = tpu.memref_squeeze %dma_start3A_162 : memref<1x128x128xf32, #tpu.memory_space<vmem>> -> memref<128x128xf32, #tpu.memory_space<vmem>>
      %dma_start3A_164 = arith.constant 0 : i32
      %dma_start3A_165 = tpu.memref_slice %arg7[%select_n3A_37, %dma_start3A_158, %dma_start3A_164] : memref<2x16x128xi32, #tpu.memory_space<vmem>> -> memref<1x1x128xi32, #tpu.memory_space<vmem>>
      %dma_start3A_166 = tpu.memref_squeeze %dma_start3A_165 : memref<1x1x128xi32, #tpu.memory_space<vmem>> -> memref<128xi32, #tpu.memory_space<vmem>>
      %dma_start3A_167 = arith.constant 0 : i32
      %dma_start3A_168 = arith.constant 0 : i32
      %dma_start3A_169 = tpu.memref_slice %arg2[%dma_start3A_167, %dma_start3A_168] : memref<10000x128xf32, #tpu.memory_space<hbm>> -> memref<10000x128xf32, #tpu.memory_space<hbm>>
      tpu.enqueue_indirect_dma source(%dma_start3A_169 : memref<10000x128xf32, #tpu.memory_space<hbm>>) target(%dma_start3A_163 : memref<128x128xf32, #tpu.memory_space<vmem>>) offsets(%dma_start3A_166 : memref<128xi32, #tpu.memory_space<vmem>>) semaphore(%arg12 : memref<!tpu.dma_semaphore, #tpu.memory_space<semaphore_mem>>)
      %run_scoped3A_170 = arith.constant 0 : i32
      %run_scoped3A_171 = arith.constant 4 : i32
      "tpu.region"() ({
        %run_scoped3A_453 = tpu.sem_alloc : memref<!tpu.dma_semaphore, #tpu.memory_space<semaphore_mem>>
        %dma_start3A_454 = arith.constant 0 : i32
        %dma_start3A_455 = arith.constant 0 : i32
        %dma_start3A_456 = tpu.memref_slice %arg9[%run_scoped3A_170, %dma_start3A_454, %dma_start3A_455] : memref<2x128x128xf32, #tpu.memory_space<vmem>> -> memref<1x128x128xf32, #tpu.memory_space<vmem>>
        %dma_start3A_457 = tpu.memref_squeeze %dma_start3A_456 : memref<1x128x128xf32, #tpu.memory_space<vmem>> -> memref<128x128xf32, #tpu.memory_space<vmem>>
        %dma_start3A_458 = arith.constant 0 : i32
        %dma_start3A_459 = tpu.memref_slice %arg8[%select_n3A_37, %run_scoped3A_171, %dma_start3A_458] : memref<2x16x128xi32, #tpu.memory_space<vmem>> -> memref<1x1x128xi32, #tpu.memory_space<vmem>>
        %dma_start3A_460 = tpu.memref_squeeze %dma_start3A_459 : memref<1x1x128xi32, #tpu.memory_space<vmem>> -> memref<128xi32, #tpu.memory_space<vmem>>
        %dma_start3A_461 = arith.constant 0 : i32
        %dma_start3A_462 = arith.constant 0 : i32
        %dma_start3A_463 = tpu.memref_slice %arg10[%dma_start3A_461, %dma_start3A_462] : memref<10240x128xf32, #tpu.memory_space<vmem_shared>> -> memref<10240x128xf32, #tpu.memory_space<vmem_shared>>
        tpu.enqueue_indirect_dma source(%dma_start3A_457 : memref<128x128xf32, #tpu.memory_space<vmem>>) target(%dma_start3A_463 : memref<10240x128xf32, #tpu.memory_space<vmem_shared>>) offsets(%dma_start3A_460 : memref<128xi32, #tpu.memory_space<vmem>>) semaphore(%run_scoped3A_453 : memref<!tpu.dma_semaphore, #tpu.memory_space<semaphore_mem>>) {add = true}
        %dma_wait3A_464 = arith.constant 0 : i32
        %dma_wait3A_465 = arith.constant 0 : i32
        %dma_wait3A_466 = tpu.memref_slice %arg9[%run_scoped3A_170, %dma_wait3A_464, %dma_wait3A_465] : memref<2x128x128xf32, #tpu.memory_space<vmem>> -> memref<1x128x128xf32, #tpu.memory_space<vmem>>
        %dma_wait3A_467 = tpu.memref_squeeze %dma_wait3A_466 : memref<1x128x128xf32, #tpu.memory_space<vmem>> -> memref<128x128xf32, #tpu.memory_space<vmem>>
        %dma_wait3A_468 = arith.constant 0 : i32
        %dma_wait3A_469 = tpu.memref_slice %arg8[%select_n3A_37, %run_scoped3A_171, %dma_wait3A_468] : memref<2x16x128xi32, #tpu.memory_space<vmem>> -> memref<1x1x128xi32, #tpu.memory_space<vmem>>
        %dma_wait3A_470 = tpu.memref_squeeze %dma_wait3A_469 : memref<1x1x128xi32, #tpu.memory_space<vmem>> -> memref<128xi32, #tpu.memory_space<vmem>>
        %dma_wait3A_471 = arith.constant 0 : i32
        %dma_wait3A_472 = arith.constant 0 : i32
        %dma_wait3A_473 = tpu.memref_slice %arg10[%dma_wait3A_471, %dma_wait3A_472] : memref<10240x128xf32, #tpu.memory_space<vmem_shared>> -> memref<10240x128xf32, #tpu.memory_space<vmem_shared>>
        tpu.wait_indirect_dma semaphore(%run_scoped3A_453 : memref<!tpu.dma_semaphore, #tpu.memory_space<semaphore_mem>>) src(%dma_wait3A_467 : memref<128x128xf32, #tpu.memory_space<vmem>>) dst(%dma_wait3A_473 : memref<10240x128xf32, #tpu.memory_space<vmem_shared>>)
        tpu.yield
      }) : () -> ()
      %dma_wait3A_172 = arith.constant 5 : i32
      %dma_wait3A_173 = arith.constant 1 : i32
      %dma_wait3A_174 = arith.constant 0 : i32
      %dma_wait3A_175 = arith.constant 0 : i32
      %dma_wait3A_176 = tpu.memref_slice %arg9[%dma_wait3A_173, %dma_wait3A_174, %dma_wait3A_175] : memref<2x128x128xf32, #tpu.memory_space<vmem>> -> memref<1x128x128xf32, #tpu.memory_space<vmem>>
      %dma_wait3A_177 = tpu.memref_squeeze %dma_wait3A_176 : memref<1x128x128xf32, #tpu.memory_space<vmem>> -> memref<128x128xf32, #tpu.memory_space<vmem>>
      %dma_wait3A_178 = arith.constant 0 : i32
      %dma_wait3A_179 = tpu.memref_slice %arg7[%select_n3A_37, %dma_wait3A_172, %dma_wait3A_178] : memref<2x16x128xi32, #tpu.memory_space<vmem>> -> memref<1x1x128xi32, #tpu.memory_space<vmem>>
      %dma_wait3A_180 = tpu.memref_squeeze %dma_wait3A_179 : memref<1x1x128xi32, #tpu.memory_space<vmem>> -> memref<128xi32, #tpu.memory_space<vmem>>
      %dma_wait3A_181 = arith.constant 0 : i32
      %dma_wait3A_182 = arith.constant 0 : i32
      %dma_wait3A_183 = tpu.memref_slice %arg2[%dma_wait3A_181, %dma_wait3A_182] : memref<10000x128xf32, #tpu.memory_space<hbm>> -> memref<10000x128xf32, #tpu.memory_space<hbm>>
      tpu.wait_indirect_dma semaphore(%arg12 : memref<!tpu.dma_semaphore, #tpu.memory_space<semaphore_mem>>) src(%dma_wait3A_183 : memref<10000x128xf32, #tpu.memory_space<hbm>>) dst(%dma_wait3A_177 : memref<128x128xf32, #tpu.memory_space<vmem>>)
      %dma_start3A_184 = arith.constant 6 : i32
      %dma_start3A_185 = arith.constant 0 : i32
      %dma_start3A_186 = arith.constant 0 : i32
      %dma_start3A_187 = arith.constant 0 : i32
      %dma_start3A_188 = tpu.memref_slice %arg9[%dma_start3A_185, %dma_start3A_186, %dma_start3A_187] : memref<2x128x128xf32, #tpu.memory_space<vmem>> -> memref<1x128x128xf32, #tpu.memory_space<vmem>>
      %dma_start3A_189 = tpu.memref_squeeze %dma_start3A_188 : memref<1x128x128xf32, #tpu.memory_space<vmem>> -> memref<128x128xf32, #tpu.memory_space<vmem>>
      %dma_start3A_190 = arith.constant 0 : i32
      %dma_start3A_191 = tpu.memref_slice %arg7[%select_n3A_37, %dma_start3A_184, %dma_start3A_190] : memref<2x16x128xi32, #tpu.memory_space<vmem>> -> memref<1x1x128xi32, #tpu.memory_space<vmem>>
      %dma_start3A_192 = tpu.memref_squeeze %dma_start3A_191 : memref<1x1x128xi32, #tpu.memory_space<vmem>> -> memref<128xi32, #tpu.memory_space<vmem>>
      %dma_start3A_193 = arith.constant 0 : i32
      %dma_start3A_194 = arith.constant 0 : i32
      %dma_start3A_195 = tpu.memref_slice %arg2[%dma_start3A_193, %dma_start3A_194] : memref<10000x128xf32, #tpu.memory_space<hbm>> -> memref<10000x128xf32, #tpu.memory_space<hbm>>
      tpu.enqueue_indirect_dma source(%dma_start3A_195 : memref<10000x128xf32, #tpu.memory_space<hbm>>) target(%dma_start3A_189 : memref<128x128xf32, #tpu.memory_space<vmem>>) offsets(%dma_start3A_192 : memref<128xi32, #tpu.memory_space<vmem>>) semaphore(%arg11 : memref<!tpu.dma_semaphore, #tpu.memory_space<semaphore_mem>>)
      %run_scoped3A_196 = arith.constant 1 : i32
      %run_scoped3A_197 = arith.constant 5 : i32
      "tpu.region"() ({
        %run_scoped3A_453 = tpu.sem_alloc : memref<!tpu.dma_semaphore, #tpu.memory_space<semaphore_mem>>
        %dma_start3A_454 = arith.constant 0 : i32
        %dma_start3A_455 = arith.constant 0 : i32
        %dma_start3A_456 = tpu.memref_slice %arg9[%run_scoped3A_196, %dma_start3A_454, %dma_start3A_455] : memref<2x128x128xf32, #tpu.memory_space<vmem>> -> memref<1x128x128xf32, #tpu.memory_space<vmem>>
        %dma_start3A_457 = tpu.memref_squeeze %dma_start3A_456 : memref<1x128x128xf32, #tpu.memory_space<vmem>> -> memref<128x128xf32, #tpu.memory_space<vmem>>
        %dma_start3A_458 = arith.constant 0 : i32
        %dma_start3A_459 = tpu.memref_slice %arg8[%select_n3A_37, %run_scoped3A_197, %dma_start3A_458] : memref<2x16x128xi32, #tpu.memory_space<vmem>> -> memref<1x1x128xi32, #tpu.memory_space<vmem>>
        %dma_start3A_460 = tpu.memref_squeeze %dma_start3A_459 : memref<1x1x128xi32, #tpu.memory_space<vmem>> -> memref<128xi32, #tpu.memory_space<vmem>>
        %dma_start3A_461 = arith.constant 0 : i32
        %dma_start3A_462 = arith.constant 0 : i32
        %dma_start3A_463 = tpu.memref_slice %arg10[%dma_start3A_461, %dma_start3A_462] : memref<10240x128xf32, #tpu.memory_space<vmem_shared>> -> memref<10240x128xf32, #tpu.memory_space<vmem_shared>>
        tpu.enqueue_indirect_dma source(%dma_start3A_457 : memref<128x128xf32, #tpu.memory_space<vmem>>) target(%dma_start3A_463 : memref<10240x128xf32, #tpu.memory_space<vmem_shared>>) offsets(%dma_start3A_460 : memref<128xi32, #tpu.memory_space<vmem>>) semaphore(%run_scoped3A_453 : memref<!tpu.dma_semaphore, #tpu.memory_space<semaphore_mem>>) {add = true}
        %dma_wait3A_464 = arith.constant 0 : i32
        %dma_wait3A_465 = arith.constant 0 : i32
        %dma_wait3A_466 = tpu.memref_slice %arg9[%run_scoped3A_196, %dma_wait3A_464, %dma_wait3A_465] : memref<2x128x128xf32, #tpu.memory_space<vmem>> -> memref<1x128x128xf32, #tpu.memory_space<vmem>>
        %dma_wait3A_467 = tpu.memref_squeeze %dma_wait3A_466 : memref<1x128x128xf32, #tpu.memory_space<vmem>> -> memref<128x128xf32, #tpu.memory_space<vmem>>
        %dma_wait3A_468 = arith.constant 0 : i32
        %dma_wait3A_469 = tpu.memref_slice %arg8[%select_n3A_37, %run_scoped3A_197, %dma_wait3A_468] : memref<2x16x128xi32, #tpu.memory_space<vmem>> -> memref<1x1x128xi32, #tpu.memory_space<vmem>>
        %dma_wait3A_470 = tpu.memref_squeeze %dma_wait3A_469 : memref<1x1x128xi32, #tpu.memory_space<vmem>> -> memref<128xi32, #tpu.memory_space<vmem>>
        %dma_wait3A_471 = arith.constant 0 : i32
        %dma_wait3A_472 = arith.constant 0 : i32
        %dma_wait3A_473 = tpu.memref_slice %arg10[%dma_wait3A_471, %dma_wait3A_472] : memref<10240x128xf32, #tpu.memory_space<vmem_shared>> -> memref<10240x128xf32, #tpu.memory_space<vmem_shared>>
        tpu.wait_indirect_dma semaphore(%run_scoped3A_453 : memref<!tpu.dma_semaphore, #tpu.memory_space<semaphore_mem>>) src(%dma_wait3A_467 : memref<128x128xf32, #tpu.memory_space<vmem>>) dst(%dma_wait3A_473 : memref<10240x128xf32, #tpu.memory_space<vmem_shared>>)
        tpu.yield
      }) : () -> ()
      %dma_wait3A_198 = arith.constant 6 : i32
      %dma_wait3A_199 = arith.constant 0 : i32
      %dma_wait3A_200 = arith.constant 0 : i32
      %dma_wait3A_201 = arith.constant 0 : i32
      %dma_wait3A_202 = tpu.memref_slice %arg9[%dma_wait3A_199, %dma_wait3A_200, %dma_wait3A_201] : memref<2x128x128xf32, #tpu.memory_space<vmem>> -> memref<1x128x128xf32, #tpu.memory_space<vmem>>
      %dma_wait3A_203 = tpu.memref_squeeze %dma_wait3A_202 : memref<1x128x128xf32, #tpu.memory_space<vmem>> -> memref<128x128xf32, #tpu.memory_space<vmem>>
      %dma_wait3A_204 = arith.constant 0 : i32
      %dma_wait3A_205 = tpu.memref_slice %arg7[%select_n3A_37, %dma_wait3A_198, %dma_wait3A_204] : memref<2x16x128xi32, #tpu.memory_space<vmem>> -> memref<1x1x128xi32, #tpu.memory_space<vmem>>
      %dma_wait3A_206 = tpu.memref_squeeze %dma_wait3A_205 : memref<1x1x128xi32, #tpu.memory_space<vmem>> -> memref<128xi32, #tpu.memory_space<vmem>>
      %dma_wait3A_207 = arith.constant 0 : i32
      %dma_wait3A_208 = arith.constant 0 : i32
      %dma_wait3A_209 = tpu.memref_slice %arg2[%dma_wait3A_207, %dma_wait3A_208] : memref<10000x128xf32, #tpu.memory_space<hbm>> -> memref<10000x128xf32, #tpu.memory_space<hbm>>
      tpu.wait_indirect_dma semaphore(%arg11 : memref<!tpu.dma_semaphore, #tpu.memory_space<semaphore_mem>>) src(%dma_wait3A_209 : memref<10000x128xf32, #tpu.memory_space<hbm>>) dst(%dma_wait3A_203 : memref<128x128xf32, #tpu.memory_space<vmem>>)
      %dma_start3A_210 = arith.constant 7 : i32
      %dma_start3A_211 = arith.constant 1 : i32
      %dma_start3A_212 = arith.constant 0 : i32
      %dma_start3A_213 = arith.constant 0 : i32
      %dma_start3A_214 = tpu.memref_slice %arg9[%dma_start3A_211, %dma_start3A_212, %dma_start3A_213] : memref<2x128x128xf32, #tpu.memory_space<vmem>> -> memref<1x128x128xf32, #tpu.memory_space<vmem>>
      %dma_start3A_215 = tpu.memref_squeeze %dma_start3A_214 : memref<1x128x128xf32, #tpu.memory_space<vmem>> -> memref<128x128xf32, #tpu.memory_space<vmem>>
      %dma_start3A_216 = arith.constant 0 : i32
      %dma_start3A_217 = tpu.memref_slice %arg7[%select_n3A_37, %dma_start3A_210, %dma_start3A_216] : memref<2x16x128xi32, #tpu.memory_space<vmem>> -> memref<1x1x128xi32, #tpu.memory_space<vmem>>
      %dma_start3A_218 = tpu.memref_squeeze %dma_start3A_217 : memref<1x1x128xi32, #tpu.memory_space<vmem>> -> memref<128xi32, #tpu.memory_space<vmem>>
      %dma_start3A_219 = arith.constant 0 : i32
      %dma_start3A_220 = arith.constant 0 : i32
      %dma_start3A_221 = tpu.memref_slice %arg2[%dma_start3A_219, %dma_start3A_220] : memref<10000x128xf32, #tpu.memory_space<hbm>> -> memref<10000x128xf32, #tpu.memory_space<hbm>>
      tpu.enqueue_indirect_dma source(%dma_start3A_221 : memref<10000x128xf32, #tpu.memory_space<hbm>>) target(%dma_start3A_215 : memref<128x128xf32, #tpu.memory_space<vmem>>) offsets(%dma_start3A_218 : memref<128xi32, #tpu.memory_space<vmem>>) semaphore(%arg12 : memref<!tpu.dma_semaphore, #tpu.memory_space<semaphore_mem>>)
      %run_scoped3A_222 = arith.constant 0 : i32
      %run_scoped3A_223 = arith.constant 6 : i32
      "tpu.region"() ({
        %run_scoped3A_453 = tpu.sem_alloc : memref<!tpu.dma_semaphore, #tpu.memory_space<semaphore_mem>>
        %dma_start3A_454 = arith.constant 0 : i32
        %dma_start3A_455 = arith.constant 0 : i32
        %dma_start3A_456 = tpu.memref_slice %arg9[%run_scoped3A_222, %dma_start3A_454, %dma_start3A_455] : memref<2x128x128xf32, #tpu.memory_space<vmem>> -> memref<1x128x128xf32, #tpu.memory_space<vmem>>
        %dma_start3A_457 = tpu.memref_squeeze %dma_start3A_456 : memref<1x128x128xf32, #tpu.memory_space<vmem>> -> memref<128x128xf32, #tpu.memory_space<vmem>>
        %dma_start3A_458 = arith.constant 0 : i32
        %dma_start3A_459 = tpu.memref_slice %arg8[%select_n3A_37, %run_scoped3A_223, %dma_start3A_458] : memref<2x16x128xi32, #tpu.memory_space<vmem>> -> memref<1x1x128xi32, #tpu.memory_space<vmem>>
        %dma_start3A_460 = tpu.memref_squeeze %dma_start3A_459 : memref<1x1x128xi32, #tpu.memory_space<vmem>> -> memref<128xi32, #tpu.memory_space<vmem>>
        %dma_start3A_461 = arith.constant 0 : i32
        %dma_start3A_462 = arith.constant 0 : i32
        %dma_start3A_463 = tpu.memref_slice %arg10[%dma_start3A_461, %dma_start3A_462] : memref<10240x128xf32, #tpu.memory_space<vmem_shared>> -> memref<10240x128xf32, #tpu.memory_space<vmem_shared>>
        tpu.enqueue_indirect_dma source(%dma_start3A_457 : memref<128x128xf32, #tpu.memory_space<vmem>>) target(%dma_start3A_463 : memref<10240x128xf32, #tpu.memory_space<vmem_shared>>) offsets(%dma_start3A_460 : memref<128xi32, #tpu.memory_space<vmem>>) semaphore(%run_scoped3A_453 : memref<!tpu.dma_semaphore, #tpu.memory_space<semaphore_mem>>) {add = true}
        %dma_wait3A_464 = arith.constant 0 : i32
        %dma_wait3A_465 = arith.constant 0 : i32
        %dma_wait3A_466 = tpu.memref_slice %arg9[%run_scoped3A_222, %dma_wait3A_464, %dma_wait3A_465] : memref<2x128x128xf32, #tpu.memory_space<vmem>> -> memref<1x128x128xf32, #tpu.memory_space<vmem>>
        %dma_wait3A_467 = tpu.memref_squeeze %dma_wait3A_466 : memref<1x128x128xf32, #tpu.memory_space<vmem>> -> memref<128x128xf32, #tpu.memory_space<vmem>>
        %dma_wait3A_468 = arith.constant 0 : i32
        %dma_wait3A_469 = tpu.memref_slice %arg8[%select_n3A_37, %run_scoped3A_223, %dma_wait3A_468] : memref<2x16x128xi32, #tpu.memory_space<vmem>> -> memref<1x1x128xi32, #tpu.memory_space<vmem>>
        %dma_wait3A_470 = tpu.memref_squeeze %dma_wait3A_469 : memref<1x1x128xi32, #tpu.memory_space<vmem>> -> memref<128xi32, #tpu.memory_space<vmem>>
        %dma_wait3A_471 = arith.constant 0 : i32
        %dma_wait3A_472 = arith.constant 0 : i32
        %dma_wait3A_473 = tpu.memref_slice %arg10[%dma_wait3A_471, %dma_wait3A_472] : memref<10240x128xf32, #tpu.memory_space<vmem_shared>> -> memref<10240x128xf32, #tpu.memory_space<vmem_shared>>
        tpu.wait_indirect_dma semaphore(%run_scoped3A_453 : memref<!tpu.dma_semaphore, #tpu.memory_space<semaphore_mem>>) src(%dma_wait3A_467 : memref<128x128xf32, #tpu.memory_space<vmem>>) dst(%dma_wait3A_473 : memref<10240x128xf32, #tpu.memory_space<vmem_shared>>)
        tpu.yield
      }) : () -> ()
      %dma_wait3A_224 = arith.constant 7 : i32
      %dma_wait3A_225 = arith.constant 1 : i32
      %dma_wait3A_226 = arith.constant 0 : i32
      %dma_wait3A_227 = arith.constant 0 : i32
      %dma_wait3A_228 = tpu.memref_slice %arg9[%dma_wait3A_225, %dma_wait3A_226, %dma_wait3A_227] : memref<2x128x128xf32, #tpu.memory_space<vmem>> -> memref<1x128x128xf32, #tpu.memory_space<vmem>>
      %dma_wait3A_229 = tpu.memref_squeeze %dma_wait3A_228 : memref<1x128x128xf32, #tpu.memory_space<vmem>> -> memref<128x128xf32, #tpu.memory_space<vmem>>
      %dma_wait3A_230 = arith.constant 0 : i32
      %dma_wait3A_231 = tpu.memref_slice %arg7[%select_n3A_37, %dma_wait3A_224, %dma_wait3A_230] : memref<2x16x128xi32, #tpu.memory_space<vmem>> -> memref<1x1x128xi32, #tpu.memory_space<vmem>>
      %dma_wait3A_232 = tpu.memref_squeeze %dma_wait3A_231 : memref<1x1x128xi32, #tpu.memory_space<vmem>> -> memref<128xi32, #tpu.memory_space<vmem>>
      %dma_wait3A_233 = arith.constant 0 : i32
      %dma_wait3A_234 = arith.constant 0 : i32
      %dma_wait3A_235 = tpu.memref_slice %arg2[%dma_wait3A_233, %dma_wait3A_234] : memref<10000x128xf32, #tpu.memory_space<hbm>> -> memref<10000x128xf32, #tpu.memory_space<hbm>>
      tpu.wait_indirect_dma semaphore(%arg12 : memref<!tpu.dma_semaphore, #tpu.memory_space<semaphore_mem>>) src(%dma_wait3A_235 : memref<10000x128xf32, #tpu.memory_space<hbm>>) dst(%dma_wait3A_229 : memref<128x128xf32, #tpu.memory_space<vmem>>)
      %dma_start3A_236 = arith.constant 8 : i32
      %dma_start3A_237 = arith.constant 0 : i32
      %dma_start3A_238 = arith.constant 0 : i32
      %dma_start3A_239 = arith.constant 0 : i32
      %dma_start3A_240 = tpu.memref_slice %arg9[%dma_start3A_237, %dma_start3A_238, %dma_start3A_239] : memref<2x128x128xf32, #tpu.memory_space<vmem>> -> memref<1x128x128xf32, #tpu.memory_space<vmem>>
      %dma_start3A_241 = tpu.memref_squeeze %dma_start3A_240 : memref<1x128x128xf32, #tpu.memory_space<vmem>> -> memref<128x128xf32, #tpu.memory_space<vmem>>
      %dma_start3A_242 = arith.constant 0 : i32
      %dma_start3A_243 = tpu.memref_slice %arg7[%select_n3A_37, %dma_start3A_236, %dma_start3A_242] : memref<2x16x128xi32, #tpu.memory_space<vmem>> -> memref<1x1x128xi32, #tpu.memory_space<vmem>>
      %dma_start3A_244 = tpu.memref_squeeze %dma_start3A_243 : memref<1x1x128xi32, #tpu.memory_space<vmem>> -> memref<128xi32, #tpu.memory_space<vmem>>
      %dma_start3A_245 = arith.constant 0 : i32
      %dma_start3A_246 = arith.constant 0 : i32
      %dma_start3A_247 = tpu.memref_slice %arg2[%dma_start3A_245, %dma_start3A_246] : memref<10000x128xf32, #tpu.memory_space<hbm>> -> memref<10000x128xf32, #tpu.memory_space<hbm>>
      tpu.enqueue_indirect_dma source(%dma_start3A_247 : memref<10000x128xf32, #tpu.memory_space<hbm>>) target(%dma_start3A_241 : memref<128x128xf32, #tpu.memory_space<vmem>>) offsets(%dma_start3A_244 : memref<128xi32, #tpu.memory_space<vmem>>) semaphore(%arg11 : memref<!tpu.dma_semaphore, #tpu.memory_space<semaphore_mem>>)
      %run_scoped3A_248 = arith.constant 1 : i32
      %run_scoped3A_249 = arith.constant 7 : i32
      "tpu.region"() ({
        %run_scoped3A_453 = tpu.sem_alloc : memref<!tpu.dma_semaphore, #tpu.memory_space<semaphore_mem>>
        %dma_start3A_454 = arith.constant 0 : i32
        %dma_start3A_455 = arith.constant 0 : i32
        %dma_start3A_456 = tpu.memref_slice %arg9[%run_scoped3A_248, %dma_start3A_454, %dma_start3A_455] : memref<2x128x128xf32, #tpu.memory_space<vmem>> -> memref<1x128x128xf32, #tpu.memory_space<vmem>>
        %dma_start3A_457 = tpu.memref_squeeze %dma_start3A_456 : memref<1x128x128xf32, #tpu.memory_space<vmem>> -> memref<128x128xf32, #tpu.memory_space<vmem>>
        %dma_start3A_458 = arith.constant 0 : i32
        %dma_start3A_459 = tpu.memref_slice %arg8[%select_n3A_37, %run_scoped3A_249, %dma_start3A_458] : memref<2x16x128xi32, #tpu.memory_space<vmem>> -> memref<1x1x128xi32, #tpu.memory_space<vmem>>
        %dma_start3A_460 = tpu.memref_squeeze %dma_start3A_459 : memref<1x1x128xi32, #tpu.memory_space<vmem>> -> memref<128xi32, #tpu.memory_space<vmem>>
        %dma_start3A_461 = arith.constant 0 : i32
        %dma_start3A_462 = arith.constant 0 : i32
        %dma_start3A_463 = tpu.memref_slice %arg10[%dma_start3A_461, %dma_start3A_462] : memref<10240x128xf32, #tpu.memory_space<vmem_shared>> -> memref<10240x128xf32, #tpu.memory_space<vmem_shared>>
        tpu.enqueue_indirect_dma source(%dma_start3A_457 : memref<128x128xf32, #tpu.memory_space<vmem>>) target(%dma_start3A_463 : memref<10240x128xf32, #tpu.memory_space<vmem_shared>>) offsets(%dma_start3A_460 : memref<128xi32, #tpu.memory_space<vmem>>) semaphore(%run_scoped3A_453 : memref<!tpu.dma_semaphore, #tpu.memory_space<semaphore_mem>>) {add = true}
        %dma_wait3A_464 = arith.constant 0 : i32
        %dma_wait3A_465 = arith.constant 0 : i32
        %dma_wait3A_466 = tpu.memref_slice %arg9[%run_scoped3A_248, %dma_wait3A_464, %dma_wait3A_465] : memref<2x128x128xf32, #tpu.memory_space<vmem>> -> memref<1x128x128xf32, #tpu.memory_space<vmem>>
        %dma_wait3A_467 = tpu.memref_squeeze %dma_wait3A_466 : memref<1x128x128xf32, #tpu.memory_space<vmem>> -> memref<128x128xf32, #tpu.memory_space<vmem>>
        %dma_wait3A_468 = arith.constant 0 : i32
        %dma_wait3A_469 = tpu.memref_slice %arg8[%select_n3A_37, %run_scoped3A_249, %dma_wait3A_468] : memref<2x16x128xi32, #tpu.memory_space<vmem>> -> memref<1x1x128xi32, #tpu.memory_space<vmem>>
        %dma_wait3A_470 = tpu.memref_squeeze %dma_wait3A_469 : memref<1x1x128xi32, #tpu.memory_space<vmem>> -> memref<128xi32, #tpu.memory_space<vmem>>
        %dma_wait3A_471 = arith.constant 0 : i32
        %dma_wait3A_472 = arith.constant 0 : i32
        %dma_wait3A_473 = tpu.memref_slice %arg10[%dma_wait3A_471, %dma_wait3A_472] : memref<10240x128xf32, #tpu.memory_space<vmem_shared>> -> memref<10240x128xf32, #tpu.memory_space<vmem_shared>>
        tpu.wait_indirect_dma semaphore(%run_scoped3A_453 : memref<!tpu.dma_semaphore, #tpu.memory_space<semaphore_mem>>) src(%dma_wait3A_467 : memref<128x128xf32, #tpu.memory_space<vmem>>) dst(%dma_wait3A_473 : memref<10240x128xf32, #tpu.memory_space<vmem_shared>>)
        tpu.yield
      }) : () -> ()
      %dma_wait3A_250 = arith.constant 8 : i32
      %dma_wait3A_251 = arith.constant 0 : i32
      %dma_wait3A_252 = arith.constant 0 : i32
      %dma_wait3A_253 = arith.constant 0 : i32
      %dma_wait3A_254 = tpu.memref_slice %arg9[%dma_wait3A_251, %dma_wait3A_252, %dma_wait3A_253] : memref<2x128x128xf32, #tpu.memory_space<vmem>> -> memref<1x128x128xf32, #tpu.memory_space<vmem>>
      %dma_wait3A_255 = tpu.memref_squeeze %dma_wait3A_254 : memref<1x128x128xf32, #tpu.memory_space<vmem>> -> memref<128x128xf32, #tpu.memory_space<vmem>>
      %dma_wait3A_256 = arith.constant 0 : i32
      %dma_wait3A_257 = tpu.memref_slice %arg7[%select_n3A_37, %dma_wait3A_250, %dma_wait3A_256] : memref<2x16x128xi32, #tpu.memory_space<vmem>> -> memref<1x1x128xi32, #tpu.memory_space<vmem>>
      %dma_wait3A_258 = tpu.memref_squeeze %dma_wait3A_257 : memref<1x1x128xi32, #tpu.memory_space<vmem>> -> memref<128xi32, #tpu.memory_space<vmem>>
      %dma_wait3A_259 = arith.constant 0 : i32
      %dma_wait3A_260 = arith.constant 0 : i32
      %dma_wait3A_261 = tpu.memref_slice %arg2[%dma_wait3A_259, %dma_wait3A_260] : memref<10000x128xf32, #tpu.memory_space<hbm>> -> memref<10000x128xf32, #tpu.memory_space<hbm>>
      tpu.wait_indirect_dma semaphore(%arg11 : memref<!tpu.dma_semaphore, #tpu.memory_space<semaphore_mem>>) src(%dma_wait3A_261 : memref<10000x128xf32, #tpu.memory_space<hbm>>) dst(%dma_wait3A_255 : memref<128x128xf32, #tpu.memory_space<vmem>>)
      %dma_start3A_262 = arith.constant 9 : i32
      %dma_start3A_263 = arith.constant 1 : i32
      %dma_start3A_264 = arith.constant 0 : i32
      %dma_start3A_265 = arith.constant 0 : i32
      %dma_start3A_266 = tpu.memref_slice %arg9[%dma_start3A_263, %dma_start3A_264, %dma_start3A_265] : memref<2x128x128xf32, #tpu.memory_space<vmem>> -> memref<1x128x128xf32, #tpu.memory_space<vmem>>
      %dma_start3A_267 = tpu.memref_squeeze %dma_start3A_266 : memref<1x128x128xf32, #tpu.memory_space<vmem>> -> memref<128x128xf32, #tpu.memory_space<vmem>>
      %dma_start3A_268 = arith.constant 0 : i32
      %dma_start3A_269 = tpu.memref_slice %arg7[%select_n3A_37, %dma_start3A_262, %dma_start3A_268] : memref<2x16x128xi32, #tpu.memory_space<vmem>> -> memref<1x1x128xi32, #tpu.memory_space<vmem>>
      %dma_start3A_270 = tpu.memref_squeeze %dma_start3A_269 : memref<1x1x128xi32, #tpu.memory_space<vmem>> -> memref<128xi32, #tpu.memory_space<vmem>>
      %dma_start3A_271 = arith.constant 0 : i32
      %dma_start3A_272 = arith.constant 0 : i32
      %dma_start3A_273 = tpu.memref_slice %arg2[%dma_start3A_271, %dma_start3A_272] : memref<10000x128xf32, #tpu.memory_space<hbm>> -> memref<10000x128xf32, #tpu.memory_space<hbm>>
      tpu.enqueue_indirect_dma source(%dma_start3A_273 : memref<10000x128xf32, #tpu.memory_space<hbm>>) target(%dma_start3A_267 : memref<128x128xf32, #tpu.memory_space<vmem>>) offsets(%dma_start3A_270 : memref<128xi32, #tpu.memory_space<vmem>>) semaphore(%arg12 : memref<!tpu.dma_semaphore, #tpu.memory_space<semaphore_mem>>)
      %run_scoped3A_274 = arith.constant 0 : i32
      %run_scoped3A_275 = arith.constant 8 : i32
      "tpu.region"() ({
        %run_scoped3A_453 = tpu.sem_alloc : memref<!tpu.dma_semaphore, #tpu.memory_space<semaphore_mem>>
        %dma_start3A_454 = arith.constant 0 : i32
        %dma_start3A_455 = arith.constant 0 : i32
        %dma_start3A_456 = tpu.memref_slice %arg9[%run_scoped3A_274, %dma_start3A_454, %dma_start3A_455] : memref<2x128x128xf32, #tpu.memory_space<vmem>> -> memref<1x128x128xf32, #tpu.memory_space<vmem>>
        %dma_start3A_457 = tpu.memref_squeeze %dma_start3A_456 : memref<1x128x128xf32, #tpu.memory_space<vmem>> -> memref<128x128xf32, #tpu.memory_space<vmem>>
        %dma_start3A_458 = arith.constant 0 : i32
        %dma_start3A_459 = tpu.memref_slice %arg8[%select_n3A_37, %run_scoped3A_275, %dma_start3A_458] : memref<2x16x128xi32, #tpu.memory_space<vmem>> -> memref<1x1x128xi32, #tpu.memory_space<vmem>>
        %dma_start3A_460 = tpu.memref_squeeze %dma_start3A_459 : memref<1x1x128xi32, #tpu.memory_space<vmem>> -> memref<128xi32, #tpu.memory_space<vmem>>
        %dma_start3A_461 = arith.constant 0 : i32
        %dma_start3A_462 = arith.constant 0 : i32
        %dma_start3A_463 = tpu.memref_slice %arg10[%dma_start3A_461, %dma_start3A_462] : memref<10240x128xf32, #tpu.memory_space<vmem_shared>> -> memref<10240x128xf32, #tpu.memory_space<vmem_shared>>
        tpu.enqueue_indirect_dma source(%dma_start3A_457 : memref<128x128xf32, #tpu.memory_space<vmem>>) target(%dma_start3A_463 : memref<10240x128xf32, #tpu.memory_space<vmem_shared>>) offsets(%dma_start3A_460 : memref<128xi32, #tpu.memory_space<vmem>>) semaphore(%run_scoped3A_453 : memref<!tpu.dma_semaphore, #tpu.memory_space<semaphore_mem>>) {add = true}
        %dma_wait3A_464 = arith.constant 0 : i32
        %dma_wait3A_465 = arith.constant 0 : i32
        %dma_wait3A_466 = tpu.memref_slice %arg9[%run_scoped3A_274, %dma_wait3A_464, %dma_wait3A_465] : memref<2x128x128xf32, #tpu.memory_space<vmem>> -> memref<1x128x128xf32, #tpu.memory_space<vmem>>
        %dma_wait3A_467 = tpu.memref_squeeze %dma_wait3A_466 : memref<1x128x128xf32, #tpu.memory_space<vmem>> -> memref<128x128xf32, #tpu.memory_space<vmem>>
        %dma_wait3A_468 = arith.constant 0 : i32
        %dma_wait3A_469 = tpu.memref_slice %arg8[%select_n3A_37, %run_scoped3A_275, %dma_wait3A_468] : memref<2x16x128xi32, #tpu.memory_space<vmem>> -> memref<1x1x128xi32, #tpu.memory_space<vmem>>
        %dma_wait3A_470 = tpu.memref_squeeze %dma_wait3A_469 : memref<1x1x128xi32, #tpu.memory_space<vmem>> -> memref<128xi32, #tpu.memory_space<vmem>>
        %dma_wait3A_471 = arith.constant 0 : i32
        %dma_wait3A_472 = arith.constant 0 : i32
        %dma_wait3A_473 = tpu.memref_slice %arg10[%dma_wait3A_471, %dma_wait3A_472] : memref<10240x128xf32, #tpu.memory_space<vmem_shared>> -> memref<10240x128xf32, #tpu.memory_space<vmem_shared>>
        tpu.wait_indirect_dma semaphore(%run_scoped3A_453 : memref<!tpu.dma_semaphore, #tpu.memory_space<semaphore_mem>>) src(%dma_wait3A_467 : memref<128x128xf32, #tpu.memory_space<vmem>>) dst(%dma_wait3A_473 : memref<10240x128xf32, #tpu.memory_space<vmem_shared>>)
        tpu.yield
      }) : () -> ()
      %dma_wait3A_276 = arith.constant 9 : i32
      %dma_wait3A_277 = arith.constant 1 : i32
      %dma_wait3A_278 = arith.constant 0 : i32
      %dma_wait3A_279 = arith.constant 0 : i32
      %dma_wait3A_280 = tpu.memref_slice %arg9[%dma_wait3A_277, %dma_wait3A_278, %dma_wait3A_279] : memref<2x128x128xf32, #tpu.memory_space<vmem>> -> memref<1x128x128xf32, #tpu.memory_space<vmem>>
      %dma_wait3A_281 = tpu.memref_squeeze %dma_wait3A_280 : memref<1x128x128xf32, #tpu.memory_space<vmem>> -> memref<128x128xf32, #tpu.memory_space<vmem>>
      %dma_wait3A_282 = arith.constant 0 : i32
      %dma_wait3A_283 = tpu.memref_slice %arg7[%select_n3A_37, %dma_wait3A_276, %dma_wait3A_282] : memref<2x16x128xi32, #tpu.memory_space<vmem>> -> memref<1x1x128xi32, #tpu.memory_space<vmem>>
      %dma_wait3A_284 = tpu.memref_squeeze %dma_wait3A_283 : memref<1x1x128xi32, #tpu.memory_space<vmem>> -> memref<128xi32, #tpu.memory_space<vmem>>
      %dma_wait3A_285 = arith.constant 0 : i32
      %dma_wait3A_286 = arith.constant 0 : i32
      %dma_wait3A_287 = tpu.memref_slice %arg2[%dma_wait3A_285, %dma_wait3A_286] : memref<10000x128xf32, #tpu.memory_space<hbm>> -> memref<10000x128xf32, #tpu.memory_space<hbm>>
      tpu.wait_indirect_dma semaphore(%arg12 : memref<!tpu.dma_semaphore, #tpu.memory_space<semaphore_mem>>) src(%dma_wait3A_287 : memref<10000x128xf32, #tpu.memory_space<hbm>>) dst(%dma_wait3A_281 : memref<128x128xf32, #tpu.memory_space<vmem>>)
      %dma_start3A_288 = arith.constant 10 : i32
      %dma_start3A_289 = arith.constant 0 : i32
      %dma_start3A_290 = arith.constant 0 : i32
      %dma_start3A_291 = arith.constant 0 : i32
      %dma_start3A_292 = tpu.memref_slice %arg9[%dma_start3A_289, %dma_start3A_290, %dma_start3A_291] : memref<2x128x128xf32, #tpu.memory_space<vmem>> -> memref<1x128x128xf32, #tpu.memory_space<vmem>>
      %dma_start3A_293 = tpu.memref_squeeze %dma_start3A_292 : memref<1x128x128xf32, #tpu.memory_space<vmem>> -> memref<128x128xf32, #tpu.memory_space<vmem>>
      %dma_start3A_294 = arith.constant 0 : i32
      %dma_start3A_295 = tpu.memref_slice %arg7[%select_n3A_37, %dma_start3A_288, %dma_start3A_294] : memref<2x16x128xi32, #tpu.memory_space<vmem>> -> memref<1x1x128xi32, #tpu.memory_space<vmem>>
      %dma_start3A_296 = tpu.memref_squeeze %dma_start3A_295 : memref<1x1x128xi32, #tpu.memory_space<vmem>> -> memref<128xi32, #tpu.memory_space<vmem>>
      %dma_start3A_297 = arith.constant 0 : i32
      %dma_start3A_298 = arith.constant 0 : i32
      %dma_start3A_299 = tpu.memref_slice %arg2[%dma_start3A_297, %dma_start3A_298] : memref<10000x128xf32, #tpu.memory_space<hbm>> -> memref<10000x128xf32, #tpu.memory_space<hbm>>
      tpu.enqueue_indirect_dma source(%dma_start3A_299 : memref<10000x128xf32, #tpu.memory_space<hbm>>) target(%dma_start3A_293 : memref<128x128xf32, #tpu.memory_space<vmem>>) offsets(%dma_start3A_296 : memref<128xi32, #tpu.memory_space<vmem>>) semaphore(%arg11 : memref<!tpu.dma_semaphore, #tpu.memory_space<semaphore_mem>>)
      %run_scoped3A_300 = arith.constant 1 : i32
      %run_scoped3A_301 = arith.constant 9 : i32
      "tpu.region"() ({
        %run_scoped3A_453 = tpu.sem_alloc : memref<!tpu.dma_semaphore, #tpu.memory_space<semaphore_mem>>
        %dma_start3A_454 = arith.constant 0 : i32
        %dma_start3A_455 = arith.constant 0 : i32
        %dma_start3A_456 = tpu.memref_slice %arg9[%run_scoped3A_300, %dma_start3A_454, %dma_start3A_455] : memref<2x128x128xf32, #tpu.memory_space<vmem>> -> memref<1x128x128xf32, #tpu.memory_space<vmem>>
        %dma_start3A_457 = tpu.memref_squeeze %dma_start3A_456 : memref<1x128x128xf32, #tpu.memory_space<vmem>> -> memref<128x128xf32, #tpu.memory_space<vmem>>
        %dma_start3A_458 = arith.constant 0 : i32
        %dma_start3A_459 = tpu.memref_slice %arg8[%select_n3A_37, %run_scoped3A_301, %dma_start3A_458] : memref<2x16x128xi32, #tpu.memory_space<vmem>> -> memref<1x1x128xi32, #tpu.memory_space<vmem>>
        %dma_start3A_460 = tpu.memref_squeeze %dma_start3A_459 : memref<1x1x128xi32, #tpu.memory_space<vmem>> -> memref<128xi32, #tpu.memory_space<vmem>>
        %dma_start3A_461 = arith.constant 0 : i32
        %dma_start3A_462 = arith.constant 0 : i32
        %dma_start3A_463 = tpu.memref_slice %arg10[%dma_start3A_461, %dma_start3A_462] : memref<10240x128xf32, #tpu.memory_space<vmem_shared>> -> memref<10240x128xf32, #tpu.memory_space<vmem_shared>>
        tpu.enqueue_indirect_dma source(%dma_start3A_457 : memref<128x128xf32, #tpu.memory_space<vmem>>) target(%dma_start3A_463 : memref<10240x128xf32, #tpu.memory_space<vmem_shared>>) offsets(%dma_start3A_460 : memref<128xi32, #tpu.memory_space<vmem>>) semaphore(%run_scoped3A_453 : memref<!tpu.dma_semaphore, #tpu.memory_space<semaphore_mem>>) {add = true}
        %dma_wait3A_464 = arith.constant 0 : i32
        %dma_wait3A_465 = arith.constant 0 : i32
        %dma_wait3A_466 = tpu.memref_slice %arg9[%run_scoped3A_300, %dma_wait3A_464, %dma_wait3A_465] : memref<2x128x128xf32, #tpu.memory_space<vmem>> -> memref<1x128x128xf32, #tpu.memory_space<vmem>>
        %dma_wait3A_467 = tpu.memref_squeeze %dma_wait3A_466 : memref<1x128x128xf32, #tpu.memory_space<vmem>> -> memref<128x128xf32, #tpu.memory_space<vmem>>
        %dma_wait3A_468 = arith.constant 0 : i32
        %dma_wait3A_469 = tpu.memref_slice %arg8[%select_n3A_37, %run_scoped3A_301, %dma_wait3A_468] : memref<2x16x128xi32, #tpu.memory_space<vmem>> -> memref<1x1x128xi32, #tpu.memory_space<vmem>>
        %dma_wait3A_470 = tpu.memref_squeeze %dma_wait3A_469 : memref<1x1x128xi32, #tpu.memory_space<vmem>> -> memref<128xi32, #tpu.memory_space<vmem>>
        %dma_wait3A_471 = arith.constant 0 : i32
        %dma_wait3A_472 = arith.constant 0 : i32
        %dma_wait3A_473 = tpu.memref_slice %arg10[%dma_wait3A_471, %dma_wait3A_472] : memref<10240x128xf32, #tpu.memory_space<vmem_shared>> -> memref<10240x128xf32, #tpu.memory_space<vmem_shared>>
        tpu.wait_indirect_dma semaphore(%run_scoped3A_453 : memref<!tpu.dma_semaphore, #tpu.memory_space<semaphore_mem>>) src(%dma_wait3A_467 : memref<128x128xf32, #tpu.memory_space<vmem>>) dst(%dma_wait3A_473 : memref<10240x128xf32, #tpu.memory_space<vmem_shared>>)
        tpu.yield
      }) : () -> ()
      %dma_wait3A_302 = arith.constant 10 : i32
      %dma_wait3A_303 = arith.constant 0 : i32
      %dma_wait3A_304 = arith.constant 0 : i32
      %dma_wait3A_305 = arith.constant 0 : i32
      %dma_wait3A_306 = tpu.memref_slice %arg9[%dma_wait3A_303, %dma_wait3A_304, %dma_wait3A_305] : memref<2x128x128xf32, #tpu.memory_space<vmem>> -> memref<1x128x128xf32, #tpu.memory_space<vmem>>
      %dma_wait3A_307 = tpu.memref_squeeze %dma_wait3A_306 : memref<1x128x128xf32, #tpu.memory_space<vmem>> -> memref<128x128xf32, #tpu.memory_space<vmem>>
      %dma_wait3A_308 = arith.constant 0 : i32
      %dma_wait3A_309 = tpu.memref_slice %arg7[%select_n3A_37, %dma_wait3A_302, %dma_wait3A_308] : memref<2x16x128xi32, #tpu.memory_space<vmem>> -> memref<1x1x128xi32, #tpu.memory_space<vmem>>
      %dma_wait3A_310 = tpu.memref_squeeze %dma_wait3A_309 : memref<1x1x128xi32, #tpu.memory_space<vmem>> -> memref<128xi32, #tpu.memory_space<vmem>>
      %dma_wait3A_311 = arith.constant 0 : i32
      %dma_wait3A_312 = arith.constant 0 : i32
      %dma_wait3A_313 = tpu.memref_slice %arg2[%dma_wait3A_311, %dma_wait3A_312] : memref<10000x128xf32, #tpu.memory_space<hbm>> -> memref<10000x128xf32, #tpu.memory_space<hbm>>
      tpu.wait_indirect_dma semaphore(%arg11 : memref<!tpu.dma_semaphore, #tpu.memory_space<semaphore_mem>>) src(%dma_wait3A_313 : memref<10000x128xf32, #tpu.memory_space<hbm>>) dst(%dma_wait3A_307 : memref<128x128xf32, #tpu.memory_space<vmem>>)
      %dma_start3A_314 = arith.constant 11 : i32
      %dma_start3A_315 = arith.constant 1 : i32
      %dma_start3A_316 = arith.constant 0 : i32
      %dma_start3A_317 = arith.constant 0 : i32
      %dma_start3A_318 = tpu.memref_slice %arg9[%dma_start3A_315, %dma_start3A_316, %dma_start3A_317] : memref<2x128x128xf32, #tpu.memory_space<vmem>> -> memref<1x128x128xf32, #tpu.memory_space<vmem>>
      %dma_start3A_319 = tpu.memref_squeeze %dma_start3A_318 : memref<1x128x128xf32, #tpu.memory_space<vmem>> -> memref<128x128xf32, #tpu.memory_space<vmem>>
      %dma_start3A_320 = arith.constant 0 : i32
      %dma_start3A_321 = tpu.memref_slice %arg7[%select_n3A_37, %dma_start3A_314, %dma_start3A_320] : memref<2x16x128xi32, #tpu.memory_space<vmem>> -> memref<1x1x128xi32, #tpu.memory_space<vmem>>
      %dma_start3A_322 = tpu.memref_squeeze %dma_start3A_321 : memref<1x1x128xi32, #tpu.memory_space<vmem>> -> memref<128xi32, #tpu.memory_space<vmem>>
      %dma_start3A_323 = arith.constant 0 : i32
      %dma_start3A_324 = arith.constant 0 : i32
      %dma_start3A_325 = tpu.memref_slice %arg2[%dma_start3A_323, %dma_start3A_324] : memref<10000x128xf32, #tpu.memory_space<hbm>> -> memref<10000x128xf32, #tpu.memory_space<hbm>>
      tpu.enqueue_indirect_dma source(%dma_start3A_325 : memref<10000x128xf32, #tpu.memory_space<hbm>>) target(%dma_start3A_319 : memref<128x128xf32, #tpu.memory_space<vmem>>) offsets(%dma_start3A_322 : memref<128xi32, #tpu.memory_space<vmem>>) semaphore(%arg12 : memref<!tpu.dma_semaphore, #tpu.memory_space<semaphore_mem>>)
      %run_scoped3A_326 = arith.constant 0 : i32
      %run_scoped3A_327 = arith.constant 10 : i32
      "tpu.region"() ({
        %run_scoped3A_453 = tpu.sem_alloc : memref<!tpu.dma_semaphore, #tpu.memory_space<semaphore_mem>>
        %dma_start3A_454 = arith.constant 0 : i32
        %dma_start3A_455 = arith.constant 0 : i32
        %dma_start3A_456 = tpu.memref_slice %arg9[%run_scoped3A_326, %dma_start3A_454, %dma_start3A_455] : memref<2x128x128xf32, #tpu.memory_space<vmem>> -> memref<1x128x128xf32, #tpu.memory_space<vmem>>
        %dma_start3A_457 = tpu.memref_squeeze %dma_start3A_456 : memref<1x128x128xf32, #tpu.memory_space<vmem>> -> memref<128x128xf32, #tpu.memory_space<vmem>>
        %dma_start3A_458 = arith.constant 0 : i32
        %dma_start3A_459 = tpu.memref_slice %arg8[%select_n3A_37, %run_scoped3A_327, %dma_start3A_458] : memref<2x16x128xi32, #tpu.memory_space<vmem>> -> memref<1x1x128xi32, #tpu.memory_space<vmem>>
        %dma_start3A_460 = tpu.memref_squeeze %dma_start3A_459 : memref<1x1x128xi32, #tpu.memory_space<vmem>> -> memref<128xi32, #tpu.memory_space<vmem>>
        %dma_start3A_461 = arith.constant 0 : i32
        %dma_start3A_462 = arith.constant 0 : i32
        %dma_start3A_463 = tpu.memref_slice %arg10[%dma_start3A_461, %dma_start3A_462] : memref<10240x128xf32, #tpu.memory_space<vmem_shared>> -> memref<10240x128xf32, #tpu.memory_space<vmem_shared>>
        tpu.enqueue_indirect_dma source(%dma_start3A_457 : memref<128x128xf32, #tpu.memory_space<vmem>>) target(%dma_start3A_463 : memref<10240x128xf32, #tpu.memory_space<vmem_shared>>) offsets(%dma_start3A_460 : memref<128xi32, #tpu.memory_space<vmem>>) semaphore(%run_scoped3A_453 : memref<!tpu.dma_semaphore, #tpu.memory_space<semaphore_mem>>) {add = true}
        %dma_wait3A_464 = arith.constant 0 : i32
        %dma_wait3A_465 = arith.constant 0 : i32
        %dma_wait3A_466 = tpu.memref_slice %arg9[%run_scoped3A_326, %dma_wait3A_464, %dma_wait3A_465] : memref<2x128x128xf32, #tpu.memory_space<vmem>> -> memref<1x128x128xf32, #tpu.memory_space<vmem>>
        %dma_wait3A_467 = tpu.memref_squeeze %dma_wait3A_466 : memref<1x128x128xf32, #tpu.memory_space<vmem>> -> memref<128x128xf32, #tpu.memory_space<vmem>>
        %dma_wait3A_468 = arith.constant 0 : i32
        %dma_wait3A_469 = tpu.memref_slice %arg8[%select_n3A_37, %run_scoped3A_327, %dma_wait3A_468] : memref<2x16x128xi32, #tpu.memory_space<vmem>> -> memref<1x1x128xi32, #tpu.memory_space<vmem>>
        %dma_wait3A_470 = tpu.memref_squeeze %dma_wait3A_469 : memref<1x1x128xi32, #tpu.memory_space<vmem>> -> memref<128xi32, #tpu.memory_space<vmem>>
        %dma_wait3A_471 = arith.constant 0 : i32
        %dma_wait3A_472 = arith.constant 0 : i32
        %dma_wait3A_473 = tpu.memref_slice %arg10[%dma_wait3A_471, %dma_wait3A_472] : memref<10240x128xf32, #tpu.memory_space<vmem_shared>> -> memref<10240x128xf32, #tpu.memory_space<vmem_shared>>
        tpu.wait_indirect_dma semaphore(%run_scoped3A_453 : memref<!tpu.dma_semaphore, #tpu.memory_space<semaphore_mem>>) src(%dma_wait3A_467 : memref<128x128xf32, #tpu.memory_space<vmem>>) dst(%dma_wait3A_473 : memref<10240x128xf32, #tpu.memory_space<vmem_shared>>)
        tpu.yield
      }) : () -> ()
      %dma_wait3A_328 = arith.constant 11 : i32
      %dma_wait3A_329 = arith.constant 1 : i32
      %dma_wait3A_330 = arith.constant 0 : i32
      %dma_wait3A_331 = arith.constant 0 : i32
      %dma_wait3A_332 = tpu.memref_slice %arg9[%dma_wait3A_329, %dma_wait3A_330, %dma_wait3A_331] : memref<2x128x128xf32, #tpu.memory_space<vmem>> -> memref<1x128x128xf32, #tpu.memory_space<vmem>>
      %dma_wait3A_333 = tpu.memref_squeeze %dma_wait3A_332 : memref<1x128x128xf32, #tpu.memory_space<vmem>> -> memref<128x128xf32, #tpu.memory_space<vmem>>
      %dma_wait3A_334 = arith.constant 0 : i32
      %dma_wait3A_335 = tpu.memref_slice %arg7[%select_n3A_37, %dma_wait3A_328, %dma_wait3A_334] : memref<2x16x128xi32, #tpu.memory_space<vmem>> -> memref<1x1x128xi32, #tpu.memory_space<vmem>>
      %dma_wait3A_336 = tpu.memref_squeeze %dma_wait3A_335 : memref<1x1x128xi32, #tpu.memory_space<vmem>> -> memref<128xi32, #tpu.memory_space<vmem>>
      %dma_wait3A_337 = arith.constant 0 : i32
      %dma_wait3A_338 = arith.constant 0 : i32
      %dma_wait3A_339 = tpu.memref_slice %arg2[%dma_wait3A_337, %dma_wait3A_338] : memref<10000x128xf32, #tpu.memory_space<hbm>> -> memref<10000x128xf32, #tpu.memory_space<hbm>>
      tpu.wait_indirect_dma semaphore(%arg12 : memref<!tpu.dma_semaphore, #tpu.memory_space<semaphore_mem>>) src(%dma_wait3A_339 : memref<10000x128xf32, #tpu.memory_space<hbm>>) dst(%dma_wait3A_333 : memref<128x128xf32, #tpu.memory_space<vmem>>)
      %dma_start3A_340 = arith.constant 12 : i32
      %dma_start3A_341 = arith.constant 0 : i32
      %dma_start3A_342 = arith.constant 0 : i32
      %dma_start3A_343 = arith.constant 0 : i32
      %dma_start3A_344 = tpu.memref_slice %arg9[%dma_start3A_341, %dma_start3A_342, %dma_start3A_343] : memref<2x128x128xf32, #tpu.memory_space<vmem>> -> memref<1x128x128xf32, #tpu.memory_space<vmem>>
      %dma_start3A_345 = tpu.memref_squeeze %dma_start3A_344 : memref<1x128x128xf32, #tpu.memory_space<vmem>> -> memref<128x128xf32, #tpu.memory_space<vmem>>
      %dma_start3A_346 = arith.constant 0 : i32
      %dma_start3A_347 = tpu.memref_slice %arg7[%select_n3A_37, %dma_start3A_340, %dma_start3A_346] : memref<2x16x128xi32, #tpu.memory_space<vmem>> -> memref<1x1x128xi32, #tpu.memory_space<vmem>>
      %dma_start3A_348 = tpu.memref_squeeze %dma_start3A_347 : memref<1x1x128xi32, #tpu.memory_space<vmem>> -> memref<128xi32, #tpu.memory_space<vmem>>
      %dma_start3A_349 = arith.constant 0 : i32
      %dma_start3A_350 = arith.constant 0 : i32
      %dma_start3A_351 = tpu.memref_slice %arg2[%dma_start3A_349, %dma_start3A_350] : memref<10000x128xf32, #tpu.memory_space<hbm>> -> memref<10000x128xf32, #tpu.memory_space<hbm>>
      tpu.enqueue_indirect_dma source(%dma_start3A_351 : memref<10000x128xf32, #tpu.memory_space<hbm>>) target(%dma_start3A_345 : memref<128x128xf32, #tpu.memory_space<vmem>>) offsets(%dma_start3A_348 : memref<128xi32, #tpu.memory_space<vmem>>) semaphore(%arg11 : memref<!tpu.dma_semaphore, #tpu.memory_space<semaphore_mem>>)
      %run_scoped3A_352 = arith.constant 1 : i32
      %run_scoped3A_353 = arith.constant 11 : i32
      "tpu.region"() ({
        %run_scoped3A_453 = tpu.sem_alloc : memref<!tpu.dma_semaphore, #tpu.memory_space<semaphore_mem>>
        %dma_start3A_454 = arith.constant 0 : i32
        %dma_start3A_455 = arith.constant 0 : i32
        %dma_start3A_456 = tpu.memref_slice %arg9[%run_scoped3A_352, %dma_start3A_454, %dma_start3A_455] : memref<2x128x128xf32, #tpu.memory_space<vmem>> -> memref<1x128x128xf32, #tpu.memory_space<vmem>>
        %dma_start3A_457 = tpu.memref_squeeze %dma_start3A_456 : memref<1x128x128xf32, #tpu.memory_space<vmem>> -> memref<128x128xf32, #tpu.memory_space<vmem>>
        %dma_start3A_458 = arith.constant 0 : i32
        %dma_start3A_459 = tpu.memref_slice %arg8[%select_n3A_37, %run_scoped3A_353, %dma_start3A_458] : memref<2x16x128xi32, #tpu.memory_space<vmem>> -> memref<1x1x128xi32, #tpu.memory_space<vmem>>
        %dma_start3A_460 = tpu.memref_squeeze %dma_start3A_459 : memref<1x1x128xi32, #tpu.memory_space<vmem>> -> memref<128xi32, #tpu.memory_space<vmem>>
        %dma_start3A_461 = arith.constant 0 : i32
        %dma_start3A_462 = arith.constant 0 : i32
        %dma_start3A_463 = tpu.memref_slice %arg10[%dma_start3A_461, %dma_start3A_462] : memref<10240x128xf32, #tpu.memory_space<vmem_shared>> -> memref<10240x128xf32, #tpu.memory_space<vmem_shared>>
        tpu.enqueue_indirect_dma source(%dma_start3A_457 : memref<128x128xf32, #tpu.memory_space<vmem>>) target(%dma_start3A_463 : memref<10240x128xf32, #tpu.memory_space<vmem_shared>>) offsets(%dma_start3A_460 : memref<128xi32, #tpu.memory_space<vmem>>) semaphore(%run_scoped3A_453 : memref<!tpu.dma_semaphore, #tpu.memory_space<semaphore_mem>>) {add = true}
        %dma_wait3A_464 = arith.constant 0 : i32
        %dma_wait3A_465 = arith.constant 0 : i32
        %dma_wait3A_466 = tpu.memref_slice %arg9[%run_scoped3A_352, %dma_wait3A_464, %dma_wait3A_465] : memref<2x128x128xf32, #tpu.memory_space<vmem>> -> memref<1x128x128xf32, #tpu.memory_space<vmem>>
        %dma_wait3A_467 = tpu.memref_squeeze %dma_wait3A_466 : memref<1x128x128xf32, #tpu.memory_space<vmem>> -> memref<128x128xf32, #tpu.memory_space<vmem>>
        %dma_wait3A_468 = arith.constant 0 : i32
        %dma_wait3A_469 = tpu.memref_slice %arg8[%select_n3A_37, %run_scoped3A_353, %dma_wait3A_468] : memref<2x16x128xi32, #tpu.memory_space<vmem>> -> memref<1x1x128xi32, #tpu.memory_space<vmem>>
        %dma_wait3A_470 = tpu.memref_squeeze %dma_wait3A_469 : memref<1x1x128xi32, #tpu.memory_space<vmem>> -> memref<128xi32, #tpu.memory_space<vmem>>
        %dma_wait3A_471 = arith.constant 0 : i32
        %dma_wait3A_472 = arith.constant 0 : i32
        %dma_wait3A_473 = tpu.memref_slice %arg10[%dma_wait3A_471, %dma_wait3A_472] : memref<10240x128xf32, #tpu.memory_space<vmem_shared>> -> memref<10240x128xf32, #tpu.memory_space<vmem_shared>>
        tpu.wait_indirect_dma semaphore(%run_scoped3A_453 : memref<!tpu.dma_semaphore, #tpu.memory_space<semaphore_mem>>) src(%dma_wait3A_467 : memref<128x128xf32, #tpu.memory_space<vmem>>) dst(%dma_wait3A_473 : memref<10240x128xf32, #tpu.memory_space<vmem_shared>>)
        tpu.yield
      }) : () -> ()
      %dma_wait3A_354 = arith.constant 12 : i32
      %dma_wait3A_355 = arith.constant 0 : i32
      %dma_wait3A_356 = arith.constant 0 : i32
      %dma_wait3A_357 = arith.constant 0 : i32
      %dma_wait3A_358 = tpu.memref_slice %arg9[%dma_wait3A_355, %dma_wait3A_356, %dma_wait3A_357] : memref<2x128x128xf32, #tpu.memory_space<vmem>> -> memref<1x128x128xf32, #tpu.memory_space<vmem>>
      %dma_wait3A_359 = tpu.memref_squeeze %dma_wait3A_358 : memref<1x128x128xf32, #tpu.memory_space<vmem>> -> memref<128x128xf32, #tpu.memory_space<vmem>>
      %dma_wait3A_360 = arith.constant 0 : i32
      %dma_wait3A_361 = tpu.memref_slice %arg7[%select_n3A_37, %dma_wait3A_354, %dma_wait3A_360] : memref<2x16x128xi32, #tpu.memory_space<vmem>> -> memref<1x1x128xi32, #tpu.memory_space<vmem>>
      %dma_wait3A_362 = tpu.memref_squeeze %dma_wait3A_361 : memref<1x1x128xi32, #tpu.memory_space<vmem>> -> memref<128xi32, #tpu.memory_space<vmem>>
      %dma_wait3A_363 = arith.constant 0 : i32
      %dma_wait3A_364 = arith.constant 0 : i32
      %dma_wait3A_365 = tpu.memref_slice %arg2[%dma_wait3A_363, %dma_wait3A_364] : memref<10000x128xf32, #tpu.memory_space<hbm>> -> memref<10000x128xf32, #tpu.memory_space<hbm>>
      tpu.wait_indirect_dma semaphore(%arg11 : memref<!tpu.dma_semaphore, #tpu.memory_space<semaphore_mem>>) src(%dma_wait3A_365 : memref<10000x128xf32, #tpu.memory_space<hbm>>) dst(%dma_wait3A_359 : memref<128x128xf32, #tpu.memory_space<vmem>>)
      %dma_start3A_366 = arith.constant 13 : i32
      %dma_start3A_367 = arith.constant 1 : i32
      %dma_start3A_368 = arith.constant 0 : i32
      %dma_start3A_369 = arith.constant 0 : i32
      %dma_start3A_370 = tpu.memref_slice %arg9[%dma_start3A_367, %dma_start3A_368, %dma_start3A_369] : memref<2x128x128xf32, #tpu.memory_space<vmem>> -> memref<1x128x128xf32, #tpu.memory_space<vmem>>
      %dma_start3A_371 = tpu.memref_squeeze %dma_start3A_370 : memref<1x128x128xf32, #tpu.memory_space<vmem>> -> memref<128x128xf32, #tpu.memory_space<vmem>>
      %dma_start3A_372 = arith.constant 0 : i32
      %dma_start3A_373 = tpu.memref_slice %arg7[%select_n3A_37, %dma_start3A_366, %dma_start3A_372] : memref<2x16x128xi32, #tpu.memory_space<vmem>> -> memref<1x1x128xi32, #tpu.memory_space<vmem>>
      %dma_start3A_374 = tpu.memref_squeeze %dma_start3A_373 : memref<1x1x128xi32, #tpu.memory_space<vmem>> -> memref<128xi32, #tpu.memory_space<vmem>>
      %dma_start3A_375 = arith.constant 0 : i32
      %dma_start3A_376 = arith.constant 0 : i32
      %dma_start3A_377 = tpu.memref_slice %arg2[%dma_start3A_375, %dma_start3A_376] : memref<10000x128xf32, #tpu.memory_space<hbm>> -> memref<10000x128xf32, #tpu.memory_space<hbm>>
      tpu.enqueue_indirect_dma source(%dma_start3A_377 : memref<10000x128xf32, #tpu.memory_space<hbm>>) target(%dma_start3A_371 : memref<128x128xf32, #tpu.memory_space<vmem>>) offsets(%dma_start3A_374 : memref<128xi32, #tpu.memory_space<vmem>>) semaphore(%arg12 : memref<!tpu.dma_semaphore, #tpu.memory_space<semaphore_mem>>)
      %run_scoped3A_378 = arith.constant 0 : i32
      %run_scoped3A_379 = arith.constant 12 : i32
      "tpu.region"() ({
        %run_scoped3A_453 = tpu.sem_alloc : memref<!tpu.dma_semaphore, #tpu.memory_space<semaphore_mem>>
        %dma_start3A_454 = arith.constant 0 : i32
        %dma_start3A_455 = arith.constant 0 : i32
        %dma_start3A_456 = tpu.memref_slice %arg9[%run_scoped3A_378, %dma_start3A_454, %dma_start3A_455] : memref<2x128x128xf32, #tpu.memory_space<vmem>> -> memref<1x128x128xf32, #tpu.memory_space<vmem>>
        %dma_start3A_457 = tpu.memref_squeeze %dma_start3A_456 : memref<1x128x128xf32, #tpu.memory_space<vmem>> -> memref<128x128xf32, #tpu.memory_space<vmem>>
        %dma_start3A_458 = arith.constant 0 : i32
        %dma_start3A_459 = tpu.memref_slice %arg8[%select_n3A_37, %run_scoped3A_379, %dma_start3A_458] : memref<2x16x128xi32, #tpu.memory_space<vmem>> -> memref<1x1x128xi32, #tpu.memory_space<vmem>>
        %dma_start3A_460 = tpu.memref_squeeze %dma_start3A_459 : memref<1x1x128xi32, #tpu.memory_space<vmem>> -> memref<128xi32, #tpu.memory_space<vmem>>
        %dma_start3A_461 = arith.constant 0 : i32
        %dma_start3A_462 = arith.constant 0 : i32
        %dma_start3A_463 = tpu.memref_slice %arg10[%dma_start3A_461, %dma_start3A_462] : memref<10240x128xf32, #tpu.memory_space<vmem_shared>> -> memref<10240x128xf32, #tpu.memory_space<vmem_shared>>
        tpu.enqueue_indirect_dma source(%dma_start3A_457 : memref<128x128xf32, #tpu.memory_space<vmem>>) target(%dma_start3A_463 : memref<10240x128xf32, #tpu.memory_space<vmem_shared>>) offsets(%dma_start3A_460 : memref<128xi32, #tpu.memory_space<vmem>>) semaphore(%run_scoped3A_453 : memref<!tpu.dma_semaphore, #tpu.memory_space<semaphore_mem>>) {add = true}
        %dma_wait3A_464 = arith.constant 0 : i32
        %dma_wait3A_465 = arith.constant 0 : i32
        %dma_wait3A_466 = tpu.memref_slice %arg9[%run_scoped3A_378, %dma_wait3A_464, %dma_wait3A_465] : memref<2x128x128xf32, #tpu.memory_space<vmem>> -> memref<1x128x128xf32, #tpu.memory_space<vmem>>
        %dma_wait3A_467 = tpu.memref_squeeze %dma_wait3A_466 : memref<1x128x128xf32, #tpu.memory_space<vmem>> -> memref<128x128xf32, #tpu.memory_space<vmem>>
        %dma_wait3A_468 = arith.constant 0 : i32
        %dma_wait3A_469 = tpu.memref_slice %arg8[%select_n3A_37, %run_scoped3A_379, %dma_wait3A_468] : memref<2x16x128xi32, #tpu.memory_space<vmem>> -> memref<1x1x128xi32, #tpu.memory_space<vmem>>
        %dma_wait3A_470 = tpu.memref_squeeze %dma_wait3A_469 : memref<1x1x128xi32, #tpu.memory_space<vmem>> -> memref<128xi32, #tpu.memory_space<vmem>>
        %dma_wait3A_471 = arith.constant 0 : i32
        %dma_wait3A_472 = arith.constant 0 : i32
        %dma_wait3A_473 = tpu.memref_slice %arg10[%dma_wait3A_471, %dma_wait3A_472] : memref<10240x128xf32, #tpu.memory_space<vmem_shared>> -> memref<10240x128xf32, #tpu.memory_space<vmem_shared>>
        tpu.wait_indirect_dma semaphore(%run_scoped3A_453 : memref<!tpu.dma_semaphore, #tpu.memory_space<semaphore_mem>>) src(%dma_wait3A_467 : memref<128x128xf32, #tpu.memory_space<vmem>>) dst(%dma_wait3A_473 : memref<10240x128xf32, #tpu.memory_space<vmem_shared>>)
        tpu.yield
      }) : () -> ()
      %dma_wait3A_380 = arith.constant 13 : i32
      %dma_wait3A_381 = arith.constant 1 : i32
      %dma_wait3A_382 = arith.constant 0 : i32
      %dma_wait3A_383 = arith.constant 0 : i32
      %dma_wait3A_384 = tpu.memref_slice %arg9[%dma_wait3A_381, %dma_wait3A_382, %dma_wait3A_383] : memref<2x128x128xf32, #tpu.memory_space<vmem>> -> memref<1x128x128xf32, #tpu.memory_space<vmem>>
      %dma_wait3A_385 = tpu.memref_squeeze %dma_wait3A_384 : memref<1x128x128xf32, #tpu.memory_space<vmem>> -> memref<128x128xf32, #tpu.memory_space<vmem>>
      %dma_wait3A_386 = arith.constant 0 : i32
      %dma_wait3A_387 = tpu.memref_slice %arg7[%select_n3A_37, %dma_wait3A_380, %dma_wait3A_386] : memref<2x16x128xi32, #tpu.memory_space<vmem>> -> memref<1x1x128xi32, #tpu.memory_space<vmem>>
      %dma_wait3A_388 = tpu.memref_squeeze %dma_wait3A_387 : memref<1x1x128xi32, #tpu.memory_space<vmem>> -> memref<128xi32, #tpu.memory_space<vmem>>
      %dma_wait3A_389 = arith.constant 0 : i32
      %dma_wait3A_390 = arith.constant 0 : i32
      %dma_wait3A_391 = tpu.memref_slice %arg2[%dma_wait3A_389, %dma_wait3A_390] : memref<10000x128xf32, #tpu.memory_space<hbm>> -> memref<10000x128xf32, #tpu.memory_space<hbm>>
      tpu.wait_indirect_dma semaphore(%arg12 : memref<!tpu.dma_semaphore, #tpu.memory_space<semaphore_mem>>) src(%dma_wait3A_391 : memref<10000x128xf32, #tpu.memory_space<hbm>>) dst(%dma_wait3A_385 : memref<128x128xf32, #tpu.memory_space<vmem>>)
      %dma_start3A_392 = arith.constant 14 : i32
      %dma_start3A_393 = arith.constant 0 : i32
      %dma_start3A_394 = arith.constant 0 : i32
      %dma_start3A_395 = arith.constant 0 : i32
      %dma_start3A_396 = tpu.memref_slice %arg9[%dma_start3A_393, %dma_start3A_394, %dma_start3A_395] : memref<2x128x128xf32, #tpu.memory_space<vmem>> -> memref<1x128x128xf32, #tpu.memory_space<vmem>>
      %dma_start3A_397 = tpu.memref_squeeze %dma_start3A_396 : memref<1x128x128xf32, #tpu.memory_space<vmem>> -> memref<128x128xf32, #tpu.memory_space<vmem>>
      %dma_start3A_398 = arith.constant 0 : i32
      %dma_start3A_399 = tpu.memref_slice %arg7[%select_n3A_37, %dma_start3A_392, %dma_start3A_398] : memref<2x16x128xi32, #tpu.memory_space<vmem>> -> memref<1x1x128xi32, #tpu.memory_space<vmem>>
      %dma_start3A_400 = tpu.memref_squeeze %dma_start3A_399 : memref<1x1x128xi32, #tpu.memory_space<vmem>> -> memref<128xi32, #tpu.memory_space<vmem>>
      %dma_start3A_401 = arith.constant 0 : i32
      %dma_start3A_402 = arith.constant 0 : i32
      %dma_start3A_403 = tpu.memref_slice %arg2[%dma_start3A_401, %dma_start3A_402] : memref<10000x128xf32, #tpu.memory_space<hbm>> -> memref<10000x128xf32, #tpu.memory_space<hbm>>
      tpu.enqueue_indirect_dma source(%dma_start3A_403 : memref<10000x128xf32, #tpu.memory_space<hbm>>) target(%dma_start3A_397 : memref<128x128xf32, #tpu.memory_space<vmem>>) offsets(%dma_start3A_400 : memref<128xi32, #tpu.memory_space<vmem>>) semaphore(%arg11 : memref<!tpu.dma_semaphore, #tpu.memory_space<semaphore_mem>>)
      %run_scoped3A_404 = arith.constant 1 : i32
      %run_scoped3A_405 = arith.constant 13 : i32
      "tpu.region"() ({
        %run_scoped3A_453 = tpu.sem_alloc : memref<!tpu.dma_semaphore, #tpu.memory_space<semaphore_mem>>
        %dma_start3A_454 = arith.constant 0 : i32
        %dma_start3A_455 = arith.constant 0 : i32
        %dma_start3A_456 = tpu.memref_slice %arg9[%run_scoped3A_404, %dma_start3A_454, %dma_start3A_455] : memref<2x128x128xf32, #tpu.memory_space<vmem>> -> memref<1x128x128xf32, #tpu.memory_space<vmem>>
        %dma_start3A_457 = tpu.memref_squeeze %dma_start3A_456 : memref<1x128x128xf32, #tpu.memory_space<vmem>> -> memref<128x128xf32, #tpu.memory_space<vmem>>
        %dma_start3A_458 = arith.constant 0 : i32
        %dma_start3A_459 = tpu.memref_slice %arg8[%select_n3A_37, %run_scoped3A_405, %dma_start3A_458] : memref<2x16x128xi32, #tpu.memory_space<vmem>> -> memref<1x1x128xi32, #tpu.memory_space<vmem>>
        %dma_start3A_460 = tpu.memref_squeeze %dma_start3A_459 : memref<1x1x128xi32, #tpu.memory_space<vmem>> -> memref<128xi32, #tpu.memory_space<vmem>>
        %dma_start3A_461 = arith.constant 0 : i32
        %dma_start3A_462 = arith.constant 0 : i32
        %dma_start3A_463 = tpu.memref_slice %arg10[%dma_start3A_461, %dma_start3A_462] : memref<10240x128xf32, #tpu.memory_space<vmem_shared>> -> memref<10240x128xf32, #tpu.memory_space<vmem_shared>>
        tpu.enqueue_indirect_dma source(%dma_start3A_457 : memref<128x128xf32, #tpu.memory_space<vmem>>) target(%dma_start3A_463 : memref<10240x128xf32, #tpu.memory_space<vmem_shared>>) offsets(%dma_start3A_460 : memref<128xi32, #tpu.memory_space<vmem>>) semaphore(%run_scoped3A_453 : memref<!tpu.dma_semaphore, #tpu.memory_space<semaphore_mem>>) {add = true}
        %dma_wait3A_464 = arith.constant 0 : i32
        %dma_wait3A_465 = arith.constant 0 : i32
        %dma_wait3A_466 = tpu.memref_slice %arg9[%run_scoped3A_404, %dma_wait3A_464, %dma_wait3A_465] : memref<2x128x128xf32, #tpu.memory_space<vmem>> -> memref<1x128x128xf32, #tpu.memory_space<vmem>>
        %dma_wait3A_467 = tpu.memref_squeeze %dma_wait3A_466 : memref<1x128x128xf32, #tpu.memory_space<vmem>> -> memref<128x128xf32, #tpu.memory_space<vmem>>
        %dma_wait3A_468 = arith.constant 0 : i32
        %dma_wait3A_469 = tpu.memref_slice %arg8[%select_n3A_37, %run_scoped3A_405, %dma_wait3A_468] : memref<2x16x128xi32, #tpu.memory_space<vmem>> -> memref<1x1x128xi32, #tpu.memory_space<vmem>>
        %dma_wait3A_470 = tpu.memref_squeeze %dma_wait3A_469 : memref<1x1x128xi32, #tpu.memory_space<vmem>> -> memref<128xi32, #tpu.memory_space<vmem>>
        %dma_wait3A_471 = arith.constant 0 : i32
        %dma_wait3A_472 = arith.constant 0 : i32
        %dma_wait3A_473 = tpu.memref_slice %arg10[%dma_wait3A_471, %dma_wait3A_472] : memref<10240x128xf32, #tpu.memory_space<vmem_shared>> -> memref<10240x128xf32, #tpu.memory_space<vmem_shared>>
        tpu.wait_indirect_dma semaphore(%run_scoped3A_453 : memref<!tpu.dma_semaphore, #tpu.memory_space<semaphore_mem>>) src(%dma_wait3A_467 : memref<128x128xf32, #tpu.memory_space<vmem>>) dst(%dma_wait3A_473 : memref<10240x128xf32, #tpu.memory_space<vmem_shared>>)
        tpu.yield
      }) : () -> ()
      %dma_wait3A_406 = arith.constant 14 : i32
      %dma_wait3A_407 = arith.constant 0 : i32
      %dma_wait3A_408 = arith.constant 0 : i32
      %dma_wait3A_409 = arith.constant 0 : i32
      %dma_wait3A_410 = tpu.memref_slice %arg9[%dma_wait3A_407, %dma_wait3A_408, %dma_wait3A_409] : memref<2x128x128xf32, #tpu.memory_space<vmem>> -> memref<1x128x128xf32, #tpu.memory_space<vmem>>
      %dma_wait3A_411 = tpu.memref_squeeze %dma_wait3A_410 : memref<1x128x128xf32, #tpu.memory_space<vmem>> -> memref<128x128xf32, #tpu.memory_space<vmem>>
      %dma_wait3A_412 = arith.constant 0 : i32
      %dma_wait3A_413 = tpu.memref_slice %arg7[%select_n3A_37, %dma_wait3A_406, %dma_wait3A_412] : memref<2x16x128xi32, #tpu.memory_space<vmem>> -> memref<1x1x128xi32, #tpu.memory_space<vmem>>
      %dma_wait3A_414 = tpu.memref_squeeze %dma_wait3A_413 : memref<1x1x128xi32, #tpu.memory_space<vmem>> -> memref<128xi32, #tpu.memory_space<vmem>>
      %dma_wait3A_415 = arith.constant 0 : i32
      %dma_wait3A_416 = arith.constant 0 : i32
      %dma_wait3A_417 = tpu.memref_slice %arg2[%dma_wait3A_415, %dma_wait3A_416] : memref<10000x128xf32, #tpu.memory_space<hbm>> -> memref<10000x128xf32, #tpu.memory_space<hbm>>
      tpu.wait_indirect_dma semaphore(%arg11 : memref<!tpu.dma_semaphore, #tpu.memory_space<semaphore_mem>>) src(%dma_wait3A_417 : memref<10000x128xf32, #tpu.memory_space<hbm>>) dst(%dma_wait3A_411 : memref<128x128xf32, #tpu.memory_space<vmem>>)
      %dma_start3A_418 = arith.constant 15 : i32
      %dma_start3A_419 = arith.constant 1 : i32
      %dma_start3A_420 = arith.constant 0 : i32
      %dma_start3A_421 = arith.constant 0 : i32
      %dma_start3A_422 = tpu.memref_slice %arg9[%dma_start3A_419, %dma_start3A_420, %dma_start3A_421] : memref<2x128x128xf32, #tpu.memory_space<vmem>> -> memref<1x128x128xf32, #tpu.memory_space<vmem>>
      %dma_start3A_423 = tpu.memref_squeeze %dma_start3A_422 : memref<1x128x128xf32, #tpu.memory_space<vmem>> -> memref<128x128xf32, #tpu.memory_space<vmem>>
      %dma_start3A_424 = arith.constant 0 : i32
      %dma_start3A_425 = tpu.memref_slice %arg7[%select_n3A_37, %dma_start3A_418, %dma_start3A_424] : memref<2x16x128xi32, #tpu.memory_space<vmem>> -> memref<1x1x128xi32, #tpu.memory_space<vmem>>
      %dma_start3A_426 = tpu.memref_squeeze %dma_start3A_425 : memref<1x1x128xi32, #tpu.memory_space<vmem>> -> memref<128xi32, #tpu.memory_space<vmem>>
      %dma_start3A_427 = arith.constant 0 : i32
      %dma_start3A_428 = arith.constant 0 : i32
      %dma_start3A_429 = tpu.memref_slice %arg2[%dma_start3A_427, %dma_start3A_428] : memref<10000x128xf32, #tpu.memory_space<hbm>> -> memref<10000x128xf32, #tpu.memory_space<hbm>>
      tpu.enqueue_indirect_dma source(%dma_start3A_429 : memref<10000x128xf32, #tpu.memory_space<hbm>>) target(%dma_start3A_423 : memref<128x128xf32, #tpu.memory_space<vmem>>) offsets(%dma_start3A_426 : memref<128xi32, #tpu.memory_space<vmem>>) semaphore(%arg12 : memref<!tpu.dma_semaphore, #tpu.memory_space<semaphore_mem>>)
      %run_scoped3A_430 = arith.constant 0 : i32
      %run_scoped3A_431 = arith.constant 14 : i32
      "tpu.region"() ({
        %run_scoped3A_453 = tpu.sem_alloc : memref<!tpu.dma_semaphore, #tpu.memory_space<semaphore_mem>>
        %dma_start3A_454 = arith.constant 0 : i32
        %dma_start3A_455 = arith.constant 0 : i32
        %dma_start3A_456 = tpu.memref_slice %arg9[%run_scoped3A_430, %dma_start3A_454, %dma_start3A_455] : memref<2x128x128xf32, #tpu.memory_space<vmem>> -> memref<1x128x128xf32, #tpu.memory_space<vmem>>
        %dma_start3A_457 = tpu.memref_squeeze %dma_start3A_456 : memref<1x128x128xf32, #tpu.memory_space<vmem>> -> memref<128x128xf32, #tpu.memory_space<vmem>>
        %dma_start3A_458 = arith.constant 0 : i32
        %dma_start3A_459 = tpu.memref_slice %arg8[%select_n3A_37, %run_scoped3A_431, %dma_start3A_458] : memref<2x16x128xi32, #tpu.memory_space<vmem>> -> memref<1x1x128xi32, #tpu.memory_space<vmem>>
        %dma_start3A_460 = tpu.memref_squeeze %dma_start3A_459 : memref<1x1x128xi32, #tpu.memory_space<vmem>> -> memref<128xi32, #tpu.memory_space<vmem>>
        %dma_start3A_461 = arith.constant 0 : i32
        %dma_start3A_462 = arith.constant 0 : i32
        %dma_start3A_463 = tpu.memref_slice %arg10[%dma_start3A_461, %dma_start3A_462] : memref<10240x128xf32, #tpu.memory_space<vmem_shared>> -> memref<10240x128xf32, #tpu.memory_space<vmem_shared>>
        tpu.enqueue_indirect_dma source(%dma_start3A_457 : memref<128x128xf32, #tpu.memory_space<vmem>>) target(%dma_start3A_463 : memref<10240x128xf32, #tpu.memory_space<vmem_shared>>) offsets(%dma_start3A_460 : memref<128xi32, #tpu.memory_space<vmem>>) semaphore(%run_scoped3A_453 : memref<!tpu.dma_semaphore, #tpu.memory_space<semaphore_mem>>) {add = true}
        %dma_wait3A_464 = arith.constant 0 : i32
        %dma_wait3A_465 = arith.constant 0 : i32
        %dma_wait3A_466 = tpu.memref_slice %arg9[%run_scoped3A_430, %dma_wait3A_464, %dma_wait3A_465] : memref<2x128x128xf32, #tpu.memory_space<vmem>> -> memref<1x128x128xf32, #tpu.memory_space<vmem>>
        %dma_wait3A_467 = tpu.memref_squeeze %dma_wait3A_466 : memref<1x128x128xf32, #tpu.memory_space<vmem>> -> memref<128x128xf32, #tpu.memory_space<vmem>>
        %dma_wait3A_468 = arith.constant 0 : i32
        %dma_wait3A_469 = tpu.memref_slice %arg8[%select_n3A_37, %run_scoped3A_431, %dma_wait3A_468] : memref<2x16x128xi32, #tpu.memory_space<vmem>> -> memref<1x1x128xi32, #tpu.memory_space<vmem>>
        %dma_wait3A_470 = tpu.memref_squeeze %dma_wait3A_469 : memref<1x1x128xi32, #tpu.memory_space<vmem>> -> memref<128xi32, #tpu.memory_space<vmem>>
        %dma_wait3A_471 = arith.constant 0 : i32
        %dma_wait3A_472 = arith.constant 0 : i32
        %dma_wait3A_473 = tpu.memref_slice %arg10[%dma_wait3A_471, %dma_wait3A_472] : memref<10240x128xf32, #tpu.memory_space<vmem_shared>> -> memref<10240x128xf32, #tpu.memory_space<vmem_shared>>
        tpu.wait_indirect_dma semaphore(%run_scoped3A_453 : memref<!tpu.dma_semaphore, #tpu.memory_space<semaphore_mem>>) src(%dma_wait3A_467 : memref<128x128xf32, #tpu.memory_space<vmem>>) dst(%dma_wait3A_473 : memref<10240x128xf32, #tpu.memory_space<vmem_shared>>)
        tpu.yield
      }) : () -> ()
      %dma_wait3A_432 = arith.constant 15 : i32
      %dma_wait3A_433 = arith.constant 1 : i32
      %dma_wait3A_434 = arith.constant 0 : i32
      %dma_wait3A_435 = arith.constant 0 : i32
      %dma_wait3A_436 = tpu.memref_slice %arg9[%dma_wait3A_433, %dma_wait3A_434, %dma_wait3A_435] : memref<2x128x128xf32, #tpu.memory_space<vmem>> -> memref<1x128x128xf32, #tpu.memory_space<vmem>>
      %dma_wait3A_437 = tpu.memref_squeeze %dma_wait3A_436 : memref<1x128x128xf32, #tpu.memory_space<vmem>> -> memref<128x128xf32, #tpu.memory_space<vmem>>
      %dma_wait3A_438 = arith.constant 0 : i32
      %dma_wait3A_439 = tpu.memref_slice %arg7[%select_n3A_37, %dma_wait3A_432, %dma_wait3A_438] : memref<2x16x128xi32, #tpu.memory_space<vmem>> -> memref<1x1x128xi32, #tpu.memory_space<vmem>>
      %dma_wait3A_440 = tpu.memref_squeeze %dma_wait3A_439 : memref<1x1x128xi32, #tpu.memory_space<vmem>> -> memref<128xi32, #tpu.memory_space<vmem>>
      %dma_wait3A_441 = arith.constant 0 : i32
      %dma_wait3A_442 = arith.constant 0 : i32
      %dma_wait3A_443 = tpu.memref_slice %arg2[%dma_wait3A_441, %dma_wait3A_442] : memref<10000x128xf32, #tpu.memory_space<hbm>> -> memref<10000x128xf32, #tpu.memory_space<hbm>>
      tpu.wait_indirect_dma semaphore(%arg12 : memref<!tpu.dma_semaphore, #tpu.memory_space<semaphore_mem>>) src(%dma_wait3A_443 : memref<10000x128xf32, #tpu.memory_space<hbm>>) dst(%dma_wait3A_437 : memref<128x128xf32, #tpu.memory_space<vmem>>)
      %add3A_444 = arith.constant 1 : i32
      %add3A_445 = arith.addi %scan3A_28, %add3A_444 : i32
      %lt3A_446 = arith.constant 5 : i32
      %lt3A_447 = arith.cmpi slt, %add3A_445, %lt3A_446 : i32
      %convert_element_type3A_448 = arith.extui %lt3A_447 : i1 to i32
      %cond3A_449 = arith.constant 0 : i32
      %cond3A_450 = arith.cmpi ne, %convert_element_type3A_448, %cond3A_449 : i32
      scf.if %cond3A_450 {
        %sub3A = arith.constant 1 : i32
        %sub3A_453 = arith.subi %sub3A, %select_n3A_37 : i32
        %dma_start3A_454 = arith.constant 0 : i32
        %dma_start3A_455 = arith.constant 0 : i32
        %dma_start3A_456 = arith.constant 0 : i32
        %dma_start3A_457 = arith.constant 0 : i32
        %dma_start3A_458 = tpu.memref_slice %arg9[%dma_start3A_455, %dma_start3A_456, %dma_start3A_457] : memref<2x128x128xf32, #tpu.memory_space<vmem>> -> memref<1x128x128xf32, #tpu.memory_space<vmem>>
        %dma_start3A_459 = tpu.memref_squeeze %dma_start3A_458 : memref<1x128x128xf32, #tpu.memory_space<vmem>> -> memref<128x128xf32, #tpu.memory_space<vmem>>
        %dma_start3A_460 = arith.constant 0 : i32
        %dma_start3A_461 = tpu.memref_slice %arg7[%sub3A_453, %dma_start3A_454, %dma_start3A_460] : memref<2x16x128xi32, #tpu.memory_space<vmem>> -> memref<1x1x128xi32, #tpu.memory_space<vmem>>
        %dma_start3A_462 = tpu.memref_squeeze %dma_start3A_461 : memref<1x1x128xi32, #tpu.memory_space<vmem>> -> memref<128xi32, #tpu.memory_space<vmem>>
        %dma_start3A_463 = arith.constant 0 : i32
        %dma_start3A_464 = arith.constant 0 : i32
        %dma_start3A_465 = tpu.memref_slice %arg2[%dma_start3A_463, %dma_start3A_464] : memref<10000x128xf32, #tpu.memory_space<hbm>> -> memref<10000x128xf32, #tpu.memory_space<hbm>>
        tpu.enqueue_indirect_dma source(%dma_start3A_465 : memref<10000x128xf32, #tpu.memory_space<hbm>>) target(%dma_start3A_459 : memref<128x128xf32, #tpu.memory_space<vmem>>) offsets(%dma_start3A_462 : memref<128xi32, #tpu.memory_space<vmem>>) semaphore(%arg11 : memref<!tpu.dma_semaphore, #tpu.memory_space<semaphore_mem>>)
      } else {
      }
      %run_scoped3A_451 = arith.constant 1 : i32
      %run_scoped3A_452 = arith.constant 15 : i32
      "tpu.region"() ({
        %run_scoped3A_453 = tpu.sem_alloc : memref<!tpu.dma_semaphore, #tpu.memory_space<semaphore_mem>>
        %dma_start3A_454 = arith.constant 0 : i32
        %dma_start3A_455 = arith.constant 0 : i32
        %dma_start3A_456 = tpu.memref_slice %arg9[%run_scoped3A_451, %dma_start3A_454, %dma_start3A_455] : memref<2x128x128xf32, #tpu.memory_space<vmem>> -> memref<1x128x128xf32, #tpu.memory_space<vmem>>
        %dma_start3A_457 = tpu.memref_squeeze %dma_start3A_456 : memref<1x128x128xf32, #tpu.memory_space<vmem>> -> memref<128x128xf32, #tpu.memory_space<vmem>>
        %dma_start3A_458 = arith.constant 0 : i32
        %dma_start3A_459 = tpu.memref_slice %arg8[%select_n3A_37, %run_scoped3A_452, %dma_start3A_458] : memref<2x16x128xi32, #tpu.memory_space<vmem>> -> memref<1x1x128xi32, #tpu.memory_space<vmem>>
        %dma_start3A_460 = tpu.memref_squeeze %dma_start3A_459 : memref<1x1x128xi32, #tpu.memory_space<vmem>> -> memref<128xi32, #tpu.memory_space<vmem>>
        %dma_start3A_461 = arith.constant 0 : i32
        %dma_start3A_462 = arith.constant 0 : i32
        %dma_start3A_463 = tpu.memref_slice %arg10[%dma_start3A_461, %dma_start3A_462] : memref<10240x128xf32, #tpu.memory_space<vmem_shared>> -> memref<10240x128xf32, #tpu.memory_space<vmem_shared>>
        tpu.enqueue_indirect_dma source(%dma_start3A_457 : memref<128x128xf32, #tpu.memory_space<vmem>>) target(%dma_start3A_463 : memref<10240x128xf32, #tpu.memory_space<vmem_shared>>) offsets(%dma_start3A_460 : memref<128xi32, #tpu.memory_space<vmem>>) semaphore(%run_scoped3A_453 : memref<!tpu.dma_semaphore, #tpu.memory_space<semaphore_mem>>) {add = true}
        %dma_wait3A_464 = arith.constant 0 : i32
        %dma_wait3A_465 = arith.constant 0 : i32
        %dma_wait3A_466 = tpu.memref_slice %arg9[%run_scoped3A_451, %dma_wait3A_464, %dma_wait3A_465] : memref<2x128x128xf32, #tpu.memory_space<vmem>> -> memref<1x128x128xf32, #tpu.memory_space<vmem>>
        %dma_wait3A_467 = tpu.memref_squeeze %dma_wait3A_466 : memref<1x128x128xf32, #tpu.memory_space<vmem>> -> memref<128x128xf32, #tpu.memory_space<vmem>>
        %dma_wait3A_468 = arith.constant 0 : i32
        %dma_wait3A_469 = tpu.memref_slice %arg8[%select_n3A_37, %run_scoped3A_452, %dma_wait3A_468] : memref<2x16x128xi32, #tpu.memory_space<vmem>> -> memref<1x1x128xi32, #tpu.memory_space<vmem>>
        %dma_wait3A_470 = tpu.memref_squeeze %dma_wait3A_469 : memref<1x1x128xi32, #tpu.memory_space<vmem>> -> memref<128xi32, #tpu.memory_space<vmem>>
        %dma_wait3A_471 = arith.constant 0 : i32
        %dma_wait3A_472 = arith.constant 0 : i32
        %dma_wait3A_473 = tpu.memref_slice %arg10[%dma_wait3A_471, %dma_wait3A_472] : memref<10240x128xf32, #tpu.memory_space<vmem_shared>> -> memref<10240x128xf32, #tpu.memory_space<vmem_shared>>
        tpu.wait_indirect_dma semaphore(%run_scoped3A_453 : memref<!tpu.dma_semaphore, #tpu.memory_space<semaphore_mem>>) src(%dma_wait3A_467 : memref<128x128xf32, #tpu.memory_space<vmem>>) dst(%dma_wait3A_473 : memref<10240x128xf32, #tpu.memory_space<vmem_shared>>)
        tpu.yield
      }) : () -> ()
    }
    %scan3A_22 = arith.constant 5 : i32
    %barrier3A_23 = arith.constant 0 : index
    tpu.barrier barrier_id(%barrier3A_23)
    %mul3A_24 = arith.constant 640 : i32
    %mul3A_25 = arith.muli %arg1, %mul3A_24 : i32
    %mul3A_26 = arith.constant 640 : i32
    %mul3A_27 = arith.muli %arg1, %mul3A_26 : i32
    "tpu.region"() ({
      %run_scoped3A_28 = tpu.sem_alloc : memref<!tpu.dma_semaphore, #tpu.memory_space<semaphore_mem>>
      %dma_start3A_29 = arith.constant 0 : i32
      %dma_start3A_30 = tpu.memref_slice %arg6[%arg0, %mul3A_27, %dma_start3A_29] : memref<2x10240x128xf32, #tpu.memory_space<hbm>> -> memref<1x640x128xf32, #tpu.memory_space<hbm>>
      %dma_start3A_31 = tpu.memref_squeeze %dma_start3A_30 : memref<1x640x128xf32, #tpu.memory_space<hbm>> -> memref<640x128xf32, #tpu.memory_space<hbm>>
      %dma_start3A_32 = arith.constant 0 : i32
      %dma_start3A_33 = tpu.memref_slice %arg10[%mul3A_25, %dma_start3A_32] : memref<10240x128xf32, #tpu.memory_space<vmem_shared>> -> memref<640x128xf32, #tpu.memory_space<vmem_shared>>
      tpu.enqueue_dma source(%dma_start3A_33 : memref<640x128xf32, #tpu.memory_space<vmem_shared>>) target(%dma_start3A_31 : memref<640x128xf32, #tpu.memory_space<hbm>>) target_semaphore(%run_scoped3A_28 : memref<!tpu.dma_semaphore, #tpu.memory_space<semaphore_mem>>)
      %dma_wait3A = arith.constant 0 : i32
      %dma_wait3A_34 = tpu.memref_slice %arg6[%arg0, %mul3A_27, %dma_wait3A] : memref<2x10240x128xf32, #tpu.memory_space<hbm>> -> memref<1x640x128xf32, #tpu.memory_space<hbm>>
      %dma_wait3A_35 = tpu.memref_squeeze %dma_wait3A_34 : memref<1x640x128xf32, #tpu.memory_space<hbm>> -> memref<640x128xf32, #tpu.memory_space<hbm>>
      %dma_wait3A_36 = arith.constant 0 : i32
      %dma_wait3A_37 = tpu.memref_slice %arg10[%mul3A_25, %dma_wait3A_36] : memref<10240x128xf32, #tpu.memory_space<vmem_shared>> -> memref<640x128xf32, #tpu.memory_space<vmem_shared>>
      tpu.wait_dma2 semaphore(%run_scoped3A_28 : memref<!tpu.dma_semaphore, #tpu.memory_space<semaphore_mem>>) src(%dma_wait3A_37 : memref<640x128xf32, #tpu.memory_space<vmem_shared>>) dst(%dma_wait3A_35 : memref<640x128xf32, #tpu.memory_space<hbm>>)
      tpu.yield
    }) : () -> ()
    return
  }
}

module attributes {stable_mosaic.version = 14 : i64} {
  func.func @_mm_scale_body(%arg0: i32, %arg1: memref<2000x128xf32, #tpu.memory_space<vmem>>, %arg2: memref<128x128xf32, #tpu.memory_space<vmem>>, %arg3: memref<2x2000x1xf32, #tpu.memory_space<vmem>>, %arg4: memref<2000x128xf32, #tpu.memory_space<vmem>>) attributes {dimension_semantics = [#tpu.dimension_semantics<arbitrary>], iteration_bounds = array<i64: 5>, scalar_prefetch = 0 : i64, scratch_operands = 0 : i64, tpu.core_type = #tpu.core_type<tc>, window_params = [{transform_indices = @transform_0, window_bounds = array<i64: 2000, 128>}, {pipeline_mode = #tpu.pipeline_mode<synchronous>, transform_indices = @transform_1, window_bounds = array<i64: 128, 128>}, {transform_indices = @transform_2, window_bounds = array<i64: 2, 2000, 1>}, {transform_indices = @transform_3, window_bounds = array<i64: 2000, 128>}]} {
    %get3A = arith.constant 0 : index
    %get3A_0 = arith.constant 0 : index
    %get3A_1 = arith.constant 0 : index
    %get3A_2 = vector.load %arg3[%get3A, %get3A_0, %get3A_1] : memref<2x2000x1xf32, #tpu.memory_space<vmem>>, vector<2x2000x1xf32>
    %reduce_sum3A = arith.constant dense<0.000000e+00> : vector<2000x1xf32>
    %reduce_sum3A_3 = vector.multi_reduction <add>, %get3A_2, %reduce_sum3A [0] : vector<2x2000x1xf32> to vector<2000x1xf32>
    %add3A = arith.constant 1.000000e+00 : f32
    %add3A_4 = vector.broadcast %add3A : f32 to vector<2000x1xf32>
    %add3A_5 = arith.addf %reduce_sum3A_3, %add3A_4 : vector<2000x1xf32>
    %rsqrt3A = math.rsqrt %add3A_5 : vector<2000x1xf32>
    %mul3A = arith.constant 5.000000e-01 : f32
    %mul3A_6 = vector.broadcast %mul3A : f32 to vector<2000x1xf32>
    %mul3A_7 = arith.mulf %mul3A_6, %add3A_5 : vector<2000x1xf32>
    %mul3A_8 = arith.mulf %mul3A_7, %rsqrt3A : vector<2000x1xf32>
    %mul3A_9 = arith.mulf %mul3A_8, %rsqrt3A : vector<2000x1xf32>
    %sub3A = arith.constant 1.500000e+00 : f32
    %sub3A_10 = vector.broadcast %sub3A : f32 to vector<2000x1xf32>
    %sub3A_11 = arith.subf %sub3A_10, %mul3A_9 : vector<2000x1xf32>
    %mul3A_12 = arith.mulf %rsqrt3A, %sub3A_11 : vector<2000x1xf32>
    %get3A_13 = arith.constant 0 : index
    %get3A_14 = arith.constant 0 : index
    %get3A_15 = vector.load %arg1[%get3A_13, %get3A_14] : memref<2000x128xf32, #tpu.memory_space<vmem>>, vector<2000x128xf32>
    %get3A_16 = arith.constant 0 : index
    %get3A_17 = arith.constant 0 : index
    %get3A_18 = vector.load %arg2[%get3A_16, %get3A_17] : memref<128x128xf32, #tpu.memory_space<vmem>>, vector<128x128xf32>
    %convert_element_type3A = arith.truncf %get3A_15 : vector<2000x128xf32> to vector<2000x128xbf16>
    %convert_element_type3A_19 = arith.truncf %get3A_18 : vector<128x128xf32> to vector<128x128xbf16>
    %dot_general3A = arith.constant dense<0.000000e+00> : vector<2000x128xf32>
    %dot_general3A_20 = tpu.matmul %convert_element_type3A, %convert_element_type3A_19, %dot_general3A {dimension_numbers = #tpu.dot_dimension_numbers<[1], [0], [0], [1], [0, 0, 1, 1], [], []>, transpose_lhs_hint = false} : vector<2000x128xbf16>, vector<128x128xbf16>, vector<2000x128xf32> -> vector<2000x128xf32>
    %mul3A_21 = vector.broadcast %mul3A_12 : vector<2000x1xf32> to vector<2000x128xf32>
    %mul3A_22 = arith.mulf %mul3A_21, %dot_general3A_20 : vector<2000x128xf32>
    %swap3A = arith.constant 0 : index
    %swap3A_23 = arith.constant 0 : index
    %swap3A_24 = vector.load %arg4[%swap3A, %swap3A_23] : memref<2000x128xf32, #tpu.memory_space<vmem>>, vector<2000x128xf32>
    tpu.vector_store %arg4[%swap3A, %swap3A_23], %mul3A_22 {strides = array<i32>} : memref<2000x128xf32, #tpu.memory_space<vmem>>, vector<2000x128xf32>,
    return
  }
  func.func @transform_0(%arg0: i32) -> (i32, i32) {
    %c0_i32 = arith.constant 0 : i32
    %c0_i32_0 = arith.constant 0 : i32
    return %arg0, %c0_i32 : i32, i32
  }
  func.func @transform_1(%arg0: i32) -> (i32, i32) {
    %c0_i32 = arith.constant 0 : i32
    %c0_i32_0 = arith.constant 0 : i32
    %c0_i32_1 = arith.constant 0 : i32
    return %c0_i32, %c0_i32_0 : i32, i32
  }
  func.func @transform_2(%arg0: i32) -> (i32, i32, i32) {
    %c0_i32 = arith.constant 0 : i32
    %c0_i32_0 = arith.constant 0 : i32
    %c0_i32_1 = arith.constant 0 : i32
    return %c0_i32, %arg0, %c0_i32_0 : i32, i32, i32
  }
  func.func @transform_3(%arg0: i32) -> (i32, i32) {
    %c0_i32 = arith.constant 0 : i32
    %c0_i32_0 = arith.constant 0 : i32
    return %arg0, %c0_i32 : i32, i32
  }
}

module attributes {stable_mosaic.version = 14 : i64} {
  func.func @_combine_body(%arg0: i32, %arg1: memref<2000x128xf32, #tpu.memory_space<vmem>>, %arg2: memref<2x2000x128xf32, #tpu.memory_space<vmem>>, %arg3: memref<2x2000x1xf32, #tpu.memory_space<vmem>>, %arg4: memref<1x128xf32, #tpu.memory_space<vmem>>, %arg5: memref<128x128xf32, #tpu.memory_space<vmem>>, %arg6: memref<2000x128xf32, #tpu.memory_space<vmem>>) attributes {dimension_semantics = [#tpu.dimension_semantics<arbitrary>], iteration_bounds = array<i64: 5>, scalar_prefetch = 0 : i64, scratch_operands = 0 : i64, tpu.core_type = #tpu.core_type<tc>, window_params = [{transform_indices = @transform_0, window_bounds = array<i64: 2000, 128>}, {transform_indices = @transform_1, window_bounds = array<i64: 2, 2000, 128>}, {transform_indices = @transform_2, window_bounds = array<i64: 2, 2000, 1>}, {pipeline_mode = #tpu.pipeline_mode<synchronous>, transform_indices = @transform_3, window_bounds = array<i64: 1, 128>}, {pipeline_mode = #tpu.pipeline_mode<synchronous>, transform_indices = @transform_4, window_bounds = array<i64: 128, 128>}, {transform_indices = @transform_5, window_bounds = array<i64: 2000, 128>}]} {
    %get3A = arith.constant 0 : index
    %get3A_0 = arith.constant 0 : index
    %get3A_1 = arith.constant 0 : index
    %get3A_2 = vector.load %arg3[%get3A, %get3A_0, %get3A_1] : memref<2x2000x1xf32, #tpu.memory_space<vmem>>, vector<2x2000x1xf32>
    %reduce_sum3A = arith.constant dense<0.000000e+00> : vector<2000x1xf32>
    %reduce_sum3A_3 = vector.multi_reduction <add>, %get3A_2, %reduce_sum3A [0] : vector<2x2000x1xf32> to vector<2000x1xf32>
    %add3A = arith.constant 1.000000e+00 : f32
    %add3A_4 = vector.broadcast %add3A : f32 to vector<2000x1xf32>
    %add3A_5 = arith.addf %reduce_sum3A_3, %add3A_4 : vector<2000x1xf32>
    %rsqrt3A = math.rsqrt %add3A_5 : vector<2000x1xf32>
    %mul3A = arith.constant 5.000000e-01 : f32
    %mul3A_6 = vector.broadcast %mul3A : f32 to vector<2000x1xf32>
    %mul3A_7 = arith.mulf %mul3A_6, %add3A_5 : vector<2000x1xf32>
    %mul3A_8 = arith.mulf %mul3A_7, %rsqrt3A : vector<2000x1xf32>
    %mul3A_9 = arith.mulf %mul3A_8, %rsqrt3A : vector<2000x1xf32>
    %sub3A = arith.constant 1.500000e+00 : f32
    %sub3A_10 = vector.broadcast %sub3A : f32 to vector<2000x1xf32>
    %sub3A_11 = arith.subf %sub3A_10, %mul3A_9 : vector<2000x1xf32>
    %mul3A_12 = arith.mulf %rsqrt3A, %sub3A_11 : vector<2000x1xf32>
    %get3A_13 = arith.constant 0 : index
    %get3A_14 = arith.constant 0 : index
    %get3A_15 = vector.load %arg1[%get3A_13, %get3A_14] : memref<2000x128xf32, #tpu.memory_space<vmem>>, vector<2000x128xf32>
    %get3A_16 = arith.constant 0 : index
    %get3A_17 = arith.constant 0 : index
    %get3A_18 = arith.constant 0 : index
    %get3A_19 = vector.load %arg2[%get3A_16, %get3A_17, %get3A_18] : memref<2x2000x128xf32, #tpu.memory_space<vmem>>, vector<1x2000x128xf32>
    %get3A_20 = vector.shape_cast %get3A_19 : vector<1x2000x128xf32> to vector<2000x128xf32>
    %add3A_21 = arith.addf %get3A_15, %get3A_20 : vector<2000x128xf32>
    %get3A_22 = arith.constant 1 : index
    %get3A_23 = arith.constant 0 : index
    %get3A_24 = arith.constant 0 : index
    %get3A_25 = vector.load %arg2[%get3A_22, %get3A_23, %get3A_24] : memref<2x2000x128xf32, #tpu.memory_space<vmem>>, vector<1x2000x128xf32>
    %get3A_26 = vector.shape_cast %get3A_25 : vector<1x2000x128xf32> to vector<2000x128xf32>
    %add3A_27 = arith.addf %add3A_21, %get3A_26 : vector<2000x128xf32>
    %mul3A_28 = vector.broadcast %mul3A_12 : vector<2000x1xf32> to vector<2000x128xf32>
    %mul3A_29 = arith.mulf %mul3A_28, %add3A_27 : vector<2000x128xf32>
    %get3A_30 = arith.constant 0 : index
    %get3A_31 = arith.constant 0 : index
    %get3A_32 = vector.load %arg4[%get3A_30, %get3A_31] : memref<1x128xf32, #tpu.memory_space<vmem>>, vector<1x128xf32>
    %add3A_33 = vector.broadcast %get3A_32 : vector<1x128xf32> to vector<2000x128xf32>
    %add3A_34 = arith.addf %mul3A_29, %add3A_33 : vector<2000x128xf32>
    %max3A = arith.constant 0.000000e+00 : f32
    %max3A_35 = vector.broadcast %max3A : f32 to vector<2000x128xf32>
    %max3A_36 = arith.maximumf %add3A_34, %max3A_35 : vector<2000x128xf32>
    %get3A_37 = arith.constant 0 : index
    %get3A_38 = arith.constant 0 : index
    %get3A_39 = vector.load %arg5[%get3A_37, %get3A_38] : memref<128x128xf32, #tpu.memory_space<vmem>>, vector<128x128xf32>
    %convert_element_type3A = arith.truncf %max3A_36 : vector<2000x128xf32> to vector<2000x128xbf16>
    %convert_element_type3A_40 = arith.truncf %get3A_39 : vector<128x128xf32> to vector<128x128xbf16>
    %dot_general3A = arith.constant dense<0.000000e+00> : vector<2000x128xf32>
    %dot_general3A_41 = tpu.matmul %convert_element_type3A, %convert_element_type3A_40, %dot_general3A {dimension_numbers = #tpu.dot_dimension_numbers<[1], [0], [0], [1], [0, 0, 1, 1], [], []>, transpose_lhs_hint = false} : vector<2000x128xbf16>, vector<128x128xbf16>, vector<2000x128xf32> -> vector<2000x128xf32>
    %mul3A_42 = vector.broadcast %mul3A_12 : vector<2000x1xf32> to vector<2000x128xf32>
    %mul3A_43 = arith.mulf %mul3A_42, %dot_general3A_41 : vector<2000x128xf32>
    %swap3A = arith.constant 0 : index
    %swap3A_44 = arith.constant 0 : index
    %swap3A_45 = vector.load %arg6[%swap3A, %swap3A_44] : memref<2000x128xf32, #tpu.memory_space<vmem>>, vector<2000x128xf32>
    tpu.vector_store %arg6[%swap3A, %swap3A_44], %mul3A_43 {strides = array<i32>} : memref<2000x128xf32, #tpu.memory_space<vmem>>, vector<2000x128xf32>,
    return
  }
  func.func @transform_0(%arg0: i32) -> (i32, i32) {
    %c0_i32 = arith.constant 0 : i32
    %c0_i32_0 = arith.constant 0 : i32
    return %arg0, %c0_i32 : i32, i32
  }
  func.func @transform_1(%arg0: i32) -> (i32, i32, i32) {
    %c0_i32 = arith.constant 0 : i32
    %c0_i32_0 = arith.constant 0 : i32
    %c0_i32_1 = arith.constant 0 : i32
    return %c0_i32, %arg0, %c0_i32_0 : i32, i32, i32
  }
  func.func @transform_2(%arg0: i32) -> (i32, i32, i32) {
    %c0_i32 = arith.constant 0 : i32
    %c0_i32_0 = arith.constant 0 : i32
    %c0_i32_1 = arith.constant 0 : i32
    return %c0_i32, %arg0, %c0_i32_0 : i32, i32, i32
  }
  func.func @transform_3(%arg0: i32) -> (i32, i32) {
    %c0_i32 = arith.constant 0 : i32
    %c0_i32_0 = arith.constant 0 : i32
    %c0_i32_1 = arith.constant 0 : i32
    return %c0_i32, %c0_i32_0 : i32, i32
  }
  func.func @transform_4(%arg0: i32) -> (i32, i32) {
    %c0_i32 = arith.constant 0 : i32
    %c0_i32_0 = arith.constant 0 : i32
    %c0_i32_1 = arith.constant 0 : i32
    return %c0_i32, %c0_i32_0 : i32, i32
  }
  func.func @transform_5(%arg0: i32) -> (i32, i32) {
    %c0_i32 = arith.constant 0 : i32
    %c0_i32_0 = arith.constant 0 : i32
    return %arg0, %c0_i32 : i32, i32
  }
}

module attributes {stable_mosaic.version = 14 : i64} {
  func.func @_final_body(%arg0: i32, %arg1: memref<2000x128xf32, #tpu.memory_space<vmem>>, %arg2: memref<2x2000x128xf32, #tpu.memory_space<vmem>>, %arg3: memref<2x2000x1xf32, #tpu.memory_space<vmem>>, %arg4: memref<1x128xf32, #tpu.memory_space<vmem>>, %arg5: memref<128x1xf32, #tpu.memory_space<vmem>>, %arg6: memref<1x1xf32, #tpu.memory_space<vmem>>, %arg7: memref<2000x1xi32, #tpu.memory_space<vmem>>, %arg8: memref<64x1xf32, #tpu.memory_space<vmem>>, %arg9: memref<64x128xf32, #tpu.memory_space<vmem>>, %arg10: memref<64x1xf32, #tpu.memory_space<vmem>>) attributes {dimension_semantics = [#tpu.dimension_semantics<arbitrary>], iteration_bounds = array<i64: 5>, scalar_prefetch = 0 : i64, scratch_operands = 2 : i64, tpu.core_type = #tpu.core_type<tc>, window_params = [{transform_indices = @transform_0, window_bounds = array<i64: 2000, 128>}, {transform_indices = @transform_1, window_bounds = array<i64: 2, 2000, 128>}, {transform_indices = @transform_2, window_bounds = array<i64: 2, 2000, 1>}, {pipeline_mode = #tpu.pipeline_mode<synchronous>, transform_indices = @transform_3, window_bounds = array<i64: 1, 128>}, {pipeline_mode = #tpu.pipeline_mode<synchronous>, transform_indices = @transform_4, window_bounds = array<i64: 128, 1>}, {pipeline_mode = #tpu.pipeline_mode<synchronous>, transform_indices = @transform_5, window_bounds = array<i64: 1, 1>}, {transform_indices = @transform_6, window_bounds = array<i64: 2000, 1>}, {pipeline_mode = #tpu.pipeline_mode<synchronous>, transform_indices = @transform_7, window_bounds = array<i64: 64, 1>}]} {
    %get3A = arith.constant 0 : index
    %get3A_0 = arith.constant 0 : index
    %get3A_1 = arith.constant 0 : index
    %get3A_2 = vector.load %arg3[%get3A, %get3A_0, %get3A_1] : memref<2x2000x1xf32, #tpu.memory_space<vmem>>, vector<2x2000x1xf32>
    %reduce_sum3A = arith.constant dense<0.000000e+00> : vector<2000x1xf32>
    %reduce_sum3A_3 = vector.multi_reduction <add>, %get3A_2, %reduce_sum3A [0] : vector<2x2000x1xf32> to vector<2000x1xf32>
    %add3A = arith.constant 1.000000e+00 : f32
    %add3A_4 = vector.broadcast %add3A : f32 to vector<2000x1xf32>
    %add3A_5 = arith.addf %reduce_sum3A_3, %add3A_4 : vector<2000x1xf32>
    %rsqrt3A = math.rsqrt %add3A_5 : vector<2000x1xf32>
    %mul3A = arith.constant 5.000000e-01 : f32
    %mul3A_6 = vector.broadcast %mul3A : f32 to vector<2000x1xf32>
    %mul3A_7 = arith.mulf %mul3A_6, %add3A_5 : vector<2000x1xf32>
    %mul3A_8 = arith.mulf %mul3A_7, %rsqrt3A : vector<2000x1xf32>
    %mul3A_9 = arith.mulf %mul3A_8, %rsqrt3A : vector<2000x1xf32>
    %sub3A = arith.constant 1.500000e+00 : f32
    %sub3A_10 = vector.broadcast %sub3A : f32 to vector<2000x1xf32>
    %sub3A_11 = arith.subf %sub3A_10, %mul3A_9 : vector<2000x1xf32>
    %mul3A_12 = arith.mulf %rsqrt3A, %sub3A_11 : vector<2000x1xf32>
    %get3A_13 = arith.constant 0 : index
    %get3A_14 = arith.constant 0 : index
    %get3A_15 = vector.load %arg1[%get3A_13, %get3A_14] : memref<2000x128xf32, #tpu.memory_space<vmem>>, vector<2000x128xf32>
    %get3A_16 = arith.constant 0 : index
    %get3A_17 = arith.constant 0 : index
    %get3A_18 = arith.constant 0 : index
    %get3A_19 = vector.load %arg2[%get3A_16, %get3A_17, %get3A_18] : memref<2x2000x128xf32, #tpu.memory_space<vmem>>, vector<1x2000x128xf32>
    %get3A_20 = vector.shape_cast %get3A_19 : vector<1x2000x128xf32> to vector<2000x128xf32>
    %add3A_21 = arith.addf %get3A_15, %get3A_20 : vector<2000x128xf32>
    %get3A_22 = arith.constant 1 : index
    %get3A_23 = arith.constant 0 : index
    %get3A_24 = arith.constant 0 : index
    %get3A_25 = vector.load %arg2[%get3A_22, %get3A_23, %get3A_24] : memref<2x2000x128xf32, #tpu.memory_space<vmem>>, vector<1x2000x128xf32>
    %get3A_26 = vector.shape_cast %get3A_25 : vector<1x2000x128xf32> to vector<2000x128xf32>
    %add3A_27 = arith.addf %add3A_21, %get3A_26 : vector<2000x128xf32>
    %mul3A_28 = vector.broadcast %mul3A_12 : vector<2000x1xf32> to vector<2000x128xf32>
    %mul3A_29 = arith.mulf %mul3A_28, %add3A_27 : vector<2000x128xf32>
    %get3A_30 = arith.constant 0 : index
    %get3A_31 = arith.constant 0 : index
    %get3A_32 = vector.load %arg4[%get3A_30, %get3A_31] : memref<1x128xf32, #tpu.memory_space<vmem>>, vector<1x128xf32>
    %add3A_33 = vector.broadcast %get3A_32 : vector<1x128xf32> to vector<2000x128xf32>
    %add3A_34 = arith.addf %mul3A_29, %add3A_33 : vector<2000x128xf32>
    %max3A = arith.constant 0.000000e+00 : f32
    %max3A_35 = vector.broadcast %max3A : f32 to vector<2000x128xf32>
    %max3A_36 = arith.maximumf %add3A_34, %max3A_35 : vector<2000x128xf32>
    %get3A_37 = arith.constant 0 : index
    %get3A_38 = arith.constant 0 : index
    %get3A_39 = vector.load %arg7[%get3A_37, %get3A_38] : memref<2000x1xi32, #tpu.memory_space<vmem>>, vector<2000x1xi32>
    %iota3A = tpu.iota {dimensions = array<i32: 1>} : vector<1x64xi32>
    %eq3A = vector.broadcast %get3A_39 : vector<2000x1xi32> to vector<2000x64xi32>
    %eq3A_40 = vector.broadcast %iota3A : vector<1x64xi32> to vector<2000x64xi32>
    %eq3A_41 = arith.cmpi eq, %eq3A, %eq3A_40 : vector<2000x64xi32>
    %convert_element_type3A = arith.extui %eq3A_41 : vector<2000x64xi1> to vector<2000x64xi32>
    %convert_element_type3A_42 = arith.sitofp %convert_element_type3A : vector<2000x64xi32> to vector<2000x64xf32>
    %dot_general3A = arith.constant dense<0.000000e+00> : vector<64x128xf32>
    %dot_general3A_43 = tpu.matmul %convert_element_type3A_42, %max3A_36, %dot_general3A {dimension_numbers = #tpu.dot_dimension_numbers<[0], [0], [1], [1], [0, 1, 1, 1], [], []>, precision = #tpu.contract_precision<fp32>, transpose_lhs_hint = false} : vector<2000x64xf32>, vector<2000x128xf32>, vector<64x128xf32> -> vector<64x128xf32>
    %broadcast_in_dim3A = arith.constant 1.000000e+00 : f32
    %broadcast_in_dim3A_44 = vector.broadcast %broadcast_in_dim3A : f32 to vector<2000x1xf32>
    %dot_general3A_45 = arith.constant dense<0.000000e+00> : vector<64x1xf32>
    %dot_general3A_46 = tpu.matmul %convert_element_type3A_42, %broadcast_in_dim3A_44, %dot_general3A_45 {dimension_numbers = #tpu.dot_dimension_numbers<[0], [0], [1], [1], [0, 1, 1, 1], [], []>, precision = #tpu.contract_precision<fp32>, transpose_lhs_hint = false} : vector<2000x64xf32>, vector<2000x1xf32>, vector<64x1xf32> -> vector<64x1xf32>
    %eq3A_47 = arith.constant 0 : i32
    %eq3A_48 = arith.cmpi eq, %arg0, %eq3A_47 : i32
    %convert_element_type3A_49 = arith.extui %eq3A_48 : i1 to i32
    %cond3A = arith.constant 0 : i32
    %cond3A_50 = arith.cmpi ne, %convert_element_type3A_49, %cond3A : i32
    scf.if %cond3A_50 {
      %broadcast_in_dim3A_69 = arith.constant 0.000000e+00 : f32
      %broadcast_in_dim3A_70 = vector.broadcast %broadcast_in_dim3A_69 : f32 to vector<64x128xf32>
      %swap3A_71 = arith.constant 0 : index
      %swap3A_72 = arith.constant 0 : index
      %swap3A_73 = vector.load %arg9[%swap3A_71, %swap3A_72] : memref<64x128xf32, #tpu.memory_space<vmem>>, vector<64x128xf32>
      tpu.vector_store %arg9[%swap3A_71, %swap3A_72], %broadcast_in_dim3A_70 {strides = array<i32>} : memref<64x128xf32, #tpu.memory_space<vmem>>, vector<64x128xf32>,
      %broadcast_in_dim3A_74 = arith.constant 0.000000e+00 : f32
      %broadcast_in_dim3A_75 = vector.broadcast %broadcast_in_dim3A_74 : f32 to vector<64x1xf32>
      %swap3A_76 = arith.constant 0 : index
      %swap3A_77 = arith.constant 0 : index
      %swap3A_78 = vector.load %arg10[%swap3A_76, %swap3A_77] : memref<64x1xf32, #tpu.memory_space<vmem>>, vector<64x1xf32>
      tpu.vector_store %arg10[%swap3A_76, %swap3A_77], %broadcast_in_dim3A_75 {strides = array<i32>} : memref<64x1xf32, #tpu.memory_space<vmem>>, vector<64x1xf32>,
    } else {
    }
    %get3A_51 = arith.constant 0 : index
    %get3A_52 = arith.constant 0 : index
    %get3A_53 = vector.load %arg9[%get3A_51, %get3A_52] : memref<64x128xf32, #tpu.memory_space<vmem>>, vector<64x128xf32>
    %add3A_54 = arith.addf %get3A_53, %dot_general3A_43 : vector<64x128xf32>
    %swap3A = arith.constant 0 : index
    %swap3A_55 = arith.constant 0 : index
    %swap3A_56 = vector.load %arg9[%swap3A, %swap3A_55] : memref<64x128xf32, #tpu.memory_space<vmem>>, vector<64x128xf32>
    tpu.vector_store %arg9[%swap3A, %swap3A_55], %add3A_54 {strides = array<i32>} : memref<64x128xf32, #tpu.memory_space<vmem>>, vector<64x128xf32>,
    %get3A_57 = arith.constant 0 : index
    %get3A_58 = arith.constant 0 : index
    %get3A_59 = vector.load %arg10[%get3A_57, %get3A_58] : memref<64x1xf32, #tpu.memory_space<vmem>>, vector<64x1xf32>
    %add3A_60 = arith.addf %get3A_59, %dot_general3A_46 : vector<64x1xf32>
    %swap3A_61 = arith.constant 0 : index
    %swap3A_62 = arith.constant 0 : index
    %swap3A_63 = vector.load %arg10[%swap3A_61, %swap3A_62] : memref<64x1xf32, #tpu.memory_space<vmem>>, vector<64x1xf32>
    tpu.vector_store %arg10[%swap3A_61, %swap3A_62], %add3A_60 {strides = array<i32>} : memref<64x1xf32, #tpu.memory_space<vmem>>, vector<64x1xf32>,
    %eq3A_64 = arith.constant 4 : i32
    %eq3A_65 = arith.cmpi eq, %arg0, %eq3A_64 : i32
    %convert_element_type3A_66 = arith.extui %eq3A_65 : i1 to i32
    %cond3A_67 = arith.constant 0 : i32
    %cond3A_68 = arith.cmpi ne, %convert_element_type3A_66, %cond3A_67 : i32
    scf.if %cond3A_68 {
      %get3A_69 = arith.constant 0 : index
      %get3A_70 = arith.constant 0 : index
      %get3A_71 = vector.load %arg9[%get3A_69, %get3A_70] : memref<64x128xf32, #tpu.memory_space<vmem>>, vector<64x128xf32>
      %get3A_72 = arith.constant 0 : index
      %get3A_73 = arith.constant 0 : index
      %get3A_74 = vector.load %arg10[%get3A_72, %get3A_73] : memref<64x1xf32, #tpu.memory_space<vmem>>, vector<64x1xf32>
      %max3A_75 = arith.constant 1.000000e+00 : f32
      %max3A_76 = vector.broadcast %max3A_75 : f32 to vector<64x1xf32>
      %max3A_77 = arith.maximumf %get3A_74, %max3A_76 : vector<64x1xf32>
      %div3A = vector.broadcast %max3A_77 : vector<64x1xf32> to vector<64x128xf32>
      %div3A_78 = arith.divf %get3A_71, %div3A : vector<64x128xf32>
      %get3A_79 = arith.constant 0 : index
      %get3A_80 = arith.constant 0 : index
      %get3A_81 = vector.load %arg5[%get3A_79, %get3A_80] : memref<128x1xf32, #tpu.memory_space<vmem>>, vector<128x1xf32>
      %convert_element_type3A_82 = arith.truncf %div3A_78 : vector<64x128xf32> to vector<64x128xbf16>
      %convert_element_type3A_83 = arith.truncf %get3A_81 : vector<128x1xf32> to vector<128x1xbf16>
      %dot_general3A_84 = arith.constant dense<0.000000e+00> : vector<64x1xf32>
      %dot_general3A_85 = tpu.matmul %convert_element_type3A_82, %convert_element_type3A_83, %dot_general3A_84 {dimension_numbers = #tpu.dot_dimension_numbers<[1], [0], [0], [1], [0, 0, 1, 1], [], []>, transpose_lhs_hint = false} : vector<64x128xbf16>, vector<128x1xbf16>, vector<64x1xf32> -> vector<64x1xf32>
      %get3A_86 = arith.constant 0 : index
      %get3A_87 = arith.constant 0 : index
      %get3A_88 = vector.load %arg6[%get3A_86, %get3A_87] : memref<1x1xf32, #tpu.memory_space<vmem>>, vector<1x1xf32>
      %add3A_89 = vector.broadcast %get3A_88 : vector<1x1xf32> to vector<64x1xf32>
      %add3A_90 = arith.addf %dot_general3A_85, %add3A_89 : vector<64x1xf32>
      %swap3A_91 = arith.constant 0 : index
      %swap3A_92 = arith.constant 0 : index
      %swap3A_93 = vector.load %arg8[%swap3A_91, %swap3A_92] : memref<64x1xf32, #tpu.memory_space<vmem>>, vector<64x1xf32>
      tpu.vector_store %arg8[%swap3A_91, %swap3A_92], %add3A_90 {strides = array<i32>} : memref<64x1xf32, #tpu.memory_space<vmem>>, vector<64x1xf32>,
    } else {
    }
    return
  }
  func.func @transform_0(%arg0: i32) -> (i32, i32) {
    %c0_i32 = arith.constant 0 : i32
    %c0_i32_0 = arith.constant 0 : i32
    return %arg0, %c0_i32 : i32, i32
  }
  func.func @transform_1(%arg0: i32) -> (i32, i32, i32) {
    %c0_i32 = arith.constant 0 : i32
    %c0_i32_0 = arith.constant 0 : i32
    %c0_i32_1 = arith.constant 0 : i32
    return %c0_i32, %arg0, %c0_i32_0 : i32, i32, i32
  }
  func.func @transform_2(%arg0: i32) -> (i32, i32, i32) {
    %c0_i32 = arith.constant 0 : i32
    %c0_i32_0 = arith.constant 0 : i32
    %c0_i32_1 = arith.constant 0 : i32
    return %c0_i32, %arg0, %c0_i32_0 : i32, i32, i32
  }
  func.func @transform_3(%arg0: i32) -> (i32, i32) {
    %c0_i32 = arith.constant 0 : i32
    %c0_i32_0 = arith.constant 0 : i32
    %c0_i32_1 = arith.constant 0 : i32
    return %c0_i32, %c0_i32_0 : i32, i32
  }
  func.func @transform_4(%arg0: i32) -> (i32, i32) {
    %c0_i32 = arith.constant 0 : i32
    %c0_i32_0 = arith.constant 0 : i32
    %c0_i32_1 = arith.constant 0 : i32
    return %c0_i32, %c0_i32_0 : i32, i32
  }
  func.func @transform_5(%arg0: i32) -> (i32, i32) {
    %c0_i32 = arith.constant 0 : i32
    %c0_i32_0 = arith.constant 0 : i32
    %c0_i32_1 = arith.constant 0 : i32
    return %c0_i32, %c0_i32_0 : i32, i32
  }
  func.func @transform_6(%arg0: i32) -> (i32, i32) {
    %c0_i32 = arith.constant 0 : i32
    %c0_i32_0 = arith.constant 0 : i32
    return %arg0, %c0_i32 : i32, i32
  }
  func.func @transform_7(%arg0: i32) -> (i32, i32) {
    %c0_i32 = arith.constant 0 : i32
    %c0_i32_0 = arith.constant 0 : i32
    %c0_i32_1 = arith.constant 0 : i32
    return %c0_i32, %c0_i32_0 : i32, i32
  }
}

</mosaic_0001>

<sc_bundles>
// kernel: kernel.11.cloned.1.call-start
scs
__scs_entry_jumppad:
0x0: {  	(pc) =	sbr.rel $0x88, $3  }
0x1: {  	(tag) =	ssettag $0x0;
	lr =	simm.s32 $0x1  }
0x2: {  	[smem:$0x3F98] =	sst lr;
	_ =	strace $0xD0000000  }
0x3: {  	_ = 	snop  }
0x4: {  	_ = 	snop  }
0x5: {  	_ = 	snop  }
0x6: {  	_ = 	snop  }
0x7: {  	_ = 	snop  }
__scs_overlays_trampoline_lowered:
0x8: {  	[smem:$0x3FA7] =	sst s0  }
0x9: {  	[smem:$0x3FA8] =	sst s1  }
0xa: {  	[smem:$0x3FA9] =	sst s2  }
0xb: {  	[smem:$0x3FAA] =	sst s3  }
0xc: {  	[smem:$0x3FAB] =	sst s4  }
0xd: {  	[smem:$0x3FAC] =	sst s5  }
0xe: {  	[smem:$0x3FAD] =	sst s6  }
0xf: {  	[smem:$0x3FAE] =	sst s7  }
0x10: {  	[smem:$0x3FAF] =	sst s8  }
0x11: {  	[smem:$0x3FB0] =	sst s9;
	s0 =	simm.s32 @!p0 $0x0  }
0x12: {  	s1 =	sld [smem:$0x3F96];
	s0 =	simm.s32 @p0 $0x1  }
0x13: {  	[smem:$0x3FB1] =	sst s0;
	s0 =	simm.s32 @!p1 $0x0  }
0x14: {  	s2 =	sld [smem:$0x3F95];
	s0 =	simm.s32 @p1 $0x1  }
0x15: {  	[smem:$0x3FB2] =	sst s0;
	s0 =	simm.s32 @!p2 $0x0  }
0x16: {  	s3 =	sld [smem:$0x3FDB];
	s0 =	simm.s32 @p2 $0x1  }
0x17: {  	s4 =	simm.s32 $0x1BF5;
	[smem:$0x3FB4] =	sst s0  }
0x18: {  	s0 =	sld [smem:$0x3F97];
	_ =	swait.ge [sflag:s4], $0x0  }
0x19: {  	s7 =	sld [smem:$0x3F98]  }
0x1a: {  	s8 =	sadd.s32 $0xFFFFE003, lr  }
0x1b: {  	s9 =	sadd.s32 $0xFFFFFEF7, lr;
	s5 =	simm.s32 $0xFFFFFFFF;
	p2 =	slt.u32 s8, $0xFFFFF086  }
0x1c: {  	p1 =	slt.u32 s9, $0xF7A;
	s5 =	simm.s32 @!p2 $0x0  }
0x1d: {  	s5 =	simm.s32 @p1 $0x1;
	p0 =	seq.s32 s7, s2  }
0x1e: {  	s7 =	smul.u32 @!p0 $0xF7A, s2;
	p2 =	seq.s32 @!p0 s5, $0x0  }
0x1f: {  	s9 =	smul.u32 $0xF7A, s1;
	s8 =	simm.s32 @!p0 $0x1BF5;
	p2 =	por !p2, p0  }
0x20: {  	[sflag:s8] =	ssyncset.s32 @!p0 $0xFFFFF086;
	s6 =	sadd.s32 @!p0 s3, s7;
	s7 =	simm.s32 @!p0 $0x108  }
0x21: {  	s3 =	sadd.s32 s3, s9;
	s6 =	sadd.s32 @!p0 $0x88, s6;
	s7 =	simm.s32 @p2 $0x1082  }
0x22: {  	[simem:s7], [sflag:s8] =	dma.local @!p0 [hbm:s6], $0xF7A  }
0x23: {  	s9 =	sor.u32 $0xD0000000, s2;
	s6 =	simm.s32 $0x108;
	_ =	swait.ge @!p0 [sflag:s8], $0x0  }
0x24: {  	s3 =	sadd.s32 $0x88, s3;
	s6 =	simm.s32 @!p1 $0x1082;
	[sflag:s4] =	ssyncset.s32 $0xFFFFF086  }
0x25: {  	[simem:s6], [sflag:s4] =	dma.local [hbm:s3], $0xF7A  }
0x26: {  	[smem:$0x3F98] =	sst s1;
	(tag) =	ssettag s2;
	_ =	strace s9  }
0x27: {  	s1 =	sld [smem:$0x3FA8]  }
0x28: {  	s2 =	sld [smem:$0x3FA9]  }
0x29: {  	s4 =	sld [smem:$0x3FAB]  }
0x2a: {  	p0 =	seq.s32 s5, $0x0;
	s5 =	sld [smem:$0x3FAC]  }
0x2b: {  	s6 =	sld [smem:$0x3FAD]  }
0x2c: {  	s7 =	sld [smem:$0x3FAE]  }
0x2d: {  	s3 =	simm.s32 $0x108;
	s8 =	sld [smem:$0x3FAF]  }
0x2e: {  	s3 =	simm.s32 @!p0 $0x1082;
	s9 =	sld [smem:$0x3FB0]  }
0x2f: {  	lr =	sadd.s32 s0, s3;
	s0 =	sld [smem:$0x3FA7]  }
0x30: {  	s3 =	sld [smem:$0x3FAA]  }
0x31: {  	[smem:$0x3FB3] =	sst s10  }
0x32: {  	s10 =	sld [smem:$0x3FB1];
	_ =	sdelay $0x3  }
0x33: {  	p0 =	seq.s32 s10, $0x1;
	s10 =	sld [smem:$0x3FB3];
	_ =	sdelay $0x3  }
0x34: {  	[smem:$0x3FB3] =	sst s10  }
0x35: {  	s10 =	sld [smem:$0x3FB2];
	_ =	sdelay $0x3  }
0x36: {  	p1 =	seq.s32 s10, $0x1;
	s10 =	sld [smem:$0x3FB3];
	_ =	sdelay $0x3  }
0x37: {  	[smem:$0x3FB3] =	sst s10  }
0x38: {  	s10 =	sld [smem:$0x3FB4]  }
0x39: {  	_ = 	snop;
	(pc) =	sbr.ind lr, $3  }
0x3a: {  	_ = 	snop  }
0x3b: {  	_ = 	snop  }
0x3c: {  	p2 =	seq.s32 s10, $0x1;
	s10 =	sld [smem:$0x3FB3]  }
0x3d: {  	_ =	shalt  }
0x3e: {  	_ =	shalt  }
0x3f: {  	_ =	shalt  }
0x40: {  	_ =	shalt  }
0x41: {  	_ =	shalt  }
0x42: {  	_ =	shalt  }
0x43: {  	_ =	shalt  }
0x44: {  	_ =	shalt  }
0x45: {  	_ =	shalt  }
0x46: {  	_ =	shalt  }
0x47: {  	_ =	shalt  }
0x48: {  	_ =	shalt  }
0x49: {  	_ =	shalt  }
0x4a: {  	_ =	shalt  }
0x4b: {  	_ =	shalt  }
0x4c: {  	_ =	shalt  }
0x4d: {  	_ =	shalt  }
0x4e: {  	_ =	shalt  }
0x4f: {  	_ =	shalt  }
0x50: {  	_ =	shalt  }
0x51: {  	_ =	shalt  }
0x52: {  	_ =	shalt  }
0x53: {  	_ =	shalt  }
0x54: {  	_ =	shalt  }
0x55: {  	_ =	shalt  }
0x56: {  	_ =	shalt  }
0x57: {  	_ =	shalt  }
0x58: {  	_ =	shalt  }
0x59: {  	_ =	shalt  }
0x5a: {  	_ =	shalt  }
0x5b: {  	_ =	shalt  }
0x5c: {  	_ =	shalt  }
0x5d: {  	_ =	shalt  }
0x5e: {  	_ =	shalt  }
0x5f: {  	_ =	shalt  }
0x60: {  	_ =	shalt  }
0x61: {  	_ =	shalt  }
0x62: {  	_ =	shalt  }
0x63: {  	_ =	shalt  }
0x64: {  	_ =	shalt  }
0x65: {  	_ =	shalt  }
0x66: {  	_ =	shalt  }
0x67: {  	_ =	shalt  }
0x68: {  	_ =	shalt  }
0x69: {  	_ =	shalt  }
0x6a: {  	_ =	shalt  }
0x6b: {  	_ =	shalt  }
0x6c: {  	_ =	shalt  }
0x6d: {  	_ =	shalt  }
0x6e: {  	_ =	shalt  }
0x6f: {  	_ =	shalt  }
0x70: {  	_ =	shalt  }
0x71: {  	_ =	shalt  }
0x72: {  	_ =	shalt  }
0x73: {  	_ =	shalt  }
0x74: {  	_ =	shalt  }
0x75: {  	_ =	shalt  }
0x76: {  	_ =	shalt  }
0x77: {  	_ =	shalt  }
0x78: {  	_ =	shalt  }
0x79: {  	_ =	shalt  }
0x7a: {  	_ =	shalt  }
0x7b: {  	_ =	shalt  }
0x7c: {  	_ =	shalt  }
0x7d: {  	_ =	shalt  }
0x7e: {  	_ =	shalt  }
0x7f: {  	_ =	shalt  }
0x80: {  	_ =	shalt  }
0x81: {  	_ =	shalt  }
0x82: {  	_ =	shalt  }
0x83: {  	_ =	shalt  }
0x84: {  	_ =	shalt  }
0x85: {  	_ =	shalt  }
0x86: {  	_ =	shalt  }
0x87: {  	_ =	shalt  }
.Lfunc_end0:
.L_simem_size_0:
called_computation.1_lowered:
.L_overlay_start_0:
0x88: {  	s2 =	sld [smem:$0x3FD9]  }
0x89: {  	s3 =	sld [smem:$0x3FFE];
	_ =	sdelay $0x1  }
0x8a: {  	s1 =	srdreg.scid  }
0x8b: {  	s0 =	sand.u32 $0x1, s1  }
0x8c: {  	s16 =	sshll.u32 s0, $0xA;
	s2 =	sadd.s32 s3, s2  }
0x8d: {  	s2 =	sadd.s32 s2, s16  }
0x8e: {  	[smem:$0x3FBF] =	sst s2  }
0x8f: {  	_ = 	snop  }
0x90: {  	(tm) =	ssettm $0x1  }
0x91: {  	s17 =	sld [smem:$0x3FFB];
	_ =	sdelay $0x3  }
0x92: {  	_ =	strace s17  }
0x93: {  	s2 =	sld [smem:$0x3FFC];
	_ =	sdelay $0x3  }
0x94: {  	_ =	strace s2  }
0x95: {  	s2 =	sld [smem:$0x3FFD];
	_ =	sdelay $0x3  }
0x96: {  	_ =	strace s2  }
0x97: {  	_ =	strace $0x8FFFFFFF  }
0x98: {  	s18 =	sld [smem:$0x3FDB];
	_ =	sdelay $0x1  }
0x99: {  	s19 =	simm.s32 $_scs_section_size  }
0x9a: {  	s4 =	simm.s32 $_size__tile_overlayer_lowered;
	s5 =	simm.s32 $_tile_overlayer_lowered  }
0x9b: {  	s22 =	simm.s32 $0x1BFF;
	s21 =	sshll.u32 s5, $0x1;
	s2 =	sadd.s32 s19, s18  }
0x9c: {  	s6 =	simm.s32 $0x0;
	s20 =	sshll.u32 s4, $0x1;
	s4 =	sadd.s32 s21, s2  }
0x9d: {  	[timem:s6], [sflag:s22] =	dma.local [hbm:s4], s20  }
0x9e: {  	_ =	swait.ge [sflag:s22], s20  }
0x9f: {  	s3 =	ssub.s32 $0x0, s20;
	[sflag:s22] =	ssyncset.done $0x0  }
0xa0: {  	[sflag:s22] =	ssyncadd.s32 s3;
	_ =	sdelay $0x1  }
0xa1: {  	s23 =	simm.s32 $0x1B8B  }
0xa2: {  	_ =	swait.ge [sflag:s23], $0x1  }
0xa3: {  	[sflag:s23] =	ssyncset.done $0x0  }
0xa4: {  	s25 =	simm.s32 $0x1B8E;
	s24 =	sld [smem:$0x3FFE];
	[sflag:s23] =	ssyncadd.s32 $0xFFFFFFFF  }
0xa5: {  	s26 =	simm.s32 $execute0_lowered;
	[smem:$0x3FD2] =	sst s25  }
0xa6: {  	s4 =	sshll.u32 s26, $0x1;
	_ =	strace $0x80000049;
	[dreg:$0x1] =	wrdreg $0xFFFFFFFF  }
0xa7: {  	s28 =	simm.s32 $_size_execute0_lowered;
	s2 =	sadd.s32 s2, s4;
	[dreg:$0x0] =	wrdreg $0x0  }
0xa8: {  	s4 =	sshll.u32 s28, $0x1;
	[dreg:$0x2] =	wrdreg s2  }
0xa9: {  	[dreg:$0x3] =	wrdreg s4  }
0xaa: {  	[dreg:$0x4] =	wrdreg $0xC0  }
0xab: {  	_ =	task [dreg:s6], $0x5FFFF  }
0xac: {  	[dreg:$0x1] =	wrdreg $0xFFFFFFFF  }
0xad: {  	[dreg:$0x0] =	wrdreg $0x60  }
0xae: {  	[dreg:$0x2] =	wrdreg s24  }
0xaf: {  	[dreg:$0x3] =	wrdreg $0xA0000  }
0xb0: {  	[dreg:$0x4] =	wrdreg $0x9  }
0xb1: {  	_ =	task.clear_ibuf [dreg:s6], $0x5FFFF;
	_ =	strace $0x90000049  }
0xb2: {  	s29 =	simm.s32 $0x9;
	_ =	strace $0x8000004B  }
0xb3: {  	_ =	swait.ge [sflag:s29], $0x1  }
0xb4: {  	[sflag:s29] =	ssyncadd.s32 $0xFFFFFFFF  }
0xb5: {  	_ =	strace $0x9000004B  }
0xb6: {  	_ =	sfence  }
0xb7: {  	s30 =	sld [smem:$0x0];
	_ =	sdelay $0x2  }
0xb8: {  	s31 =	sshll.u32 s1, $0xD;
	s1 =	sshrl.u32 s1, $0x2  }
0xb9: {  	s3 =	sand.u32 $0x4000, s31;
	s1 =	sadd.s32 s1, s30  }
0xba: {  	s0 =	sor.u32 s3, s0;
	s1 =	sshll.u32 s1, $0x11  }
0xbb: {  	s0 =	sor.u32 s1, s0  }
0xbc: {  	s0 =	sadd.s32 $0x8F2B, s0  }
0xbd: {  	[sflag:s0] =	ssyncadd.remote.s32 $0x1  }
0xbe: {  	_ =	sfence.sel $0xFFFF  }
0xbf: {  	[dreg:$0x0] =	wrdreg $0xFFFFFFFF;
	(pc) =	sbr.abs _section_cstart, $3  }
0xc0: {  	[dreg:$0x1] =	wrdreg $0xFFFFFFFF  }
0xc1: {  	_ =	task.clear_ibuf [dreg:s6], $0x2FFFF;
	_ =	strace $0x9FFFFFFF  }
0xc2: {  	(tm) =	ssettm $0x7FFFFFFF  }
0xc3: {  	_ =	shalt  }
tec
execute0_lowered:
.L_overlay_start_1:
0x0: {  	(tag) =	ssettag $0x1  }
0x1: {  	s7 =	rddreg [dreg:$0x0]  }
0x2: {  	s2 =	rddreg [dreg:$0x1]  }
0x3: {  	s0 =	rddreg [dreg:$0x2];
	s3 =	simm.s32 $0x0;
	s1 =	stileid.u32  }
0x4: {  	s5 =	srdreg.scid;
	s17 =	simm.s32 $0x2000;
	s18 =	simm.s32 $0x1  }
0x5: {  	s19 =	simm.s32 $0x6000;
	s20 =	simm.s32 $0x2;
	s21 =	simm.s32 $0x0  }
0x6: {  	[smem:$0x7FF] =	sst s3;
	s8 =	smul.u32 $0x14000, s1;
	s4 =	sadd.s32 $0x67000, s7  }
0x7: {  	s9 =	sand.u32 $0x1, s5;
	s5 =	sadd.s32 $0xD000, s7;
	s25 =	smul.u32 $0x50000, s1  }
0x8: {  	s6 =	sadd.s32 $0x2000, s7;
	s12 =	sshll.u32 s1, $0x1;
	s15 =	smul.u32 $0x5000, s1  }
0x9: {  	s29 =	sshll.u32 s1, $0x6;
	_ =	strace $0x8000004A;
	s11 =	smul.u32 $0x140000, s9  }
0xa: {  	s12 =	sor.u32 s9, s12;
	s13 =	ssub.s32 $0x2, s9;
	s9 =	smul.u32 $0x2800, s9  }
0xb: {  	s10 =	sshrl.u32 s8, $0x3;
	s12 =	smul.u32 $0x2800, s12;
	s26 =	sshrl.u32 s13, $0x1  }
0xc: {  	s28 =	sshrl.u32 s25, $0x2;
	s10 =	sadd.s32 s10, s7;
	s8 =	sadd.s32 s8, s11  }
0xd: {  	s13 =	ssub.s32 s13, s26;
	s16 =	sadd.s32 s28, s2;
	s31 =	sadd.s32 s9, s15  }
0xe: {  	s8 =	sshrl.u32 s8, $0x3;
	s30 =	sshrl.u32 s12, $0x3;
	s15 =	sadd.s32 $0x800, s31  }
0xf: {  	s12 =	smax.u32 s13, $0x1;
	s13 =	sshrl.u32 s16, $0x3;
	s16 =	simm.s32 $0x80  }
0x10: {  	s14 =	sadd.s32 s8, s7;
	s7 =	sadd.s32 $0x8E200, s10;
	s8 =	sor.u32 $0x1C03, s29  }
0x11: {  	s9 =	sadd.s32 s5, s30;
	s10 =	sadd.s32 s6, s30;
	[dreg:$0x3] =	wrdreg s15  }
0x12: {  	s15 =	simm.s32 $0x1000;
	s11 =	sadd.s32 $0xB6200, s14;
	s14 =	simm.s32 $0x3  }
.LBB2_1:
0x13: {  	[spmem:s13], [sflag:s8] =	dma.local [hbm:s7], $0x2800  }
0x14: {  	_ =	swait.ge [sflag:s14], $0x2800  }
0x15: {  	[sflag:s14] =	ssyncset.done $0x0  }
0x16: {  	[sflag:s14] =	ssyncadd.s32 $0xFFFFD800  }
0x17: {  	[bflag:$0x0] =	sbarrier.arrive $0xFFFF  }
0x18: {  	[tilespmem:s3], [sflag:$0x3] =	stream.linear.gather [hbm4b:s9+s3], $0x800, $0x38;
	[tilespmem:$0x1E000] =	vst v63  }
0x19: {  	_ =	swait.ge [sflag:s14], $0x800  }
0x1a: {  	[sflag:s14] =	ssyncset.done $0x0  }
0x1b: {  	[sflag:s14] =	ssyncadd.s32 $0xFFFFF800  }
0x1c: {  	[tilespmem:s15], [sflag:$0x3] =	stream.linear.gather [hbm4b:s10+s3], $0x800, $0x38;
	[tilespmem:$0x1E000] =	vst v63  }
0x1d: {  	_ =	swait.ge [sflag:s14], $0x800  }
0x1e: {  	p0 =	por $0x0, $0x0;
	[sflag:s14] =	ssyncset.done $0x0;
	s22 =	rddreg [dreg:$0x3]  }
0x1f: {  	[sflag:s14] =	ssyncadd.s32 $0xFFFFF800;
	s23 =	sadd.s32 @!p0 $0x0, s22  }
0x20: {  	[tilespmem:s17], [sflag:$0x1] =	stream.indirect.gather [hbm4b:s4+s16], $0x80, s3, s16, $0xb8;
	[tilespmem:$0x1E000] =	vst v63  }
0x21: {  	s26 =	simm.s32 @!p0 $0x0;
	s22 =	sand.u32 @!p0 $0x800, s3;
	s23 =	sshrl.u32 @!p0 s23, $0x3  }
0x22: {  	s28 =	simm.s32 @!p0 $0x3;
	s24 =	sxor.u32 @!p0 $0x800, s22;
	s25 =	sadd.s32 @!p0 s5, s23  }
0x23: {  	[tilespmem:s24], [sflag:$0x3] =	stream.linear.gather @!p0 [hbm4b:s25+s26], $0x800, $0x38;
	[tilespmem:$0x1E000] =	vst v63  }
0x24: {  	_ =	swait.ge @!p0 [sflag:s28], $0x800  }
0x25: {  	[sflag:s28] =	ssyncset.done @!p0 $0x0  }
0x26: {  	s23 =	sadd.s32 @!p0 s6, s23;
	s24 =	sor.u32 @!p0 $0x1000, s24;
	[sflag:s28] =	ssyncadd.s32 @!p0 $0xFFFFF800  }
0x27: {  	[tilespmem:s24], [sflag:$0x3] =	stream.linear.gather @!p0 [hbm4b:s23+s26], $0x800, $0x38;
	[tilespmem:$0x1E000] =	vst v63  }
0x28: {  	_ =	swait.ge @!p0 [sflag:s28], $0x800  }
0x29: {  	[sflag:s28] =	ssyncset.done @!p0 $0x0  }
0x2a: {  	[sflag:s28] =	ssyncadd.s32 @!p0 $0xFFFFF800  }
0x2b: {  	_ =	swait.ge [sflag:s18], $0x4000  }
0x2c: {  	s22 =	simm.s32 @p0 $0x0;
	[sflag:s18] =	ssyncset.done $0x0  }
0x2d: {  	s29 =	sor.u32 $0x80, s22;
	[sflag:s18] =	ssyncadd.s32 $0xFFFFC000  }
0x2e: {  	[tilespmem:s19], [sflag:$0x2] =	stream.indirect.gather [hbm4b:s4+s16], $0x80, s29, s16, $0xb8;
	[tilespmem:$0x1E000] =	vst v63  }
0x2f: {  	s30 =	sor.u32 $0x1000, s22  }
0x30: {  	[spmem:s2] =	stream.indirect.scatter.add.f32 [tilespmem:s17], [sflag:$0x3], $0x80, s30, s16, $0xb8;
	[tilespmem:$0x1E000] =	vst v63  }
0x31: {  	_ =	swait.ge [sflag:s14], $0x4000  }
0x32: {  	[sflag:s14] =	ssyncset.done $0x0  }
0x33: {  	[sflag:s14] =	ssyncadd.s32 $0xFFFFC000  }
0x34: {  	_ =	swait.ge [sflag:s20], $0x4000  }
0x35: {  	[sflag:s20] =	ssyncset.done $0x0  }
0x36: {  	s31 =	sor.u32 $0x100, s22;
	[sflag:s20] =	ssyncadd.s32 $0xFFFFC000  }
0x37: {  	[tilespmem:s17], [sflag:$0x1] =	stream.indirect.gather [hbm4b:s4+s16], $0x80, s31, s16, $0xb8;
	[tilespmem:$0x1E000] =	vst v63  }
0x38: {  	s24 =	sor.u32 $0x1080, s22  }
0x39: {  	[spmem:s2] =	stream.indirect.scatter.add.f32 [tilespmem:s19], [sflag:$0x3], $0x80, s24, s16, $0xb8;
	[tilespmem:$0x1E000] =	vst v63  }
0x3a: {  	_ =	swait.ge [sflag:s14], $0x4000  }
0x3b: {  	[sflag:s14] =	ssyncset.done $0x0  }
0x3c: {  	[sflag:s14] =	ssyncadd.s32 $0xFFFFC000  }
0x3d: {  	_ =	swait.ge [sflag:s18], $0x4000  }
0x3e: {  	[sflag:s18] =	ssyncset.done $0x0  }
0x3f: {  	s25 =	sor.u32 $0x180, s22;
	[sflag:s18] =	ssyncadd.s32 $0xFFFFC000  }
0x40: {  	[tilespmem:s19], [sflag:$0x2] =	stream.indirect.gather [hbm4b:s4+s16], $0x80, s25, s16, $0xb8;
	[tilespmem:$0x1E000] =	vst v63  }
0x41: {  	s26 =	sor.u32 $0x1100, s22  }
0x42: {  	[spmem:s2] =	stream.indirect.scatter.add.f32 [tilespmem:s17], [sflag:$0x3], $0x80, s26, s16, $0xb8;
	[tilespmem:$0x1E000] =	vst v63  }
0x43: {  	_ =	swait.ge [sflag:s14], $0x4000  }
0x44: {  	[sflag:s14] =	ssyncset.done $0x0  }
0x45: {  	[sflag:s14] =	ssyncadd.s32 $0xFFFFC000  }
0x46: {  	_ =	swait.ge [sflag:s20], $0x4000  }
0x47: {  	[sflag:s20] =	ssyncset.done $0x0  }
0x48: {  	s28 =	sor.u32 $0x200, s22;
	[sflag:s20] =	ssyncadd.s32 $0xFFFFC000  }
0x49: {  	[tilespmem:s17], [sflag:$0x1] =	stream.indirect.gather [hbm4b:s4+s16], $0x80, s28, s16, $0xb8;
	[tilespmem:$0x1E000] =	vst v63  }
0x4a: {  	s29 =	sor.u32 $0x1180, s22  }
0x4b: {  	[spmem:s2] =	stream.indirect.scatter.add.f32 [tilespmem:s19], [sflag:$0x3], $0x80, s29, s16, $0xb8;
	[tilespmem:$0x1E000] =	vst v63  }
0x4c: {  	_ =	swait.ge [sflag:s14], $0x4000  }
0x4d: {  	[sflag:s14] =	ssyncset.done $0x0  }
0x4e: {  	[sflag:s14] =	ssyncadd.s32 $0xFFFFC000  }
0x4f: {  	_ =	swait.ge [sflag:s18], $0x4000  }
0x50: {  	[sflag:s18] =	ssyncset.done $0x0  }
0x51: {  	s30 =	sor.u32 $0x280, s22;
	[sflag:s18] =	ssyncadd.s32 $0xFFFFC000  }
0x52: {  	[tilespmem:s19], [sflag:$0x2] =	stream.indirect.gather [hbm4b:s4+s16], $0x80, s30, s16, $0xb8;
	[tilespmem:$0x1E000] =	vst v63  }
0x53: {  	s31 =	sor.u32 $0x1200, s22  }
0x54: {  	[spmem:s2] =	stream.indirect.scatter.add.f32 [tilespmem:s17], [sflag:$0x3], $0x80, s31, s16, $0xb8;
	[tilespmem:$0x1E000] =	vst v63  }
0x55: {  	_ =	swait.ge [sflag:s14], $0x4000  }
0x56: {  	[sflag:s14] =	ssyncset.done $0x0  }
0x57: {  	[sflag:s14] =	ssyncadd.s32 $0xFFFFC000  }
0x58: {  	_ =	swait.ge [sflag:s20], $0x4000  }
0x59: {  	[sflag:s20] =	ssyncset.done $0x0  }
0x5a: {  	s24 =	sor.u32 $0x300, s22;
	[sflag:s20] =	ssyncadd.s32 $0xFFFFC000  }
0x5b: {  	[tilespmem:s17], [sflag:$0x1] =	stream.indirect.gather [hbm4b:s4+s16], $0x80, s24, s16, $0xb8;
	[tilespmem:$0x1E000] =	vst v63  }
0x5c: {  	s25 =	sor.u32 $0x1280, s22  }
0x5d: {  	[spmem:s2] =	stream.indirect.scatter.add.f32 [tilespmem:s19], [sflag:$0x3], $0x80, s25, s16, $0xb8;
	[tilespmem:$0x1E000] =	vst v63  }
0x5e: {  	_ =	swait.ge [sflag:s14], $0x4000  }
0x5f: {  	[sflag:s14] =	ssyncset.done $0x0  }
0x60: {  	[sflag:s14] =	ssyncadd.s32 $0xFFFFC000  }
0x61: {  	_ =	swait.ge [sflag:s18], $0x4000  }
0x62: {  	[sflag:s18] =	ssyncset.done $0x0  }
0x63: {  	s26 =	sor.u32 $0x380, s22;
	[sflag:s18] =	ssyncadd.s32 $0xFFFFC000  }
0x64: {  	[tilespmem:s19], [sflag:$0x2] =	stream.indirect.gather [hbm4b:s4+s16], $0x80, s26, s16, $0xb8;
	[tilespmem:$0x1E000] =	vst v63  }
0x65: {  	s28 =	sor.u32 $0x1300, s22  }
0x66: {  	[spmem:s2] =	stream.indirect.scatter.add.f32 [tilespmem:s17], [sflag:$0x3], $0x80, s28, s16, $0xb8;
	[tilespmem:$0x1E000] =	vst v63  }
0x67: {  	_ =	swait.ge [sflag:s14], $0x4000  }
0x68: {  	[sflag:s14] =	ssyncset.done $0x0  }
0x69: {  	[sflag:s14] =	ssyncadd.s32 $0xFFFFC000  }
0x6a: {  	_ =	swait.ge [sflag:s20], $0x4000  }
0x6b: {  	[sflag:s20] =	ssyncset.done $0x0  }
0x6c: {  	s29 =	sor.u32 $0x400, s22;
	[sflag:s20] =	ssyncadd.s32 $0xFFFFC000  }
0x6d: {  	[tilespmem:s17], [sflag:$0x1] =	stream.indirect.gather [hbm4b:s4+s16], $0x80, s29, s16, $0xb8;
	[tilespmem:$0x1E000] =	vst v63  }
0x6e: {  	s30 =	sor.u32 $0x1380, s22  }
0x6f: {  	[spmem:s2] =	stream.indirect.scatter.add.f32 [tilespmem:s19], [sflag:$0x3], $0x80, s30, s16, $0xb8;
	[tilespmem:$0x1E000] =	vst v63  }
0x70: {  	_ =	swait.ge [sflag:s14], $0x4000  }
0x71: {  	[sflag:s14] =	ssyncset.done $0x0  }
0x72: {  	[sflag:s14] =	ssyncadd.s32 $0xFFFFC000  }
0x73: {  	_ =	swait.ge [sflag:s18], $0x4000  }
0x74: {  	[sflag:s18] =	ssyncset.done $0x0  }
0x75: {  	s31 =	sor.u32 $0x480, s22;
	[sflag:s18] =	ssyncadd.s32 $0xFFFFC000  }
0x76: {  	[tilespmem:s19], [sflag:$0x2] =	stream.indirect.gather [hbm4b:s4+s16], $0x80, s31, s16, $0xb8;
	[tilespmem:$0x1E000] =	vst v63  }
0x77: {  	s24 =	sor.u32 $0x1400, s22  }
0x78: {  	[spmem:s2] =	stream.indirect.scatter.add.f32 [tilespmem:s17], [sflag:$0x3], $0x80, s24, s16, $0xb8;
	[tilespmem:$0x1E000] =	vst v63  }
0x79: {  	_ =	swait.ge [sflag:s14], $0x4000  }
0x7a: {  	[sflag:s14] =	ssyncset.done $0x0  }
0x7b: {  	[sflag:s14] =	ssyncadd.s32 $0xFFFFC000  }
0x7c: {  	_ =	swait.ge [sflag:s20], $0x4000  }
0x7d: {  	[sflag:s20] =	ssyncset.done $0x0  }
0x7e: {  	s25 =	sor.u32 $0x500, s22;
	[sflag:s20] =	ssyncadd.s32 $0xFFFFC000  }
0x7f: {  	[tilespmem:s17], [sflag:$0x1] =	stream.indirect.gather [hbm4b:s4+s16], $0x80, s25, s16, $0xb8;
	[tilespmem:$0x1E000] =	vst v63  }
0x80: {  	s26 =	sor.u32 $0x1480, s22  }
0x81: {  	[spmem:s2] =	stream.indirect.scatter.add.f32 [tilespmem:s19], [sflag:$0x3], $0x80, s26, s16, $0xb8;
	[tilespmem:$0x1E000] =	vst v63  }
0x82: {  	_ =	swait.ge [sflag:s14], $0x4000  }
0x83: {  	[sflag:s14] =	ssyncset.done $0x0  }
0x84: {  	[sflag:s14] =	ssyncadd.s32 $0xFFFFC000  }
0x85: {  	_ =	swait.ge [sflag:s18], $0x4000  }
0x86: {  	[sflag:s18] =	ssyncset.done $0x0  }
0x87: {  	s28 =	sor.u32 $0x580, s22;
	[sflag:s18] =	ssyncadd.s32 $0xFFFFC000  }
0x88: {  	[tilespmem:s19], [sflag:$0x2] =	stream.indirect.gather [hbm4b:s4+s16], $0x80, s28, s16, $0xb8;
	[tilespmem:$0x1E000] =	vst v63  }
0x89: {  	s29 =	sor.u32 $0x1500, s22  }
0x8a: {  	[spmem:s2] =	stream.indirect.scatter.add.f32 [tilespmem:s17], [sflag:$0x3], $0x80, s29, s16, $0xb8;
	[tilespmem:$0x1E000] =	vst v63  }
0x8b: {  	_ =	swait.ge [sflag:s14], $0x4000  }
0x8c: {  	[sflag:s14] =	ssyncset.done $0x0  }
0x8d: {  	[sflag:s14] =	ssyncadd.s32 $0xFFFFC000  }
0x8e: {  	_ =	swait.ge [sflag:s20], $0x4000  }
0x8f: {  	[sflag:s20] =	ssyncset.done $0x0  }
0x90: {  	s30 =	sor.u32 $0x600, s22;
	[sflag:s20] =	ssyncadd.s32 $0xFFFFC000  }
0x91: {  	[tilespmem:s17], [sflag:$0x1] =	stream.indirect.gather [hbm4b:s4+s16], $0x80, s30, s16, $0xb8;
	[tilespmem:$0x1E000] =	vst v63  }
0x92: {  	s31 =	sor.u32 $0x1580, s22  }
0x93: {  	[spmem:s2] =	stream.indirect.scatter.add.f32 [tilespmem:s19], [sflag:$0x3], $0x80, s31, s16, $0xb8;
	[tilespmem:$0x1E000] =	vst v63  }
0x94: {  	_ =	swait.ge [sflag:s14], $0x4000  }
0x95: {  	[sflag:s14] =	ssyncset.done $0x0  }
0x96: {  	[sflag:s14] =	ssyncadd.s32 $0xFFFFC000  }
0x97: {  	_ =	swait.ge [sflag:s18], $0x4000  }
0x98: {  	[sflag:s18] =	ssyncset.done $0x0  }
0x99: {  	s24 =	sor.u32 $0x680, s22;
	[sflag:s18] =	ssyncadd.s32 $0xFFFFC000  }
0x9a: {  	[tilespmem:s19], [sflag:$0x2] =	stream.indirect.gather [hbm4b:s4+s16], $0x80, s24, s16, $0xb8;
	[tilespmem:$0x1E000] =	vst v63  }
0x9b: {  	s25 =	sor.u32 $0x1600, s22  }
0x9c: {  	[spmem:s2] =	stream.indirect.scatter.add.f32 [tilespmem:s17], [sflag:$0x3], $0x80, s25, s16, $0xb8;
	[tilespmem:$0x1E000] =	vst v63  }
0x9d: {  	_ =	swait.ge [sflag:s14], $0x4000  }
0x9e: {  	[sflag:s14] =	ssyncset.done $0x0  }
0x9f: {  	[sflag:s14] =	ssyncadd.s32 $0xFFFFC000  }
0xa0: {  	_ =	swait.ge [sflag:s20], $0x4000  }
0xa1: {  	[sflag:s20] =	ssyncset.done $0x0  }
0xa2: {  	s26 =	sor.u32 $0x700, s22;
	[sflag:s20] =	ssyncadd.s32 $0xFFFFC000  }
0xa3: {  	[tilespmem:s17], [sflag:$0x1] =	stream.indirect.gather [hbm4b:s4+s16], $0x80, s26, s16, $0xb8;
	[tilespmem:$0x1E000] =	vst v63  }
0xa4: {  	s28 =	sor.u32 $0x1680, s22  }
0xa5: {  	[spmem:s2] =	stream.indirect.scatter.add.f32 [tilespmem:s19], [sflag:$0x3], $0x80, s28, s16, $0xb8;
	[tilespmem:$0x1E000] =	vst v63  }
0xa6: {  	_ =	swait.ge [sflag:s14], $0x4000  }
0xa7: {  	[sflag:s14] =	ssyncset.done $0x0  }
0xa8: {  	[sflag:s14] =	ssyncadd.s32 $0xFFFFC000  }
0xa9: {  	_ =	swait.ge [sflag:s18], $0x4000  }
0xaa: {  	[sflag:s18] =	ssyncset.done $0x0  }
0xab: {  	s29 =	sor.u32 $0x780, s22;
	[sflag:s18] =	ssyncadd.s32 $0xFFFFC000  }
0xac: {  	[tilespmem:s19], [sflag:$0x2] =	stream.indirect.gather [hbm4b:s4+s16], $0x80, s29, s16, $0xb8;
	[tilespmem:$0x1E000] =	vst v63  }
0xad: {  	s30 =	sor.u32 $0x1700, s22  }
0xae: {  	[spmem:s2] =	stream.indirect.scatter.add.f32 [tilespmem:s17], [sflag:$0x3], $0x80, s30, s16, $0xb8;
	[tilespmem:$0x1E000] =	vst v63  }
0xaf: {  	_ =	swait.ge [sflag:s14], $0x4000  }
0xb0: {  	[sflag:s14] =	ssyncset.done $0x0  }
0xb1: {  	[sflag:s14] =	ssyncadd.s32 $0xFFFFC000  }
0xb2: {  	_ =	swait.ge [sflag:s20], $0x4000  }
0xb3: {  	s22 =	sxor.u32 @!p0 $0x800, s22;
	[sflag:s20] =	ssyncset.done $0x0  }
0xb4: {  	s24 =	simm.s32 @!p0 $0x80;
	s25 =	simm.s32 @!p0 $0x2000;
	[sflag:s20] =	ssyncadd.s32 $0xFFFFC000  }
0xb5: {  	[tilespmem:s25], [sflag:$0x1] =	stream.indirect.gather @!p0 [hbm4b:s4+s24], $0x80, s22, s24, $0xb8;
	[tilespmem:$0x1E000] =	vst v63  }
0xb6: {  	s31 =	sor.u32 $0x1000, s29  }
0xb7: {  	[spmem:s2] =	stream.indirect.scatter.add.f32 [tilespmem:s19], [sflag:$0x3], $0x80, s31, s16, $0xb8;
	[tilespmem:$0x1E000] =	vst v63  }
0xb8: {  	_ =	swait.ge [sflag:s14], $0x4000  }
0xb9: {  	s23 =	simm.s32 $0x1000;
	s22 =	simm.s32 $0x800;
	[sflag:s14] =	ssyncset.done $0x0  }
.LBB2_2:
0xba: {  	s24 =	rddreg [dreg:$0x3];
	[sflag:s14] =	ssyncadd.s32 $0xFFFFC000;
	p1 =	seq.s32 s22, $0x2000  }
0xbb: {  	s26 =	smov.u32 s23;
	s24 =	sadd.s32 @!p1 s22, s24;
	s25 =	sand.u32 @!p1 $0x800, s22  }
0xbc: {  	s22 =	smov.u32 s26;
	s29 =	simm.s32 @!p1 $0x0;
	s28 =	sshrl.u32 @!p1 s24, $0x3  }
0xbd: {  	s30 =	simm.s32 @!p1 $0x3;
	s26 =	sxor.u32 @!p1 $0x800, s25;
	s24 =	sadd.s32 @!p1 s5, s28  }
0xbe: {  	[tilespmem:s26], [sflag:$0x3] =	stream.linear.gather @!p1 [hbm4b:s24+s29], $0x800, $0x38;
	[tilespmem:$0x1E000] =	vst v63  }
0xbf: {  	_ =	swait.ge @!p1 [sflag:s30], $0x800  }
0xc0: {  	[sflag:s30] =	ssyncset.done @!p1 $0x0  }
0xc1: {  	s28 =	sadd.s32 @!p1 s6, s28;
	s26 =	sor.u32 @!p1 $0x1000, s26;
	[sflag:s30] =	ssyncadd.s32 @!p1 $0xFFFFF800  }
0xc2: {  	[tilespmem:s26], [sflag:$0x3] =	stream.linear.gather @!p1 [hbm4b:s28+s29], $0x800, $0x38;
	[tilespmem:$0x1E000] =	vst v63  }
0xc3: {  	_ =	swait.ge @!p1 [sflag:s30], $0x800  }
0xc4: {  	[sflag:s30] =	ssyncset.done @!p1 $0x0  }
0xc5: {  	[sflag:s30] =	ssyncadd.s32 @!p1 $0xFFFFF800  }
0xc6: {  	_ =	swait.ge [sflag:s18], $0x4000  }
0xc7: {  	s25 =	simm.s32 @p1 $0x0;
	[sflag:s18] =	ssyncset.done $0x0  }
0xc8: {  	s30 =	sor.u32 $0x80, s25;
	[sflag:s18] =	ssyncadd.s32 $0xFFFFC000  }
0xc9: {  	[tilespmem:s19], [sflag:$0x2] =	stream.indirect.gather [hbm4b:s4+s16], $0x80, s30, s16, $0xb8;
	[tilespmem:$0x1E000] =	vst v63  }
0xca: {  	s31 =	sor.u32 $0x1000, s25  }
0xcb: {  	[spmem:s2] =	stream.indirect.scatter.add.f32 [tilespmem:s17], [sflag:$0x3], $0x80, s31, s16, $0xb8;
	[tilespmem:$0x1E000] =	vst v63  }
0xcc: {  	_ =	swait.ge [sflag:s14], $0x4000  }
0xcd: {  	[sflag:s14] =	ssyncset.done $0x0  }
0xce: {  	[sflag:s14] =	ssyncadd.s32 $0xFFFFC000  }
0xcf: {  	_ =	swait.ge [sflag:s20], $0x4000  }
0xd0: {  	[sflag:s20] =	ssyncset.done $0x0  }
0xd1: {  	s28 =	sor.u32 $0x100, s25;
	[sflag:s20] =	ssyncadd.s32 $0xFFFFC000  }
0xd2: {  	[tilespmem:s17], [sflag:$0x1] =	stream.indirect.gather [hbm4b:s4+s16], $0x80, s28, s16, $0xb8;
	[tilespmem:$0x1E000] =	vst v63  }
0xd3: {  	s29 =	sor.u32 $0x1080, s25  }
0xd4: {  	[spmem:s2] =	stream.indirect.scatter.add.f32 [tilespmem:s19], [sflag:$0x3], $0x80, s29, s16, $0xb8;
	[tilespmem:$0x1E000] =	vst v63  }
0xd5: {  	_ =	swait.ge [sflag:s14], $0x4000  }
0xd6: {  	[sflag:s14] =	ssyncset.done $0x0  }
0xd7: {  	[sflag:s14] =	ssyncadd.s32 $0xFFFFC000  }
0xd8: {  	_ =	swait.ge [sflag:s18], $0x4000  }
0xd9: {  	[sflag:s18] =	ssyncset.done $0x0  }
0xda: {  	s30 =	sor.u32 $0x180, s25;
	[sflag:s18] =	ssyncadd.s32 $0xFFFFC000  }
0xdb: {  	[tilespmem:s19], [sflag:$0x2] =	stream.indirect.gather [hbm4b:s4+s16], $0x80, s30, s16, $0xb8;
	[tilespmem:$0x1E000] =	vst v63  }
0xdc: {  	s31 =	sor.u32 $0x1100, s25  }
0xdd: {  	[spmem:s2] =	stream.indirect.scatter.add.f32 [tilespmem:s17], [sflag:$0x3], $0x80, s31, s16, $0xb8;
	[tilespmem:$0x1E000] =	vst v63  }
0xde: {  	_ =	swait.ge [sflag:s14], $0x4000  }
0xdf: {  	[sflag:s14] =	ssyncset.done $0x0  }
0xe0: {  	[sflag:s14] =	ssyncadd.s32 $0xFFFFC000  }
0xe1: {  	_ =	swait.ge [sflag:s20], $0x4000  }
0xe2: {  	[sflag:s20] =	ssyncset.done $0x0  }
0xe3: {  	s28 =	sor.u32 $0x200, s25;
	[sflag:s20] =	ssyncadd.s32 $0xFFFFC000  }
0xe4: {  	[tilespmem:s17], [sflag:$0x1] =	stream.indirect.gather [hbm4b:s4+s16], $0x80, s28, s16, $0xb8;
	[tilespmem:$0x1E000] =	vst v63  }
0xe5: {  	s29 =	sor.u32 $0x1180, s25  }
0xe6: {  	[spmem:s2] =	stream.indirect.scatter.add.f32 [tilespmem:s19], [sflag:$0x3], $0x80, s29, s16, $0xb8;
	[tilespmem:$0x1E000] =	vst v63  }
0xe7: {  	_ =	swait.ge [sflag:s14], $0x4000  }
0xe8: {  	[sflag:s14] =	ssyncset.done $0x0  }
0xe9: {  	[sflag:s14] =	ssyncadd.s32 $0xFFFFC000  }
0xea: {  	_ =	swait.ge [sflag:s18], $0x4000  }
0xeb: {  	[sflag:s18] =	ssyncset.done $0x0  }
0xec: {  	s30 =	sor.u32 $0x280, s25;
	[sflag:s18] =	ssyncadd.s32 $0xFFFFC000  }
0xed: {  	[tilespmem:s19], [sflag:$0x2] =	stream.indirect.gather [hbm4b:s4+s16], $0x80, s30, s16, $0xb8;
	[tilespmem:$0x1E000] =	vst v63  }
0xee: {  	s31 =	sor.u32 $0x1200, s25  }
0xef: {  	[spmem:s2] =	stream.indirect.scatter.add.f32 [tilespmem:s17], [sflag:$0x3], $0x80, s31, s16, $0xb8;
	[tilespmem:$0x1E000] =	vst v63  }
0xf0: {  	_ =	swait.ge [sflag:s14], $0x4000  }
0xf1: {  	[sflag:s14] =	ssyncset.done $0x0  }
0xf2: {  	[sflag:s14] =	ssyncadd.s32 $0xFFFFC000  }
0xf3: {  	_ =	swait.ge [sflag:s20], $0x4000  }
0xf4: {  	[sflag:s20] =	ssyncset.done $0x0  }
0xf5: {  	s28 =	sor.u32 $0x300, s25;
	[sflag:s20] =	ssyncadd.s32 $0xFFFFC000  }
0xf6: {  	[tilespmem:s17], [sflag:$0x1] =	stream.indirect.gather [hbm4b:s4+s16], $0x80, s28, s16, $0xb8;
	[tilespmem:$0x1E000] =	vst v63  }
0xf7: {  	s29 =	sor.u32 $0x1280, s25  }
0xf8: {  	[spmem:s2] =	stream.indirect.scatter.add.f32 [tilespmem:s19], [sflag:$0x3], $0x80, s29, s16, $0xb8;
	[tilespmem:$0x1E000] =	vst v63  }
0xf9: {  	_ =	swait.ge [sflag:s14], $0x4000  }
0xfa: {  	[sflag:s14] =	ssyncset.done $0x0  }
0xfb: {  	[sflag:s14] =	ssyncadd.s32 $0xFFFFC000  }
0xfc: {  	_ =	swait.ge [sflag:s18], $0x4000  }
0xfd: {  	[sflag:s18] =	ssyncset.done $0x0  }
0xfe: {  	s30 =	sor.u32 $0x380, s25;
	[sflag:s18] =	ssyncadd.s32 $0xFFFFC000  }
0xff: {  	[tilespmem:s19], [sflag:$0x2] =	stream.indirect.gather [hbm4b:s4+s16], $0x80, s30, s16, $0xb8;
	[tilespmem:$0x1E000] =	vst v63  }
0x100: {  	s31 =	sor.u32 $0x1300, s25  }
0x101: {  	[spmem:s2] =	stream.indirect.scatter.add.f32 [tilespmem:s17], [sflag:$0x3], $0x80, s31, s16, $0xb8;
	[tilespmem:$0x1E000] =	vst v63  }
0x102: {  	_ =	swait.ge [sflag:s14], $0x4000  }
0x103: {  	[sflag:s14] =	ssyncset.done $0x0  }
0x104: {  	[sflag:s14] =	ssyncadd.s32 $0xFFFFC000  }
0x105: {  	_ =	swait.ge [sflag:s20], $0x4000  }
0x106: {  	[sflag:s20] =	ssyncset.done $0x0  }
0x107: {  	s28 =	sor.u32 $0x400, s25;
	[sflag:s20] =	ssyncadd.s32 $0xFFFFC000  }
0x108: {  	[tilespmem:s17], [sflag:$0x1] =	stream.indirect.gather [hbm4b:s4+s16], $0x80, s28, s16, $0xb8;
	[tilespmem:$0x1E000] =	vst v63  }
0x109: {  	s29 =	sor.u32 $0x1380, s25  }
0x10a: {  	[spmem:s2] =	stream.indirect.scatter.add.f32 [tilespmem:s19], [sflag:$0x3], $0x80, s29, s16, $0xb8;
	[tilespmem:$0x1E000] =	vst v63  }
0x10b: {  	_ =	swait.ge [sflag:s14], $0x4000  }
0x10c: {  	[sflag:s14] =	ssyncset.done $0x0  }
0x10d: {  	[sflag:s14] =	ssyncadd.s32 $0xFFFFC000  }
0x10e: {  	_ =	swait.ge [sflag:s18], $0x4000  }
0x10f: {  	[sflag:s18] =	ssyncset.done $0x0  }
0x110: {  	s30 =	sor.u32 $0x480, s25;
	[sflag:s18] =	ssyncadd.s32 $0xFFFFC000  }
0x111: {  	[tilespmem:s19], [sflag:$0x2] =	stream.indirect.gather [hbm4b:s4+s16], $0x80, s30, s16, $0xb8;
	[tilespmem:$0x1E000] =	vst v63  }
0x112: {  	s31 =	sor.u32 $0x1400, s25  }
0x113: {  	[spmem:s2] =	stream.indirect.scatter.add.f32 [tilespmem:s17], [sflag:$0x3], $0x80, s31, s16, $0xb8;
	[tilespmem:$0x1E000] =	vst v63  }
0x114: {  	_ =	swait.ge [sflag:s14], $0x4000  }
0x115: {  	[sflag:s14] =	ssyncset.done $0x0  }
0x116: {  	[sflag:s14] =	ssyncadd.s32 $0xFFFFC000  }
0x117: {  	_ =	swait.ge [sflag:s20], $0x4000  }
0x118: {  	[sflag:s20] =	ssyncset.done $0x0  }
0x119: {  	s28 =	sor.u32 $0x500, s25;
	[sflag:s20] =	ssyncadd.s32 $0xFFFFC000  }
0x11a: {  	[tilespmem:s17], [sflag:$0x1] =	stream.indirect.gather [hbm4b:s4+s16], $0x80, s28, s16, $0xb8;
	[tilespmem:$0x1E000] =	vst v63  }
0x11b: {  	s29 =	sor.u32 $0x1480, s25  }
0x11c: {  	[spmem:s2] =	stream.indirect.scatter.add.f32 [tilespmem:s19], [sflag:$0x3], $0x80, s29, s16, $0xb8;
	[tilespmem:$0x1E000] =	vst v63  }
0x11d: {  	_ =	swait.ge [sflag:s14], $0x4000  }
0x11e: {  	[sflag:s14] =	ssyncset.done $0x0  }
0x11f: {  	[sflag:s14] =	ssyncadd.s32 $0xFFFFC000  }
0x120: {  	_ =	swait.ge [sflag:s18], $0x4000  }
0x121: {  	[sflag:s18] =	ssyncset.done $0x0  }
0x122: {  	s30 =	sor.u32 $0x580, s25;
	[sflag:s18] =	ssyncadd.s32 $0xFFFFC000  }
0x123: {  	[tilespmem:s19], [sflag:$0x2] =	stream.indirect.gather [hbm4b:s4+s16], $0x80, s30, s16, $0xb8;
	[tilespmem:$0x1E000] =	vst v63  }
0x124: {  	s31 =	sor.u32 $0x1500, s25  }
0x125: {  	[spmem:s2] =	stream.indirect.scatter.add.f32 [tilespmem:s17], [sflag:$0x3], $0x80, s31, s16, $0xb8;
	[tilespmem:$0x1E000] =	vst v63  }
0x126: {  	_ =	swait.ge [sflag:s14], $0x4000  }
0x127: {  	[sflag:s14] =	ssyncset.done $0x0  }
0x128: {  	[sflag:s14] =	ssyncadd.s32 $0xFFFFC000  }
0x129: {  	_ =	swait.ge [sflag:s20], $0x4000  }
0x12a: {  	[sflag:s20] =	ssyncset.done $0x0  }
0x12b: {  	s28 =	sor.u32 $0x600, s25;
	[sflag:s20] =	ssyncadd.s32 $0xFFFFC000  }
0x12c: {  	[tilespmem:s17], [sflag:$0x1] =	stream.indirect.gather [hbm4b:s4+s16], $0x80, s28, s16, $0xb8;
	[tilespmem:$0x1E000] =	vst v63  }
0x12d: {  	s29 =	sor.u32 $0x1580, s25  }
0x12e: {  	[spmem:s2] =	stream.indirect.scatter.add.f32 [tilespmem:s19], [sflag:$0x3], $0x80, s29, s16, $0xb8;
	[tilespmem:$0x1E000] =	vst v63  }
0x12f: {  	_ =	swait.ge [sflag:s14], $0x4000  }
0x130: {  	[sflag:s14] =	ssyncset.done $0x0  }
0x131: {  	[sflag:s14] =	ssyncadd.s32 $0xFFFFC000  }
0x132: {  	_ =	swait.ge [sflag:s18], $0x4000  }
0x133: {  	[sflag:s18] =	ssyncset.done $0x0  }
0x134: {  	s30 =	sor.u32 $0x680, s25;
	[sflag:s18] =	ssyncadd.s32 $0xFFFFC000  }
0x135: {  	[tilespmem:s19], [sflag:$0x2] =	stream.indirect.gather [hbm4b:s4+s16], $0x80, s30, s16, $0xb8;
	[tilespmem:$0x1E000] =	vst v63  }
0x136: {  	s31 =	sor.u32 $0x1600, s25  }
0x137: {  	[spmem:s2] =	stream.indirect.scatter.add.f32 [tilespmem:s17], [sflag:$0x3], $0x80, s31, s16, $0xb8;
	[tilespmem:$0x1E000] =	vst v63  }
0x138: {  	_ =	swait.ge [sflag:s14], $0x4000  }
0x139: {  	[sflag:s14] =	ssyncset.done $0x0  }
0x13a: {  	[sflag:s14] =	ssyncadd.s32 $0xFFFFC000  }
0x13b: {  	_ =	swait.ge [sflag:s20], $0x4000  }
0x13c: {  	[sflag:s20] =	ssyncset.done $0x0  }
0x13d: {  	s28 =	sor.u32 $0x700, s25;
	[sflag:s20] =	ssyncadd.s32 $0xFFFFC000  }
0x13e: {  	[tilespmem:s17], [sflag:$0x1] =	stream.indirect.gather [hbm4b:s4+s16], $0x80, s28, s16, $0xb8;
	[tilespmem:$0x1E000] =	vst v63  }
0x13f: {  	s29 =	sor.u32 $0x1680, s25  }
0x140: {  	[spmem:s2] =	stream.indirect.scatter.add.f32 [tilespmem:s19], [sflag:$0x3], $0x80, s29, s16, $0xb8;
	[tilespmem:$0x1E000] =	vst v63  }
0x141: {  	_ =	swait.ge [sflag:s14], $0x4000  }
0x142: {  	[sflag:s14] =	ssyncset.done $0x0  }
0x143: {  	[sflag:s14] =	ssyncadd.s32 $0xFFFFC000  }
0x144: {  	_ =	swait.ge [sflag:s18], $0x4000  }
0x145: {  	[sflag:s18] =	ssyncset.done $0x0  }
0x146: {  	s30 =	sor.u32 $0x780, s25;
	[sflag:s18] =	ssyncadd.s32 $0xFFFFC000  }
0x147: {  	[tilespmem:s19], [sflag:$0x2] =	stream.indirect.gather [hbm4b:s4+s16], $0x80, s30, s16, $0xb8;
	[tilespmem:$0x1E000] =	vst v63  }
0x148: {  	s24 =	sxor.u32 @!p1 $0x800, s25;
	s25 =	sor.u32 $0x1700, s25  }
0x149: {  	[spmem:s2] =	stream.indirect.scatter.add.f32 [tilespmem:s17], [sflag:$0x3], $0x80, s25, s16, $0xb8;
	[tilespmem:$0x1E000] =	vst v63  }
0x14a: {  	_ =	swait.ge [sflag:s14], $0x4000  }
0x14b: {  	[sflag:s14] =	ssyncset.done $0x0  }
0x14c: {  	[sflag:s14] =	ssyncadd.s32 $0xFFFFC000  }
0x14d: {  	s23 =	sadd.s32 $0x800, s23;
	_ =	swait.ge [sflag:s20], $0x4000  }
0x14e: {  	p0 =	sne.s32 s23, $0x2800;
	[sflag:s20] =	ssyncset.done $0x0  }
0x14f: {  	s28 =	simm.s32 @!p1 $0x2000;
	s25 =	simm.s32 @!p1 $0x80;
	[sflag:s20] =	ssyncadd.s32 $0xFFFFC000  }
0x150: {  	[tilespmem:s28], [sflag:$0x1] =	stream.indirect.gather @!p1 [hbm4b:s4+s25], $0x80, s24, s25, $0xb8;
	[tilespmem:$0x1E000] =	vst v63  }
.Ltmp0:
0x151: {  	_ = 	snop;
	(pc) =	sbr.rel @p0 .LBB2_2-.Ltmp0, $4  }
0x152: {  	s31 =	sor.u32 $0x1000, s30  }
0x153: {  	[spmem:s2] =	stream.indirect.scatter.add.f32 [tilespmem:s19], [sflag:$0x3], $0x80, s31, s16, $0xb8;
	[tilespmem:$0x1E000] =	vst v63  }
0x154: {  	_ =	swait.ge [sflag:s14], $0x4000  }
0x155: {  	[sflag:s14] =	ssyncset.done $0x0  }
0x156: {  	s23 =	rddreg [dreg:$0x3];
	p0 =	seq.s32 s22, $0x2000  }
0x157: {  	[sflag:s14] =	ssyncadd.s32 $0xFFFFC000;
	s23 =	sadd.s32 @!p0 s22, s23  }
0x158: {  	s22 =	sand.u32 @!p0 $0x800, s22;
	s26 =	simm.s32 @!p0 $0x0;
	s23 =	sshrl.u32 @!p0 s23, $0x3  }
0x159: {  	s28 =	simm.s32 @!p0 $0x3;
	s24 =	sxor.u32 @!p0 $0x800, s22;
	s25 =	sadd.s32 @!p0 s5, s23  }
0x15a: {  	[tilespmem:s24], [sflag:$0x3] =	stream.linear.gather @!p0 [hbm4b:s25+s26], $0x800, $0x38;
	[tilespmem:$0x1E000] =	vst v63  }
0x15b: {  	_ =	swait.ge @!p0 [sflag:s28], $0x800  }
0x15c: {  	[sflag:s28] =	ssyncset.done @!p0 $0x0  }
0x15d: {  	s23 =	sadd.s32 @!p0 s6, s23;
	s24 =	sor.u32 @!p0 $0x1000, s24;
	[sflag:s28] =	ssyncadd.s32 @!p0 $0xFFFFF800  }
0x15e: {  	[tilespmem:s24], [sflag:$0x3] =	stream.linear.gather @!p0 [hbm4b:s23+s26], $0x800, $0x38;
	[tilespmem:$0x1E000] =	vst v63  }
0x15f: {  	_ =	swait.ge @!p0 [sflag:s28], $0x800  }
0x160: {  	[sflag:s28] =	ssyncset.done @!p0 $0x0  }
0x161: {  	[sflag:s28] =	ssyncadd.s32 @!p0 $0xFFFFF800  }
0x162: {  	_ =	swait.ge [sflag:s18], $0x4000  }
0x163: {  	s22 =	simm.s32 @p0 $0x0;
	[sflag:s18] =	ssyncset.done $0x0  }
0x164: {  	s29 =	sor.u32 $0x80, s22;
	[sflag:s18] =	ssyncadd.s32 $0xFFFFC000  }
0x165: {  	[tilespmem:s19], [sflag:$0x2] =	stream.indirect.gather [hbm4b:s4+s16], $0x80, s29, s16, $0xb8;
	[tilespmem:$0x1E000] =	vst v63  }
0x166: {  	s30 =	sor.u32 $0x1000, s22  }
0x167: {  	[spmem:s2] =	stream.indirect.scatter.add.f32 [tilespmem:s17], [sflag:$0x3], $0x80, s30, s16, $0xb8;
	[tilespmem:$0x1E000] =	vst v63  }
0x168: {  	_ =	swait.ge [sflag:s14], $0x4000  }
0x169: {  	[sflag:s14] =	ssyncset.done $0x0  }
0x16a: {  	[sflag:s14] =	ssyncadd.s32 $0xFFFFC000  }
0x16b: {  	_ =	swait.ge [sflag:s20], $0x4000  }
0x16c: {  	[sflag:s20] =	ssyncset.done $0x0  }
0x16d: {  	s31 =	sor.u32 $0x100, s22;
	[sflag:s20] =	ssyncadd.s32 $0xFFFFC000  }
0x16e: {  	[tilespmem:s17], [sflag:$0x1] =	stream.indirect.gather [hbm4b:s4+s16], $0x80, s31, s16, $0xb8;
	[tilespmem:$0x1E000] =	vst v63  }
0x16f: {  	s24 =	sor.u32 $0x1080, s22  }
0x170: {  	[spmem:s2] =	stream.indirect.scatter.add.f32 [tilespmem:s19], [sflag:$0x3], $0x80, s24, s16, $0xb8;
	[tilespmem:$0x1E000] =	vst v63  }
0x171: {  	_ =	swait.ge [sflag:s14], $0x4000  }
0x172: {  	[sflag:s14] =	ssyncset.done $0x0  }
0x173: {  	[sflag:s14] =	ssyncadd.s32 $0xFFFFC000  }
0x174: {  	_ =	swait.ge [sflag:s18], $0x4000  }
0x175: {  	[sflag:s18] =	ssyncset.done $0x0  }
0x176: {  	s25 =	sor.u32 $0x180, s22;
	[sflag:s18] =	ssyncadd.s32 $0xFFFFC000  }
0x177: {  	[tilespmem:s19], [sflag:$0x2] =	stream.indirect.gather [hbm4b:s4+s16], $0x80, s25, s16, $0xb8;
	[tilespmem:$0x1E000] =	vst v63  }
0x178: {  	s26 =	sor.u32 $0x1100, s22  }
0x179: {  	[spmem:s2] =	stream.indirect.scatter.add.f32 [tilespmem:s17], [sflag:$0x3], $0x80, s26, s16, $0xb8;
	[tilespmem:$0x1E000] =	vst v63  }
0x17a: {  	_ =	swait.ge [sflag:s14], $0x4000  }
0x17b: {  	[sflag:s14] =	ssyncset.done $0x0  }
0x17c: {  	[sflag:s14] =	ssyncadd.s32 $0xFFFFC000  }
0x17d: {  	_ =	swait.ge [sflag:s20], $0x4000  }
0x17e: {  	[sflag:s20] =	ssyncset.done $0x0  }
0x17f: {  	s28 =	sor.u32 $0x200, s22;
	[sflag:s20] =	ssyncadd.s32 $0xFFFFC000  }
0x180: {  	[tilespmem:s17], [sflag:$0x1] =	stream.indirect.gather [hbm4b:s4+s16], $0x80, s28, s16, $0xb8;
	[tilespmem:$0x1E000] =	vst v63  }
0x181: {  	s29 =	sor.u32 $0x1180, s22  }
0x182: {  	[spmem:s2] =	stream.indirect.scatter.add.f32 [tilespmem:s19], [sflag:$0x3], $0x80, s29, s16, $0xb8;
	[tilespmem:$0x1E000] =	vst v63  }
0x183: {  	_ =	swait.ge [sflag:s14], $0x4000  }
0x184: {  	[sflag:s14] =	ssyncset.done $0x0  }
0x185: {  	[sflag:s14] =	ssyncadd.s32 $0xFFFFC000  }
0x186: {  	_ =	swait.ge [sflag:s18], $0x4000  }
0x187: {  	[sflag:s18] =	ssyncset.done $0x0  }
0x188: {  	s30 =	sor.u32 $0x280, s22;
	[sflag:s18] =	ssyncadd.s32 $0xFFFFC000  }
0x189: {  	[tilespmem:s19], [sflag:$0x2] =	stream.indirect.gather [hbm4b:s4+s16], $0x80, s30, s16, $0xb8;
	[tilespmem:$0x1E000] =	vst v63  }
0x18a: {  	s31 =	sor.u32 $0x1200, s22  }
0x18b: {  	[spmem:s2] =	stream.indirect.scatter.add.f32 [tilespmem:s17], [sflag:$0x3], $0x80, s31, s16, $0xb8;
	[tilespmem:$0x1E000] =	vst v63  }
0x18c: {  	_ =	swait.ge [sflag:s14], $0x4000  }
0x18d: {  	[sflag:s14] =	ssyncset.done $0x0  }
0x18e: {  	[sflag:s14] =	ssyncadd.s32 $0xFFFFC000  }
0x18f: {  	_ =	swait.ge [sflag:s20], $0x4000  }
0x190: {  	[sflag:s20] =	ssyncset.done $0x0  }
0x191: {  	s24 =	sor.u32 $0x300, s22;
	[sflag:s20] =	ssyncadd.s32 $0xFFFFC000  }
0x192: {  	[tilespmem:s17], [sflag:$0x1] =	stream.indirect.gather [hbm4b:s4+s16], $0x80, s24, s16, $0xb8;
	[tilespmem:$0x1E000] =	vst v63  }
0x193: {  	s25 =	sor.u32 $0x1280, s22  }
0x194: {  	[spmem:s2] =	stream.indirect.scatter.add.f32 [tilespmem:s19], [sflag:$0x3], $0x80, s25, s16, $0xb8;
	[tilespmem:$0x1E000] =	vst v63  }
0x195: {  	_ =	swait.ge [sflag:s14], $0x4000  }
0x196: {  	[sflag:s14] =	ssyncset.done $0x0  }
0x197: {  	[sflag:s14] =	ssyncadd.s32 $0xFFFFC000  }
0x198: {  	_ =	swait.ge [sflag:s18], $0x4000  }
0x199: {  	[sflag:s18] =	ssyncset.done $0x0  }
0x19a: {  	s26 =	sor.u32 $0x380, s22;
	[sflag:s18] =	ssyncadd.s32 $0xFFFFC000  }
0x19b: {  	[tilespmem:s19], [sflag:$0x2] =	stream.indirect.gather [hbm4b:s4+s16], $0x80, s26, s16, $0xb8;
	[tilespmem:$0x1E000] =	vst v63  }
0x19c: {  	s28 =	sor.u32 $0x1300, s22  }
0x19d: {  	[spmem:s2] =	stream.indirect.scatter.add.f32 [tilespmem:s17], [sflag:$0x3], $0x80, s28, s16, $0xb8;
	[tilespmem:$0x1E000] =	vst v63  }
0x19e: {  	_ =	swait.ge [sflag:s14], $0x4000  }
0x19f: {  	[sflag:s14] =	ssyncset.done $0x0  }
0x1a0: {  	[sflag:s14] =	ssyncadd.s32 $0xFFFFC000  }
0x1a1: {  	_ =	swait.ge [sflag:s20], $0x4000  }
0x1a2: {  	[sflag:s20] =	ssyncset.done $0x0  }
0x1a3: {  	s29 =	sor.u32 $0x400, s22;
	[sflag:s20] =	ssyncadd.s32 $0xFFFFC000  }
0x1a4: {  	[tilespmem:s17], [sflag:$0x1] =	stream.indirect.gather [hbm4b:s4+s16], $0x80, s29, s16, $0xb8;
	[tilespmem:$0x1E000] =	vst v63  }
0x1a5: {  	s30 =	sor.u32 $0x1380, s22  }
0x1a6: {  	[spmem:s2] =	stream.indirect.scatter.add.f32 [tilespmem:s19], [sflag:$0x3], $0x80, s30, s16, $0xb8;
	[tilespmem:$0x1E000] =	vst v63  }
0x1a7: {  	_ =	swait.ge [sflag:s14], $0x4000  }
0x1a8: {  	[sflag:s14] =	ssyncset.done $0x0  }
0x1a9: {  	[sflag:s14] =	ssyncadd.s32 $0xFFFFC000  }
0x1aa: {  	_ =	swait.ge [sflag:s18], $0x4000  }
0x1ab: {  	[sflag:s18] =	ssyncset.done $0x0  }
0x1ac: {  	s31 =	sor.u32 $0x480, s22;
	[sflag:s18] =	ssyncadd.s32 $0xFFFFC000  }
0x1ad: {  	[tilespmem:s19], [sflag:$0x2] =	stream.indirect.gather [hbm4b:s4+s16], $0x80, s31, s16, $0xb8;
	[tilespmem:$0x1E000] =	vst v63  }
0x1ae: {  	s24 =	sor.u32 $0x1400, s22  }
0x1af: {  	[spmem:s2] =	stream.indirect.scatter.add.f32 [tilespmem:s17], [sflag:$0x3], $0x80, s24, s16, $0xb8;
	[tilespmem:$0x1E000] =	vst v63  }
0x1b0: {  	_ =	swait.ge [sflag:s14], $0x4000  }
0x1b1: {  	[sflag:s14] =	ssyncset.done $0x0  }
0x1b2: {  	[sflag:s14] =	ssyncadd.s32 $0xFFFFC000  }
0x1b3: {  	_ =	swait.ge [sflag:s20], $0x4000  }
0x1b4: {  	[sflag:s20] =	ssyncset.done $0x0  }
0x1b5: {  	s25 =	sor.u32 $0x500, s22;
	[sflag:s20] =	ssyncadd.s32 $0xFFFFC000  }
0x1b6: {  	[tilespmem:s17], [sflag:$0x1] =	stream.indirect.gather [hbm4b:s4+s16], $0x80, s25, s16, $0xb8;
	[tilespmem:$0x1E000] =	vst v63  }
0x1b7: {  	s26 =	sor.u32 $0x1480, s22  }
0x1b8: {  	[spmem:s2] =	stream.indirect.scatter.add.f32 [tilespmem:s19], [sflag:$0x3], $0x80, s26, s16, $0xb8;
	[tilespmem:$0x1E000] =	vst v63  }
0x1b9: {  	_ =	swait.ge [sflag:s14], $0x4000  }
0x1ba: {  	[sflag:s14] =	ssyncset.done $0x0  }
0x1bb: {  	[sflag:s14] =	ssyncadd.s32 $0xFFFFC000  }
0x1bc: {  	_ =	swait.ge [sflag:s18], $0x4000  }
0x1bd: {  	[sflag:s18] =	ssyncset.done $0x0  }
0x1be: {  	s28 =	sor.u32 $0x580, s22;
	[sflag:s18] =	ssyncadd.s32 $0xFFFFC000  }
0x1bf: {  	[tilespmem:s19], [sflag:$0x2] =	stream.indirect.gather [hbm4b:s4+s16], $0x80, s28, s16, $0xb8;
	[tilespmem:$0x1E000] =	vst v63  }
0x1c0: {  	s29 =	sor.u32 $0x1500, s22  }
0x1c1: {  	[spmem:s2] =	stream.indirect.scatter.add.f32 [tilespmem:s17], [sflag:$0x3], $0x80, s29, s16, $0xb8;
	[tilespmem:$0x1E000] =	vst v63  }
0x1c2: {  	_ =	swait.ge [sflag:s14], $0x4000  }
0x1c3: {  	[sflag:s14] =	ssyncset.done $0x0  }
0x1c4: {  	[sflag:s14] =	ssyncadd.s32 $0xFFFFC000  }
0x1c5: {  	_ =	swait.ge [sflag:s20], $0x4000  }
0x1c6: {  	[sflag:s20] =	ssyncset.done $0x0  }
0x1c7: {  	s30 =	sor.u32 $0x600, s22;
	[sflag:s20] =	ssyncadd.s32 $0xFFFFC000  }
0x1c8: {  	[tilespmem:s17], [sflag:$0x1] =	stream.indirect.gather [hbm4b:s4+s16], $0x80, s30, s16, $0xb8;
	[tilespmem:$0x1E000] =	vst v63  }
0x1c9: {  	s31 =	sor.u32 $0x1580, s22  }
0x1ca: {  	[spmem:s2] =	stream.indirect.scatter.add.f32 [tilespmem:s19], [sflag:$0x3], $0x80, s31, s16, $0xb8;
	[tilespmem:$0x1E000] =	vst v63  }
0x1cb: {  	_ =	swait.ge [sflag:s14], $0x4000  }
0x1cc: {  	[sflag:s14] =	ssyncset.done $0x0  }
0x1cd: {  	[sflag:s14] =	ssyncadd.s32 $0xFFFFC000  }
0x1ce: {  	_ =	swait.ge [sflag:s18], $0x4000  }
0x1cf: {  	[sflag:s18] =	ssyncset.done $0x0  }
0x1d0: {  	s24 =	sor.u32 $0x680, s22;
	[sflag:s18] =	ssyncadd.s32 $0xFFFFC000  }
0x1d1: {  	[tilespmem:s19], [sflag:$0x2] =	stream.indirect.gather [hbm4b:s4+s16], $0x80, s24, s16, $0xb8;
	[tilespmem:$0x1E000] =	vst v63  }
0x1d2: {  	s25 =	sor.u32 $0x1600, s22  }
0x1d3: {  	[spmem:s2] =	stream.indirect.scatter.add.f32 [tilespmem:s17], [sflag:$0x3], $0x80, s25, s16, $0xb8;
	[tilespmem:$0x1E000] =	vst v63  }
0x1d4: {  	_ =	swait.ge [sflag:s14], $0x4000  }
0x1d5: {  	[sflag:s14] =	ssyncset.done $0x0  }
0x1d6: {  	[sflag:s14] =	ssyncadd.s32 $0xFFFFC000  }
0x1d7: {  	_ =	swait.ge [sflag:s20], $0x4000  }
0x1d8: {  	[sflag:s20] =	ssyncset.done $0x0  }
0x1d9: {  	s26 =	sor.u32 $0x700, s22;
	[sflag:s20] =	ssyncadd.s32 $0xFFFFC000  }
0x1da: {  	[tilespmem:s17], [sflag:$0x1] =	stream.indirect.gather [hbm4b:s4+s16], $0x80, s26, s16, $0xb8;
	[tilespmem:$0x1E000] =	vst v63  }
0x1db: {  	s28 =	sor.u32 $0x1680, s22  }
0x1dc: {  	[spmem:s2] =	stream.indirect.scatter.add.f32 [tilespmem:s19], [sflag:$0x3], $0x80, s28, s16, $0xb8;
	[tilespmem:$0x1E000] =	vst v63  }
0x1dd: {  	_ =	swait.ge [sflag:s14], $0x4000  }
0x1de: {  	[sflag:s14] =	ssyncset.done $0x0  }
0x1df: {  	[sflag:s14] =	ssyncadd.s32 $0xFFFFC000  }
0x1e0: {  	_ =	swait.ge [sflag:s18], $0x4000  }
0x1e1: {  	[sflag:s18] =	ssyncset.done $0x0  }
0x1e2: {  	s29 =	sor.u32 $0x780, s22;
	[sflag:s18] =	ssyncadd.s32 $0xFFFFC000  }
0x1e3: {  	[tilespmem:s19], [sflag:$0x2] =	stream.indirect.gather [hbm4b:s4+s16], $0x80, s29, s16, $0xb8;
	[tilespmem:$0x1E000] =	vst v63  }
0x1e4: {  	s30 =	sor.u32 $0x1700, s22  }
0x1e5: {  	[spmem:s2] =	stream.indirect.scatter.add.f32 [tilespmem:s17], [sflag:$0x3], $0x80, s30, s16, $0xb8;
	[tilespmem:$0x1E000] =	vst v63  }
0x1e6: {  	_ =	swait.ge [sflag:s14], $0x4000  }
0x1e7: {  	[sflag:s14] =	ssyncset.done $0x0  }
0x1e8: {  	[sflag:s14] =	ssyncadd.s32 $0xFFFFC000  }
0x1e9: {  	_ =	swait.ge [sflag:s20], $0x4000  }
0x1ea: {  	s22 =	sxor.u32 @!p0 $0x800, s22;
	[sflag:s20] =	ssyncset.done $0x0  }
0x1eb: {  	s24 =	simm.s32 @!p0 $0x80;
	s25 =	simm.s32 @!p0 $0x2000;
	[sflag:s20] =	ssyncadd.s32 $0xFFFFC000  }
0x1ec: {  	[tilespmem:s25], [sflag:$0x1] =	stream.indirect.gather @!p0 [hbm4b:s4+s24], $0x80, s22, s24, $0xb8;
	[tilespmem:$0x1E000] =	vst v63  }
0x1ed: {  	s31 =	sor.u32 $0x1000, s29  }
0x1ee: {  	[spmem:s2] =	stream.indirect.scatter.add.f32 [tilespmem:s19], [sflag:$0x3], $0x80, s31, s16, $0xb8;
	[tilespmem:$0x1E000] =	vst v63  }
0x1ef: {  	_ =	swait.ge [sflag:s14], $0x4000  }
0x1f0: {  	s21 =	sadd.s32 $0x1, s21;
	[sflag:s14] =	ssyncset.done $0x0  }
0x1f1: {  	p0 =	sne.s32 s21, s12;
	[sflag:s14] =	ssyncadd.s32 $0xFFFFC000  }
.Ltmp1:
0x1f2: {  	[bflag:$0x0] =	sbarrier.arrive $0xFFFF;
	(pc) =	sbr.rel @p0 .LBB2_1-.Ltmp1, $4  }
0x1f3: {  	[hbm:s11], [sflag:s8] =	dma.local [spmem:s13], $0x2800  }
0x1f4: {  	_ =	swait.ge [sflag:s14], $0x2800  }
0x1f5: {  	[sflag:s14] =	ssyncset.done $0x0  }
0x1f6: {  	[sflag:s14] =	ssyncadd.s32 $0xFFFFD800  }
0x1f7: {  	_ =	sfence.sel $0x180000  }
0x1f8: {  	[bflag:$0x0] =	sbarrier.arrive $0xFFFF  }
0x1f9: {  	p0 =	sne.s32 s1, $0x0;
	_ =	strace $0x9000004A  }
0x1fa: {  	s0 =	sadd.s32 @!p0 $0x100000, s0;
	[bflag:$0x2] =	sbarrier.arrive $0xFFFF  }
0x1fb: {  	[sflag:s0] =	ssyncadd.tile.s32 @!p0 $0x1;
	_ =	shalt  }
.Lfunc_end2:
_tile_overlayer_lowered:
.L_overlay_start_2:
0x1fc: {  	(tag) =	ssettag $0x2  }
0x1fd: {  	s0 =	rddreg [dreg:$0x0];
	s2 =	stileid.u32  }
0x1fe: {  	s1 =	rddreg [dreg:$0x1];
	p0 =	sne.s32 s2, $0x0  }
0x1ff: {  	s3 =	rddreg [dreg:$0x2];
	[bflag:$0x3] =	sbarrier.arrive $0xFFFF;
	s2 =	simm.s32 @!p0 $0x1C03  }
0x200: {  	[timem:s3], [sflag:s2] =	dma.local @!p0 [hbm:s0], s1  }
0x201: {  	s0 =	simm.s32 @!p0 $0x3  }
0x202: {  	_ =	swait.ge @!p0 [sflag:s0], s1  }
0x203: {  	s1 =	ssub.s32 @!p0 $0x0, s1;
	[sflag:s0] =	ssyncset.done @!p0 $0x0  }
0x204: {  	[sflag:s0] =	ssyncadd.s32 @!p0 s1  }
0x205: {  	[bflag:$0x3] =	sbarrier.arrive $0xFFFF  }
0x206: {  	_ =	shalt  }

// kernel: kernel.14.cloned.1.call-start
scs
__scs_entry_jumppad:
0x0: {  	(pc) =	sbr.rel $0x88, $3  }
0x1: {  	(tag) =	ssettag $0x0;
	lr =	simm.s32 $0x1  }
0x2: {  	[smem:$0x3F98] =	sst lr;
	_ =	strace $0xD0000000  }
0x3: {  	_ = 	snop  }
0x4: {  	_ = 	snop  }
0x5: {  	_ = 	snop  }
0x6: {  	_ = 	snop  }
0x7: {  	_ = 	snop  }
__scs_overlays_trampoline_lowered:
0x8: {  	[smem:$0x3FA7] =	sst s0  }
0x9: {  	[smem:$0x3FA8] =	sst s1  }
0xa: {  	[smem:$0x3FA9] =	sst s2  }
0xb: {  	[smem:$0x3FAA] =	sst s3  }
0xc: {  	[smem:$0x3FAB] =	sst s4  }
0xd: {  	[smem:$0x3FAC] =	sst s5  }
0xe: {  	[smem:$0x3FAD] =	sst s6  }
0xf: {  	[smem:$0x3FAE] =	sst s7  }
0x10: {  	[smem:$0x3FAF] =	sst s8  }
0x11: {  	[smem:$0x3FB0] =	sst s9;
	s0 =	simm.s32 @!p0 $0x0  }
0x12: {  	s1 =	sld [smem:$0x3F96];
	s0 =	simm.s32 @p0 $0x1  }
0x13: {  	[smem:$0x3FB1] =	sst s0;
	s0 =	simm.s32 @!p1 $0x0  }
0x14: {  	s2 =	sld [smem:$0x3F95];
	s0 =	simm.s32 @p1 $0x1  }
0x15: {  	[smem:$0x3FB2] =	sst s0;
	s0 =	simm.s32 @!p2 $0x0  }
0x16: {  	s3 =	sld [smem:$0x3FDB];
	s0 =	simm.s32 @p2 $0x1  }
0x17: {  	s4 =	simm.s32 $0x1BF5;
	[smem:$0x3FB4] =	sst s0  }
0x18: {  	s0 =	sld [smem:$0x3F97];
	_ =	swait.ge [sflag:s4], $0x0  }
0x19: {  	s7 =	sld [smem:$0x3F98]  }
0x1a: {  	s8 =	sadd.s32 $0xFFFFE003, lr  }
0x1b: {  	s9 =	sadd.s32 $0xFFFFFEF7, lr;
	s5 =	simm.s32 $0xFFFFFFFF;
	p2 =	slt.u32 s8, $0xFFFFF086  }
0x1c: {  	p1 =	slt.u32 s9, $0xF7A;
	s5 =	simm.s32 @!p2 $0x0  }
0x1d: {  	s5 =	simm.s32 @p1 $0x1;
	p0 =	seq.s32 s7, s2  }
0x1e: {  	s7 =	smul.u32 @!p0 $0xF7A, s2;
	p2 =	seq.s32 @!p0 s5, $0x0  }
0x1f: {  	s9 =	smul.u32 $0xF7A, s1;
	s8 =	simm.s32 @!p0 $0x1BF5;
	p2 =	por !p2, p0  }
0x20: {  	[sflag:s8] =	ssyncset.s32 @!p0 $0xFFFFF086;
	s6 =	sadd.s32 @!p0 s3, s7;
	s7 =	simm.s32 @!p0 $0x108  }
0x21: {  	s3 =	sadd.s32 s3, s9;
	s6 =	sadd.s32 @!p0 $0x88, s6;
	s7 =	simm.s32 @p2 $0x1082  }
0x22: {  	[simem:s7], [sflag:s8] =	dma.local @!p0 [hbm:s6], $0xF7A  }
0x23: {  	s9 =	sor.u32 $0xD0000000, s2;
	s6 =	simm.s32 $0x108;
	_ =	swait.ge @!p0 [sflag:s8], $0x0  }
0x24: {  	s3 =	sadd.s32 $0x88, s3;
	s6 =	simm.s32 @!p1 $0x1082;
	[sflag:s4] =	ssyncset.s32 $0xFFFFF086  }
0x25: {  	[simem:s6], [sflag:s4] =	dma.local [hbm:s3], $0xF7A  }
0x26: {  	[smem:$0x3F98] =	sst s1;
	(tag) =	ssettag s2;
	_ =	strace s9  }
0x27: {  	s1 =	sld [smem:$0x3FA8]  }
0x28: {  	s2 =	sld [smem:$0x3FA9]  }
0x29: {  	s4 =	sld [smem:$0x3FAB]  }
0x2a: {  	p0 =	seq.s32 s5, $0x0;
	s5 =	sld [smem:$0x3FAC]  }
0x2b: {  	s6 =	sld [smem:$0x3FAD]  }
0x2c: {  	s7 =	sld [smem:$0x3FAE]  }
0x2d: {  	s3 =	simm.s32 $0x108;
	s8 =	sld [smem:$0x3FAF]  }
0x2e: {  	s3 =	simm.s32 @!p0 $0x1082;
	s9 =	sld [smem:$0x3FB0]  }
0x2f: {  	lr =	sadd.s32 s0, s3;
	s0 =	sld [smem:$0x3FA7]  }
0x30: {  	s3 =	sld [smem:$0x3FAA]  }
0x31: {  	[smem:$0x3FB3] =	sst s10  }
0x32: {  	s10 =	sld [smem:$0x3FB1];
	_ =	sdelay $0x3  }
0x33: {  	p0 =	seq.s32 s10, $0x1;
	s10 =	sld [smem:$0x3FB3];
	_ =	sdelay $0x3  }
0x34: {  	[smem:$0x3FB3] =	sst s10  }
0x35: {  	s10 =	sld [smem:$0x3FB2];
	_ =	sdelay $0x3  }
0x36: {  	p1 =	seq.s32 s10, $0x1;
	s10 =	sld [smem:$0x3FB3];
	_ =	sdelay $0x3  }
0x37: {  	[smem:$0x3FB3] =	sst s10  }
0x38: {  	s10 =	sld [smem:$0x3FB4]  }
0x39: {  	_ = 	snop;
	(pc) =	sbr.ind lr, $3  }
0x3a: {  	_ = 	snop  }
0x3b: {  	_ = 	snop  }
0x3c: {  	p2 =	seq.s32 s10, $0x1;
	s10 =	sld [smem:$0x3FB3]  }
0x3d: {  	_ =	shalt  }
0x3e: {  	_ =	shalt  }
0x3f: {  	_ =	shalt  }
0x40: {  	_ =	shalt  }
0x41: {  	_ =	shalt  }
0x42: {  	_ =	shalt  }
0x43: {  	_ =	shalt  }
0x44: {  	_ =	shalt  }
0x45: {  	_ =	shalt  }
0x46: {  	_ =	shalt  }
0x47: {  	_ =	shalt  }
0x48: {  	_ =	shalt  }
0x49: {  	_ =	shalt  }
0x4a: {  	_ =	shalt  }
0x4b: {  	_ =	shalt  }
0x4c: {  	_ =	shalt  }
0x4d: {  	_ =	shalt  }
0x4e: {  	_ =	shalt  }
0x4f: {  	_ =	shalt  }
0x50: {  	_ =	shalt  }
0x51: {  	_ =	shalt  }
0x52: {  	_ =	shalt  }
0x53: {  	_ =	shalt  }
0x54: {  	_ =	shalt  }
0x55: {  	_ =	shalt  }
0x56: {  	_ =	shalt  }
0x57: {  	_ =	shalt  }
0x58: {  	_ =	shalt  }
0x59: {  	_ =	shalt  }
0x5a: {  	_ =	shalt  }
0x5b: {  	_ =	shalt  }
0x5c: {  	_ =	shalt  }
0x5d: {  	_ =	shalt  }
0x5e: {  	_ =	shalt  }
0x5f: {  	_ =	shalt  }
0x60: {  	_ =	shalt  }
0x61: {  	_ =	shalt  }
0x62: {  	_ =	shalt  }
0x63: {  	_ =	shalt  }
0x64: {  	_ =	shalt  }
0x65: {  	_ =	shalt  }
0x66: {  	_ =	shalt  }
0x67: {  	_ =	shalt  }
0x68: {  	_ =	shalt  }
0x69: {  	_ =	shalt  }
0x6a: {  	_ =	shalt  }
0x6b: {  	_ =	shalt  }
0x6c: {  	_ =	shalt  }
0x6d: {  	_ =	shalt  }
0x6e: {  	_ =	shalt  }
0x6f: {  	_ =	shalt  }
0x70: {  	_ =	shalt  }
0x71: {  	_ =	shalt  }
0x72: {  	_ =	shalt  }
0x73: {  	_ =	shalt  }
0x74: {  	_ =	shalt  }
0x75: {  	_ =	shalt  }
0x76: {  	_ =	shalt  }
0x77: {  	_ =	shalt  }
0x78: {  	_ =	shalt  }
0x79: {  	_ =	shalt  }
0x7a: {  	_ =	shalt  }
0x7b: {  	_ =	shalt  }
0x7c: {  	_ =	shalt  }
0x7d: {  	_ =	shalt  }
0x7e: {  	_ =	shalt  }
0x7f: {  	_ =	shalt  }
0x80: {  	_ =	shalt  }
0x81: {  	_ =	shalt  }
0x82: {  	_ =	shalt  }
0x83: {  	_ =	shalt  }
0x84: {  	_ =	shalt  }
0x85: {  	_ =	shalt  }
0x86: {  	_ =	shalt  }
0x87: {  	_ =	shalt  }
.Lfunc_end0:
.L_simem_size_0:
called_computation.2_lowered:
.L_overlay_start_0:
0x88: {  	s2 =	sld [smem:$0x3FD9]  }
0x89: {  	s3 =	sld [smem:$0x3FFE];
	_ =	sdelay $0x1  }
0x8a: {  	s1 =	srdreg.scid  }
0x8b: {  	s0 =	sand.u32 $0x1, s1  }
0x8c: {  	s16 =	sshll.u32 s0, $0xA;
	s2 =	sadd.s32 s3, s2  }
0x8d: {  	s2 =	sadd.s32 s2, s16  }
0x8e: {  	[smem:$0x3FBF] =	sst s2  }
0x8f: {  	_ = 	snop  }
0x90: {  	(tm) =	ssettm $0x1  }
0x91: {  	s17 =	sld [smem:$0x3FFB];
	_ =	sdelay $0x3  }
0x92: {  	_ =	strace s17  }
0x93: {  	s2 =	sld [smem:$0x3FFC];
	_ =	sdelay $0x3  }
0x94: {  	_ =	strace s2  }
0x95: {  	s2 =	sld [smem:$0x3FFD];
	_ =	sdelay $0x3  }
0x96: {  	_ =	strace s2  }
0x97: {  	_ =	strace $0x8FFFFFFF  }
0x98: {  	s18 =	sld [smem:$0x3FDB];
	_ =	sdelay $0x1  }
0x99: {  	s19 =	simm.s32 $_scs_section_size  }
0x9a: {  	s4 =	simm.s32 $_size__tile_overlayer_lowered;
	s5 =	simm.s32 $_tile_overlayer_lowered  }
0x9b: {  	s22 =	simm.s32 $0x1BFF;
	s21 =	sshll.u32 s5, $0x1;
	s2 =	sadd.s32 s19, s18  }
0x9c: {  	s6 =	simm.s32 $0x0;
	s20 =	sshll.u32 s4, $0x1;
	s4 =	sadd.s32 s21, s2  }
0x9d: {  	[timem:s6], [sflag:s22] =	dma.local [hbm:s4], s20  }
0x9e: {  	_ =	swait.ge [sflag:s22], s20  }
0x9f: {  	s3 =	ssub.s32 $0x0, s20;
	[sflag:s22] =	ssyncset.done $0x0  }
0xa0: {  	[sflag:s22] =	ssyncadd.s32 s3;
	_ =	sdelay $0x1  }
0xa1: {  	s23 =	simm.s32 $0x1B8B  }
0xa2: {  	_ =	swait.ge [sflag:s23], $0x1  }
0xa3: {  	[sflag:s23] =	ssyncset.done $0x0  }
0xa4: {  	s25 =	simm.s32 $0x1B8E;
	s24 =	sld [smem:$0x3FFE];
	[sflag:s23] =	ssyncadd.s32 $0xFFFFFFFF  }
0xa5: {  	s26 =	simm.s32 $execute0_lowered;
	[smem:$0x3FD2] =	sst s25  }
0xa6: {  	s4 =	sshll.u32 s26, $0x1;
	_ =	strace $0x8000004C;
	[dreg:$0x1] =	wrdreg $0xFFFFFFFF  }
0xa7: {  	s28 =	simm.s32 $_size_execute0_lowered;
	s2 =	sadd.s32 s2, s4;
	[dreg:$0x0] =	wrdreg $0x0  }
0xa8: {  	s4 =	sshll.u32 s28, $0x1;
	[dreg:$0x2] =	wrdreg s2  }
0xa9: {  	[dreg:$0x3] =	wrdreg s4  }
0xaa: {  	[dreg:$0x4] =	wrdreg $0xC0  }
0xab: {  	_ =	task [dreg:s6], $0x5FFFF  }
0xac: {  	[dreg:$0x1] =	wrdreg $0xFFFFFFFF  }
0xad: {  	[dreg:$0x0] =	wrdreg $0x60  }
0xae: {  	[dreg:$0x2] =	wrdreg s24  }
0xaf: {  	[dreg:$0x3] =	wrdreg $0xA0000  }
0xb0: {  	[dreg:$0x4] =	wrdreg $0x9  }
0xb1: {  	_ =	task.clear_ibuf [dreg:s6], $0x5FFFF;
	_ =	strace $0x9000004C  }
0xb2: {  	s29 =	simm.s32 $0x9;
	_ =	strace $0x8000004E  }
0xb3: {  	_ =	swait.ge [sflag:s29], $0x1  }
0xb4: {  	[sflag:s29] =	ssyncadd.s32 $0xFFFFFFFF  }
0xb5: {  	_ =	strace $0x9000004E  }
0xb6: {  	_ =	sfence  }
0xb7: {  	s30 =	sld [smem:$0x0];
	_ =	sdelay $0x2  }
0xb8: {  	s31 =	sshll.u32 s1, $0xD;
	s1 =	sshrl.u32 s1, $0x2  }
0xb9: {  	s3 =	sand.u32 $0x4000, s31;
	s1 =	sadd.s32 s1, s30  }
0xba: {  	s0 =	sor.u32 s3, s0;
	s1 =	sshll.u32 s1, $0x11  }
0xbb: {  	s0 =	sor.u32 s1, s0  }
0xbc: {  	s0 =	sadd.s32 $0x8F2B, s0  }
0xbd: {  	[sflag:s0] =	ssyncadd.remote.s32 $0x1  }
0xbe: {  	_ =	sfence.sel $0xFFFF  }
0xbf: {  	[dreg:$0x0] =	wrdreg $0xFFFFFFFF;
	(pc) =	sbr.abs _section_cstart, $3  }
0xc0: {  	[dreg:$0x1] =	wrdreg $0xFFFFFFFF  }
0xc1: {  	_ =	task.clear_ibuf [dreg:s6], $0x2FFFF;
	_ =	strace $0x9FFFFFFF  }
0xc2: {  	(tm) =	ssettm $0x7FFFFFFF  }
0xc3: {  	_ =	shalt  }
tec
execute0_lowered:
.L_overlay_start_1:
0x0: {  	(tag) =	ssettag $0x1  }
0x1: {  	s7 =	rddreg [dreg:$0x0]  }
0x2: {  	s2 =	rddreg [dreg:$0x1]  }
0x3: {  	s0 =	rddreg [dreg:$0x2];
	s3 =	simm.s32 $0x0;
	s1 =	stileid.u32  }
0x4: {  	s5 =	srdreg.scid;
	s17 =	simm.s32 $0x2000;
	s18 =	simm.s32 $0x1  }
0x5: {  	s19 =	simm.s32 $0x6000;
	s20 =	simm.s32 $0x2;
	s21 =	simm.s32 $0x0  }
0x6: {  	[smem:$0x7FF] =	sst s3;
	s8 =	smul.u32 $0x14000, s1;
	s4 =	sadd.s32 $0x67000, s7  }
0x7: {  	s9 =	sand.u32 $0x1, s5;
	s5 =	sadd.s32 $0xD000, s7;
	s25 =	smul.u32 $0x50000, s1  }
0x8: {  	s6 =	sadd.s32 $0x2000, s7;
	s12 =	sshll.u32 s1, $0x1;
	s15 =	smul.u32 $0x5000, s1  }
0x9: {  	s29 =	sshll.u32 s1, $0x6;
	_ =	strace $0x8000004D;
	s11 =	smul.u32 $0x140000, s9  }
0xa: {  	s12 =	sor.u32 s9, s12;
	s13 =	ssub.s32 $0x2, s9;
	s9 =	smul.u32 $0x2800, s9  }
0xb: {  	s10 =	sshrl.u32 s8, $0x3;
	s12 =	smul.u32 $0x2800, s12;
	s26 =	sshrl.u32 s13, $0x1  }
0xc: {  	s28 =	sshrl.u32 s25, $0x2;
	s10 =	sadd.s32 s10, s7;
	s8 =	sadd.s32 s8, s11  }
0xd: {  	s13 =	ssub.s32 s13, s26;
	s16 =	sadd.s32 s28, s2;
	s31 =	sadd.s32 s9, s15  }
0xe: {  	s8 =	sshrl.u32 s8, $0x3;
	s30 =	sshrl.u32 s12, $0x3;
	s15 =	sadd.s32 $0x800, s31  }
0xf: {  	s12 =	smax.u32 s13, $0x1;
	s13 =	sshrl.u32 s16, $0x3;
	s16 =	simm.s32 $0x80  }
0x10: {  	s14 =	sadd.s32 s8, s7;
	s7 =	sadd.s32 $0x8E200, s10;
	s8 =	sor.u32 $0x1C03, s29  }
0x11: {  	s9 =	sadd.s32 s5, s30;
	s10 =	sadd.s32 s6, s30;
	[dreg:$0x3] =	wrdreg s15  }
0x12: {  	s15 =	simm.s32 $0x1000;
	s11 =	sadd.s32 $0xB6200, s14;
	s14 =	simm.s32 $0x3  }
.LBB2_1:
0x13: {  	[spmem:s13], [sflag:s8] =	dma.local [hbm:s7], $0x2800  }
0x14: {  	_ =	swait.ge [sflag:s14], $0x2800  }
0x15: {  	[sflag:s14] =	ssyncset.done $0x0  }
0x16: {  	[sflag:s14] =	ssyncadd.s32 $0xFFFFD800  }
0x17: {  	[bflag:$0x0] =	sbarrier.arrive $0xFFFF  }
0x18: {  	[tilespmem:s3], [sflag:$0x3] =	stream.linear.gather [hbm4b:s9+s3], $0x800, $0x38;
	[tilespmem:$0x1E000] =	vst v63  }
0x19: {  	_ =	swait.ge [sflag:s14], $0x800  }
0x1a: {  	[sflag:s14] =	ssyncset.done $0x0  }
0x1b: {  	[sflag:s14] =	ssyncadd.s32 $0xFFFFF800  }
0x1c: {  	[tilespmem:s15], [sflag:$0x3] =	stream.linear.gather [hbm4b:s10+s3], $0x800, $0x38;
	[tilespmem:$0x1E000] =	vst v63  }
0x1d: {  	_ =	swait.ge [sflag:s14], $0x800  }
0x1e: {  	p0 =	por $0x0, $0x0;
	[sflag:s14] =	ssyncset.done $0x0;
	s22 =	rddreg [dreg:$0x3]  }
0x1f: {  	[sflag:s14] =	ssyncadd.s32 $0xFFFFF800;
	s23 =	sadd.s32 @!p0 $0x0, s22  }
0x20: {  	[tilespmem:s17], [sflag:$0x1] =	stream.indirect.gather [hbm4b:s4+s16], $0x80, s3, s16, $0xb8;
	[tilespmem:$0x1E000] =	vst v63  }
0x21: {  	s26 =	simm.s32 @!p0 $0x0;
	s22 =	sand.u32 @!p0 $0x800, s3;
	s23 =	sshrl.u32 @!p0 s23, $0x3  }
0x22: {  	s28 =	simm.s32 @!p0 $0x3;
	s24 =	sxor.u32 @!p0 $0x800, s22;
	s25 =	sadd.s32 @!p0 s5, s23  }
0x23: {  	[tilespmem:s24], [sflag:$0x3] =	stream.linear.gather @!p0 [hbm4b:s25+s26], $0x800, $0x38;
	[tilespmem:$0x1E000] =	vst v63  }
0x24: {  	_ =	swait.ge @!p0 [sflag:s28], $0x800  }
0x25: {  	[sflag:s28] =	ssyncset.done @!p0 $0x0  }
0x26: {  	s23 =	sadd.s32 @!p0 s6, s23;
	s24 =	sor.u32 @!p0 $0x1000, s24;
	[sflag:s28] =	ssyncadd.s32 @!p0 $0xFFFFF800  }
0x27: {  	[tilespmem:s24], [sflag:$0x3] =	stream.linear.gather @!p0 [hbm4b:s23+s26], $0x800, $0x38;
	[tilespmem:$0x1E000] =	vst v63  }
0x28: {  	_ =	swait.ge @!p0 [sflag:s28], $0x800  }
0x29: {  	[sflag:s28] =	ssyncset.done @!p0 $0x0  }
0x2a: {  	[sflag:s28] =	ssyncadd.s32 @!p0 $0xFFFFF800  }
0x2b: {  	_ =	swait.ge [sflag:s18], $0x4000  }
0x2c: {  	s22 =	simm.s32 @p0 $0x0;
	[sflag:s18] =	ssyncset.done $0x0  }
0x2d: {  	s29 =	sor.u32 $0x80, s22;
	[sflag:s18] =	ssyncadd.s32 $0xFFFFC000  }
0x2e: {  	[tilespmem:s19], [sflag:$0x2] =	stream.indirect.gather [hbm4b:s4+s16], $0x80, s29, s16, $0xb8;
	[tilespmem:$0x1E000] =	vst v63  }
0x2f: {  	s30 =	sor.u32 $0x1000, s22  }
0x30: {  	[spmem:s2] =	stream.indirect.scatter.add.f32 [tilespmem:s17], [sflag:$0x3], $0x80, s30, s16, $0xb8;
	[tilespmem:$0x1E000] =	vst v63  }
0x31: {  	_ =	swait.ge [sflag:s14], $0x4000  }
0x32: {  	[sflag:s14] =	ssyncset.done $0x0  }
0x33: {  	[sflag:s14] =	ssyncadd.s32 $0xFFFFC000  }
0x34: {  	_ =	swait.ge [sflag:s20], $0x4000  }
0x35: {  	[sflag:s20] =	ssyncset.done $0x0  }
0x36: {  	s31 =	sor.u32 $0x100, s22;
	[sflag:s20] =	ssyncadd.s32 $0xFFFFC000  }
0x37: {  	[tilespmem:s17], [sflag:$0x1] =	stream.indirect.gather [hbm4b:s4+s16], $0x80, s31, s16, $0xb8;
	[tilespmem:$0x1E000] =	vst v63  }
0x38: {  	s24 =	sor.u32 $0x1080, s22  }
0x39: {  	[spmem:s2] =	stream.indirect.scatter.add.f32 [tilespmem:s19], [sflag:$0x3], $0x80, s24, s16, $0xb8;
	[tilespmem:$0x1E000] =	vst v63  }
0x3a: {  	_ =	swait.ge [sflag:s14], $0x4000  }
0x3b: {  	[sflag:s14] =	ssyncset.done $0x0  }
0x3c: {  	[sflag:s14] =	ssyncadd.s32 $0xFFFFC000  }
0x3d: {  	_ =	swait.ge [sflag:s18], $0x4000  }
0x3e: {  	[sflag:s18] =	ssyncset.done $0x0  }
0x3f: {  	s25 =	sor.u32 $0x180, s22;
	[sflag:s18] =	ssyncadd.s32 $0xFFFFC000  }
0x40: {  	[tilespmem:s19], [sflag:$0x2] =	stream.indirect.gather [hbm4b:s4+s16], $0x80, s25, s16, $0xb8;
	[tilespmem:$0x1E000] =	vst v63  }
0x41: {  	s26 =	sor.u32 $0x1100, s22  }
0x42: {  	[spmem:s2] =	stream.indirect.scatter.add.f32 [tilespmem:s17], [sflag:$0x3], $0x80, s26, s16, $0xb8;
	[tilespmem:$0x1E000] =	vst v63  }
0x43: {  	_ =	swait.ge [sflag:s14], $0x4000  }
0x44: {  	[sflag:s14] =	ssyncset.done $0x0  }
0x45: {  	[sflag:s14] =	ssyncadd.s32 $0xFFFFC000  }
0x46: {  	_ =	swait.ge [sflag:s20], $0x4000  }
0x47: {  	[sflag:s20] =	ssyncset.done $0x0  }
0x48: {  	s28 =	sor.u32 $0x200, s22;
	[sflag:s20] =	ssyncadd.s32 $0xFFFFC000  }
0x49: {  	[tilespmem:s17], [sflag:$0x1] =	stream.indirect.gather [hbm4b:s4+s16], $0x80, s28, s16, $0xb8;
	[tilespmem:$0x1E000] =	vst v63  }
0x4a: {  	s29 =	sor.u32 $0x1180, s22  }
0x4b: {  	[spmem:s2] =	stream.indirect.scatter.add.f32 [tilespmem:s19], [sflag:$0x3], $0x80, s29, s16, $0xb8;
	[tilespmem:$0x1E000] =	vst v63  }
0x4c: {  	_ =	swait.ge [sflag:s14], $0x4000  }
0x4d: {  	[sflag:s14] =	ssyncset.done $0x0  }
0x4e: {  	[sflag:s14] =	ssyncadd.s32 $0xFFFFC000  }
0x4f: {  	_ =	swait.ge [sflag:s18], $0x4000  }
0x50: {  	[sflag:s18] =	ssyncset.done $0x0  }
0x51: {  	s30 =	sor.u32 $0x280, s22;
	[sflag:s18] =	ssyncadd.s32 $0xFFFFC000  }
0x52: {  	[tilespmem:s19], [sflag:$0x2] =	stream.indirect.gather [hbm4b:s4+s16], $0x80, s30, s16, $0xb8;
	[tilespmem:$0x1E000] =	vst v63  }
0x53: {  	s31 =	sor.u32 $0x1200, s22  }
0x54: {  	[spmem:s2] =	stream.indirect.scatter.add.f32 [tilespmem:s17], [sflag:$0x3], $0x80, s31, s16, $0xb8;
	[tilespmem:$0x1E000] =	vst v63  }
0x55: {  	_ =	swait.ge [sflag:s14], $0x4000  }
0x56: {  	[sflag:s14] =	ssyncset.done $0x0  }
0x57: {  	[sflag:s14] =	ssyncadd.s32 $0xFFFFC000  }
0x58: {  	_ =	swait.ge [sflag:s20], $0x4000  }
0x59: {  	[sflag:s20] =	ssyncset.done $0x0  }
0x5a: {  	s24 =	sor.u32 $0x300, s22;
	[sflag:s20] =	ssyncadd.s32 $0xFFFFC000  }
0x5b: {  	[tilespmem:s17], [sflag:$0x1] =	stream.indirect.gather [hbm4b:s4+s16], $0x80, s24, s16, $0xb8;
	[tilespmem:$0x1E000] =	vst v63  }
0x5c: {  	s25 =	sor.u32 $0x1280, s22  }
0x5d: {  	[spmem:s2] =	stream.indirect.scatter.add.f32 [tilespmem:s19], [sflag:$0x3], $0x80, s25, s16, $0xb8;
	[tilespmem:$0x1E000] =	vst v63  }
0x5e: {  	_ =	swait.ge [sflag:s14], $0x4000  }
0x5f: {  	[sflag:s14] =	ssyncset.done $0x0  }
0x60: {  	[sflag:s14] =	ssyncadd.s32 $0xFFFFC000  }
0x61: {  	_ =	swait.ge [sflag:s18], $0x4000  }
0x62: {  	[sflag:s18] =	ssyncset.done $0x0  }
0x63: {  	s26 =	sor.u32 $0x380, s22;
	[sflag:s18] =	ssyncadd.s32 $0xFFFFC000  }
0x64: {  	[tilespmem:s19], [sflag:$0x2] =	stream.indirect.gather [hbm4b:s4+s16], $0x80, s26, s16, $0xb8;
	[tilespmem:$0x1E000] =	vst v63  }
0x65: {  	s28 =	sor.u32 $0x1300, s22  }
0x66: {  	[spmem:s2] =	stream.indirect.scatter.add.f32 [tilespmem:s17], [sflag:$0x3], $0x80, s28, s16, $0xb8;
	[tilespmem:$0x1E000] =	vst v63  }
0x67: {  	_ =	swait.ge [sflag:s14], $0x4000  }
0x68: {  	[sflag:s14] =	ssyncset.done $0x0  }
0x69: {  	[sflag:s14] =	ssyncadd.s32 $0xFFFFC000  }
0x6a: {  	_ =	swait.ge [sflag:s20], $0x4000  }
0x6b: {  	[sflag:s20] =	ssyncset.done $0x0  }
0x6c: {  	s29 =	sor.u32 $0x400, s22;
	[sflag:s20] =	ssyncadd.s32 $0xFFFFC000  }
0x6d: {  	[tilespmem:s17], [sflag:$0x1] =	stream.indirect.gather [hbm4b:s4+s16], $0x80, s29, s16, $0xb8;
	[tilespmem:$0x1E000] =	vst v63  }
0x6e: {  	s30 =	sor.u32 $0x1380, s22  }
0x6f: {  	[spmem:s2] =	stream.indirect.scatter.add.f32 [tilespmem:s19], [sflag:$0x3], $0x80, s30, s16, $0xb8;
	[tilespmem:$0x1E000] =	vst v63  }
0x70: {  	_ =	swait.ge [sflag:s14], $0x4000  }
0x71: {  	[sflag:s14] =	ssyncset.done $0x0  }
0x72: {  	[sflag:s14] =	ssyncadd.s32 $0xFFFFC000  }
0x73: {  	_ =	swait.ge [sflag:s18], $0x4000  }
0x74: {  	[sflag:s18] =	ssyncset.done $0x0  }
0x75: {  	s31 =	sor.u32 $0x480, s22;
	[sflag:s18] =	ssyncadd.s32 $0xFFFFC000  }
0x76: {  	[tilespmem:s19], [sflag:$0x2] =	stream.indirect.gather [hbm4b:s4+s16], $0x80, s31, s16, $0xb8;
	[tilespmem:$0x1E000] =	vst v63  }
0x77: {  	s24 =	sor.u32 $0x1400, s22  }
0x78: {  	[spmem:s2] =	stream.indirect.scatter.add.f32 [tilespmem:s17], [sflag:$0x3], $0x80, s24, s16, $0xb8;
	[tilespmem:$0x1E000] =	vst v63  }
0x79: {  	_ =	swait.ge [sflag:s14], $0x4000  }
0x7a: {  	[sflag:s14] =	ssyncset.done $0x0  }
0x7b: {  	[sflag:s14] =	ssyncadd.s32 $0xFFFFC000  }
0x7c: {  	_ =	swait.ge [sflag:s20], $0x4000  }
0x7d: {  	[sflag:s20] =	ssyncset.done $0x0  }
0x7e: {  	s25 =	sor.u32 $0x500, s22;
	[sflag:s20] =	ssyncadd.s32 $0xFFFFC000  }
0x7f: {  	[tilespmem:s17], [sflag:$0x1] =	stream.indirect.gather [hbm4b:s4+s16], $0x80, s25, s16, $0xb8;
	[tilespmem:$0x1E000] =	vst v63  }
0x80: {  	s26 =	sor.u32 $0x1480, s22  }
0x81: {  	[spmem:s2] =	stream.indirect.scatter.add.f32 [tilespmem:s19], [sflag:$0x3], $0x80, s26, s16, $0xb8;
	[tilespmem:$0x1E000] =	vst v63  }
0x82: {  	_ =	swait.ge [sflag:s14], $0x4000  }
0x83: {  	[sflag:s14] =	ssyncset.done $0x0  }
0x84: {  	[sflag:s14] =	ssyncadd.s32 $0xFFFFC000  }
0x85: {  	_ =	swait.ge [sflag:s18], $0x4000  }
0x86: {  	[sflag:s18] =	ssyncset.done $0x0  }
0x87: {  	s28 =	sor.u32 $0x580, s22;
	[sflag:s18] =	ssyncadd.s32 $0xFFFFC000  }
0x88: {  	[tilespmem:s19], [sflag:$0x2] =	stream.indirect.gather [hbm4b:s4+s16], $0x80, s28, s16, $0xb8;
	[tilespmem:$0x1E000] =	vst v63  }
0x89: {  	s29 =	sor.u32 $0x1500, s22  }
0x8a: {  	[spmem:s2] =	stream.indirect.scatter.add.f32 [tilespmem:s17], [sflag:$0x3], $0x80, s29, s16, $0xb8;
	[tilespmem:$0x1E000] =	vst v63  }
0x8b: {  	_ =	swait.ge [sflag:s14], $0x4000  }
0x8c: {  	[sflag:s14] =	ssyncset.done $0x0  }
0x8d: {  	[sflag:s14] =	ssyncadd.s32 $0xFFFFC000  }
0x8e: {  	_ =	swait.ge [sflag:s20], $0x4000  }
0x8f: {  	[sflag:s20] =	ssyncset.done $0x0  }
0x90: {  	s30 =	sor.u32 $0x600, s22;
	[sflag:s20] =	ssyncadd.s32 $0xFFFFC000  }
0x91: {  	[tilespmem:s17], [sflag:$0x1] =	stream.indirect.gather [hbm4b:s4+s16], $0x80, s30, s16, $0xb8;
	[tilespmem:$0x1E000] =	vst v63  }
0x92: {  	s31 =	sor.u32 $0x1580, s22  }
0x93: {  	[spmem:s2] =	stream.indirect.scatter.add.f32 [tilespmem:s19], [sflag:$0x3], $0x80, s31, s16, $0xb8;
	[tilespmem:$0x1E000] =	vst v63  }
0x94: {  	_ =	swait.ge [sflag:s14], $0x4000  }
0x95: {  	[sflag:s14] =	ssyncset.done $0x0  }
0x96: {  	[sflag:s14] =	ssyncadd.s32 $0xFFFFC000  }
0x97: {  	_ =	swait.ge [sflag:s18], $0x4000  }
0x98: {  	[sflag:s18] =	ssyncset.done $0x0  }
0x99: {  	s24 =	sor.u32 $0x680, s22;
	[sflag:s18] =	ssyncadd.s32 $0xFFFFC000  }
0x9a: {  	[tilespmem:s19], [sflag:$0x2] =	stream.indirect.gather [hbm4b:s4+s16], $0x80, s24, s16, $0xb8;
	[tilespmem:$0x1E000] =	vst v63  }
0x9b: {  	s25 =	sor.u32 $0x1600, s22  }
0x9c: {  	[spmem:s2] =	stream.indirect.scatter.add.f32 [tilespmem:s17], [sflag:$0x3], $0x80, s25, s16, $0xb8;
	[tilespmem:$0x1E000] =	vst v63  }
0x9d: {  	_ =	swait.ge [sflag:s14], $0x4000  }
0x9e: {  	[sflag:s14] =	ssyncset.done $0x0  }
0x9f: {  	[sflag:s14] =	ssyncadd.s32 $0xFFFFC000  }
0xa0: {  	_ =	swait.ge [sflag:s20], $0x4000  }
0xa1: {  	[sflag:s20] =	ssyncset.done $0x0  }
0xa2: {  	s26 =	sor.u32 $0x700, s22;
	[sflag:s20] =	ssyncadd.s32 $0xFFFFC000  }
0xa3: {  	[tilespmem:s17], [sflag:$0x1] =	stream.indirect.gather [hbm4b:s4+s16], $0x80, s26, s16, $0xb8;
	[tilespmem:$0x1E000] =	vst v63  }
0xa4: {  	s28 =	sor.u32 $0x1680, s22  }
0xa5: {  	[spmem:s2] =	stream.indirect.scatter.add.f32 [tilespmem:s19], [sflag:$0x3], $0x80, s28, s16, $0xb8;
	[tilespmem:$0x1E000] =	vst v63  }
0xa6: {  	_ =	swait.ge [sflag:s14], $0x4000  }
0xa7: {  	[sflag:s14] =	ssyncset.done $0x0  }
0xa8: {  	[sflag:s14] =	ssyncadd.s32 $0xFFFFC000  }
0xa9: {  	_ =	swait.ge [sflag:s18], $0x4000  }
0xaa: {  	[sflag:s18] =	ssyncset.done $0x0  }
0xab: {  	s29 =	sor.u32 $0x780, s22;
	[sflag:s18] =	ssyncadd.s32 $0xFFFFC000  }
0xac: {  	[tilespmem:s19], [sflag:$0x2] =	stream.indirect.gather [hbm4b:s4+s16], $0x80, s29, s16, $0xb8;
	[tilespmem:$0x1E000] =	vst v63  }
0xad: {  	s30 =	sor.u32 $0x1700, s22  }
0xae: {  	[spmem:s2] =	stream.indirect.scatter.add.f32 [tilespmem:s17], [sflag:$0x3], $0x80, s30, s16, $0xb8;
	[tilespmem:$0x1E000] =	vst v63  }
0xaf: {  	_ =	swait.ge [sflag:s14], $0x4000  }
0xb0: {  	[sflag:s14] =	ssyncset.done $0x0  }
0xb1: {  	[sflag:s14] =	ssyncadd.s32 $0xFFFFC000  }
0xb2: {  	_ =	swait.ge [sflag:s20], $0x4000  }
0xb3: {  	s22 =	sxor.u32 @!p0 $0x800, s22;
	[sflag:s20] =	ssyncset.done $0x0  }
0xb4: {  	s24 =	simm.s32 @!p0 $0x80;
	s25 =	simm.s32 @!p0 $0x2000;
	[sflag:s20] =	ssyncadd.s32 $0xFFFFC000  }
0xb5: {  	[tilespmem:s25], [sflag:$0x1] =	stream.indirect.gather @!p0 [hbm4b:s4+s24], $0x80, s22, s24, $0xb8;
	[tilespmem:$0x1E000] =	vst v63  }
0xb6: {  	s31 =	sor.u32 $0x1000, s29  }
0xb7: {  	[spmem:s2] =	stream.indirect.scatter.add.f32 [tilespmem:s19], [sflag:$0x3], $0x80, s31, s16, $0xb8;
	[tilespmem:$0x1E000] =	vst v63  }
0xb8: {  	_ =	swait.ge [sflag:s14], $0x4000  }
0xb9: {  	s23 =	simm.s32 $0x1000;
	s22 =	simm.s32 $0x800;
	[sflag:s14] =	ssyncset.done $0x0  }
.LBB2_2:
0xba: {  	s24 =	rddreg [dreg:$0x3];
	[sflag:s14] =	ssyncadd.s32 $0xFFFFC000;
	p1 =	seq.s32 s22, $0x2000  }
0xbb: {  	s26 =	smov.u32 s23;
	s24 =	sadd.s32 @!p1 s22, s24;
	s25 =	sand.u32 @!p1 $0x800, s22  }
0xbc: {  	s22 =	smov.u32 s26;
	s29 =	simm.s32 @!p1 $0x0;
	s28 =	sshrl.u32 @!p1 s24, $0x3  }
0xbd: {  	s30 =	simm.s32 @!p1 $0x3;
	s26 =	sxor.u32 @!p1 $0x800, s25;
	s24 =	sadd.s32 @!p1 s5, s28  }
0xbe: {  	[tilespmem:s26], [sflag:$0x3] =	stream.linear.gather @!p1 [hbm4b:s24+s29], $0x800, $0x38;
	[tilespmem:$0x1E000] =	vst v63  }
0xbf: {  	_ =	swait.ge @!p1 [sflag:s30], $0x800  }
0xc0: {  	[sflag:s30] =	ssyncset.done @!p1 $0x0  }
0xc1: {  	s28 =	sadd.s32 @!p1 s6, s28;
	s26 =	sor.u32 @!p1 $0x1000, s26;
	[sflag:s30] =	ssyncadd.s32 @!p1 $0xFFFFF800  }
0xc2: {  	[tilespmem:s26], [sflag:$0x3] =	stream.linear.gather @!p1 [hbm4b:s28+s29], $0x800, $0x38;
	[tilespmem:$0x1E000] =	vst v63  }
0xc3: {  	_ =	swait.ge @!p1 [sflag:s30], $0x800  }
0xc4: {  	[sflag:s30] =	ssyncset.done @!p1 $0x0  }
0xc5: {  	[sflag:s30] =	ssyncadd.s32 @!p1 $0xFFFFF800  }
0xc6: {  	_ =	swait.ge [sflag:s18], $0x4000  }
0xc7: {  	s25 =	simm.s32 @p1 $0x0;
	[sflag:s18] =	ssyncset.done $0x0  }
0xc8: {  	s30 =	sor.u32 $0x80, s25;
	[sflag:s18] =	ssyncadd.s32 $0xFFFFC000  }
0xc9: {  	[tilespmem:s19], [sflag:$0x2] =	stream.indirect.gather [hbm4b:s4+s16], $0x80, s30, s16, $0xb8;
	[tilespmem:$0x1E000] =	vst v63  }
0xca: {  	s31 =	sor.u32 $0x1000, s25  }
0xcb: {  	[spmem:s2] =	stream.indirect.scatter.add.f32 [tilespmem:s17], [sflag:$0x3], $0x80, s31, s16, $0xb8;
	[tilespmem:$0x1E000] =	vst v63  }
0xcc: {  	_ =	swait.ge [sflag:s14], $0x4000  }
0xcd: {  	[sflag:s14] =	ssyncset.done $0x0  }
0xce: {  	[sflag:s14] =	ssyncadd.s32 $0xFFFFC000  }
0xcf: {  	_ =	swait.ge [sflag:s20], $0x4000  }
0xd0: {  	[sflag:s20] =	ssyncset.done $0x0  }
0xd1: {  	s28 =	sor.u32 $0x100, s25;
	[sflag:s20] =	ssyncadd.s32 $0xFFFFC000  }
0xd2: {  	[tilespmem:s17], [sflag:$0x1] =	stream.indirect.gather [hbm4b:s4+s16], $0x80, s28, s16, $0xb8;
	[tilespmem:$0x1E000] =	vst v63  }
0xd3: {  	s29 =	sor.u32 $0x1080, s25  }
0xd4: {  	[spmem:s2] =	stream.indirect.scatter.add.f32 [tilespmem:s19], [sflag:$0x3], $0x80, s29, s16, $0xb8;
	[tilespmem:$0x1E000] =	vst v63  }
0xd5: {  	_ =	swait.ge [sflag:s14], $0x4000  }
0xd6: {  	[sflag:s14] =	ssyncset.done $0x0  }
0xd7: {  	[sflag:s14] =	ssyncadd.s32 $0xFFFFC000  }
0xd8: {  	_ =	swait.ge [sflag:s18], $0x4000  }
0xd9: {  	[sflag:s18] =	ssyncset.done $0x0  }
0xda: {  	s30 =	sor.u32 $0x180, s25;
	[sflag:s18] =	ssyncadd.s32 $0xFFFFC000  }
0xdb: {  	[tilespmem:s19], [sflag:$0x2] =	stream.indirect.gather [hbm4b:s4+s16], $0x80, s30, s16, $0xb8;
	[tilespmem:$0x1E000] =	vst v63  }
0xdc: {  	s31 =	sor.u32 $0x1100, s25  }
0xdd: {  	[spmem:s2] =	stream.indirect.scatter.add.f32 [tilespmem:s17], [sflag:$0x3], $0x80, s31, s16, $0xb8;
	[tilespmem:$0x1E000] =	vst v63  }
0xde: {  	_ =	swait.ge [sflag:s14], $0x4000  }
0xdf: {  	[sflag:s14] =	ssyncset.done $0x0  }
0xe0: {  	[sflag:s14] =	ssyncadd.s32 $0xFFFFC000  }
0xe1: {  	_ =	swait.ge [sflag:s20], $0x4000  }
0xe2: {  	[sflag:s20] =	ssyncset.done $0x0  }
0xe3: {  	s28 =	sor.u32 $0x200, s25;
	[sflag:s20] =	ssyncadd.s32 $0xFFFFC000  }
0xe4: {  	[tilespmem:s17], [sflag:$0x1] =	stream.indirect.gather [hbm4b:s4+s16], $0x80, s28, s16, $0xb8;
	[tilespmem:$0x1E000] =	vst v63  }
0xe5: {  	s29 =	sor.u32 $0x1180, s25  }
0xe6: {  	[spmem:s2] =	stream.indirect.scatter.add.f32 [tilespmem:s19], [sflag:$0x3], $0x80, s29, s16, $0xb8;
	[tilespmem:$0x1E000] =	vst v63  }
0xe7: {  	_ =	swait.ge [sflag:s14], $0x4000  }
0xe8: {  	[sflag:s14] =	ssyncset.done $0x0  }
0xe9: {  	[sflag:s14] =	ssyncadd.s32 $0xFFFFC000  }
0xea: {  	_ =	swait.ge [sflag:s18], $0x4000  }
0xeb: {  	[sflag:s18] =	ssyncset.done $0x0  }
0xec: {  	s30 =	sor.u32 $0x280, s25;
	[sflag:s18] =	ssyncadd.s32 $0xFFFFC000  }
0xed: {  	[tilespmem:s19], [sflag:$0x2] =	stream.indirect.gather [hbm4b:s4+s16], $0x80, s30, s16, $0xb8;
	[tilespmem:$0x1E000] =	vst v63  }
0xee: {  	s31 =	sor.u32 $0x1200, s25  }
0xef: {  	[spmem:s2] =	stream.indirect.scatter.add.f32 [tilespmem:s17], [sflag:$0x3], $0x80, s31, s16, $0xb8;
	[tilespmem:$0x1E000] =	vst v63  }
0xf0: {  	_ =	swait.ge [sflag:s14], $0x4000  }
0xf1: {  	[sflag:s14] =	ssyncset.done $0x0  }
0xf2: {  	[sflag:s14] =	ssyncadd.s32 $0xFFFFC000  }
0xf3: {  	_ =	swait.ge [sflag:s20], $0x4000  }
0xf4: {  	[sflag:s20] =	ssyncset.done $0x0  }
0xf5: {  	s28 =	sor.u32 $0x300, s25;
	[sflag:s20] =	ssyncadd.s32 $0xFFFFC000  }
0xf6: {  	[tilespmem:s17], [sflag:$0x1] =	stream.indirect.gather [hbm4b:s4+s16], $0x80, s28, s16, $0xb8;
	[tilespmem:$0x1E000] =	vst v63  }
0xf7: {  	s29 =	sor.u32 $0x1280, s25  }
0xf8: {  	[spmem:s2] =	stream.indirect.scatter.add.f32 [tilespmem:s19], [sflag:$0x3], $0x80, s29, s16, $0xb8;
	[tilespmem:$0x1E000] =	vst v63  }
0xf9: {  	_ =	swait.ge [sflag:s14], $0x4000  }
0xfa: {  	[sflag:s14] =	ssyncset.done $0x0  }
0xfb: {  	[sflag:s14] =	ssyncadd.s32 $0xFFFFC000  }
0xfc: {  	_ =	swait.ge [sflag:s18], $0x4000  }
0xfd: {  	[sflag:s18] =	ssyncset.done $0x0  }
0xfe: {  	s30 =	sor.u32 $0x380, s25;
	[sflag:s18] =	ssyncadd.s32 $0xFFFFC000  }
0xff: {  	[tilespmem:s19], [sflag:$0x2] =	stream.indirect.gather [hbm4b:s4+s16], $0x80, s30, s16, $0xb8;
	[tilespmem:$0x1E000] =	vst v63  }
0x100: {  	s31 =	sor.u32 $0x1300, s25  }
0x101: {  	[spmem:s2] =	stream.indirect.scatter.add.f32 [tilespmem:s17], [sflag:$0x3], $0x80, s31, s16, $0xb8;
	[tilespmem:$0x1E000] =	vst v63  }
0x102: {  	_ =	swait.ge [sflag:s14], $0x4000  }
0x103: {  	[sflag:s14] =	ssyncset.done $0x0  }
0x104: {  	[sflag:s14] =	ssyncadd.s32 $0xFFFFC000  }
0x105: {  	_ =	swait.ge [sflag:s20], $0x4000  }
0x106: {  	[sflag:s20] =	ssyncset.done $0x0  }
0x107: {  	s28 =	sor.u32 $0x400, s25;
	[sflag:s20] =	ssyncadd.s32 $0xFFFFC000  }
0x108: {  	[tilespmem:s17], [sflag:$0x1] =	stream.indirect.gather [hbm4b:s4+s16], $0x80, s28, s16, $0xb8;
	[tilespmem:$0x1E000] =	vst v63  }
0x109: {  	s29 =	sor.u32 $0x1380, s25  }
0x10a: {  	[spmem:s2] =	stream.indirect.scatter.add.f32 [tilespmem:s19], [sflag:$0x3], $0x80, s29, s16, $0xb8;
	[tilespmem:$0x1E000] =	vst v63  }
0x10b: {  	_ =	swait.ge [sflag:s14], $0x4000  }
0x10c: {  	[sflag:s14] =	ssyncset.done $0x0  }
0x10d: {  	[sflag:s14] =	ssyncadd.s32 $0xFFFFC000  }
0x10e: {  	_ =	swait.ge [sflag:s18], $0x4000  }
0x10f: {  	[sflag:s18] =	ssyncset.done $0x0  }
0x110: {  	s30 =	sor.u32 $0x480, s25;
	[sflag:s18] =	ssyncadd.s32 $0xFFFFC000  }
0x111: {  	[tilespmem:s19], [sflag:$0x2] =	stream.indirect.gather [hbm4b:s4+s16], $0x80, s30, s16, $0xb8;
	[tilespmem:$0x1E000] =	vst v63  }
0x112: {  	s31 =	sor.u32 $0x1400, s25  }
0x113: {  	[spmem:s2] =	stream.indirect.scatter.add.f32 [tilespmem:s17], [sflag:$0x3], $0x80, s31, s16, $0xb8;
	[tilespmem:$0x1E000] =	vst v63  }
0x114: {  	_ =	swait.ge [sflag:s14], $0x4000  }
0x115: {  	[sflag:s14] =	ssyncset.done $0x0  }
0x116: {  	[sflag:s14] =	ssyncadd.s32 $0xFFFFC000  }
0x117: {  	_ =	swait.ge [sflag:s20], $0x4000  }
0x118: {  	[sflag:s20] =	ssyncset.done $0x0  }
0x119: {  	s28 =	sor.u32 $0x500, s25;
	[sflag:s20] =	ssyncadd.s32 $0xFFFFC000  }
0x11a: {  	[tilespmem:s17], [sflag:$0x1] =	stream.indirect.gather [hbm4b:s4+s16], $0x80, s28, s16, $0xb8;
	[tilespmem:$0x1E000] =	vst v63  }
0x11b: {  	s29 =	sor.u32 $0x1480, s25  }
0x11c: {  	[spmem:s2] =	stream.indirect.scatter.add.f32 [tilespmem:s19], [sflag:$0x3], $0x80, s29, s16, $0xb8;
	[tilespmem:$0x1E000] =	vst v63  }
0x11d: {  	_ =	swait.ge [sflag:s14], $0x4000  }
0x11e: {  	[sflag:s14] =	ssyncset.done $0x0  }
0x11f: {  	[sflag:s14] =	ssyncadd.s32 $0xFFFFC000  }
0x120: {  	_ =	swait.ge [sflag:s18], $0x4000  }
0x121: {  	[sflag:s18] =	ssyncset.done $0x0  }
0x122: {  	s30 =	sor.u32 $0x580, s25;
	[sflag:s18] =	ssyncadd.s32 $0xFFFFC000  }
0x123: {  	[tilespmem:s19], [sflag:$0x2] =	stream.indirect.gather [hbm4b:s4+s16], $0x80, s30, s16, $0xb8;
	[tilespmem:$0x1E000] =	vst v63  }
0x124: {  	s31 =	sor.u32 $0x1500, s25  }
0x125: {  	[spmem:s2] =	stream.indirect.scatter.add.f32 [tilespmem:s17], [sflag:$0x3], $0x80, s31, s16, $0xb8;
	[tilespmem:$0x1E000] =	vst v63  }
0x126: {  	_ =	swait.ge [sflag:s14], $0x4000  }
0x127: {  	[sflag:s14] =	ssyncset.done $0x0  }
0x128: {  	[sflag:s14] =	ssyncadd.s32 $0xFFFFC000  }
0x129: {  	_ =	swait.ge [sflag:s20], $0x4000  }
0x12a: {  	[sflag:s20] =	ssyncset.done $0x0  }
0x12b: {  	s28 =	sor.u32 $0x600, s25;
	[sflag:s20] =	ssyncadd.s32 $0xFFFFC000  }
0x12c: {  	[tilespmem:s17], [sflag:$0x1] =	stream.indirect.gather [hbm4b:s4+s16], $0x80, s28, s16, $0xb8;
	[tilespmem:$0x1E000] =	vst v63  }
0x12d: {  	s29 =	sor.u32 $0x1580, s25  }
0x12e: {  	[spmem:s2] =	stream.indirect.scatter.add.f32 [tilespmem:s19], [sflag:$0x3], $0x80, s29, s16, $0xb8;
	[tilespmem:$0x1E000] =	vst v63  }
0x12f: {  	_ =	swait.ge [sflag:s14], $0x4000  }
0x130: {  	[sflag:s14] =	ssyncset.done $0x0  }
0x131: {  	[sflag:s14] =	ssyncadd.s32 $0xFFFFC000  }
0x132: {  	_ =	swait.ge [sflag:s18], $0x4000  }
0x133: {  	[sflag:s18] =	ssyncset.done $0x0  }
0x134: {  	s30 =	sor.u32 $0x680, s25;
	[sflag:s18] =	ssyncadd.s32 $0xFFFFC000  }
0x135: {  	[tilespmem:s19], [sflag:$0x2] =	stream.indirect.gather [hbm4b:s4+s16], $0x80, s30, s16, $0xb8;
	[tilespmem:$0x1E000] =	vst v63  }
0x136: {  	s31 =	sor.u32 $0x1600, s25  }
0x137: {  	[spmem:s2] =	stream.indirect.scatter.add.f32 [tilespmem:s17], [sflag:$0x3], $0x80, s31, s16, $0xb8;
	[tilespmem:$0x1E000] =	vst v63  }
0x138: {  	_ =	swait.ge [sflag:s14], $0x4000  }
0x139: {  	[sflag:s14] =	ssyncset.done $0x0  }
0x13a: {  	[sflag:s14] =	ssyncadd.s32 $0xFFFFC000  }
0x13b: {  	_ =	swait.ge [sflag:s20], $0x4000  }
0x13c: {  	[sflag:s20] =	ssyncset.done $0x0  }
0x13d: {  	s28 =	sor.u32 $0x700, s25;
	[sflag:s20] =	ssyncadd.s32 $0xFFFFC000  }
0x13e: {  	[tilespmem:s17], [sflag:$0x1] =	stream.indirect.gather [hbm4b:s4+s16], $0x80, s28, s16, $0xb8;
	[tilespmem:$0x1E000] =	vst v63  }
0x13f: {  	s29 =	sor.u32 $0x1680, s25  }
0x140: {  	[spmem:s2] =	stream.indirect.scatter.add.f32 [tilespmem:s19], [sflag:$0x3], $0x80, s29, s16, $0xb8;
	[tilespmem:$0x1E000] =	vst v63  }
0x141: {  	_ =	swait.ge [sflag:s14], $0x4000  }
0x142: {  	[sflag:s14] =	ssyncset.done $0x0  }
0x143: {  	[sflag:s14] =	ssyncadd.s32 $0xFFFFC000  }
0x144: {  	_ =	swait.ge [sflag:s18], $0x4000  }
0x145: {  	[sflag:s18] =	ssyncset.done $0x0  }
0x146: {  	s30 =	sor.u32 $0x780, s25;
	[sflag:s18] =	ssyncadd.s32 $0xFFFFC000  }
0x147: {  	[tilespmem:s19], [sflag:$0x2] =	stream.indirect.gather [hbm4b:s4+s16], $0x80, s30, s16, $0xb8;
	[tilespmem:$0x1E000] =	vst v63  }
0x148: {  	s24 =	sxor.u32 @!p1 $0x800, s25;
	s25 =	sor.u32 $0x1700, s25  }
0x149: {  	[spmem:s2] =	stream.indirect.scatter.add.f32 [tilespmem:s17], [sflag:$0x3], $0x80, s25, s16, $0xb8;
	[tilespmem:$0x1E000] =	vst v63  }
0x14a: {  	_ =	swait.ge [sflag:s14], $0x4000  }
0x14b: {  	[sflag:s14] =	ssyncset.done $0x0  }
0x14c: {  	[sflag:s14] =	ssyncadd.s32 $0xFFFFC000  }
0x14d: {  	s23 =	sadd.s32 $0x800, s23;
	_ =	swait.ge [sflag:s20], $0x4000  }
0x14e: {  	p0 =	sne.s32 s23, $0x2800;
	[sflag:s20] =	ssyncset.done $0x0  }
0x14f: {  	s28 =	simm.s32 @!p1 $0x2000;
	s25 =	simm.s32 @!p1 $0x80;
	[sflag:s20] =	ssyncadd.s32 $0xFFFFC000  }
0x150: {  	[tilespmem:s28], [sflag:$0x1] =	stream.indirect.gather @!p1 [hbm4b:s4+s25], $0x80, s24, s25, $0xb8;
	[tilespmem:$0x1E000] =	vst v63  }
.Ltmp0:
0x151: {  	_ = 	snop;
	(pc) =	sbr.rel @p0 .LBB2_2-.Ltmp0, $4  }
0x152: {  	s31 =	sor.u32 $0x1000, s30  }
0x153: {  	[spmem:s2] =	stream.indirect.scatter.add.f32 [tilespmem:s19], [sflag:$0x3], $0x80, s31, s16, $0xb8;
	[tilespmem:$0x1E000] =	vst v63  }
0x154: {  	_ =	swait.ge [sflag:s14], $0x4000  }
0x155: {  	[sflag:s14] =	ssyncset.done $0x0  }
0x156: {  	s23 =	rddreg [dreg:$0x3];
	p0 =	seq.s32 s22, $0x2000  }
0x157: {  	[sflag:s14] =	ssyncadd.s32 $0xFFFFC000;
	s23 =	sadd.s32 @!p0 s22, s23  }
0x158: {  	s22 =	sand.u32 @!p0 $0x800, s22;
	s26 =	simm.s32 @!p0 $0x0;
	s23 =	sshrl.u32 @!p0 s23, $0x3  }
0x159: {  	s28 =	simm.s32 @!p0 $0x3;
	s24 =	sxor.u32 @!p0 $0x800, s22;
	s25 =	sadd.s32 @!p0 s5, s23  }
0x15a: {  	[tilespmem:s24], [sflag:$0x3] =	stream.linear.gather @!p0 [hbm4b:s25+s26], $0x800, $0x38;
	[tilespmem:$0x1E000] =	vst v63  }
0x15b: {  	_ =	swait.ge @!p0 [sflag:s28], $0x800  }
0x15c: {  	[sflag:s28] =	ssyncset.done @!p0 $0x0  }
0x15d: {  	s23 =	sadd.s32 @!p0 s6, s23;
	s24 =	sor.u32 @!p0 $0x1000, s24;
	[sflag:s28] =	ssyncadd.s32 @!p0 $0xFFFFF800  }
0x15e: {  	[tilespmem:s24], [sflag:$0x3] =	stream.linear.gather @!p0 [hbm4b:s23+s26], $0x800, $0x38;
	[tilespmem:$0x1E000] =	vst v63  }
0x15f: {  	_ =	swait.ge @!p0 [sflag:s28], $0x800  }
0x160: {  	[sflag:s28] =	ssyncset.done @!p0 $0x0  }
0x161: {  	[sflag:s28] =	ssyncadd.s32 @!p0 $0xFFFFF800  }
0x162: {  	_ =	swait.ge [sflag:s18], $0x4000  }
0x163: {  	s22 =	simm.s32 @p0 $0x0;
	[sflag:s18] =	ssyncset.done $0x0  }
0x164: {  	s29 =	sor.u32 $0x80, s22;
	[sflag:s18] =	ssyncadd.s32 $0xFFFFC000  }
0x165: {  	[tilespmem:s19], [sflag:$0x2] =	stream.indirect.gather [hbm4b:s4+s16], $0x80, s29, s16, $0xb8;
	[tilespmem:$0x1E000] =	vst v63  }
0x166: {  	s30 =	sor.u32 $0x1000, s22  }
0x167: {  	[spmem:s2] =	stream.indirect.scatter.add.f32 [tilespmem:s17], [sflag:$0x3], $0x80, s30, s16, $0xb8;
	[tilespmem:$0x1E000] =	vst v63  }
0x168: {  	_ =	swait.ge [sflag:s14], $0x4000  }
0x169: {  	[sflag:s14] =	ssyncset.done $0x0  }
0x16a: {  	[sflag:s14] =	ssyncadd.s32 $0xFFFFC000  }
0x16b: {  	_ =	swait.ge [sflag:s20], $0x4000  }
0x16c: {  	[sflag:s20] =	ssyncset.done $0x0  }
0x16d: {  	s31 =	sor.u32 $0x100, s22;
	[sflag:s20] =	ssyncadd.s32 $0xFFFFC000  }
0x16e: {  	[tilespmem:s17], [sflag:$0x1] =	stream.indirect.gather [hbm4b:s4+s16], $0x80, s31, s16, $0xb8;
	[tilespmem:$0x1E000] =	vst v63  }
0x16f: {  	s24 =	sor.u32 $0x1080, s22  }
0x170: {  	[spmem:s2] =	stream.indirect.scatter.add.f32 [tilespmem:s19], [sflag:$0x3], $0x80, s24, s16, $0xb8;
	[tilespmem:$0x1E000] =	vst v63  }
0x171: {  	_ =	swait.ge [sflag:s14], $0x4000  }
0x172: {  	[sflag:s14] =	ssyncset.done $0x0  }
0x173: {  	[sflag:s14] =	ssyncadd.s32 $0xFFFFC000  }
0x174: {  	_ =	swait.ge [sflag:s18], $0x4000  }
0x175: {  	[sflag:s18] =	ssyncset.done $0x0  }
0x176: {  	s25 =	sor.u32 $0x180, s22;
	[sflag:s18] =	ssyncadd.s32 $0xFFFFC000  }
0x177: {  	[tilespmem:s19], [sflag:$0x2] =	stream.indirect.gather [hbm4b:s4+s16], $0x80, s25, s16, $0xb8;
	[tilespmem:$0x1E000] =	vst v63  }
0x178: {  	s26 =	sor.u32 $0x1100, s22  }
0x179: {  	[spmem:s2] =	stream.indirect.scatter.add.f32 [tilespmem:s17], [sflag:$0x3], $0x80, s26, s16, $0xb8;
	[tilespmem:$0x1E000] =	vst v63  }
0x17a: {  	_ =	swait.ge [sflag:s14], $0x4000  }
0x17b: {  	[sflag:s14] =	ssyncset.done $0x0  }
0x17c: {  	[sflag:s14] =	ssyncadd.s32 $0xFFFFC000  }
0x17d: {  	_ =	swait.ge [sflag:s20], $0x4000  }
0x17e: {  	[sflag:s20] =	ssyncset.done $0x0  }
0x17f: {  	s28 =	sor.u32 $0x200, s22;
	[sflag:s20] =	ssyncadd.s32 $0xFFFFC000  }
0x180: {  	[tilespmem:s17], [sflag:$0x1] =	stream.indirect.gather [hbm4b:s4+s16], $0x80, s28, s16, $0xb8;
	[tilespmem:$0x1E000] =	vst v63  }
0x181: {  	s29 =	sor.u32 $0x1180, s22  }
0x182: {  	[spmem:s2] =	stream.indirect.scatter.add.f32 [tilespmem:s19], [sflag:$0x3], $0x80, s29, s16, $0xb8;
	[tilespmem:$0x1E000] =	vst v63  }
0x183: {  	_ =	swait.ge [sflag:s14], $0x4000  }
0x184: {  	[sflag:s14] =	ssyncset.done $0x0  }
0x185: {  	[sflag:s14] =	ssyncadd.s32 $0xFFFFC000  }
0x186: {  	_ =	swait.ge [sflag:s18], $0x4000  }
0x187: {  	[sflag:s18] =	ssyncset.done $0x0  }
0x188: {  	s30 =	sor.u32 $0x280, s22;
	[sflag:s18] =	ssyncadd.s32 $0xFFFFC000  }
0x189: {  	[tilespmem:s19], [sflag:$0x2] =	stream.indirect.gather [hbm4b:s4+s16], $0x80, s30, s16, $0xb8;
	[tilespmem:$0x1E000] =	vst v63  }
0x18a: {  	s31 =	sor.u32 $0x1200, s22  }
0x18b: {  	[spmem:s2] =	stream.indirect.scatter.add.f32 [tilespmem:s17], [sflag:$0x3], $0x80, s31, s16, $0xb8;
	[tilespmem:$0x1E000] =	vst v63  }
0x18c: {  	_ =	swait.ge [sflag:s14], $0x4000  }
0x18d: {  	[sflag:s14] =	ssyncset.done $0x0  }
0x18e: {  	[sflag:s14] =	ssyncadd.s32 $0xFFFFC000  }
0x18f: {  	_ =	swait.ge [sflag:s20], $0x4000  }
0x190: {  	[sflag:s20] =	ssyncset.done $0x0  }
0x191: {  	s24 =	sor.u32 $0x300, s22;
	[sflag:s20] =	ssyncadd.s32 $0xFFFFC000  }
0x192: {  	[tilespmem:s17], [sflag:$0x1] =	stream.indirect.gather [hbm4b:s4+s16], $0x80, s24, s16, $0xb8;
	[tilespmem:$0x1E000] =	vst v63  }
0x193: {  	s25 =	sor.u32 $0x1280, s22  }
0x194: {  	[spmem:s2] =	stream.indirect.scatter.add.f32 [tilespmem:s19], [sflag:$0x3], $0x80, s25, s16, $0xb8;
	[tilespmem:$0x1E000] =	vst v63  }
0x195: {  	_ =	swait.ge [sflag:s14], $0x4000  }
0x196: {  	[sflag:s14] =	ssyncset.done $0x0  }
0x197: {  	[sflag:s14] =	ssyncadd.s32 $0xFFFFC000  }
0x198: {  	_ =	swait.ge [sflag:s18], $0x4000  }
0x199: {  	[sflag:s18] =	ssyncset.done $0x0  }
0x19a: {  	s26 =	sor.u32 $0x380, s22;
	[sflag:s18] =	ssyncadd.s32 $0xFFFFC000  }
0x19b: {  	[tilespmem:s19], [sflag:$0x2] =	stream.indirect.gather [hbm4b:s4+s16], $0x80, s26, s16, $0xb8;
	[tilespmem:$0x1E000] =	vst v63  }
0x19c: {  	s28 =	sor.u32 $0x1300, s22  }
0x19d: {  	[spmem:s2] =	stream.indirect.scatter.add.f32 [tilespmem:s17], [sflag:$0x3], $0x80, s28, s16, $0xb8;
	[tilespmem:$0x1E000] =	vst v63  }
0x19e: {  	_ =	swait.ge [sflag:s14], $0x4000  }
0x19f: {  	[sflag:s14] =	ssyncset.done $0x0  }
0x1a0: {  	[sflag:s14] =	ssyncadd.s32 $0xFFFFC000  }
0x1a1: {  	_ =	swait.ge [sflag:s20], $0x4000  }
0x1a2: {  	[sflag:s20] =	ssyncset.done $0x0  }
0x1a3: {  	s29 =	sor.u32 $0x400, s22;
	[sflag:s20] =	ssyncadd.s32 $0xFFFFC000  }
0x1a4: {  	[tilespmem:s17], [sflag:$0x1] =	stream.indirect.gather [hbm4b:s4+s16], $0x80, s29, s16, $0xb8;
	[tilespmem:$0x1E000] =	vst v63  }
0x1a5: {  	s30 =	sor.u32 $0x1380, s22  }
0x1a6: {  	[spmem:s2] =	stream.indirect.scatter.add.f32 [tilespmem:s19], [sflag:$0x3], $0x80, s30, s16, $0xb8;
	[tilespmem:$0x1E000] =	vst v63  }
0x1a7: {  	_ =	swait.ge [sflag:s14], $0x4000  }
0x1a8: {  	[sflag:s14] =	ssyncset.done $0x0  }
0x1a9: {  	[sflag:s14] =	ssyncadd.s32 $0xFFFFC000  }
0x1aa: {  	_ =	swait.ge [sflag:s18], $0x4000  }
0x1ab: {  	[sflag:s18] =	ssyncset.done $0x0  }
0x1ac: {  	s31 =	sor.u32 $0x480, s22;
	[sflag:s18] =	ssyncadd.s32 $0xFFFFC000  }
0x1ad: {  	[tilespmem:s19], [sflag:$0x2] =	stream.indirect.gather [hbm4b:s4+s16], $0x80, s31, s16, $0xb8;
	[tilespmem:$0x1E000] =	vst v63  }
0x1ae: {  	s24 =	sor.u32 $0x1400, s22  }
0x1af: {  	[spmem:s2] =	stream.indirect.scatter.add.f32 [tilespmem:s17], [sflag:$0x3], $0x80, s24, s16, $0xb8;
	[tilespmem:$0x1E000] =	vst v63  }
0x1b0: {  	_ =	swait.ge [sflag:s14], $0x4000  }
0x1b1: {  	[sflag:s14] =	ssyncset.done $0x0  }
0x1b2: {  	[sflag:s14] =	ssyncadd.s32 $0xFFFFC000  }
0x1b3: {  	_ =	swait.ge [sflag:s20], $0x4000  }
0x1b4: {  	[sflag:s20] =	ssyncset.done $0x0  }
0x1b5: {  	s25 =	sor.u32 $0x500, s22;
	[sflag:s20] =	ssyncadd.s32 $0xFFFFC000  }
0x1b6: {  	[tilespmem:s17], [sflag:$0x1] =	stream.indirect.gather [hbm4b:s4+s16], $0x80, s25, s16, $0xb8;
	[tilespmem:$0x1E000] =	vst v63  }
0x1b7: {  	s26 =	sor.u32 $0x1480, s22  }
0x1b8: {  	[spmem:s2] =	stream.indirect.scatter.add.f32 [tilespmem:s19], [sflag:$0x3], $0x80, s26, s16, $0xb8;
	[tilespmem:$0x1E000] =	vst v63  }
0x1b9: {  	_ =	swait.ge [sflag:s14], $0x4000  }
0x1ba: {  	[sflag:s14] =	ssyncset.done $0x0  }
0x1bb: {  	[sflag:s14] =	ssyncadd.s32 $0xFFFFC000  }
0x1bc: {  	_ =	swait.ge [sflag:s18], $0x4000  }
0x1bd: {  	[sflag:s18] =	ssyncset.done $0x0  }
0x1be: {  	s28 =	sor.u32 $0x580, s22;
	[sflag:s18] =	ssyncadd.s32 $0xFFFFC000  }
0x1bf: {  	[tilespmem:s19], [sflag:$0x2] =	stream.indirect.gather [hbm4b:s4+s16], $0x80, s28, s16, $0xb8;
	[tilespmem:$0x1E000] =	vst v63  }
0x1c0: {  	s29 =	sor.u32 $0x1500, s22  }
0x1c1: {  	[spmem:s2] =	stream.indirect.scatter.add.f32 [tilespmem:s17], [sflag:$0x3], $0x80, s29, s16, $0xb8;
	[tilespmem:$0x1E000] =	vst v63  }
0x1c2: {  	_ =	swait.ge [sflag:s14], $0x4000  }
0x1c3: {  	[sflag:s14] =	ssyncset.done $0x0  }
0x1c4: {  	[sflag:s14] =	ssyncadd.s32 $0xFFFFC000  }
0x1c5: {  	_ =	swait.ge [sflag:s20], $0x4000  }
0x1c6: {  	[sflag:s20] =	ssyncset.done $0x0  }
0x1c7: {  	s30 =	sor.u32 $0x600, s22;
	[sflag:s20] =	ssyncadd.s32 $0xFFFFC000  }
0x1c8: {  	[tilespmem:s17], [sflag:$0x1] =	stream.indirect.gather [hbm4b:s4+s16], $0x80, s30, s16, $0xb8;
	[tilespmem:$0x1E000] =	vst v63  }
0x1c9: {  	s31 =	sor.u32 $0x1580, s22  }
0x1ca: {  	[spmem:s2] =	stream.indirect.scatter.add.f32 [tilespmem:s19], [sflag:$0x3], $0x80, s31, s16, $0xb8;
	[tilespmem:$0x1E000] =	vst v63  }
0x1cb: {  	_ =	swait.ge [sflag:s14], $0x4000  }
0x1cc: {  	[sflag:s14] =	ssyncset.done $0x0  }
0x1cd: {  	[sflag:s14] =	ssyncadd.s32 $0xFFFFC000  }
0x1ce: {  	_ =	swait.ge [sflag:s18], $0x4000  }
0x1cf: {  	[sflag:s18] =	ssyncset.done $0x0  }
0x1d0: {  	s24 =	sor.u32 $0x680, s22;
	[sflag:s18] =	ssyncadd.s32 $0xFFFFC000  }
0x1d1: {  	[tilespmem:s19], [sflag:$0x2] =	stream.indirect.gather [hbm4b:s4+s16], $0x80, s24, s16, $0xb8;
	[tilespmem:$0x1E000] =	vst v63  }
0x1d2: {  	s25 =	sor.u32 $0x1600, s22  }
0x1d3: {  	[spmem:s2] =	stream.indirect.scatter.add.f32 [tilespmem:s17], [sflag:$0x3], $0x80, s25, s16, $0xb8;
	[tilespmem:$0x1E000] =	vst v63  }
0x1d4: {  	_ =	swait.ge [sflag:s14], $0x4000  }
0x1d5: {  	[sflag:s14] =	ssyncset.done $0x0  }
0x1d6: {  	[sflag:s14] =	ssyncadd.s32 $0xFFFFC000  }
0x1d7: {  	_ =	swait.ge [sflag:s20], $0x4000  }
0x1d8: {  	[sflag:s20] =	ssyncset.done $0x0  }
0x1d9: {  	s26 =	sor.u32 $0x700, s22;
	[sflag:s20] =	ssyncadd.s32 $0xFFFFC000  }
0x1da: {  	[tilespmem:s17], [sflag:$0x1] =	stream.indirect.gather [hbm4b:s4+s16], $0x80, s26, s16, $0xb8;
	[tilespmem:$0x1E000] =	vst v63  }
0x1db: {  	s28 =	sor.u32 $0x1680, s22  }
0x1dc: {  	[spmem:s2] =	stream.indirect.scatter.add.f32 [tilespmem:s19], [sflag:$0x3], $0x80, s28, s16, $0xb8;
	[tilespmem:$0x1E000] =	vst v63  }
0x1dd: {  	_ =	swait.ge [sflag:s14], $0x4000  }
0x1de: {  	[sflag:s14] =	ssyncset.done $0x0  }
0x1df: {  	[sflag:s14] =	ssyncadd.s32 $0xFFFFC000  }
0x1e0: {  	_ =	swait.ge [sflag:s18], $0x4000  }
0x1e1: {  	[sflag:s18] =	ssyncset.done $0x0  }
0x1e2: {  	s29 =	sor.u32 $0x780, s22;
	[sflag:s18] =	ssyncadd.s32 $0xFFFFC000  }
0x1e3: {  	[tilespmem:s19], [sflag:$0x2] =	stream.indirect.gather [hbm4b:s4+s16], $0x80, s29, s16, $0xb8;
	[tilespmem:$0x1E000] =	vst v63  }
0x1e4: {  	s30 =	sor.u32 $0x1700, s22  }
0x1e5: {  	[spmem:s2] =	stream.indirect.scatter.add.f32 [tilespmem:s17], [sflag:$0x3], $0x80, s30, s16, $0xb8;
	[tilespmem:$0x1E000] =	vst v63  }
0x1e6: {  	_ =	swait.ge [sflag:s14], $0x4000  }
0x1e7: {  	[sflag:s14] =	ssyncset.done $0x0  }
0x1e8: {  	[sflag:s14] =	ssyncadd.s32 $0xFFFFC000  }
0x1e9: {  	_ =	swait.ge [sflag:s20], $0x4000  }
0x1ea: {  	s22 =	sxor.u32 @!p0 $0x800, s22;
	[sflag:s20] =	ssyncset.done $0x0  }
0x1eb: {  	s24 =	simm.s32 @!p0 $0x80;
	s25 =	simm.s32 @!p0 $0x2000;
	[sflag:s20] =	ssyncadd.s32 $0xFFFFC000  }
0x1ec: {  	[tilespmem:s25], [sflag:$0x1] =	stream.indirect.gather @!p0 [hbm4b:s4+s24], $0x80, s22, s24, $0xb8;
	[tilespmem:$0x1E000] =	vst v63  }
0x1ed: {  	s31 =	sor.u32 $0x1000, s29  }
0x1ee: {  	[spmem:s2] =	stream.indirect.scatter.add.f32 [tilespmem:s19], [sflag:$0x3], $0x80, s31, s16, $0xb8;
	[tilespmem:$0x1E000] =	vst v63  }
0x1ef: {  	_ =	swait.ge [sflag:s14], $0x4000  }
0x1f0: {  	s21 =	sadd.s32 $0x1, s21;
	[sflag:s14] =	ssyncset.done $0x0  }
0x1f1: {  	p0 =	sne.s32 s21, s12;
	[sflag:s14] =	ssyncadd.s32 $0xFFFFC000  }
.Ltmp1:
0x1f2: {  	[bflag:$0x0] =	sbarrier.arrive $0xFFFF;
	(pc) =	sbr.rel @p0 .LBB2_1-.Ltmp1, $4  }
0x1f3: {  	[hbm:s11], [sflag:s8] =	dma.local [spmem:s13], $0x2800  }
0x1f4: {  	_ =	swait.ge [sflag:s14], $0x2800  }
0x1f5: {  	[sflag:s14] =	ssyncset.done $0x0  }
0x1f6: {  	[sflag:s14] =	ssyncadd.s32 $0xFFFFD800  }
0x1f7: {  	_ =	sfence.sel $0x180000  }
0x1f8: {  	[bflag:$0x0] =	sbarrier.arrive $0xFFFF  }
0x1f9: {  	p0 =	sne.s32 s1, $0x0;
	_ =	strace $0x9000004D  }
0x1fa: {  	s0 =	sadd.s32 @!p0 $0x100000, s0;
	[bflag:$0x2] =	sbarrier.arrive $0xFFFF  }
0x1fb: {  	[sflag:s0] =	ssyncadd.tile.s32 @!p0 $0x1;
	_ =	shalt  }
.Lfunc_end2:
_tile_overlayer_lowered:
.L_overlay_start_2:
0x1fc: {  	(tag) =	ssettag $0x2  }
0x1fd: {  	s0 =	rddreg [dreg:$0x0];
	s2 =	stileid.u32  }
0x1fe: {  	s1 =	rddreg [dreg:$0x1];
	p0 =	sne.s32 s2, $0x0  }
0x1ff: {  	s3 =	rddreg [dreg:$0x2];
	[bflag:$0x3] =	sbarrier.arrive $0xFFFF;
	s2 =	simm.s32 @!p0 $0x1C03  }
0x200: {  	[timem:s3], [sflag:s2] =	dma.local @!p0 [hbm:s0], s1  }
0x201: {  	s0 =	simm.s32 @!p0 $0x3  }
0x202: {  	_ =	swait.ge @!p0 [sflag:s0], s1  }
0x203: {  	s1 =	ssub.s32 @!p0 $0x0, s1;
	[sflag:s0] =	ssyncset.done @!p0 $0x0  }
0x204: {  	[sflag:s0] =	ssyncadd.s32 @!p0 s1  }
0x205: {  	[bflag:$0x3] =	sbarrier.arrive $0xFFFF  }
0x206: {  	_ =	shalt  }

// kernel: kernel.8.cloned.1.call-start
scs
__scs_entry_jumppad:
0x0: {  	(pc) =	sbr.rel $0x88, $3  }
0x1: {  	(tag) =	ssettag $0x0;
	lr =	simm.s32 $0x1  }
0x2: {  	[smem:$0x3F98] =	sst lr;
	_ =	strace $0xD0000000  }
0x3: {  	_ = 	snop  }
0x4: {  	_ = 	snop  }
0x5: {  	_ = 	snop  }
0x6: {  	_ = 	snop  }
0x7: {  	_ = 	snop  }
__scs_overlays_trampoline_lowered:
0x8: {  	[smem:$0x3FA7] =	sst s0  }
0x9: {  	[smem:$0x3FA8] =	sst s1  }
0xa: {  	[smem:$0x3FA9] =	sst s2  }
0xb: {  	[smem:$0x3FAA] =	sst s3  }
0xc: {  	[smem:$0x3FAB] =	sst s4  }
0xd: {  	[smem:$0x3FAC] =	sst s5  }
0xe: {  	[smem:$0x3FAD] =	sst s6  }
0xf: {  	[smem:$0x3FAE] =	sst s7  }
0x10: {  	[smem:$0x3FAF] =	sst s8  }
0x11: {  	[smem:$0x3FB0] =	sst s9;
	s0 =	simm.s32 @!p0 $0x0  }
0x12: {  	s1 =	sld [smem:$0x3F96];
	s0 =	simm.s32 @p0 $0x1  }
0x13: {  	[smem:$0x3FB1] =	sst s0;
	s0 =	simm.s32 @!p1 $0x0  }
0x14: {  	s2 =	sld [smem:$0x3F95];
	s0 =	simm.s32 @p1 $0x1  }
0x15: {  	[smem:$0x3FB2] =	sst s0;
	s0 =	simm.s32 @!p2 $0x0  }
0x16: {  	s3 =	sld [smem:$0x3FDB];
	s0 =	simm.s32 @p2 $0x1  }
0x17: {  	s4 =	simm.s32 $0x1BF5;
	[smem:$0x3FB4] =	sst s0  }
0x18: {  	s0 =	sld [smem:$0x3F97];
	_ =	swait.ge [sflag:s4], $0x0  }
0x19: {  	s7 =	sld [smem:$0x3F98]  }
0x1a: {  	s8 =	sadd.s32 $0xFFFFE003, lr  }
0x1b: {  	s9 =	sadd.s32 $0xFFFFFEF7, lr;
	s5 =	simm.s32 $0xFFFFFFFF;
	p2 =	slt.u32 s8, $0xFFFFF086  }
0x1c: {  	p1 =	slt.u32 s9, $0xF7A;
	s5 =	simm.s32 @!p2 $0x0  }
0x1d: {  	s5 =	simm.s32 @p1 $0x1;
	p0 =	seq.s32 s7, s2  }
0x1e: {  	s7 =	smul.u32 @!p0 $0xF7A, s2;
	p2 =	seq.s32 @!p0 s5, $0x0  }
0x1f: {  	s9 =	smul.u32 $0xF7A, s1;
	s8 =	simm.s32 @!p0 $0x1BF5;
	p2 =	por !p2, p0  }
0x20: {  	[sflag:s8] =	ssyncset.s32 @!p0 $0xFFFFF086;
	s6 =	sadd.s32 @!p0 s3, s7;
	s7 =	simm.s32 @!p0 $0x108  }
0x21: {  	s3 =	sadd.s32 s3, s9;
	s6 =	sadd.s32 @!p0 $0x88, s6;
	s7 =	simm.s32 @p2 $0x1082  }
0x22: {  	[simem:s7], [sflag:s8] =	dma.local @!p0 [hbm:s6], $0xF7A  }
0x23: {  	s9 =	sor.u32 $0xD0000000, s2;
	s6 =	simm.s32 $0x108;
	_ =	swait.ge @!p0 [sflag:s8], $0x0  }
0x24: {  	s3 =	sadd.s32 $0x88, s3;
	s6 =	simm.s32 @!p1 $0x1082;
	[sflag:s4] =	ssyncset.s32 $0xFFFFF086  }
0x25: {  	[simem:s6], [sflag:s4] =	dma.local [hbm:s3], $0xF7A  }
0x26: {  	[smem:$0x3F98] =	sst s1;
	(tag) =	ssettag s2;
	_ =	strace s9  }
0x27: {  	s1 =	sld [smem:$0x3FA8]  }
0x28: {  	s2 =	sld [smem:$0x3FA9]  }
0x29: {  	s4 =	sld [smem:$0x3FAB]  }
0x2a: {  	p0 =	seq.s32 s5, $0x0;
	s5 =	sld [smem:$0x3FAC]  }
0x2b: {  	s6 =	sld [smem:$0x3FAD]  }
0x2c: {  	s7 =	sld [smem:$0x3FAE]  }
0x2d: {  	s3 =	simm.s32 $0x108;
	s8 =	sld [smem:$0x3FAF]  }
0x2e: {  	s3 =	simm.s32 @!p0 $0x1082;
	s9 =	sld [smem:$0x3FB0]  }
0x2f: {  	lr =	sadd.s32 s0, s3;
	s0 =	sld [smem:$0x3FA7]  }
0x30: {  	s3 =	sld [smem:$0x3FAA]  }
0x31: {  	[smem:$0x3FB3] =	sst s10  }
0x32: {  	s10 =	sld [smem:$0x3FB1];
	_ =	sdelay $0x3  }
0x33: {  	p0 =	seq.s32 s10, $0x1;
	s10 =	sld [smem:$0x3FB3];
	_ =	sdelay $0x3  }
0x34: {  	[smem:$0x3FB3] =	sst s10  }
0x35: {  	s10 =	sld [smem:$0x3FB2];
	_ =	sdelay $0x3  }
0x36: {  	p1 =	seq.s32 s10, $0x1;
	s10 =	sld [smem:$0x3FB3];
	_ =	sdelay $0x3  }
0x37: {  	[smem:$0x3FB3] =	sst s10  }
0x38: {  	s10 =	sld [smem:$0x3FB4]  }
0x39: {  	_ = 	snop;
	(pc) =	sbr.ind lr, $3  }
0x3a: {  	_ = 	snop  }
0x3b: {  	_ = 	snop  }
0x3c: {  	p2 =	seq.s32 s10, $0x1;
	s10 =	sld [smem:$0x3FB3]  }
0x3d: {  	_ =	shalt  }
0x3e: {  	_ =	shalt  }
0x3f: {  	_ =	shalt  }
0x40: {  	_ =	shalt  }
0x41: {  	_ =	shalt  }
0x42: {  	_ =	shalt  }
0x43: {  	_ =	shalt  }
0x44: {  	_ =	shalt  }
0x45: {  	_ =	shalt  }
0x46: {  	_ =	shalt  }
0x47: {  	_ =	shalt  }
0x48: {  	_ =	shalt  }
0x49: {  	_ =	shalt  }
0x4a: {  	_ =	shalt  }
0x4b: {  	_ =	shalt  }
0x4c: {  	_ =	shalt  }
0x4d: {  	_ =	shalt  }
0x4e: {  	_ =	shalt  }
0x4f: {  	_ =	shalt  }
0x50: {  	_ =	shalt  }
0x51: {  	_ =	shalt  }
0x52: {  	_ =	shalt  }
0x53: {  	_ =	shalt  }
0x54: {  	_ =	shalt  }
0x55: {  	_ =	shalt  }
0x56: {  	_ =	shalt  }
0x57: {  	_ =	shalt  }
0x58: {  	_ =	shalt  }
0x59: {  	_ =	shalt  }
0x5a: {  	_ =	shalt  }
0x5b: {  	_ =	shalt  }
0x5c: {  	_ =	shalt  }
0x5d: {  	_ =	shalt  }
0x5e: {  	_ =	shalt  }
0x5f: {  	_ =	shalt  }
0x60: {  	_ =	shalt  }
0x61: {  	_ =	shalt  }
0x62: {  	_ =	shalt  }
0x63: {  	_ =	shalt  }
0x64: {  	_ =	shalt  }
0x65: {  	_ =	shalt  }
0x66: {  	_ =	shalt  }
0x67: {  	_ =	shalt  }
0x68: {  	_ =	shalt  }
0x69: {  	_ =	shalt  }
0x6a: {  	_ =	shalt  }
0x6b: {  	_ =	shalt  }
0x6c: {  	_ =	shalt  }
0x6d: {  	_ =	shalt  }
0x6e: {  	_ =	shalt  }
0x6f: {  	_ =	shalt  }
0x70: {  	_ =	shalt  }
0x71: {  	_ =	shalt  }
0x72: {  	_ =	shalt  }
0x73: {  	_ =	shalt  }
0x74: {  	_ =	shalt  }
0x75: {  	_ =	shalt  }
0x76: {  	_ =	shalt  }
0x77: {  	_ =	shalt  }
0x78: {  	_ =	shalt  }
0x79: {  	_ =	shalt  }
0x7a: {  	_ =	shalt  }
0x7b: {  	_ =	shalt  }
0x7c: {  	_ =	shalt  }
0x7d: {  	_ =	shalt  }
0x7e: {  	_ =	shalt  }
0x7f: {  	_ =	shalt  }
0x80: {  	_ =	shalt  }
0x81: {  	_ =	shalt  }
0x82: {  	_ =	shalt  }
0x83: {  	_ =	shalt  }
0x84: {  	_ =	shalt  }
0x85: {  	_ =	shalt  }
0x86: {  	_ =	shalt  }
0x87: {  	_ =	shalt  }
.Lfunc_end0:
.L_simem_size_0:
called_computation_lowered:
.L_overlay_start_0:
0x88: {  	s2 =	sld [smem:$0x3FD9]  }
0x89: {  	s3 =	sld [smem:$0x3FFE];
	_ =	sdelay $0x1  }
0x8a: {  	s1 =	srdreg.scid  }
0x8b: {  	s0 =	sand.u32 $0x1, s1  }
0x8c: {  	s17 =	sshll.u32 s0, $0xA;
	s2 =	sadd.s32 s3, s2  }
0x8d: {  	s2 =	sadd.s32 s2, s17  }
0x8e: {  	[smem:$0x3FBF] =	sst s2  }
0x8f: {  	_ = 	snop  }
0x90: {  	s2 =	sld [smem:$0x3FD0];
	(tm) =	ssettm $0x1  }
0x91: {  	s18 =	sld [smem:$0x3FFB];
	_ =	sdelay $0x3  }
0x92: {  	_ =	strace s18  }
0x93: {  	s3 =	sld [smem:$0x3FFC];
	_ =	sdelay $0x3  }
0x94: {  	_ =	strace s3  }
0x95: {  	s3 =	sld [smem:$0x3FFD];
	_ =	sdelay $0x3  }
0x96: {  	_ =	strace s3  }
0x97: {  	_ =	strace $0x8FFFFFFF  }
0x98: {  	s19 =	sld [smem:$0x3FDB];
	_ =	sdelay $0x1  }
0x99: {  	s4 =	simm.s32 $_scs_section_size  }
0x9a: {  	s5 =	simm.s32 $_size__tile_overlayer_lowered;
	s6 =	simm.s32 $_tile_overlayer_lowered  }
0x9b: {  	s22 =	simm.s32 $0x1BFF;
	s21 =	sshll.u32 s6, $0x1;
	s3 =	sadd.s32 s4, s19  }
0x9c: {  	s7 =	simm.s32 $0x0;
	s20 =	sshll.u32 s5, $0x1;
	s5 =	sadd.s32 s21, s3  }
0x9d: {  	[timem:s7], [sflag:s22] =	dma.local [hbm:s5], s20  }
0x9e: {  	_ =	swait.ge [sflag:s22], s20  }
0x9f: {  	s4 =	ssub.s32 $0x0, s20;
	[sflag:s22] =	ssyncset.done $0x0  }
0xa0: {  	[sflag:s22] =	ssyncadd.s32 s4;
	_ =	sdelay $0x1  }
0xa1: {  	s23 =	simm.s32 $0x1B8B  }
0xa2: {  	_ =	swait.ge [sflag:s23], $0x1  }
0xa3: {  	[sflag:s23] =	ssyncset.done $0x0  }
0xa4: {  	s25 =	simm.s32 $0x1B8E;
	s24 =	sld [smem:$0x3FFE];
	[sflag:s23] =	ssyncadd.s32 $0xFFFFFFFF  }
0xa5: {  	s26 =	simm.s32 $execute0_lowered;
	[smem:$0x3FD2] =	sst s25  }
0xa6: {  	s5 =	sshll.u32 s26, $0x1;
	_ =	strace $0x80000046;
	[dreg:$0x1] =	wrdreg $0xFFFFFFFF  }
0xa7: {  	s28 =	simm.s32 $_size_execute0_lowered;
	s3 =	sadd.s32 s3, s5;
	[dreg:$0x0] =	wrdreg $0x0  }
0xa8: {  	s5 =	sshll.u32 s28, $0x1;
	[dreg:$0x2] =	wrdreg s3  }
0xa9: {  	[dreg:$0x3] =	wrdreg s5  }
0xaa: {  	[dreg:$0x4] =	wrdreg $0xC0  }
0xab: {  	_ =	task [dreg:s7], $0x5FFFF  }
0xac: {  	[dreg:$0x1] =	wrdreg $0xFFFFFFFF  }
0xad: {  	[dreg:$0x0] =	wrdreg $0x60  }
0xae: {  	[dreg:$0x2] =	wrdreg s24  }
0xaf: {  	[dreg:$0x3] =	wrdreg s2  }
0xb0: {  	[dreg:$0x4] =	wrdreg $0x28800  }
0xb1: {  	[dreg:$0x5] =	wrdreg $0x9  }
0xb2: {  	_ =	task.clear_ibuf [dreg:s7], $0x6FFFF;
	_ =	strace $0x90000046  }
0xb3: {  	s29 =	simm.s32 $0x9;
	_ =	strace $0x80000048  }
0xb4: {  	_ =	swait.ge [sflag:s29], $0x1  }
0xb5: {  	[sflag:s29] =	ssyncadd.s32 $0xFFFFFFFF  }
0xb6: {  	_ =	strace $0x90000048  }
0xb7: {  	_ =	sfence  }
0xb8: {  	s30 =	sld [smem:$0x0];
	_ =	sdelay $0x2  }
0xb9: {  	s31 =	sshll.u32 s1, $0xD;
	s1 =	sshrl.u32 s1, $0x2  }
0xba: {  	s3 =	sand.u32 $0x4000, s31;
	s1 =	sadd.s32 s1, s30  }
0xbb: {  	s0 =	sor.u32 s3, s0;
	s1 =	sshll.u32 s1, $0x11  }
0xbc: {  	s0 =	sor.u32 s1, s0  }
0xbd: {  	s0 =	sadd.s32 $0x8F2B, s0  }
0xbe: {  	[sflag:s0] =	ssyncadd.remote.s32 $0x1  }
0xbf: {  	_ =	sfence.sel $0xFFFF  }
0xc0: {  	[dreg:$0x0] =	wrdreg $0xFFFFFFFF;
	(pc) =	sbr.abs _section_cstart, $3  }
0xc1: {  	[dreg:$0x1] =	wrdreg $0xFFFFFFFF  }
0xc2: {  	_ =	task.clear_ibuf [dreg:s7], $0x2FFFF;
	_ =	strace $0x9FFFFFFF  }
0xc3: {  	(tm) =	ssettm $0x7FFFFFFF  }
tec
execute0_lowered:
.L_overlay_start_1:
0x0: {  	(tag) =	ssettag $0x1  }
0x1: {  	s5 =	rddreg [dreg:$0x0]  }
0x2: {  	s1 =	srdreg.scid;
	s2 =	rddreg [dreg:$0x1]  }
0x3: {  	s0 =	stileid.u32;
	s3 =	rddreg [dreg:$0x2];
	s4 =	simm.s32 $0x0  }
0x4: {  	s13 =	simm.s32 $0x80;
	s14 =	simm.s32 $0x20;
	s15 =	simm.s32 $0x10  }
0x5: {  	s16 =	simm.s32 $0x0;
	s6 =	sand.u32 $0x1, s1;
	s8 =	smul.u32 $0x500, s0  }
0x6: {  	s28 =	sshll.u32 s0, $0x1;
	[smem:$0x7FF] =	sst s4;
	s9 =	smul.u32 $0x280, s0  }
0x7: {  	s31 =	sshll.u32 s0, $0x6;
	s1 =	sor.u32 s6, s28;
	s10 =	sshll.u32 s6, $0x7  }
0x8: {  	s6 =	ssub.s32 $0x2, s6;
	s7 =	smul.u32 $0x500, s1;
	s1 =	rddreg [dreg:$0x3]  }
0x9: {  	_ =	strace $0x80000047;
	s8 =	sor.u32 s10, s8;
	s29 =	sshrl.u32 s9, $0x3  }
0xa: {  	s30 =	sshrl.u32 s6, $0x1;
	s12 =	sadd.s32 s9, s3;
	s9 =	simm.s32 $0x1  }
0xb: {  	s8 =	sshrl.u32 s8, $0x3;
	s10 =	sadd.s32 s29, s5;
	s11 =	ssub.s32 s6, s30  }
0xc: {  	s12 =	sshrl.u32 s12, $0x3;
	s7 =	sadd.s32 s7, s5;
	s8 =	sadd.s32 s8, s5  }
0xd: {  	s6 =	sadd.s32 $0xC000, s10;
	s10 =	simm.s32 $0x2800;
	s5 =	sadd.s32 $0x2000, s7  }
0xe: {  	s7 =	sadd.s32 $0xC600, s8;
	s8 =	smax.u32 s11, $0x1;
	s11 =	sor.u32 $0x1C01, s31  }
.LBB2_1:
0xf: {  	[tilespmem:s4], [sflag:$0x1] =	stream.linear.gather [hbm4b:s5+s4], $0x2800, $0x38;
	[tilespmem:$0x2B00] =	vst v63  }
0x10: {  	_ =	swait.ge [sflag:s9], $0x2800  }
0x11: {  	[sflag:s9] =	ssyncset.done $0x0  }
0x12: {  	[sflag:s9] =	ssyncadd.s32 $0xFFFFD800  }
0x13: {  	[tilespmem:s10], [sflag:$0x1] =	stream.linear.gather [hbm4b:s2+s4], $0x80, $0x38;
	[tilespmem:$0x2B00] =	vst v63  }
0x14: {  	_ =	swait.ge [sflag:s9], $0x80  }
0x15: {  	[sflag:s9] =	ssyncset.done $0x0  }
0x16: {  	[sflag:s9] =	ssyncadd.s32 $0xFFFFFF80  }
0x17: {  	[spmem:s12], [sflag:s11] =	dma.local [hbm:s6], $0x50  }
0x18: {  	_ =	swait.ge [sflag:s9], $0x50  }
0x19: {  	[sflag:s9] =	ssyncset.done $0x0  }
0x1a: {  	[sflag:s9] =	ssyncadd.s32 $0xFFFFFFB0  }
0x1b: {  	s17 =	simm.s32 $0x0;
	[bflag:$0x0] =	sbarrier.arrive $0xFFFF  }
0x1c: {  	[spmem:s3] =	stream.indirect.scatter.add.f32 [tilespmem:s10], [sflag:$0x1], $0x1, s17, s13, $0xb8;
	[tilespmem:$0x2B00] =	vst v63  }
0x1d: {  	_ =	swait.ge [sflag:s9], $0x80  }
0x1e: {  	s17 =	simm.s32 $0x200;
	[sflag:s9] =	ssyncset.done $0x0  }
.LBB2_2:
0x1f: {  	s18 =	sshra.s32 s17, $0x2;
	[sflag:s9] =	ssyncadd.s32 $0xFFFFFF80;
	p0 =	sne.s32 s17, $0x9E00  }
0x20: {  	[spmem:s3] =	stream.indirect.scatter.add.f32 [tilespmem:s10], [sflag:$0x1], $0x1, s18, s13, $0xb8;
	[tilespmem:$0x2B00] =	vst v63  }
.Ltmp0:
0x21: {  	_ = 	snop;
	(pc) =	sbr.rel @p0 .LBB2_2-.Ltmp0, $4  }
0x22: {  	_ = 	snop  }
0x23: {  	s17 =	sadd.s32 $0x200, s17  }
0x24: {  	_ =	swait.ge [sflag:s9], $0x80  }
0x25: {  	[sflag:s9] =	ssyncset.done $0x0  }
0x26: {  	s16 =	sadd.s32 $0x1, s16  }
0x27: {  	[sflag:s9] =	ssyncadd.s32 $0xFFFFFF80;
	p0 =	sne.s32 s16, s8  }
.Ltmp1:
0x28: {  	[bflag:$0x0] =	sbarrier.arrive $0xFFFF;
	(pc) =	sbr.rel @p0 .LBB2_1-.Ltmp1, $4  }
0x29: {  	[hbm:s7@s14], [sflag:s11] =	dma.strided [spmem:s12@s15], $0x50, s9, $0x10   }
0x2a: {  	_ =	swait.ge [sflag:s9], $0x50  }
0x2b: {  	[sflag:s9] =	ssyncset.done $0x0  }
0x2c: {  	[sflag:s9] =	ssyncadd.s32 $0xFFFFFFB0  }
0x2d: {  	_ =	sfence.sel $0x180000  }
0x2e: {  	[bflag:$0x0] =	sbarrier.arrive $0xFFFF  }
0x2f: {  	p0 =	sne.s32 s0, $0x0;
	_ =	strace $0x90000047  }
0x30: {  	s0 =	sadd.s32 @!p0 $0x100000, s1;
	[bflag:$0x2] =	sbarrier.arrive $0xFFFF  }
0x31: {  	[sflag:s0] =	ssyncadd.tile.s32 @!p0 $0x1;
	_ =	shalt  }
.Lfunc_end2:
_tile_overlayer_lowered:
.L_overlay_start_2:
0x32: {  	(tag) =	ssettag $0x2  }
0x33: {  	s0 =	rddreg [dreg:$0x0];
	s2 =	stileid.u32  }
0x34: {  	s1 =	rddreg [dreg:$0x1];
	p0 =	sne.s32 s2, $0x0  }
0x35: {  	s3 =	rddreg [dreg:$0x2];
	[bflag:$0x3] =	sbarrier.arrive $0xFFFF;
	s2 =	simm.s32 @!p0 $0x1C01  }
0x36: {  	[timem:s3], [sflag:s2] =	dma.local @!p0 [hbm:s0], s1  }
0x37: {  	s0 =	simm.s32 @!p0 $0x1  }
0x38: {  	_ =	swait.ge @!p0 [sflag:s0], s1  }
0x39: {  	s1 =	ssub.s32 @!p0 $0x0, s1;
	[sflag:s0] =	ssyncset.done @!p0 $0x0  }
0x3a: {  	[sflag:s0] =	ssyncadd.s32 @!p0 s1  }
0x3b: {  	[bflag:$0x3] =	sbarrier.arrive $0xFFFF  }
0x3c: {  	_ =	shalt  }

</sc_bundles>
